<compile_context>
chip_gen: v7x
topology: tpu7x:2x2x1
jax: 0.10.2.dev20260603
libtpu: 0.0.44.dev20260713+nightly
codegen_flags: <defaults>
</compile_context>

<pallas_src>
import functools

import jax
import jax.numpy as jnp
from jax import lax
from jax.experimental import pallas as pl
from jax.experimental.pallas import tpu as pltpu
from jax.experimental.pallas import tpu_sc as plsc

_RATIO = 0.2


def _tf2x32(k0, k1, c0, c1):
    u = jnp.uint32
    ks2 = k0 ^ k1 ^ u(0x1BD11BDA)
    ks = (k0, k1, ks2)
    x0 = c0 + k0
    x1 = c1 + k1
    rots = ((13, 15, 26, 6), (17, 29, 16, 24))
    for i in range(5):
        for r in rots[i % 2]:
            x0 = x0 + x1
            x1 = ((x1 << u(r)) | (x1 >> u(32 - r))) ^ x0
        x0 = x0 + ks[(i + 1) % 3]
        x1 = x1 + ks[(i + 2) % 3] + u(i + 1)
    return x0, x1


def _randint_mod(k0, k1, span):
    u = jnp.uint32
    a0, a1 = _tf2x32(k0, k1, u(0), u(0))
    b0, b1 = _tf2x32(k0, k1, u(0), u(1))
    h0, h1 = _tf2x32(a0, a1, u(0), u(0))
    l0, l1 = _tf2x32(b0, b1, u(0), u(0))
    higher = h0 ^ h1
    lower = l0 ^ l1
    mult = ((2 ** 16 % span) ** 2) % span
    off = ((higher % u(span)) * u(mult) + (lower % u(span))) % u(span)
    return off.astype(jnp.int32)


def _window(k0, k1, h, w):
    u = jnp.uint32
    cut_x = int(w * _RATIO + 0.5)
    cut_y = int(h * _RATIO + 0.5)
    ka0, ka1 = _tf2x32(k0, k1, u(0), u(0))
    kb0, kb1 = _tf2x32(k0, k1, u(0), u(1))
    ox = _randint_mod(ka0, ka1, w + (1 - cut_x % 2))
    oy = _randint_mod(kb0, kb1, h + (1 - cut_y % 2))
    x0 = jnp.maximum(ox - cut_x // 2, 0)
    x1 = jnp.minimum(ox - cut_x // 2 + cut_x - 1, w - 1)
    y0 = jnp.maximum(oy - cut_y // 2, 0)
    y1 = jnp.minimum(oy - cut_y // 2 + cut_y - 1, h - 1)
    return y0, y1, x0, x1


def kernel(x, key):
    h, w, c = x.shape
    n = h * w * c
    key_raw = jax.random.key_data(key).astype(jnp.uint32)
    xf = x.reshape(n)

    nw = 32
    per_w = n // nw
    ch = 49152
    nchunk = per_w // ch
    zb = 51 * c
    rows_per_w = h // nw

    mesh = plsc.VectorSubcoreMesh(core_axis_name="c", subcore_axis_name="s")

    @functools.partial(
        pl.kernel,
        mesh=mesh,
        out_type=jax.ShapeDtypeStruct((n,), x.dtype),
        scratch_types=[
            pltpu.VMEM_SHARED((16 * 2 * ch,), x.dtype),
            pltpu.VMEM((zb,), x.dtype),
            pltpu.VMEM((16,), jnp.uint32),
            pltpu.SemaphoreType.DMA,
            pltpu.SemaphoreType.DMA,
            pltpu.SemaphoreType.DMA,
            pltpu.SemaphoreType.DMA,
        ],
    )
    def sck(key_hbm, x_hbm, o_hbm, shared, zbuf, keyv, li0, li1, so0, so1):
        sid = lax.axis_index("s")
        wid = sid * 2 + lax.axis_index("c")
        base = wid * per_w
        buf0 = shared.at[pl.ds((sid * 2 + 0) * ch, ch)]
        buf1 = shared.at[pl.ds((sid * 2 + 1) * ch, ch)]
        pltpu.sync_copy(key_hbm, keyv.at[pl.ds(0, 2)])
        kv = keyv[pl.ds(0, 16)]
        k0 = kv[0]
        k1 = kv[1]
        y0, y1, x0, x1 = _window(k0, k1, h, w)

        def zinit(i, carry):
            zbuf[pl.ds(i * 16, 16)] = jnp.zeros((16,), x.dtype)
            return carry
        lax.fori_loop(0, zb // 16, zinit, 0)

        bufs = (buf0, buf1)
        lsems = (li0, li1)
        ssems = (so0, so1)
        loads = [None] * nchunk
        stores = [None] * nchunk
        for g in range(nchunk + 1):
            if g < nchunk:
                if g >= 2:
                    stores[g - 2].wait()
                loads[g] = pltpu.async_copy(
                    x_hbm.at[pl.ds(base + g * ch, ch)],
                    bufs[g % 2], lsems[g % 2])
            if g >= 1:
                loads[g - 1].wait()
                stores[g - 1] = pltpu.async_copy(
                    bufs[(g - 1) % 2],
                    o_hbm.at[pl.ds(base + (g - 1) * ch, ch)],
                    ssems[(g - 1) % 2])
        stores[nchunk - 2].wait()
        stores[nchunk - 1].wait()

        my_lo = jnp.maximum(y0, wid * rows_per_w)
        my_hi = jnp.minimum(y1, wid * rows_per_w + rows_per_w - 1)
        sx1 = x0 * c
        sx2 = (x1 + 1) * c - zb

        def zrow(r, carry):
            rowbase = r * (w * c)
            pltpu.sync_copy(zbuf, o_hbm.at[pl.ds(rowbase + sx1, zb)])
            pltpu.sync_copy(zbuf, o_hbm.at[pl.ds(rowbase + sx2, zb)])
            return carry
        lax.fori_loop(my_lo, my_hi + 1, zrow, 0)

    out = sck(key_raw, xf)
    return out.reshape(h, w, c)

# --- scband reference (transcript-rebuilt; emitter-appended) ---
"""Pipeline reference for scband-random-cutout-73959336837424 (READ-ONLY COPY).

The authoritative reference and input builder live on the scoring server;
editing this copy changes nothing except your own understanding.
"""

import jax, jax.numpy as jnp
import numpy as np

RATIO = 0.2

def setup_inputs(seed: int = 0) -> dict:
    key = jax.random.key(seed)
    kx, krng = jax.random.split(key)
    x = jax.random.normal(kx, (512, 512, 384), dtype=jnp.float32)
    return {"x": x, "key": jax.random.key(1)}

def reference(x, key):
    h, w, c = x.shape
    dtype = x.dtype
    cut_x = int(w * RATIO + 0.5)
    cut_y = int(h * RATIO + 0.5)
    k1, k2 = jax.random.split(key)
    offset_x = jax.random.randint(k1, (1, 1), 0, w + (1 - cut_x % 2))
    offset_y = jax.random.randint(k2, (1, 1), 0, h + (1 - cut_y % 2))
    grid_y, grid_x = jnp.meshgrid(jnp.arange(cut_y), jnp.arange(cut_x), indexing='ij')
    grid_x = jnp.clip(grid_x + offset_x - cut_x // 2, 0, w - 1)
    grid_y = jnp.clip(grid_y + offset_y - cut_y // 2, 0, h - 1)
    mask = jnp.ones((h, w), dtype=dtype)
    mask = mask.at[grid_y, grid_x].set(0)
    return x * mask[:, :, None]

if __name__ == "__main__":
    import jax
    _d = setup_inputs()
    print(jax.jit(kernel)(*tuple(_d.values())))

</pallas_src>

<mosaic_0001>
#map = affine_map<(d0, d1) -> (0)>
module attributes {stable_mosaic.version = 14 : i64} {
  func.func @sck(%arg0: i32, %arg1: i32, %arg2: memref<2xi32, #tpu.memory_space<hbm>>, %arg3: memref<100663296xf32, #tpu.memory_space<hbm>>, %arg4: memref<100663296xf32, #tpu.memory_space<hbm>>, %arg5: memref<1572864xf32, #tpu.memory_space<vmem_shared>>, %arg6: memref<19584xf32, #tpu.memory_space<vmem>>, %arg7: memref<16xi32, #tpu.memory_space<vmem>>, %arg8: memref<!tpu.dma_semaphore, #tpu.memory_space<semaphore_mem>>, %arg9: memref<!tpu.dma_semaphore, #tpu.memory_space<semaphore_mem>>, %arg10: memref<!tpu.dma_semaphore, #tpu.memory_space<semaphore_mem>>, %arg11: memref<!tpu.dma_semaphore, #tpu.memory_space<semaphore_mem>>) attributes {dimension_semantics = [#tpu.dimension_semantics<core_parallel>, #tpu.dimension_semantics<subcore_parallel>], iteration_bounds = array<i64: 2, 16>, scalar_prefetch = 0 : i64, scratch_operands = 7 : i64, tpu.core_type = #tpu.core_type<sc_vector_subcore>, window_params = [{transform_indices = #map}, {transform_indices = #map}, {transform_indices = #map}]} {
    %mul3A = arith.constant 2 : i32
    %mul3A_0 = arith.muli %arg1, %mul3A : i32
    %add3A = arith.addi %mul3A_0, %arg0 : i32
    %mul3A_1 = arith.constant 3145728 : i32
    %mul3A_2 = arith.muli %add3A, %mul3A_1 : i32
    %mul3A_3 = arith.constant 2 : i32
    %mul3A_4 = arith.muli %arg1, %mul3A_3 : i32
    %add3A_5 = arith.constant 0 : i32
    %add3A_6 = arith.addi %mul3A_4, %add3A_5 : i32
    %mul3A_7 = arith.constant 49152 : i32
    %mul3A_8 = arith.muli %add3A_6, %mul3A_7 : i32
    %mul3A_9 = arith.constant 2 : i32
    %mul3A_10 = arith.muli %arg1, %mul3A_9 : i32
    %add3A_11 = arith.constant 1 : i32
    %add3A_12 = arith.addi %mul3A_10, %add3A_11 : i32
    %mul3A_13 = arith.constant 49152 : i32
    %mul3A_14 = arith.muli %add3A_12, %mul3A_13 : i32
    "tpu.region"() ({
      %run_scoped3A = tpu.sem_alloc : memref<!tpu.dma_semaphore, #tpu.memory_space<semaphore_mem>>
      %dma_start3A_2604 = arith.constant 0 : i32
      %dma_start3A_2605 = tpu.memref_slice %arg7[%dma_start3A_2604] : memref<16xi32, #tpu.memory_space<vmem>> -> memref<2xi32, #tpu.memory_space<vmem>>
      %dma_start3A_2606 = arith.constant 0 : i32
      %dma_start3A_2607 = tpu.memref_slice %arg7[%dma_start3A_2606] : memref<16xi32, #tpu.memory_space<vmem>> -> memref<2xi32, #tpu.memory_space<vmem>>
      tpu.enqueue_dma source(%arg2 : memref<2xi32, #tpu.memory_space<hbm>>) target(%dma_start3A_2607 : memref<2xi32, #tpu.memory_space<vmem>>) target_semaphore(%run_scoped3A : memref<!tpu.dma_semaphore, #tpu.memory_space<semaphore_mem>>)
      %dma_wait3A_2608 = arith.constant 0 : i32
      %dma_wait3A_2609 = tpu.memref_slice %arg7[%dma_wait3A_2608] : memref<16xi32, #tpu.memory_space<vmem>> -> memref<2xi32, #tpu.memory_space<vmem>>
      %dma_wait3A_2610 = arith.constant 0 : i32
      %dma_wait3A_2611 = tpu.memref_slice %arg7[%dma_wait3A_2610] : memref<16xi32, #tpu.memory_space<vmem>> -> memref<2xi32, #tpu.memory_space<vmem>>
      tpu.wait_dma2 semaphore(%run_scoped3A : memref<!tpu.dma_semaphore, #tpu.memory_space<semaphore_mem>>) src(%arg2 : memref<2xi32, #tpu.memory_space<hbm>>) dst(%dma_wait3A_2611 : memref<2xi32, #tpu.memory_space<vmem>>)
      tpu.yield
    }) : () -> ()
    %get3A = arith.constant 0 : index
    %get3A_15 = tpu.vector_load %arg7[%get3A] {strides = array<i32>} : memref<16xi32, #tpu.memory_space<vmem>>, vector<16xi32>,
    %get3A_16 = vector.shape_cast %get3A_15 : vector<16xi32> to vector<16xi32>
    %slice3A = vector.extract_strided_slice %get3A_16 {offsets = [0], sizes = [1], strides = [1]} : vector<16xi32> to vector<1xi32>
    %squeeze3A = vector.extract %slice3A[0] : i32 from vector<1xi32>
    %slice3A_17 = vector.extract_strided_slice %get3A_16 {offsets = [1], sizes = [1], strides = [1]} : vector<16xi32> to vector<1xi32>
    %squeeze3A_18 = vector.extract %slice3A_17[0] : i32 from vector<1xi32>
    %xor3A = arith.xori %squeeze3A, %squeeze3A_18 : i32
    %xor3A_19 = arith.constant 466688986 : i32
    %xor3A_20 = arith.xori %xor3A, %xor3A_19 : i32
    %add3A_21 = arith.constant 0 : i32
    %add3A_22 = arith.addi %add3A_21, %squeeze3A : i32
    %add3A_23 = arith.constant 0 : i32
    %add3A_24 = arith.addi %add3A_23, %squeeze3A_18 : i32
    %add3A_25 = arith.addi %add3A_22, %add3A_24 : i32
    %shift_left3A = arith.constant 13 : i32
    %shift_left3A_26 = arith.shli %add3A_24, %shift_left3A : i32
    %shift_right_logical3A = arith.constant 19 : i32
    %shift_right_logical3A_27 = arith.shrui %add3A_24, %shift_right_logical3A : i32
    %or3A = arith.ori %shift_left3A_26, %shift_right_logical3A_27 : i32
    %xor3A_28 = arith.xori %or3A, %add3A_25 : i32
    %add3A_29 = arith.addi %add3A_25, %xor3A_28 : i32
    %shift_left3A_30 = arith.constant 15 : i32
    %shift_left3A_31 = arith.shli %xor3A_28, %shift_left3A_30 : i32
    %shift_right_logical3A_32 = arith.constant 17 : i32
    %shift_right_logical3A_33 = arith.shrui %xor3A_28, %shift_right_logical3A_32 : i32
    %or3A_34 = arith.ori %shift_left3A_31, %shift_right_logical3A_33 : i32
    %xor3A_35 = arith.xori %or3A_34, %add3A_29 : i32
    %add3A_36 = arith.addi %add3A_29, %xor3A_35 : i32
    %shift_left3A_37 = arith.constant 26 : i32
    %shift_left3A_38 = arith.shli %xor3A_35, %shift_left3A_37 : i32
    %shift_right_logical3A_39 = arith.constant 6 : i32
    %shift_right_logical3A_40 = arith.shrui %xor3A_35, %shift_right_logical3A_39 : i32
    %or3A_41 = arith.ori %shift_left3A_38, %shift_right_logical3A_40 : i32
    %xor3A_42 = arith.xori %or3A_41, %add3A_36 : i32
    %add3A_43 = arith.addi %add3A_36, %xor3A_42 : i32
    %shift_left3A_44 = arith.constant 6 : i32
    %shift_left3A_45 = arith.shli %xor3A_42, %shift_left3A_44 : i32
    %shift_right_logical3A_46 = arith.constant 26 : i32
    %shift_right_logical3A_47 = arith.shrui %xor3A_42, %shift_right_logical3A_46 : i32
    %or3A_48 = arith.ori %shift_left3A_45, %shift_right_logical3A_47 : i32
    %xor3A_49 = arith.xori %or3A_48, %add3A_43 : i32
    %add3A_50 = arith.addi %add3A_43, %squeeze3A_18 : i32
    %add3A_51 = arith.addi %xor3A_49, %xor3A_20 : i32
    %add3A_52 = arith.constant 1 : i32
    %add3A_53 = arith.addi %add3A_51, %add3A_52 : i32
    %add3A_54 = arith.addi %add3A_50, %add3A_53 : i32
    %shift_left3A_55 = arith.constant 17 : i32
    %shift_left3A_56 = arith.shli %add3A_53, %shift_left3A_55 : i32
    %shift_right_logical3A_57 = arith.constant 15 : i32
    %shift_right_logical3A_58 = arith.shrui %add3A_53, %shift_right_logical3A_57 : i32
    %or3A_59 = arith.ori %shift_left3A_56, %shift_right_logical3A_58 : i32
    %xor3A_60 = arith.xori %or3A_59, %add3A_54 : i32
    %add3A_61 = arith.addi %add3A_54, %xor3A_60 : i32
    %shift_left3A_62 = arith.constant 29 : i32
    %shift_left3A_63 = arith.shli %xor3A_60, %shift_left3A_62 : i32
    %shift_right_logical3A_64 = arith.constant 3 : i32
    %shift_right_logical3A_65 = arith.shrui %xor3A_60, %shift_right_logical3A_64 : i32
    %or3A_66 = arith.ori %shift_left3A_63, %shift_right_logical3A_65 : i32
    %xor3A_67 = arith.xori %or3A_66, %add3A_61 : i32
    %add3A_68 = arith.addi %add3A_61, %xor3A_67 : i32
    %shift_left3A_69 = arith.constant 16 : i32
    %shift_left3A_70 = arith.shli %xor3A_67, %shift_left3A_69 : i32
    %shift_right_logical3A_71 = arith.constant 16 : i32
    %shift_right_logical3A_72 = arith.shrui %xor3A_67, %shift_right_logical3A_71 : i32
    %or3A_73 = arith.ori %shift_left3A_70, %shift_right_logical3A_72 : i32
    %xor3A_74 = arith.xori %or3A_73, %add3A_68 : i32
    %add3A_75 = arith.addi %add3A_68, %xor3A_74 : i32
    %shift_left3A_76 = arith.constant 24 : i32
    %shift_left3A_77 = arith.shli %xor3A_74, %shift_left3A_76 : i32
    %shift_right_logical3A_78 = arith.constant 8 : i32
    %shift_right_logical3A_79 = arith.shrui %xor3A_74, %shift_right_logical3A_78 : i32
    %or3A_80 = arith.ori %shift_left3A_77, %shift_right_logical3A_79 : i32
    %xor3A_81 = arith.xori %or3A_80, %add3A_75 : i32
    %add3A_82 = arith.addi %add3A_75, %xor3A_20 : i32
    %add3A_83 = arith.addi %xor3A_81, %squeeze3A : i32
    %add3A_84 = arith.constant 2 : i32
    %add3A_85 = arith.addi %add3A_83, %add3A_84 : i32
    %add3A_86 = arith.addi %add3A_82, %add3A_85 : i32
    %shift_left3A_87 = arith.constant 13 : i32
    %shift_left3A_88 = arith.shli %add3A_85, %shift_left3A_87 : i32
    %shift_right_logical3A_89 = arith.constant 19 : i32
    %shift_right_logical3A_90 = arith.shrui %add3A_85, %shift_right_logical3A_89 : i32
    %or3A_91 = arith.ori %shift_left3A_88, %shift_right_logical3A_90 : i32
    %xor3A_92 = arith.xori %or3A_91, %add3A_86 : i32
    %add3A_93 = arith.addi %add3A_86, %xor3A_92 : i32
    %shift_left3A_94 = arith.constant 15 : i32
    %shift_left3A_95 = arith.shli %xor3A_92, %shift_left3A_94 : i32
    %shift_right_logical3A_96 = arith.constant 17 : i32
    %shift_right_logical3A_97 = arith.shrui %xor3A_92, %shift_right_logical3A_96 : i32
    %or3A_98 = arith.ori %shift_left3A_95, %shift_right_logical3A_97 : i32
    %xor3A_99 = arith.xori %or3A_98, %add3A_93 : i32
    %add3A_100 = arith.addi %add3A_93, %xor3A_99 : i32
    %shift_left3A_101 = arith.constant 26 : i32
    %shift_left3A_102 = arith.shli %xor3A_99, %shift_left3A_101 : i32
    %shift_right_logical3A_103 = arith.constant 6 : i32
    %shift_right_logical3A_104 = arith.shrui %xor3A_99, %shift_right_logical3A_103 : i32
    %or3A_105 = arith.ori %shift_left3A_102, %shift_right_logical3A_104 : i32
    %xor3A_106 = arith.xori %or3A_105, %add3A_100 : i32
    %add3A_107 = arith.addi %add3A_100, %xor3A_106 : i32
    %shift_left3A_108 = arith.constant 6 : i32
    %shift_left3A_109 = arith.shli %xor3A_106, %shift_left3A_108 : i32
    %shift_right_logical3A_110 = arith.constant 26 : i32
    %shift_right_logical3A_111 = arith.shrui %xor3A_106, %shift_right_logical3A_110 : i32
    %or3A_112 = arith.ori %shift_left3A_109, %shift_right_logical3A_111 : i32
    %xor3A_113 = arith.xori %or3A_112, %add3A_107 : i32
    %add3A_114 = arith.addi %add3A_107, %squeeze3A : i32
    %add3A_115 = arith.addi %xor3A_113, %squeeze3A_18 : i32
    %add3A_116 = arith.constant 3 : i32
    %add3A_117 = arith.addi %add3A_115, %add3A_116 : i32
    %add3A_118 = arith.addi %add3A_114, %add3A_117 : i32
    %shift_left3A_119 = arith.constant 17 : i32
    %shift_left3A_120 = arith.shli %add3A_117, %shift_left3A_119 : i32
    %shift_right_logical3A_121 = arith.constant 15 : i32
    %shift_right_logical3A_122 = arith.shrui %add3A_117, %shift_right_logical3A_121 : i32
    %or3A_123 = arith.ori %shift_left3A_120, %shift_right_logical3A_122 : i32
    %xor3A_124 = arith.xori %or3A_123, %add3A_118 : i32
    %add3A_125 = arith.addi %add3A_118, %xor3A_124 : i32
    %shift_left3A_126 = arith.constant 29 : i32
    %shift_left3A_127 = arith.shli %xor3A_124, %shift_left3A_126 : i32
    %shift_right_logical3A_128 = arith.constant 3 : i32
    %shift_right_logical3A_129 = arith.shrui %xor3A_124, %shift_right_logical3A_128 : i32
    %or3A_130 = arith.ori %shift_left3A_127, %shift_right_logical3A_129 : i32
    %xor3A_131 = arith.xori %or3A_130, %add3A_125 : i32
    %add3A_132 = arith.addi %add3A_125, %xor3A_131 : i32
    %shift_left3A_133 = arith.constant 16 : i32
    %shift_left3A_134 = arith.shli %xor3A_131, %shift_left3A_133 : i32
    %shift_right_logical3A_135 = arith.constant 16 : i32
    %shift_right_logical3A_136 = arith.shrui %xor3A_131, %shift_right_logical3A_135 : i32
    %or3A_137 = arith.ori %shift_left3A_134, %shift_right_logical3A_136 : i32
    %xor3A_138 = arith.xori %or3A_137, %add3A_132 : i32
    %add3A_139 = arith.addi %add3A_132, %xor3A_138 : i32
    %shift_left3A_140 = arith.constant 24 : i32
    %shift_left3A_141 = arith.shli %xor3A_138, %shift_left3A_140 : i32
    %shift_right_logical3A_142 = arith.constant 8 : i32
    %shift_right_logical3A_143 = arith.shrui %xor3A_138, %shift_right_logical3A_142 : i32
    %or3A_144 = arith.ori %shift_left3A_141, %shift_right_logical3A_143 : i32
    %xor3A_145 = arith.xori %or3A_144, %add3A_139 : i32
    %add3A_146 = arith.addi %add3A_139, %squeeze3A_18 : i32
    %add3A_147 = arith.addi %xor3A_145, %xor3A_20 : i32
    %add3A_148 = arith.constant 4 : i32
    %add3A_149 = arith.addi %add3A_147, %add3A_148 : i32
    %add3A_150 = arith.addi %add3A_146, %add3A_149 : i32
    %shift_left3A_151 = arith.constant 13 : i32
    %shift_left3A_152 = arith.shli %add3A_149, %shift_left3A_151 : i32
    %shift_right_logical3A_153 = arith.constant 19 : i32
    %shift_right_logical3A_154 = arith.shrui %add3A_149, %shift_right_logical3A_153 : i32
    %or3A_155 = arith.ori %shift_left3A_152, %shift_right_logical3A_154 : i32
    %xor3A_156 = arith.xori %or3A_155, %add3A_150 : i32
    %add3A_157 = arith.addi %add3A_150, %xor3A_156 : i32
    %shift_left3A_158 = arith.constant 15 : i32
    %shift_left3A_159 = arith.shli %xor3A_156, %shift_left3A_158 : i32
    %shift_right_logical3A_160 = arith.constant 17 : i32
    %shift_right_logical3A_161 = arith.shrui %xor3A_156, %shift_right_logical3A_160 : i32
    %or3A_162 = arith.ori %shift_left3A_159, %shift_right_logical3A_161 : i32
    %xor3A_163 = arith.xori %or3A_162, %add3A_157 : i32
    %add3A_164 = arith.addi %add3A_157, %xor3A_163 : i32
    %shift_left3A_165 = arith.constant 26 : i32
    %shift_left3A_166 = arith.shli %xor3A_163, %shift_left3A_165 : i32
    %shift_right_logical3A_167 = arith.constant 6 : i32
    %shift_right_logical3A_168 = arith.shrui %xor3A_163, %shift_right_logical3A_167 : i32
    %or3A_169 = arith.ori %shift_left3A_166, %shift_right_logical3A_168 : i32
    %xor3A_170 = arith.xori %or3A_169, %add3A_164 : i32
    %add3A_171 = arith.addi %add3A_164, %xor3A_170 : i32
    %shift_left3A_172 = arith.constant 6 : i32
    %shift_left3A_173 = arith.shli %xor3A_170, %shift_left3A_172 : i32
    %shift_right_logical3A_174 = arith.constant 26 : i32
    %shift_right_logical3A_175 = arith.shrui %xor3A_170, %shift_right_logical3A_174 : i32
    %or3A_176 = arith.ori %shift_left3A_173, %shift_right_logical3A_175 : i32
    %xor3A_177 = arith.xori %or3A_176, %add3A_171 : i32
    %add3A_178 = arith.addi %add3A_171, %xor3A_20 : i32
    %add3A_179 = arith.addi %xor3A_177, %squeeze3A : i32
    %add3A_180 = arith.constant 5 : i32
    %add3A_181 = arith.addi %add3A_179, %add3A_180 : i32
    %xor3A_182 = arith.xori %squeeze3A, %squeeze3A_18 : i32
    %xor3A_183 = arith.constant 466688986 : i32
    %xor3A_184 = arith.xori %xor3A_182, %xor3A_183 : i32
    %add3A_185 = arith.constant 0 : i32
    %add3A_186 = arith.addi %add3A_185, %squeeze3A : i32
    %add3A_187 = arith.constant 1 : i32
    %add3A_188 = arith.addi %add3A_187, %squeeze3A_18 : i32
    %add3A_189 = arith.addi %add3A_186, %add3A_188 : i32
    %shift_left3A_190 = arith.constant 13 : i32
    %shift_left3A_191 = arith.shli %add3A_188, %shift_left3A_190 : i32
    %shift_right_logical3A_192 = arith.constant 19 : i32
    %shift_right_logical3A_193 = arith.shrui %add3A_188, %shift_right_logical3A_192 : i32
    %or3A_194 = arith.ori %shift_left3A_191, %shift_right_logical3A_193 : i32
    %xor3A_195 = arith.xori %or3A_194, %add3A_189 : i32
    %add3A_196 = arith.addi %add3A_189, %xor3A_195 : i32
    %shift_left3A_197 = arith.constant 15 : i32
    %shift_left3A_198 = arith.shli %xor3A_195, %shift_left3A_197 : i32
    %shift_right_logical3A_199 = arith.constant 17 : i32
    %shift_right_logical3A_200 = arith.shrui %xor3A_195, %shift_right_logical3A_199 : i32
    %or3A_201 = arith.ori %shift_left3A_198, %shift_right_logical3A_200 : i32
    %xor3A_202 = arith.xori %or3A_201, %add3A_196 : i32
    %add3A_203 = arith.addi %add3A_196, %xor3A_202 : i32
    %shift_left3A_204 = arith.constant 26 : i32
    %shift_left3A_205 = arith.shli %xor3A_202, %shift_left3A_204 : i32
    %shift_right_logical3A_206 = arith.constant 6 : i32
    %shift_right_logical3A_207 = arith.shrui %xor3A_202, %shift_right_logical3A_206 : i32
    %or3A_208 = arith.ori %shift_left3A_205, %shift_right_logical3A_207 : i32
    %xor3A_209 = arith.xori %or3A_208, %add3A_203 : i32
    %add3A_210 = arith.addi %add3A_203, %xor3A_209 : i32
    %shift_left3A_211 = arith.constant 6 : i32
    %shift_left3A_212 = arith.shli %xor3A_209, %shift_left3A_211 : i32
    %shift_right_logical3A_213 = arith.constant 26 : i32
    %shift_right_logical3A_214 = arith.shrui %xor3A_209, %shift_right_logical3A_213 : i32
    %or3A_215 = arith.ori %shift_left3A_212, %shift_right_logical3A_214 : i32
    %xor3A_216 = arith.xori %or3A_215, %add3A_210 : i32
    %add3A_217 = arith.addi %add3A_210, %squeeze3A_18 : i32
    %add3A_218 = arith.addi %xor3A_216, %xor3A_184 : i32
    %add3A_219 = arith.constant 1 : i32
    %add3A_220 = arith.addi %add3A_218, %add3A_219 : i32
    %add3A_221 = arith.addi %add3A_217, %add3A_220 : i32
    %shift_left3A_222 = arith.constant 17 : i32
    %shift_left3A_223 = arith.shli %add3A_220, %shift_left3A_222 : i32
    %shift_right_logical3A_224 = arith.constant 15 : i32
    %shift_right_logical3A_225 = arith.shrui %add3A_220, %shift_right_logical3A_224 : i32
    %or3A_226 = arith.ori %shift_left3A_223, %shift_right_logical3A_225 : i32
    %xor3A_227 = arith.xori %or3A_226, %add3A_221 : i32
    %add3A_228 = arith.addi %add3A_221, %xor3A_227 : i32
    %shift_left3A_229 = arith.constant 29 : i32
    %shift_left3A_230 = arith.shli %xor3A_227, %shift_left3A_229 : i32
    %shift_right_logical3A_231 = arith.constant 3 : i32
    %shift_right_logical3A_232 = arith.shrui %xor3A_227, %shift_right_logical3A_231 : i32
    %or3A_233 = arith.ori %shift_left3A_230, %shift_right_logical3A_232 : i32
    %xor3A_234 = arith.xori %or3A_233, %add3A_228 : i32
    %add3A_235 = arith.addi %add3A_228, %xor3A_234 : i32
    %shift_left3A_236 = arith.constant 16 : i32
    %shift_left3A_237 = arith.shli %xor3A_234, %shift_left3A_236 : i32
    %shift_right_logical3A_238 = arith.constant 16 : i32
    %shift_right_logical3A_239 = arith.shrui %xor3A_234, %shift_right_logical3A_238 : i32
    %or3A_240 = arith.ori %shift_left3A_237, %shift_right_logical3A_239 : i32
    %xor3A_241 = arith.xori %or3A_240, %add3A_235 : i32
    %add3A_242 = arith.addi %add3A_235, %xor3A_241 : i32
    %shift_left3A_243 = arith.constant 24 : i32
    %shift_left3A_244 = arith.shli %xor3A_241, %shift_left3A_243 : i32
    %shift_right_logical3A_245 = arith.constant 8 : i32
    %shift_right_logical3A_246 = arith.shrui %xor3A_241, %shift_right_logical3A_245 : i32
    %or3A_247 = arith.ori %shift_left3A_244, %shift_right_logical3A_246 : i32
    %xor3A_248 = arith.xori %or3A_247, %add3A_242 : i32
    %add3A_249 = arith.addi %add3A_242, %xor3A_184 : i32
    %add3A_250 = arith.addi %xor3A_248, %squeeze3A : i32
    %add3A_251 = arith.constant 2 : i32
    %add3A_252 = arith.addi %add3A_250, %add3A_251 : i32
    %add3A_253 = arith.addi %add3A_249, %add3A_252 : i32
    %shift_left3A_254 = arith.constant 13 : i32
    %shift_left3A_255 = arith.shli %add3A_252, %shift_left3A_254 : i32
    %shift_right_logical3A_256 = arith.constant 19 : i32
    %shift_right_logical3A_257 = arith.shrui %add3A_252, %shift_right_logical3A_256 : i32
    %or3A_258 = arith.ori %shift_left3A_255, %shift_right_logical3A_257 : i32
    %xor3A_259 = arith.xori %or3A_258, %add3A_253 : i32
    %add3A_260 = arith.addi %add3A_253, %xor3A_259 : i32
    %shift_left3A_261 = arith.constant 15 : i32
    %shift_left3A_262 = arith.shli %xor3A_259, %shift_left3A_261 : i32
    %shift_right_logical3A_263 = arith.constant 17 : i32
    %shift_right_logical3A_264 = arith.shrui %xor3A_259, %shift_right_logical3A_263 : i32
    %or3A_265 = arith.ori %shift_left3A_262, %shift_right_logical3A_264 : i32
    %xor3A_266 = arith.xori %or3A_265, %add3A_260 : i32
    %add3A_267 = arith.addi %add3A_260, %xor3A_266 : i32
    %shift_left3A_268 = arith.constant 26 : i32
    %shift_left3A_269 = arith.shli %xor3A_266, %shift_left3A_268 : i32
    %shift_right_logical3A_270 = arith.constant 6 : i32
    %shift_right_logical3A_271 = arith.shrui %xor3A_266, %shift_right_logical3A_270 : i32
    %or3A_272 = arith.ori %shift_left3A_269, %shift_right_logical3A_271 : i32
    %xor3A_273 = arith.xori %or3A_272, %add3A_267 : i32
    %add3A_274 = arith.addi %add3A_267, %xor3A_273 : i32
    %shift_left3A_275 = arith.constant 6 : i32
    %shift_left3A_276 = arith.shli %xor3A_273, %shift_left3A_275 : i32
    %shift_right_logical3A_277 = arith.constant 26 : i32
    %shift_right_logical3A_278 = arith.shrui %xor3A_273, %shift_right_logical3A_277 : i32
    %or3A_279 = arith.ori %shift_left3A_276, %shift_right_logical3A_278 : i32
    %xor3A_280 = arith.xori %or3A_279, %add3A_274 : i32
    %add3A_281 = arith.addi %add3A_274, %squeeze3A : i32
    %add3A_282 = arith.addi %xor3A_280, %squeeze3A_18 : i32
    %add3A_283 = arith.constant 3 : i32
    %add3A_284 = arith.addi %add3A_282, %add3A_283 : i32
    %add3A_285 = arith.addi %add3A_281, %add3A_284 : i32
    %shift_left3A_286 = arith.constant 17 : i32
    %shift_left3A_287 = arith.shli %add3A_284, %shift_left3A_286 : i32
    %shift_right_logical3A_288 = arith.constant 15 : i32
    %shift_right_logical3A_289 = arith.shrui %add3A_284, %shift_right_logical3A_288 : i32
    %or3A_290 = arith.ori %shift_left3A_287, %shift_right_logical3A_289 : i32
    %xor3A_291 = arith.xori %or3A_290, %add3A_285 : i32
    %add3A_292 = arith.addi %add3A_285, %xor3A_291 : i32
    %shift_left3A_293 = arith.constant 29 : i32
    %shift_left3A_294 = arith.shli %xor3A_291, %shift_left3A_293 : i32
    %shift_right_logical3A_295 = arith.constant 3 : i32
    %shift_right_logical3A_296 = arith.shrui %xor3A_291, %shift_right_logical3A_295 : i32
    %or3A_297 = arith.ori %shift_left3A_294, %shift_right_logical3A_296 : i32
    %xor3A_298 = arith.xori %or3A_297, %add3A_292 : i32
    %add3A_299 = arith.addi %add3A_292, %xor3A_298 : i32
    %shift_left3A_300 = arith.constant 16 : i32
    %shift_left3A_301 = arith.shli %xor3A_298, %shift_left3A_300 : i32
    %shift_right_logical3A_302 = arith.constant 16 : i32
    %shift_right_logical3A_303 = arith.shrui %xor3A_298, %shift_right_logical3A_302 : i32
    %or3A_304 = arith.ori %shift_left3A_301, %shift_right_logical3A_303 : i32
    %xor3A_305 = arith.xori %or3A_304, %add3A_299 : i32
    %add3A_306 = arith.addi %add3A_299, %xor3A_305 : i32
    %shift_left3A_307 = arith.constant 24 : i32
    %shift_left3A_308 = arith.shli %xor3A_305, %shift_left3A_307 : i32
    %shift_right_logical3A_309 = arith.constant 8 : i32
    %shift_right_logical3A_310 = arith.shrui %xor3A_305, %shift_right_logical3A_309 : i32
    %or3A_311 = arith.ori %shift_left3A_308, %shift_right_logical3A_310 : i32
    %xor3A_312 = arith.xori %or3A_311, %add3A_306 : i32
    %add3A_313 = arith.addi %add3A_306, %squeeze3A_18 : i32
    %add3A_314 = arith.addi %xor3A_312, %xor3A_184 : i32
    %add3A_315 = arith.constant 4 : i32
    %add3A_316 = arith.addi %add3A_314, %add3A_315 : i32
    %add3A_317 = arith.addi %add3A_313, %add3A_316 : i32
    %shift_left3A_318 = arith.constant 13 : i32
    %shift_left3A_319 = arith.shli %add3A_316, %shift_left3A_318 : i32
    %shift_right_logical3A_320 = arith.constant 19 : i32
    %shift_right_logical3A_321 = arith.shrui %add3A_316, %shift_right_logical3A_320 : i32
    %or3A_322 = arith.ori %shift_left3A_319, %shift_right_logical3A_321 : i32
    %xor3A_323 = arith.xori %or3A_322, %add3A_317 : i32
    %add3A_324 = arith.addi %add3A_317, %xor3A_323 : i32
    %shift_left3A_325 = arith.constant 15 : i32
    %shift_left3A_326 = arith.shli %xor3A_323, %shift_left3A_325 : i32
    %shift_right_logical3A_327 = arith.constant 17 : i32
    %shift_right_logical3A_328 = arith.shrui %xor3A_323, %shift_right_logical3A_327 : i32
    %or3A_329 = arith.ori %shift_left3A_326, %shift_right_logical3A_328 : i32
    %xor3A_330 = arith.xori %or3A_329, %add3A_324 : i32
    %add3A_331 = arith.addi %add3A_324, %xor3A_330 : i32
    %shift_left3A_332 = arith.constant 26 : i32
    %shift_left3A_333 = arith.shli %xor3A_330, %shift_left3A_332 : i32
    %shift_right_logical3A_334 = arith.constant 6 : i32
    %shift_right_logical3A_335 = arith.shrui %xor3A_330, %shift_right_logical3A_334 : i32
    %or3A_336 = arith.ori %shift_left3A_333, %shift_right_logical3A_335 : i32
    %xor3A_337 = arith.xori %or3A_336, %add3A_331 : i32
    %add3A_338 = arith.addi %add3A_331, %xor3A_337 : i32
    %shift_left3A_339 = arith.constant 6 : i32
    %shift_left3A_340 = arith.shli %xor3A_337, %shift_left3A_339 : i32
    %shift_right_logical3A_341 = arith.constant 26 : i32
    %shift_right_logical3A_342 = arith.shrui %xor3A_337, %shift_right_logical3A_341 : i32
    %or3A_343 = arith.ori %shift_left3A_340, %shift_right_logical3A_342 : i32
    %xor3A_344 = arith.xori %or3A_343, %add3A_338 : i32
    %add3A_345 = arith.addi %add3A_338, %xor3A_184 : i32
    %add3A_346 = arith.addi %xor3A_344, %squeeze3A : i32
    %add3A_347 = arith.constant 5 : i32
    %add3A_348 = arith.addi %add3A_346, %add3A_347 : i32
    %xor3A_349 = arith.xori %add3A_178, %add3A_181 : i32
    %xor3A_350 = arith.constant 466688986 : i32
    %xor3A_351 = arith.xori %xor3A_349, %xor3A_350 : i32
    %add3A_352 = arith.constant 0 : i32
    %add3A_353 = arith.addi %add3A_352, %add3A_178 : i32
    %add3A_354 = arith.constant 0 : i32
    %add3A_355 = arith.addi %add3A_354, %add3A_181 : i32
    %add3A_356 = arith.addi %add3A_353, %add3A_355 : i32
    %shift_left3A_357 = arith.constant 13 : i32
    %shift_left3A_358 = arith.shli %add3A_355, %shift_left3A_357 : i32
    %shift_right_logical3A_359 = arith.constant 19 : i32
    %shift_right_logical3A_360 = arith.shrui %add3A_355, %shift_right_logical3A_359 : i32
    %or3A_361 = arith.ori %shift_left3A_358, %shift_right_logical3A_360 : i32
    %xor3A_362 = arith.xori %or3A_361, %add3A_356 : i32
    %add3A_363 = arith.addi %add3A_356, %xor3A_362 : i32
    %shift_left3A_364 = arith.constant 15 : i32
    %shift_left3A_365 = arith.shli %xor3A_362, %shift_left3A_364 : i32
    %shift_right_logical3A_366 = arith.constant 17 : i32
    %shift_right_logical3A_367 = arith.shrui %xor3A_362, %shift_right_logical3A_366 : i32
    %or3A_368 = arith.ori %shift_left3A_365, %shift_right_logical3A_367 : i32
    %xor3A_369 = arith.xori %or3A_368, %add3A_363 : i32
    %add3A_370 = arith.addi %add3A_363, %xor3A_369 : i32
    %shift_left3A_371 = arith.constant 26 : i32
    %shift_left3A_372 = arith.shli %xor3A_369, %shift_left3A_371 : i32
    %shift_right_logical3A_373 = arith.constant 6 : i32
    %shift_right_logical3A_374 = arith.shrui %xor3A_369, %shift_right_logical3A_373 : i32
    %or3A_375 = arith.ori %shift_left3A_372, %shift_right_logical3A_374 : i32
    %xor3A_376 = arith.xori %or3A_375, %add3A_370 : i32
    %add3A_377 = arith.addi %add3A_370, %xor3A_376 : i32
    %shift_left3A_378 = arith.constant 6 : i32
    %shift_left3A_379 = arith.shli %xor3A_376, %shift_left3A_378 : i32
    %shift_right_logical3A_380 = arith.constant 26 : i32
    %shift_right_logical3A_381 = arith.shrui %xor3A_376, %shift_right_logical3A_380 : i32
    %or3A_382 = arith.ori %shift_left3A_379, %shift_right_logical3A_381 : i32
    %xor3A_383 = arith.xori %or3A_382, %add3A_377 : i32
    %add3A_384 = arith.addi %add3A_377, %add3A_181 : i32
    %add3A_385 = arith.addi %xor3A_383, %xor3A_351 : i32
    %add3A_386 = arith.constant 1 : i32
    %add3A_387 = arith.addi %add3A_385, %add3A_386 : i32
    %add3A_388 = arith.addi %add3A_384, %add3A_387 : i32
    %shift_left3A_389 = arith.constant 17 : i32
    %shift_left3A_390 = arith.shli %add3A_387, %shift_left3A_389 : i32
    %shift_right_logical3A_391 = arith.constant 15 : i32
    %shift_right_logical3A_392 = arith.shrui %add3A_387, %shift_right_logical3A_391 : i32
    %or3A_393 = arith.ori %shift_left3A_390, %shift_right_logical3A_392 : i32
    %xor3A_394 = arith.xori %or3A_393, %add3A_388 : i32
    %add3A_395 = arith.addi %add3A_388, %xor3A_394 : i32
    %shift_left3A_396 = arith.constant 29 : i32
    %shift_left3A_397 = arith.shli %xor3A_394, %shift_left3A_396 : i32
    %shift_right_logical3A_398 = arith.constant 3 : i32
    %shift_right_logical3A_399 = arith.shrui %xor3A_394, %shift_right_logical3A_398 : i32
    %or3A_400 = arith.ori %shift_left3A_397, %shift_right_logical3A_399 : i32
    %xor3A_401 = arith.xori %or3A_400, %add3A_395 : i32
    %add3A_402 = arith.addi %add3A_395, %xor3A_401 : i32
    %shift_left3A_403 = arith.constant 16 : i32
    %shift_left3A_404 = arith.shli %xor3A_401, %shift_left3A_403 : i32
    %shift_right_logical3A_405 = arith.constant 16 : i32
    %shift_right_logical3A_406 = arith.shrui %xor3A_401, %shift_right_logical3A_405 : i32
    %or3A_407 = arith.ori %shift_left3A_404, %shift_right_logical3A_406 : i32
    %xor3A_408 = arith.xori %or3A_407, %add3A_402 : i32
    %add3A_409 = arith.addi %add3A_402, %xor3A_408 : i32
    %shift_left3A_410 = arith.constant 24 : i32
    %shift_left3A_411 = arith.shli %xor3A_408, %shift_left3A_410 : i32
    %shift_right_logical3A_412 = arith.constant 8 : i32
    %shift_right_logical3A_413 = arith.shrui %xor3A_408, %shift_right_logical3A_412 : i32
    %or3A_414 = arith.ori %shift_left3A_411, %shift_right_logical3A_413 : i32
    %xor3A_415 = arith.xori %or3A_414, %add3A_409 : i32
    %add3A_416 = arith.addi %add3A_409, %xor3A_351 : i32
    %add3A_417 = arith.addi %xor3A_415, %add3A_178 : i32
    %add3A_418 = arith.constant 2 : i32
    %add3A_419 = arith.addi %add3A_417, %add3A_418 : i32
    %add3A_420 = arith.addi %add3A_416, %add3A_419 : i32
    %shift_left3A_421 = arith.constant 13 : i32
    %shift_left3A_422 = arith.shli %add3A_419, %shift_left3A_421 : i32
    %shift_right_logical3A_423 = arith.constant 19 : i32
    %shift_right_logical3A_424 = arith.shrui %add3A_419, %shift_right_logical3A_423 : i32
    %or3A_425 = arith.ori %shift_left3A_422, %shift_right_logical3A_424 : i32
    %xor3A_426 = arith.xori %or3A_425, %add3A_420 : i32
    %add3A_427 = arith.addi %add3A_420, %xor3A_426 : i32
    %shift_left3A_428 = arith.constant 15 : i32
    %shift_left3A_429 = arith.shli %xor3A_426, %shift_left3A_428 : i32
    %shift_right_logical3A_430 = arith.constant 17 : i32
    %shift_right_logical3A_431 = arith.shrui %xor3A_426, %shift_right_logical3A_430 : i32
    %or3A_432 = arith.ori %shift_left3A_429, %shift_right_logical3A_431 : i32
    %xor3A_433 = arith.xori %or3A_432, %add3A_427 : i32
    %add3A_434 = arith.addi %add3A_427, %xor3A_433 : i32
    %shift_left3A_435 = arith.constant 26 : i32
    %shift_left3A_436 = arith.shli %xor3A_433, %shift_left3A_435 : i32
    %shift_right_logical3A_437 = arith.constant 6 : i32
    %shift_right_logical3A_438 = arith.shrui %xor3A_433, %shift_right_logical3A_437 : i32
    %or3A_439 = arith.ori %shift_left3A_436, %shift_right_logical3A_438 : i32
    %xor3A_440 = arith.xori %or3A_439, %add3A_434 : i32
    %add3A_441 = arith.addi %add3A_434, %xor3A_440 : i32
    %shift_left3A_442 = arith.constant 6 : i32
    %shift_left3A_443 = arith.shli %xor3A_440, %shift_left3A_442 : i32
    %shift_right_logical3A_444 = arith.constant 26 : i32
    %shift_right_logical3A_445 = arith.shrui %xor3A_440, %shift_right_logical3A_444 : i32
    %or3A_446 = arith.ori %shift_left3A_443, %shift_right_logical3A_445 : i32
    %xor3A_447 = arith.xori %or3A_446, %add3A_441 : i32
    %add3A_448 = arith.addi %add3A_441, %add3A_178 : i32
    %add3A_449 = arith.addi %xor3A_447, %add3A_181 : i32
    %add3A_450 = arith.constant 3 : i32
    %add3A_451 = arith.addi %add3A_449, %add3A_450 : i32
    %add3A_452 = arith.addi %add3A_448, %add3A_451 : i32
    %shift_left3A_453 = arith.constant 17 : i32
    %shift_left3A_454 = arith.shli %add3A_451, %shift_left3A_453 : i32
    %shift_right_logical3A_455 = arith.constant 15 : i32
    %shift_right_logical3A_456 = arith.shrui %add3A_451, %shift_right_logical3A_455 : i32
    %or3A_457 = arith.ori %shift_left3A_454, %shift_right_logical3A_456 : i32
    %xor3A_458 = arith.xori %or3A_457, %add3A_452 : i32
    %add3A_459 = arith.addi %add3A_452, %xor3A_458 : i32
    %shift_left3A_460 = arith.constant 29 : i32
    %shift_left3A_461 = arith.shli %xor3A_458, %shift_left3A_460 : i32
    %shift_right_logical3A_462 = arith.constant 3 : i32
    %shift_right_logical3A_463 = arith.shrui %xor3A_458, %shift_right_logical3A_462 : i32
    %or3A_464 = arith.ori %shift_left3A_461, %shift_right_logical3A_463 : i32
    %xor3A_465 = arith.xori %or3A_464, %add3A_459 : i32
    %add3A_466 = arith.addi %add3A_459, %xor3A_465 : i32
    %shift_left3A_467 = arith.constant 16 : i32
    %shift_left3A_468 = arith.shli %xor3A_465, %shift_left3A_467 : i32
    %shift_right_logical3A_469 = arith.constant 16 : i32
    %shift_right_logical3A_470 = arith.shrui %xor3A_465, %shift_right_logical3A_469 : i32
    %or3A_471 = arith.ori %shift_left3A_468, %shift_right_logical3A_470 : i32
    %xor3A_472 = arith.xori %or3A_471, %add3A_466 : i32
    %add3A_473 = arith.addi %add3A_466, %xor3A_472 : i32
    %shift_left3A_474 = arith.constant 24 : i32
    %shift_left3A_475 = arith.shli %xor3A_472, %shift_left3A_474 : i32
    %shift_right_logical3A_476 = arith.constant 8 : i32
    %shift_right_logical3A_477 = arith.shrui %xor3A_472, %shift_right_logical3A_476 : i32
    %or3A_478 = arith.ori %shift_left3A_475, %shift_right_logical3A_477 : i32
    %xor3A_479 = arith.xori %or3A_478, %add3A_473 : i32
    %add3A_480 = arith.addi %add3A_473, %add3A_181 : i32
    %add3A_481 = arith.addi %xor3A_479, %xor3A_351 : i32
    %add3A_482 = arith.constant 4 : i32
    %add3A_483 = arith.addi %add3A_481, %add3A_482 : i32
    %add3A_484 = arith.addi %add3A_480, %add3A_483 : i32
    %shift_left3A_485 = arith.constant 13 : i32
    %shift_left3A_486 = arith.shli %add3A_483, %shift_left3A_485 : i32
    %shift_right_logical3A_487 = arith.constant 19 : i32
    %shift_right_logical3A_488 = arith.shrui %add3A_483, %shift_right_logical3A_487 : i32
    %or3A_489 = arith.ori %shift_left3A_486, %shift_right_logical3A_488 : i32
    %xor3A_490 = arith.xori %or3A_489, %add3A_484 : i32
    %add3A_491 = arith.addi %add3A_484, %xor3A_490 : i32
    %shift_left3A_492 = arith.constant 15 : i32
    %shift_left3A_493 = arith.shli %xor3A_490, %shift_left3A_492 : i32
    %shift_right_logical3A_494 = arith.constant 17 : i32
    %shift_right_logical3A_495 = arith.shrui %xor3A_490, %shift_right_logical3A_494 : i32
    %or3A_496 = arith.ori %shift_left3A_493, %shift_right_logical3A_495 : i32
    %xor3A_497 = arith.xori %or3A_496, %add3A_491 : i32
    %add3A_498 = arith.addi %add3A_491, %xor3A_497 : i32
    %shift_left3A_499 = arith.constant 26 : i32
    %shift_left3A_500 = arith.shli %xor3A_497, %shift_left3A_499 : i32
    %shift_right_logical3A_501 = arith.constant 6 : i32
    %shift_right_logical3A_502 = arith.shrui %xor3A_497, %shift_right_logical3A_501 : i32
    %or3A_503 = arith.ori %shift_left3A_500, %shift_right_logical3A_502 : i32
    %xor3A_504 = arith.xori %or3A_503, %add3A_498 : i32
    %add3A_505 = arith.addi %add3A_498, %xor3A_504 : i32
    %shift_left3A_506 = arith.constant 6 : i32
    %shift_left3A_507 = arith.shli %xor3A_504, %shift_left3A_506 : i32
    %shift_right_logical3A_508 = arith.constant 26 : i32
    %shift_right_logical3A_509 = arith.shrui %xor3A_504, %shift_right_logical3A_508 : i32
    %or3A_510 = arith.ori %shift_left3A_507, %shift_right_logical3A_509 : i32
    %xor3A_511 = arith.xori %or3A_510, %add3A_505 : i32
    %add3A_512 = arith.addi %add3A_505, %xor3A_351 : i32
    %add3A_513 = arith.addi %xor3A_511, %add3A_178 : i32
    %add3A_514 = arith.constant 5 : i32
    %add3A_515 = arith.addi %add3A_513, %add3A_514 : i32
    %xor3A_516 = arith.xori %add3A_178, %add3A_181 : i32
    %xor3A_517 = arith.constant 466688986 : i32
    %xor3A_518 = arith.xori %xor3A_516, %xor3A_517 : i32
    %add3A_519 = arith.constant 0 : i32
    %add3A_520 = arith.addi %add3A_519, %add3A_178 : i32
    %add3A_521 = arith.constant 1 : i32
    %add3A_522 = arith.addi %add3A_521, %add3A_181 : i32
    %add3A_523 = arith.addi %add3A_520, %add3A_522 : i32
    %shift_left3A_524 = arith.constant 13 : i32
    %shift_left3A_525 = arith.shli %add3A_522, %shift_left3A_524 : i32
    %shift_right_logical3A_526 = arith.constant 19 : i32
    %shift_right_logical3A_527 = arith.shrui %add3A_522, %shift_right_logical3A_526 : i32
    %or3A_528 = arith.ori %shift_left3A_525, %shift_right_logical3A_527 : i32
    %xor3A_529 = arith.xori %or3A_528, %add3A_523 : i32
    %add3A_530 = arith.addi %add3A_523, %xor3A_529 : i32
    %shift_left3A_531 = arith.constant 15 : i32
    %shift_left3A_532 = arith.shli %xor3A_529, %shift_left3A_531 : i32
    %shift_right_logical3A_533 = arith.constant 17 : i32
    %shift_right_logical3A_534 = arith.shrui %xor3A_529, %shift_right_logical3A_533 : i32
    %or3A_535 = arith.ori %shift_left3A_532, %shift_right_logical3A_534 : i32
    %xor3A_536 = arith.xori %or3A_535, %add3A_530 : i32
    %add3A_537 = arith.addi %add3A_530, %xor3A_536 : i32
    %shift_left3A_538 = arith.constant 26 : i32
    %shift_left3A_539 = arith.shli %xor3A_536, %shift_left3A_538 : i32
    %shift_right_logical3A_540 = arith.constant 6 : i32
    %shift_right_logical3A_541 = arith.shrui %xor3A_536, %shift_right_logical3A_540 : i32
    %or3A_542 = arith.ori %shift_left3A_539, %shift_right_logical3A_541 : i32
    %xor3A_543 = arith.xori %or3A_542, %add3A_537 : i32
    %add3A_544 = arith.addi %add3A_537, %xor3A_543 : i32
    %shift_left3A_545 = arith.constant 6 : i32
    %shift_left3A_546 = arith.shli %xor3A_543, %shift_left3A_545 : i32
    %shift_right_logical3A_547 = arith.constant 26 : i32
    %shift_right_logical3A_548 = arith.shrui %xor3A_543, %shift_right_logical3A_547 : i32
    %or3A_549 = arith.ori %shift_left3A_546, %shift_right_logical3A_548 : i32
    %xor3A_550 = arith.xori %or3A_549, %add3A_544 : i32
    %add3A_551 = arith.addi %add3A_544, %add3A_181 : i32
    %add3A_552 = arith.addi %xor3A_550, %xor3A_518 : i32
    %add3A_553 = arith.constant 1 : i32
    %add3A_554 = arith.addi %add3A_552, %add3A_553 : i32
    %add3A_555 = arith.addi %add3A_551, %add3A_554 : i32
    %shift_left3A_556 = arith.constant 17 : i32
    %shift_left3A_557 = arith.shli %add3A_554, %shift_left3A_556 : i32
    %shift_right_logical3A_558 = arith.constant 15 : i32
    %shift_right_logical3A_559 = arith.shrui %add3A_554, %shift_right_logical3A_558 : i32
    %or3A_560 = arith.ori %shift_left3A_557, %shift_right_logical3A_559 : i32
    %xor3A_561 = arith.xori %or3A_560, %add3A_555 : i32
    %add3A_562 = arith.addi %add3A_555, %xor3A_561 : i32
    %shift_left3A_563 = arith.constant 29 : i32
    %shift_left3A_564 = arith.shli %xor3A_561, %shift_left3A_563 : i32
    %shift_right_logical3A_565 = arith.constant 3 : i32
    %shift_right_logical3A_566 = arith.shrui %xor3A_561, %shift_right_logical3A_565 : i32
    %or3A_567 = arith.ori %shift_left3A_564, %shift_right_logical3A_566 : i32
    %xor3A_568 = arith.xori %or3A_567, %add3A_562 : i32
    %add3A_569 = arith.addi %add3A_562, %xor3A_568 : i32
    %shift_left3A_570 = arith.constant 16 : i32
    %shift_left3A_571 = arith.shli %xor3A_568, %shift_left3A_570 : i32
    %shift_right_logical3A_572 = arith.constant 16 : i32
    %shift_right_logical3A_573 = arith.shrui %xor3A_568, %shift_right_logical3A_572 : i32
    %or3A_574 = arith.ori %shift_left3A_571, %shift_right_logical3A_573 : i32
    %xor3A_575 = arith.xori %or3A_574, %add3A_569 : i32
    %add3A_576 = arith.addi %add3A_569, %xor3A_575 : i32
    %shift_left3A_577 = arith.constant 24 : i32
    %shift_left3A_578 = arith.shli %xor3A_575, %shift_left3A_577 : i32
    %shift_right_logical3A_579 = arith.constant 8 : i32
    %shift_right_logical3A_580 = arith.shrui %xor3A_575, %shift_right_logical3A_579 : i32
    %or3A_581 = arith.ori %shift_left3A_578, %shift_right_logical3A_580 : i32
    %xor3A_582 = arith.xori %or3A_581, %add3A_576 : i32
    %add3A_583 = arith.addi %add3A_576, %xor3A_518 : i32
    %add3A_584 = arith.addi %xor3A_582, %add3A_178 : i32
    %add3A_585 = arith.constant 2 : i32
    %add3A_586 = arith.addi %add3A_584, %add3A_585 : i32
    %add3A_587 = arith.addi %add3A_583, %add3A_586 : i32
    %shift_left3A_588 = arith.constant 13 : i32
    %shift_left3A_589 = arith.shli %add3A_586, %shift_left3A_588 : i32
    %shift_right_logical3A_590 = arith.constant 19 : i32
    %shift_right_logical3A_591 = arith.shrui %add3A_586, %shift_right_logical3A_590 : i32
    %or3A_592 = arith.ori %shift_left3A_589, %shift_right_logical3A_591 : i32
    %xor3A_593 = arith.xori %or3A_592, %add3A_587 : i32
    %add3A_594 = arith.addi %add3A_587, %xor3A_593 : i32
    %shift_left3A_595 = arith.constant 15 : i32
    %shift_left3A_596 = arith.shli %xor3A_593, %shift_left3A_595 : i32
    %shift_right_logical3A_597 = arith.constant 17 : i32
    %shift_right_logical3A_598 = arith.shrui %xor3A_593, %shift_right_logical3A_597 : i32
    %or3A_599 = arith.ori %shift_left3A_596, %shift_right_logical3A_598 : i32
    %xor3A_600 = arith.xori %or3A_599, %add3A_594 : i32
    %add3A_601 = arith.addi %add3A_594, %xor3A_600 : i32
    %shift_left3A_602 = arith.constant 26 : i32
    %shift_left3A_603 = arith.shli %xor3A_600, %shift_left3A_602 : i32
    %shift_right_logical3A_604 = arith.constant 6 : i32
    %shift_right_logical3A_605 = arith.shrui %xor3A_600, %shift_right_logical3A_604 : i32
    %or3A_606 = arith.ori %shift_left3A_603, %shift_right_logical3A_605 : i32
    %xor3A_607 = arith.xori %or3A_606, %add3A_601 : i32
    %add3A_608 = arith.addi %add3A_601, %xor3A_607 : i32
    %shift_left3A_609 = arith.constant 6 : i32
    %shift_left3A_610 = arith.shli %xor3A_607, %shift_left3A_609 : i32
    %shift_right_logical3A_611 = arith.constant 26 : i32
    %shift_right_logical3A_612 = arith.shrui %xor3A_607, %shift_right_logical3A_611 : i32
    %or3A_613 = arith.ori %shift_left3A_610, %shift_right_logical3A_612 : i32
    %xor3A_614 = arith.xori %or3A_613, %add3A_608 : i32
    %add3A_615 = arith.addi %add3A_608, %add3A_178 : i32
    %add3A_616 = arith.addi %xor3A_614, %add3A_181 : i32
    %add3A_617 = arith.constant 3 : i32
    %add3A_618 = arith.addi %add3A_616, %add3A_617 : i32
    %add3A_619 = arith.addi %add3A_615, %add3A_618 : i32
    %shift_left3A_620 = arith.constant 17 : i32
    %shift_left3A_621 = arith.shli %add3A_618, %shift_left3A_620 : i32
    %shift_right_logical3A_622 = arith.constant 15 : i32
    %shift_right_logical3A_623 = arith.shrui %add3A_618, %shift_right_logical3A_622 : i32
    %or3A_624 = arith.ori %shift_left3A_621, %shift_right_logical3A_623 : i32
    %xor3A_625 = arith.xori %or3A_624, %add3A_619 : i32
    %add3A_626 = arith.addi %add3A_619, %xor3A_625 : i32
    %shift_left3A_627 = arith.constant 29 : i32
    %shift_left3A_628 = arith.shli %xor3A_625, %shift_left3A_627 : i32
    %shift_right_logical3A_629 = arith.constant 3 : i32
    %shift_right_logical3A_630 = arith.shrui %xor3A_625, %shift_right_logical3A_629 : i32
    %or3A_631 = arith.ori %shift_left3A_628, %shift_right_logical3A_630 : i32
    %xor3A_632 = arith.xori %or3A_631, %add3A_626 : i32
    %add3A_633 = arith.addi %add3A_626, %xor3A_632 : i32
    %shift_left3A_634 = arith.constant 16 : i32
    %shift_left3A_635 = arith.shli %xor3A_632, %shift_left3A_634 : i32
    %shift_right_logical3A_636 = arith.constant 16 : i32
    %shift_right_logical3A_637 = arith.shrui %xor3A_632, %shift_right_logical3A_636 : i32
    %or3A_638 = arith.ori %shift_left3A_635, %shift_right_logical3A_637 : i32
    %xor3A_639 = arith.xori %or3A_638, %add3A_633 : i32
    %add3A_640 = arith.addi %add3A_633, %xor3A_639 : i32
    %shift_left3A_641 = arith.constant 24 : i32
    %shift_left3A_642 = arith.shli %xor3A_639, %shift_left3A_641 : i32
    %shift_right_logical3A_643 = arith.constant 8 : i32
    %shift_right_logical3A_644 = arith.shrui %xor3A_639, %shift_right_logical3A_643 : i32
    %or3A_645 = arith.ori %shift_left3A_642, %shift_right_logical3A_644 : i32
    %xor3A_646 = arith.xori %or3A_645, %add3A_640 : i32
    %add3A_647 = arith.addi %add3A_640, %add3A_181 : i32
    %add3A_648 = arith.addi %xor3A_646, %xor3A_518 : i32
    %add3A_649 = arith.constant 4 : i32
    %add3A_650 = arith.addi %add3A_648, %add3A_649 : i32
    %add3A_651 = arith.addi %add3A_647, %add3A_650 : i32
    %shift_left3A_652 = arith.constant 13 : i32
    %shift_left3A_653 = arith.shli %add3A_650, %shift_left3A_652 : i32
    %shift_right_logical3A_654 = arith.constant 19 : i32
    %shift_right_logical3A_655 = arith.shrui %add3A_650, %shift_right_logical3A_654 : i32
    %or3A_656 = arith.ori %shift_left3A_653, %shift_right_logical3A_655 : i32
    %xor3A_657 = arith.xori %or3A_656, %add3A_651 : i32
    %add3A_658 = arith.addi %add3A_651, %xor3A_657 : i32
    %shift_left3A_659 = arith.constant 15 : i32
    %shift_left3A_660 = arith.shli %xor3A_657, %shift_left3A_659 : i32
    %shift_right_logical3A_661 = arith.constant 17 : i32
    %shift_right_logical3A_662 = arith.shrui %xor3A_657, %shift_right_logical3A_661 : i32
    %or3A_663 = arith.ori %shift_left3A_660, %shift_right_logical3A_662 : i32
    %xor3A_664 = arith.xori %or3A_663, %add3A_658 : i32
    %add3A_665 = arith.addi %add3A_658, %xor3A_664 : i32
    %shift_left3A_666 = arith.constant 26 : i32
    %shift_left3A_667 = arith.shli %xor3A_664, %shift_left3A_666 : i32
    %shift_right_logical3A_668 = arith.constant 6 : i32
    %shift_right_logical3A_669 = arith.shrui %xor3A_664, %shift_right_logical3A_668 : i32
    %or3A_670 = arith.ori %shift_left3A_667, %shift_right_logical3A_669 : i32
    %xor3A_671 = arith.xori %or3A_670, %add3A_665 : i32
    %add3A_672 = arith.addi %add3A_665, %xor3A_671 : i32
    %shift_left3A_673 = arith.constant 6 : i32
    %shift_left3A_674 = arith.shli %xor3A_671, %shift_left3A_673 : i32
    %shift_right_logical3A_675 = arith.constant 26 : i32
    %shift_right_logical3A_676 = arith.shrui %xor3A_671, %shift_right_logical3A_675 : i32
    %or3A_677 = arith.ori %shift_left3A_674, %shift_right_logical3A_676 : i32
    %xor3A_678 = arith.xori %or3A_677, %add3A_672 : i32
    %add3A_679 = arith.addi %add3A_672, %xor3A_518 : i32
    %add3A_680 = arith.addi %xor3A_678, %add3A_178 : i32
    %add3A_681 = arith.constant 5 : i32
    %add3A_682 = arith.addi %add3A_680, %add3A_681 : i32
    %xor3A_683 = arith.xori %add3A_512, %add3A_515 : i32
    %xor3A_684 = arith.constant 466688986 : i32
    %xor3A_685 = arith.xori %xor3A_683, %xor3A_684 : i32
    %add3A_686 = arith.constant 0 : i32
    %add3A_687 = arith.addi %add3A_686, %add3A_512 : i32
    %add3A_688 = arith.constant 0 : i32
    %add3A_689 = arith.addi %add3A_688, %add3A_515 : i32
    %add3A_690 = arith.addi %add3A_687, %add3A_689 : i32
    %shift_left3A_691 = arith.constant 13 : i32
    %shift_left3A_692 = arith.shli %add3A_689, %shift_left3A_691 : i32
    %shift_right_logical3A_693 = arith.constant 19 : i32
    %shift_right_logical3A_694 = arith.shrui %add3A_689, %shift_right_logical3A_693 : i32
    %or3A_695 = arith.ori %shift_left3A_692, %shift_right_logical3A_694 : i32
    %xor3A_696 = arith.xori %or3A_695, %add3A_690 : i32
    %add3A_697 = arith.addi %add3A_690, %xor3A_696 : i32
    %shift_left3A_698 = arith.constant 15 : i32
    %shift_left3A_699 = arith.shli %xor3A_696, %shift_left3A_698 : i32
    %shift_right_logical3A_700 = arith.constant 17 : i32
    %shift_right_logical3A_701 = arith.shrui %xor3A_696, %shift_right_logical3A_700 : i32
    %or3A_702 = arith.ori %shift_left3A_699, %shift_right_logical3A_701 : i32
    %xor3A_703 = arith.xori %or3A_702, %add3A_697 : i32
    %add3A_704 = arith.addi %add3A_697, %xor3A_703 : i32
    %shift_left3A_705 = arith.constant 26 : i32
    %shift_left3A_706 = arith.shli %xor3A_703, %shift_left3A_705 : i32
    %shift_right_logical3A_707 = arith.constant 6 : i32
    %shift_right_logical3A_708 = arith.shrui %xor3A_703, %shift_right_logical3A_707 : i32
    %or3A_709 = arith.ori %shift_left3A_706, %shift_right_logical3A_708 : i32
    %xor3A_710 = arith.xori %or3A_709, %add3A_704 : i32
    %add3A_711 = arith.addi %add3A_704, %xor3A_710 : i32
    %shift_left3A_712 = arith.constant 6 : i32
    %shift_left3A_713 = arith.shli %xor3A_710, %shift_left3A_712 : i32
    %shift_right_logical3A_714 = arith.constant 26 : i32
    %shift_right_logical3A_715 = arith.shrui %xor3A_710, %shift_right_logical3A_714 : i32
    %or3A_716 = arith.ori %shift_left3A_713, %shift_right_logical3A_715 : i32
    %xor3A_717 = arith.xori %or3A_716, %add3A_711 : i32
    %add3A_718 = arith.addi %add3A_711, %add3A_515 : i32
    %add3A_719 = arith.addi %xor3A_717, %xor3A_685 : i32
    %add3A_720 = arith.constant 1 : i32
    %add3A_721 = arith.addi %add3A_719, %add3A_720 : i32
    %add3A_722 = arith.addi %add3A_718, %add3A_721 : i32
    %shift_left3A_723 = arith.constant 17 : i32
    %shift_left3A_724 = arith.shli %add3A_721, %shift_left3A_723 : i32
    %shift_right_logical3A_725 = arith.constant 15 : i32
    %shift_right_logical3A_726 = arith.shrui %add3A_721, %shift_right_logical3A_725 : i32
    %or3A_727 = arith.ori %shift_left3A_724, %shift_right_logical3A_726 : i32
    %xor3A_728 = arith.xori %or3A_727, %add3A_722 : i32
    %add3A_729 = arith.addi %add3A_722, %xor3A_728 : i32
    %shift_left3A_730 = arith.constant 29 : i32
    %shift_left3A_731 = arith.shli %xor3A_728, %shift_left3A_730 : i32
    %shift_right_logical3A_732 = arith.constant 3 : i32
    %shift_right_logical3A_733 = arith.shrui %xor3A_728, %shift_right_logical3A_732 : i32
    %or3A_734 = arith.ori %shift_left3A_731, %shift_right_logical3A_733 : i32
    %xor3A_735 = arith.xori %or3A_734, %add3A_729 : i32
    %add3A_736 = arith.addi %add3A_729, %xor3A_735 : i32
    %shift_left3A_737 = arith.constant 16 : i32
    %shift_left3A_738 = arith.shli %xor3A_735, %shift_left3A_737 : i32
    %shift_right_logical3A_739 = arith.constant 16 : i32
    %shift_right_logical3A_740 = arith.shrui %xor3A_735, %shift_right_logical3A_739 : i32
    %or3A_741 = arith.ori %shift_left3A_738, %shift_right_logical3A_740 : i32
    %xor3A_742 = arith.xori %or3A_741, %add3A_736 : i32
    %add3A_743 = arith.addi %add3A_736, %xor3A_742 : i32
    %shift_left3A_744 = arith.constant 24 : i32
    %shift_left3A_745 = arith.shli %xor3A_742, %shift_left3A_744 : i32
    %shift_right_logical3A_746 = arith.constant 8 : i32
    %shift_right_logical3A_747 = arith.shrui %xor3A_742, %shift_right_logical3A_746 : i32
    %or3A_748 = arith.ori %shift_left3A_745, %shift_right_logical3A_747 : i32
    %xor3A_749 = arith.xori %or3A_748, %add3A_743 : i32
    %add3A_750 = arith.addi %add3A_743, %xor3A_685 : i32
    %add3A_751 = arith.addi %xor3A_749, %add3A_512 : i32
    %add3A_752 = arith.constant 2 : i32
    %add3A_753 = arith.addi %add3A_751, %add3A_752 : i32
    %add3A_754 = arith.addi %add3A_750, %add3A_753 : i32
    %shift_left3A_755 = arith.constant 13 : i32
    %shift_left3A_756 = arith.shli %add3A_753, %shift_left3A_755 : i32
    %shift_right_logical3A_757 = arith.constant 19 : i32
    %shift_right_logical3A_758 = arith.shrui %add3A_753, %shift_right_logical3A_757 : i32
    %or3A_759 = arith.ori %shift_left3A_756, %shift_right_logical3A_758 : i32
    %xor3A_760 = arith.xori %or3A_759, %add3A_754 : i32
    %add3A_761 = arith.addi %add3A_754, %xor3A_760 : i32
    %shift_left3A_762 = arith.constant 15 : i32
    %shift_left3A_763 = arith.shli %xor3A_760, %shift_left3A_762 : i32
    %shift_right_logical3A_764 = arith.constant 17 : i32
    %shift_right_logical3A_765 = arith.shrui %xor3A_760, %shift_right_logical3A_764 : i32
    %or3A_766 = arith.ori %shift_left3A_763, %shift_right_logical3A_765 : i32
    %xor3A_767 = arith.xori %or3A_766, %add3A_761 : i32
    %add3A_768 = arith.addi %add3A_761, %xor3A_767 : i32
    %shift_left3A_769 = arith.constant 26 : i32
    %shift_left3A_770 = arith.shli %xor3A_767, %shift_left3A_769 : i32
    %shift_right_logical3A_771 = arith.constant 6 : i32
    %shift_right_logical3A_772 = arith.shrui %xor3A_767, %shift_right_logical3A_771 : i32
    %or3A_773 = arith.ori %shift_left3A_770, %shift_right_logical3A_772 : i32
    %xor3A_774 = arith.xori %or3A_773, %add3A_768 : i32
    %add3A_775 = arith.addi %add3A_768, %xor3A_774 : i32
    %shift_left3A_776 = arith.constant 6 : i32
    %shift_left3A_777 = arith.shli %xor3A_774, %shift_left3A_776 : i32
    %shift_right_logical3A_778 = arith.constant 26 : i32
    %shift_right_logical3A_779 = arith.shrui %xor3A_774, %shift_right_logical3A_778 : i32
    %or3A_780 = arith.ori %shift_left3A_777, %shift_right_logical3A_779 : i32
    %xor3A_781 = arith.xori %or3A_780, %add3A_775 : i32
    %add3A_782 = arith.addi %add3A_775, %add3A_512 : i32
    %add3A_783 = arith.addi %xor3A_781, %add3A_515 : i32
    %add3A_784 = arith.constant 3 : i32
    %add3A_785 = arith.addi %add3A_783, %add3A_784 : i32
    %add3A_786 = arith.addi %add3A_782, %add3A_785 : i32
    %shift_left3A_787 = arith.constant 17 : i32
    %shift_left3A_788 = arith.shli %add3A_785, %shift_left3A_787 : i32
    %shift_right_logical3A_789 = arith.constant 15 : i32
    %shift_right_logical3A_790 = arith.shrui %add3A_785, %shift_right_logical3A_789 : i32
    %or3A_791 = arith.ori %shift_left3A_788, %shift_right_logical3A_790 : i32
    %xor3A_792 = arith.xori %or3A_791, %add3A_786 : i32
    %add3A_793 = arith.addi %add3A_786, %xor3A_792 : i32
    %shift_left3A_794 = arith.constant 29 : i32
    %shift_left3A_795 = arith.shli %xor3A_792, %shift_left3A_794 : i32
    %shift_right_logical3A_796 = arith.constant 3 : i32
    %shift_right_logical3A_797 = arith.shrui %xor3A_792, %shift_right_logical3A_796 : i32
    %or3A_798 = arith.ori %shift_left3A_795, %shift_right_logical3A_797 : i32
    %xor3A_799 = arith.xori %or3A_798, %add3A_793 : i32
    %add3A_800 = arith.addi %add3A_793, %xor3A_799 : i32
    %shift_left3A_801 = arith.constant 16 : i32
    %shift_left3A_802 = arith.shli %xor3A_799, %shift_left3A_801 : i32
    %shift_right_logical3A_803 = arith.constant 16 : i32
    %shift_right_logical3A_804 = arith.shrui %xor3A_799, %shift_right_logical3A_803 : i32
    %or3A_805 = arith.ori %shift_left3A_802, %shift_right_logical3A_804 : i32
    %xor3A_806 = arith.xori %or3A_805, %add3A_800 : i32
    %add3A_807 = arith.addi %add3A_800, %xor3A_806 : i32
    %shift_left3A_808 = arith.constant 24 : i32
    %shift_left3A_809 = arith.shli %xor3A_806, %shift_left3A_808 : i32
    %shift_right_logical3A_810 = arith.constant 8 : i32
    %shift_right_logical3A_811 = arith.shrui %xor3A_806, %shift_right_logical3A_810 : i32
    %or3A_812 = arith.ori %shift_left3A_809, %shift_right_logical3A_811 : i32
    %xor3A_813 = arith.xori %or3A_812, %add3A_807 : i32
    %add3A_814 = arith.addi %add3A_807, %add3A_515 : i32
    %add3A_815 = arith.addi %xor3A_813, %xor3A_685 : i32
    %add3A_816 = arith.constant 4 : i32
    %add3A_817 = arith.addi %add3A_815, %add3A_816 : i32
    %add3A_818 = arith.addi %add3A_814, %add3A_817 : i32
    %shift_left3A_819 = arith.constant 13 : i32
    %shift_left3A_820 = arith.shli %add3A_817, %shift_left3A_819 : i32
    %shift_right_logical3A_821 = arith.constant 19 : i32
    %shift_right_logical3A_822 = arith.shrui %add3A_817, %shift_right_logical3A_821 : i32
    %or3A_823 = arith.ori %shift_left3A_820, %shift_right_logical3A_822 : i32
    %xor3A_824 = arith.xori %or3A_823, %add3A_818 : i32
    %add3A_825 = arith.addi %add3A_818, %xor3A_824 : i32
    %shift_left3A_826 = arith.constant 15 : i32
    %shift_left3A_827 = arith.shli %xor3A_824, %shift_left3A_826 : i32
    %shift_right_logical3A_828 = arith.constant 17 : i32
    %shift_right_logical3A_829 = arith.shrui %xor3A_824, %shift_right_logical3A_828 : i32
    %or3A_830 = arith.ori %shift_left3A_827, %shift_right_logical3A_829 : i32
    %xor3A_831 = arith.xori %or3A_830, %add3A_825 : i32
    %add3A_832 = arith.addi %add3A_825, %xor3A_831 : i32
    %shift_left3A_833 = arith.constant 26 : i32
    %shift_left3A_834 = arith.shli %xor3A_831, %shift_left3A_833 : i32
    %shift_right_logical3A_835 = arith.constant 6 : i32
    %shift_right_logical3A_836 = arith.shrui %xor3A_831, %shift_right_logical3A_835 : i32
    %or3A_837 = arith.ori %shift_left3A_834, %shift_right_logical3A_836 : i32
    %xor3A_838 = arith.xori %or3A_837, %add3A_832 : i32
    %add3A_839 = arith.addi %add3A_832, %xor3A_838 : i32
    %shift_left3A_840 = arith.constant 6 : i32
    %shift_left3A_841 = arith.shli %xor3A_838, %shift_left3A_840 : i32
    %shift_right_logical3A_842 = arith.constant 26 : i32
    %shift_right_logical3A_843 = arith.shrui %xor3A_838, %shift_right_logical3A_842 : i32
    %or3A_844 = arith.ori %shift_left3A_841, %shift_right_logical3A_843 : i32
    %xor3A_845 = arith.xori %or3A_844, %add3A_839 : i32
    %add3A_846 = arith.addi %add3A_839, %xor3A_685 : i32
    %add3A_847 = arith.addi %xor3A_845, %add3A_512 : i32
    %add3A_848 = arith.constant 5 : i32
    %add3A_849 = arith.addi %add3A_847, %add3A_848 : i32
    %xor3A_850 = arith.xori %add3A_679, %add3A_682 : i32
    %xor3A_851 = arith.constant 466688986 : i32
    %xor3A_852 = arith.xori %xor3A_850, %xor3A_851 : i32
    %add3A_853 = arith.constant 0 : i32
    %add3A_854 = arith.addi %add3A_853, %add3A_679 : i32
    %add3A_855 = arith.constant 0 : i32
    %add3A_856 = arith.addi %add3A_855, %add3A_682 : i32
    %add3A_857 = arith.addi %add3A_854, %add3A_856 : i32
    %shift_left3A_858 = arith.constant 13 : i32
    %shift_left3A_859 = arith.shli %add3A_856, %shift_left3A_858 : i32
    %shift_right_logical3A_860 = arith.constant 19 : i32
    %shift_right_logical3A_861 = arith.shrui %add3A_856, %shift_right_logical3A_860 : i32
    %or3A_862 = arith.ori %shift_left3A_859, %shift_right_logical3A_861 : i32
    %xor3A_863 = arith.xori %or3A_862, %add3A_857 : i32
    %add3A_864 = arith.addi %add3A_857, %xor3A_863 : i32
    %shift_left3A_865 = arith.constant 15 : i32
    %shift_left3A_866 = arith.shli %xor3A_863, %shift_left3A_865 : i32
    %shift_right_logical3A_867 = arith.constant 17 : i32
    %shift_right_logical3A_868 = arith.shrui %xor3A_863, %shift_right_logical3A_867 : i32
    %or3A_869 = arith.ori %shift_left3A_866, %shift_right_logical3A_868 : i32
    %xor3A_870 = arith.xori %or3A_869, %add3A_864 : i32
    %add3A_871 = arith.addi %add3A_864, %xor3A_870 : i32
    %shift_left3A_872 = arith.constant 26 : i32
    %shift_left3A_873 = arith.shli %xor3A_870, %shift_left3A_872 : i32
    %shift_right_logical3A_874 = arith.constant 6 : i32
    %shift_right_logical3A_875 = arith.shrui %xor3A_870, %shift_right_logical3A_874 : i32
    %or3A_876 = arith.ori %shift_left3A_873, %shift_right_logical3A_875 : i32
    %xor3A_877 = arith.xori %or3A_876, %add3A_871 : i32
    %add3A_878 = arith.addi %add3A_871, %xor3A_877 : i32
    %shift_left3A_879 = arith.constant 6 : i32
    %shift_left3A_880 = arith.shli %xor3A_877, %shift_left3A_879 : i32
    %shift_right_logical3A_881 = arith.constant 26 : i32
    %shift_right_logical3A_882 = arith.shrui %xor3A_877, %shift_right_logical3A_881 : i32
    %or3A_883 = arith.ori %shift_left3A_880, %shift_right_logical3A_882 : i32
    %xor3A_884 = arith.xori %or3A_883, %add3A_878 : i32
    %add3A_885 = arith.addi %add3A_878, %add3A_682 : i32
    %add3A_886 = arith.addi %xor3A_884, %xor3A_852 : i32
    %add3A_887 = arith.constant 1 : i32
    %add3A_888 = arith.addi %add3A_886, %add3A_887 : i32
    %add3A_889 = arith.addi %add3A_885, %add3A_888 : i32
    %shift_left3A_890 = arith.constant 17 : i32
    %shift_left3A_891 = arith.shli %add3A_888, %shift_left3A_890 : i32
    %shift_right_logical3A_892 = arith.constant 15 : i32
    %shift_right_logical3A_893 = arith.shrui %add3A_888, %shift_right_logical3A_892 : i32
    %or3A_894 = arith.ori %shift_left3A_891, %shift_right_logical3A_893 : i32
    %xor3A_895 = arith.xori %or3A_894, %add3A_889 : i32
    %add3A_896 = arith.addi %add3A_889, %xor3A_895 : i32
    %shift_left3A_897 = arith.constant 29 : i32
    %shift_left3A_898 = arith.shli %xor3A_895, %shift_left3A_897 : i32
    %shift_right_logical3A_899 = arith.constant 3 : i32
    %shift_right_logical3A_900 = arith.shrui %xor3A_895, %shift_right_logical3A_899 : i32
    %or3A_901 = arith.ori %shift_left3A_898, %shift_right_logical3A_900 : i32
    %xor3A_902 = arith.xori %or3A_901, %add3A_896 : i32
    %add3A_903 = arith.addi %add3A_896, %xor3A_902 : i32
    %shift_left3A_904 = arith.constant 16 : i32
    %shift_left3A_905 = arith.shli %xor3A_902, %shift_left3A_904 : i32
    %shift_right_logical3A_906 = arith.constant 16 : i32
    %shift_right_logical3A_907 = arith.shrui %xor3A_902, %shift_right_logical3A_906 : i32
    %or3A_908 = arith.ori %shift_left3A_905, %shift_right_logical3A_907 : i32
    %xor3A_909 = arith.xori %or3A_908, %add3A_903 : i32
    %add3A_910 = arith.addi %add3A_903, %xor3A_909 : i32
    %shift_left3A_911 = arith.constant 24 : i32
    %shift_left3A_912 = arith.shli %xor3A_909, %shift_left3A_911 : i32
    %shift_right_logical3A_913 = arith.constant 8 : i32
    %shift_right_logical3A_914 = arith.shrui %xor3A_909, %shift_right_logical3A_913 : i32
    %or3A_915 = arith.ori %shift_left3A_912, %shift_right_logical3A_914 : i32
    %xor3A_916 = arith.xori %or3A_915, %add3A_910 : i32
    %add3A_917 = arith.addi %add3A_910, %xor3A_852 : i32
    %add3A_918 = arith.addi %xor3A_916, %add3A_679 : i32
    %add3A_919 = arith.constant 2 : i32
    %add3A_920 = arith.addi %add3A_918, %add3A_919 : i32
    %add3A_921 = arith.addi %add3A_917, %add3A_920 : i32
    %shift_left3A_922 = arith.constant 13 : i32
    %shift_left3A_923 = arith.shli %add3A_920, %shift_left3A_922 : i32
    %shift_right_logical3A_924 = arith.constant 19 : i32
    %shift_right_logical3A_925 = arith.shrui %add3A_920, %shift_right_logical3A_924 : i32
    %or3A_926 = arith.ori %shift_left3A_923, %shift_right_logical3A_925 : i32
    %xor3A_927 = arith.xori %or3A_926, %add3A_921 : i32
    %add3A_928 = arith.addi %add3A_921, %xor3A_927 : i32
    %shift_left3A_929 = arith.constant 15 : i32
    %shift_left3A_930 = arith.shli %xor3A_927, %shift_left3A_929 : i32
    %shift_right_logical3A_931 = arith.constant 17 : i32
    %shift_right_logical3A_932 = arith.shrui %xor3A_927, %shift_right_logical3A_931 : i32
    %or3A_933 = arith.ori %shift_left3A_930, %shift_right_logical3A_932 : i32
    %xor3A_934 = arith.xori %or3A_933, %add3A_928 : i32
    %add3A_935 = arith.addi %add3A_928, %xor3A_934 : i32
    %shift_left3A_936 = arith.constant 26 : i32
    %shift_left3A_937 = arith.shli %xor3A_934, %shift_left3A_936 : i32
    %shift_right_logical3A_938 = arith.constant 6 : i32
    %shift_right_logical3A_939 = arith.shrui %xor3A_934, %shift_right_logical3A_938 : i32
    %or3A_940 = arith.ori %shift_left3A_937, %shift_right_logical3A_939 : i32
    %xor3A_941 = arith.xori %or3A_940, %add3A_935 : i32
    %add3A_942 = arith.addi %add3A_935, %xor3A_941 : i32
    %shift_left3A_943 = arith.constant 6 : i32
    %shift_left3A_944 = arith.shli %xor3A_941, %shift_left3A_943 : i32
    %shift_right_logical3A_945 = arith.constant 26 : i32
    %shift_right_logical3A_946 = arith.shrui %xor3A_941, %shift_right_logical3A_945 : i32
    %or3A_947 = arith.ori %shift_left3A_944, %shift_right_logical3A_946 : i32
    %xor3A_948 = arith.xori %or3A_947, %add3A_942 : i32
    %add3A_949 = arith.addi %add3A_942, %add3A_679 : i32
    %add3A_950 = arith.addi %xor3A_948, %add3A_682 : i32
    %add3A_951 = arith.constant 3 : i32
    %add3A_952 = arith.addi %add3A_950, %add3A_951 : i32
    %add3A_953 = arith.addi %add3A_949, %add3A_952 : i32
    %shift_left3A_954 = arith.constant 17 : i32
    %shift_left3A_955 = arith.shli %add3A_952, %shift_left3A_954 : i32
    %shift_right_logical3A_956 = arith.constant 15 : i32
    %shift_right_logical3A_957 = arith.shrui %add3A_952, %shift_right_logical3A_956 : i32
    %or3A_958 = arith.ori %shift_left3A_955, %shift_right_logical3A_957 : i32
    %xor3A_959 = arith.xori %or3A_958, %add3A_953 : i32
    %add3A_960 = arith.addi %add3A_953, %xor3A_959 : i32
    %shift_left3A_961 = arith.constant 29 : i32
    %shift_left3A_962 = arith.shli %xor3A_959, %shift_left3A_961 : i32
    %shift_right_logical3A_963 = arith.constant 3 : i32
    %shift_right_logical3A_964 = arith.shrui %xor3A_959, %shift_right_logical3A_963 : i32
    %or3A_965 = arith.ori %shift_left3A_962, %shift_right_logical3A_964 : i32
    %xor3A_966 = arith.xori %or3A_965, %add3A_960 : i32
    %add3A_967 = arith.addi %add3A_960, %xor3A_966 : i32
    %shift_left3A_968 = arith.constant 16 : i32
    %shift_left3A_969 = arith.shli %xor3A_966, %shift_left3A_968 : i32
    %shift_right_logical3A_970 = arith.constant 16 : i32
    %shift_right_logical3A_971 = arith.shrui %xor3A_966, %shift_right_logical3A_970 : i32
    %or3A_972 = arith.ori %shift_left3A_969, %shift_right_logical3A_971 : i32
    %xor3A_973 = arith.xori %or3A_972, %add3A_967 : i32
    %add3A_974 = arith.addi %add3A_967, %xor3A_973 : i32
    %shift_left3A_975 = arith.constant 24 : i32
    %shift_left3A_976 = arith.shli %xor3A_973, %shift_left3A_975 : i32
    %shift_right_logical3A_977 = arith.constant 8 : i32
    %shift_right_logical3A_978 = arith.shrui %xor3A_973, %shift_right_logical3A_977 : i32
    %or3A_979 = arith.ori %shift_left3A_976, %shift_right_logical3A_978 : i32
    %xor3A_980 = arith.xori %or3A_979, %add3A_974 : i32
    %add3A_981 = arith.addi %add3A_974, %add3A_682 : i32
    %add3A_982 = arith.addi %xor3A_980, %xor3A_852 : i32
    %add3A_983 = arith.constant 4 : i32
    %add3A_984 = arith.addi %add3A_982, %add3A_983 : i32
    %add3A_985 = arith.addi %add3A_981, %add3A_984 : i32
    %shift_left3A_986 = arith.constant 13 : i32
    %shift_left3A_987 = arith.shli %add3A_984, %shift_left3A_986 : i32
    %shift_right_logical3A_988 = arith.constant 19 : i32
    %shift_right_logical3A_989 = arith.shrui %add3A_984, %shift_right_logical3A_988 : i32
    %or3A_990 = arith.ori %shift_left3A_987, %shift_right_logical3A_989 : i32
    %xor3A_991 = arith.xori %or3A_990, %add3A_985 : i32
    %add3A_992 = arith.addi %add3A_985, %xor3A_991 : i32
    %shift_left3A_993 = arith.constant 15 : i32
    %shift_left3A_994 = arith.shli %xor3A_991, %shift_left3A_993 : i32
    %shift_right_logical3A_995 = arith.constant 17 : i32
    %shift_right_logical3A_996 = arith.shrui %xor3A_991, %shift_right_logical3A_995 : i32
    %or3A_997 = arith.ori %shift_left3A_994, %shift_right_logical3A_996 : i32
    %xor3A_998 = arith.xori %or3A_997, %add3A_992 : i32
    %add3A_999 = arith.addi %add3A_992, %xor3A_998 : i32
    %shift_left3A_1000 = arith.constant 26 : i32
    %shift_left3A_1001 = arith.shli %xor3A_998, %shift_left3A_1000 : i32
    %shift_right_logical3A_1002 = arith.constant 6 : i32
    %shift_right_logical3A_1003 = arith.shrui %xor3A_998, %shift_right_logical3A_1002 : i32
    %or3A_1004 = arith.ori %shift_left3A_1001, %shift_right_logical3A_1003 : i32
    %xor3A_1005 = arith.xori %or3A_1004, %add3A_999 : i32
    %add3A_1006 = arith.addi %add3A_999, %xor3A_1005 : i32
    %shift_left3A_1007 = arith.constant 6 : i32
    %shift_left3A_1008 = arith.shli %xor3A_1005, %shift_left3A_1007 : i32
    %shift_right_logical3A_1009 = arith.constant 26 : i32
    %shift_right_logical3A_1010 = arith.shrui %xor3A_1005, %shift_right_logical3A_1009 : i32
    %or3A_1011 = arith.ori %shift_left3A_1008, %shift_right_logical3A_1010 : i32
    %xor3A_1012 = arith.xori %or3A_1011, %add3A_1006 : i32
    %add3A_1013 = arith.addi %add3A_1006, %xor3A_852 : i32
    %add3A_1014 = arith.addi %xor3A_1012, %add3A_679 : i32
    %add3A_1015 = arith.constant 5 : i32
    %add3A_1016 = arith.addi %add3A_1014, %add3A_1015 : i32
    %xor3A_1017 = arith.xori %add3A_846, %add3A_849 : i32
    %xor3A_1018 = arith.xori %add3A_1013, %add3A_1016 : i32
    %jit3A = arith.constant 513 : i32
    %eq3A = arith.constant 0 : i32
    %eq3A_1019 = arith.cmpi eq, %jit3A, %eq3A : i32
    %jit3A_1020 = arith.constant 1 : i32
    %select_n3A = arith.select %eq3A_1019, %jit3A_1020, %jit3A : i32
    %rem3A = arith.remui %xor3A_1017, %select_n3A : i32
    %ne3A = arith.constant 0 : i32
    %ne3A_1021 = arith.cmpi ne, %rem3A, %ne3A : i32
    %lt3A = arith.constant 0 : i32
    %lt3A_1022 = arith.cmpi ult, %rem3A, %lt3A : i32
    %lt3A_1023 = arith.constant 0 : i32
    %lt3A_1024 = arith.cmpi ult, %select_n3A, %lt3A_1023 : i32
    %ne3A_1025 = arith.xori %lt3A_1022, %lt3A_1024 : i1
    %and3A = arith.andi %ne3A_1025, %ne3A_1021 : i1
    %add3A_1026 = arith.addi %rem3A, %select_n3A : i32
    %select_n3A_1027 = arith.select %and3A, %add3A_1026, %rem3A : i32
    %mul3A_1028 = arith.constant 481 : i32
    %mul3A_1029 = arith.muli %select_n3A_1027, %mul3A_1028 : i32
    %jit3A_1030 = arith.constant 513 : i32
    %eq3A_1031 = arith.constant 0 : i32
    %eq3A_1032 = arith.cmpi eq, %jit3A_1030, %eq3A_1031 : i32
    %jit3A_1033 = arith.constant 1 : i32
    %select_n3A_1034 = arith.select %eq3A_1032, %jit3A_1033, %jit3A_1030 : i32
    %rem3A_1035 = arith.remui %xor3A_1018, %select_n3A_1034 : i32
    %ne3A_1036 = arith.constant 0 : i32
    %ne3A_1037 = arith.cmpi ne, %rem3A_1035, %ne3A_1036 : i32
    %lt3A_1038 = arith.constant 0 : i32
    %lt3A_1039 = arith.cmpi ult, %rem3A_1035, %lt3A_1038 : i32
    %lt3A_1040 = arith.constant 0 : i32
    %lt3A_1041 = arith.cmpi ult, %select_n3A_1034, %lt3A_1040 : i32
    %ne3A_1042 = arith.xori %lt3A_1039, %lt3A_1041 : i1
    %and3A_1043 = arith.andi %ne3A_1042, %ne3A_1037 : i1
    %add3A_1044 = arith.addi %rem3A_1035, %select_n3A_1034 : i32
    %select_n3A_1045 = arith.select %and3A_1043, %add3A_1044, %rem3A_1035 : i32
    %add3A_1046 = arith.addi %mul3A_1029, %select_n3A_1045 : i32
    %jit3A_1047 = arith.constant 513 : i32
    %eq3A_1048 = arith.constant 0 : i32
    %eq3A_1049 = arith.cmpi eq, %jit3A_1047, %eq3A_1048 : i32
    %jit3A_1050 = arith.constant 1 : i32
    %select_n3A_1051 = arith.select %eq3A_1049, %jit3A_1050, %jit3A_1047 : i32
    %rem3A_1052 = arith.remui %add3A_1046, %select_n3A_1051 : i32
    %ne3A_1053 = arith.constant 0 : i32
    %ne3A_1054 = arith.cmpi ne, %rem3A_1052, %ne3A_1053 : i32
    %lt3A_1055 = arith.constant 0 : i32
    %lt3A_1056 = arith.cmpi ult, %rem3A_1052, %lt3A_1055 : i32
    %lt3A_1057 = arith.constant 0 : i32
    %lt3A_1058 = arith.cmpi ult, %select_n3A_1051, %lt3A_1057 : i32
    %ne3A_1059 = arith.xori %lt3A_1056, %lt3A_1058 : i1
    %and3A_1060 = arith.andi %ne3A_1059, %ne3A_1054 : i1
    %add3A_1061 = arith.addi %rem3A_1052, %select_n3A_1051 : i32
    %select_n3A_1062 = arith.select %and3A_1060, %add3A_1061, %rem3A_1052 : i32
    %xor3A_1063 = arith.xori %add3A_345, %add3A_348 : i32
    %xor3A_1064 = arith.constant 466688986 : i32
    %xor3A_1065 = arith.xori %xor3A_1063, %xor3A_1064 : i32
    %add3A_1066 = arith.constant 0 : i32
    %add3A_1067 = arith.addi %add3A_1066, %add3A_345 : i32
    %add3A_1068 = arith.constant 0 : i32
    %add3A_1069 = arith.addi %add3A_1068, %add3A_348 : i32
    %add3A_1070 = arith.addi %add3A_1067, %add3A_1069 : i32
    %shift_left3A_1071 = arith.constant 13 : i32
    %shift_left3A_1072 = arith.shli %add3A_1069, %shift_left3A_1071 : i32
    %shift_right_logical3A_1073 = arith.constant 19 : i32
    %shift_right_logical3A_1074 = arith.shrui %add3A_1069, %shift_right_logical3A_1073 : i32
    %or3A_1075 = arith.ori %shift_left3A_1072, %shift_right_logical3A_1074 : i32
    %xor3A_1076 = arith.xori %or3A_1075, %add3A_1070 : i32
    %add3A_1077 = arith.addi %add3A_1070, %xor3A_1076 : i32
    %shift_left3A_1078 = arith.constant 15 : i32
    %shift_left3A_1079 = arith.shli %xor3A_1076, %shift_left3A_1078 : i32
    %shift_right_logical3A_1080 = arith.constant 17 : i32
    %shift_right_logical3A_1081 = arith.shrui %xor3A_1076, %shift_right_logical3A_1080 : i32
    %or3A_1082 = arith.ori %shift_left3A_1079, %shift_right_logical3A_1081 : i32
    %xor3A_1083 = arith.xori %or3A_1082, %add3A_1077 : i32
    %add3A_1084 = arith.addi %add3A_1077, %xor3A_1083 : i32
    %shift_left3A_1085 = arith.constant 26 : i32
    %shift_left3A_1086 = arith.shli %xor3A_1083, %shift_left3A_1085 : i32
    %shift_right_logical3A_1087 = arith.constant 6 : i32
    %shift_right_logical3A_1088 = arith.shrui %xor3A_1083, %shift_right_logical3A_1087 : i32
    %or3A_1089 = arith.ori %shift_left3A_1086, %shift_right_logical3A_1088 : i32
    %xor3A_1090 = arith.xori %or3A_1089, %add3A_1084 : i32
    %add3A_1091 = arith.addi %add3A_1084, %xor3A_1090 : i32
    %shift_left3A_1092 = arith.constant 6 : i32
    %shift_left3A_1093 = arith.shli %xor3A_1090, %shift_left3A_1092 : i32
    %shift_right_logical3A_1094 = arith.constant 26 : i32
    %shift_right_logical3A_1095 = arith.shrui %xor3A_1090, %shift_right_logical3A_1094 : i32
    %or3A_1096 = arith.ori %shift_left3A_1093, %shift_right_logical3A_1095 : i32
    %xor3A_1097 = arith.xori %or3A_1096, %add3A_1091 : i32
    %add3A_1098 = arith.addi %add3A_1091, %add3A_348 : i32
    %add3A_1099 = arith.addi %xor3A_1097, %xor3A_1065 : i32
    %add3A_1100 = arith.constant 1 : i32
    %add3A_1101 = arith.addi %add3A_1099, %add3A_1100 : i32
    %add3A_1102 = arith.addi %add3A_1098, %add3A_1101 : i32
    %shift_left3A_1103 = arith.constant 17 : i32
    %shift_left3A_1104 = arith.shli %add3A_1101, %shift_left3A_1103 : i32
    %shift_right_logical3A_1105 = arith.constant 15 : i32
    %shift_right_logical3A_1106 = arith.shrui %add3A_1101, %shift_right_logical3A_1105 : i32
    %or3A_1107 = arith.ori %shift_left3A_1104, %shift_right_logical3A_1106 : i32
    %xor3A_1108 = arith.xori %or3A_1107, %add3A_1102 : i32
    %add3A_1109 = arith.addi %add3A_1102, %xor3A_1108 : i32
    %shift_left3A_1110 = arith.constant 29 : i32
    %shift_left3A_1111 = arith.shli %xor3A_1108, %shift_left3A_1110 : i32
    %shift_right_logical3A_1112 = arith.constant 3 : i32
    %shift_right_logical3A_1113 = arith.shrui %xor3A_1108, %shift_right_logical3A_1112 : i32
    %or3A_1114 = arith.ori %shift_left3A_1111, %shift_right_logical3A_1113 : i32
    %xor3A_1115 = arith.xori %or3A_1114, %add3A_1109 : i32
    %add3A_1116 = arith.addi %add3A_1109, %xor3A_1115 : i32
    %shift_left3A_1117 = arith.constant 16 : i32
    %shift_left3A_1118 = arith.shli %xor3A_1115, %shift_left3A_1117 : i32
    %shift_right_logical3A_1119 = arith.constant 16 : i32
    %shift_right_logical3A_1120 = arith.shrui %xor3A_1115, %shift_right_logical3A_1119 : i32
    %or3A_1121 = arith.ori %shift_left3A_1118, %shift_right_logical3A_1120 : i32
    %xor3A_1122 = arith.xori %or3A_1121, %add3A_1116 : i32
    %add3A_1123 = arith.addi %add3A_1116, %xor3A_1122 : i32
    %shift_left3A_1124 = arith.constant 24 : i32
    %shift_left3A_1125 = arith.shli %xor3A_1122, %shift_left3A_1124 : i32
    %shift_right_logical3A_1126 = arith.constant 8 : i32
    %shift_right_logical3A_1127 = arith.shrui %xor3A_1122, %shift_right_logical3A_1126 : i32
    %or3A_1128 = arith.ori %shift_left3A_1125, %shift_right_logical3A_1127 : i32
    %xor3A_1129 = arith.xori %or3A_1128, %add3A_1123 : i32
    %add3A_1130 = arith.addi %add3A_1123, %xor3A_1065 : i32
    %add3A_1131 = arith.addi %xor3A_1129, %add3A_345 : i32
    %add3A_1132 = arith.constant 2 : i32
    %add3A_1133 = arith.addi %add3A_1131, %add3A_1132 : i32
    %add3A_1134 = arith.addi %add3A_1130, %add3A_1133 : i32
    %shift_left3A_1135 = arith.constant 13 : i32
    %shift_left3A_1136 = arith.shli %add3A_1133, %shift_left3A_1135 : i32
    %shift_right_logical3A_1137 = arith.constant 19 : i32
    %shift_right_logical3A_1138 = arith.shrui %add3A_1133, %shift_right_logical3A_1137 : i32
    %or3A_1139 = arith.ori %shift_left3A_1136, %shift_right_logical3A_1138 : i32
    %xor3A_1140 = arith.xori %or3A_1139, %add3A_1134 : i32
    %add3A_1141 = arith.addi %add3A_1134, %xor3A_1140 : i32
    %shift_left3A_1142 = arith.constant 15 : i32
    %shift_left3A_1143 = arith.shli %xor3A_1140, %shift_left3A_1142 : i32
    %shift_right_logical3A_1144 = arith.constant 17 : i32
    %shift_right_logical3A_1145 = arith.shrui %xor3A_1140, %shift_right_logical3A_1144 : i32
    %or3A_1146 = arith.ori %shift_left3A_1143, %shift_right_logical3A_1145 : i32
    %xor3A_1147 = arith.xori %or3A_1146, %add3A_1141 : i32
    %add3A_1148 = arith.addi %add3A_1141, %xor3A_1147 : i32
    %shift_left3A_1149 = arith.constant 26 : i32
    %shift_left3A_1150 = arith.shli %xor3A_1147, %shift_left3A_1149 : i32
    %shift_right_logical3A_1151 = arith.constant 6 : i32
    %shift_right_logical3A_1152 = arith.shrui %xor3A_1147, %shift_right_logical3A_1151 : i32
    %or3A_1153 = arith.ori %shift_left3A_1150, %shift_right_logical3A_1152 : i32
    %xor3A_1154 = arith.xori %or3A_1153, %add3A_1148 : i32
    %add3A_1155 = arith.addi %add3A_1148, %xor3A_1154 : i32
    %shift_left3A_1156 = arith.constant 6 : i32
    %shift_left3A_1157 = arith.shli %xor3A_1154, %shift_left3A_1156 : i32
    %shift_right_logical3A_1158 = arith.constant 26 : i32
    %shift_right_logical3A_1159 = arith.shrui %xor3A_1154, %shift_right_logical3A_1158 : i32
    %or3A_1160 = arith.ori %shift_left3A_1157, %shift_right_logical3A_1159 : i32
    %xor3A_1161 = arith.xori %or3A_1160, %add3A_1155 : i32
    %add3A_1162 = arith.addi %add3A_1155, %add3A_345 : i32
    %add3A_1163 = arith.addi %xor3A_1161, %add3A_348 : i32
    %add3A_1164 = arith.constant 3 : i32
    %add3A_1165 = arith.addi %add3A_1163, %add3A_1164 : i32
    %add3A_1166 = arith.addi %add3A_1162, %add3A_1165 : i32
    %shift_left3A_1167 = arith.constant 17 : i32
    %shift_left3A_1168 = arith.shli %add3A_1165, %shift_left3A_1167 : i32
    %shift_right_logical3A_1169 = arith.constant 15 : i32
    %shift_right_logical3A_1170 = arith.shrui %add3A_1165, %shift_right_logical3A_1169 : i32
    %or3A_1171 = arith.ori %shift_left3A_1168, %shift_right_logical3A_1170 : i32
    %xor3A_1172 = arith.xori %or3A_1171, %add3A_1166 : i32
    %add3A_1173 = arith.addi %add3A_1166, %xor3A_1172 : i32
    %shift_left3A_1174 = arith.constant 29 : i32
    %shift_left3A_1175 = arith.shli %xor3A_1172, %shift_left3A_1174 : i32
    %shift_right_logical3A_1176 = arith.constant 3 : i32
    %shift_right_logical3A_1177 = arith.shrui %xor3A_1172, %shift_right_logical3A_1176 : i32
    %or3A_1178 = arith.ori %shift_left3A_1175, %shift_right_logical3A_1177 : i32
    %xor3A_1179 = arith.xori %or3A_1178, %add3A_1173 : i32
    %add3A_1180 = arith.addi %add3A_1173, %xor3A_1179 : i32
    %shift_left3A_1181 = arith.constant 16 : i32
    %shift_left3A_1182 = arith.shli %xor3A_1179, %shift_left3A_1181 : i32
    %shift_right_logical3A_1183 = arith.constant 16 : i32
    %shift_right_logical3A_1184 = arith.shrui %xor3A_1179, %shift_right_logical3A_1183 : i32
    %or3A_1185 = arith.ori %shift_left3A_1182, %shift_right_logical3A_1184 : i32
    %xor3A_1186 = arith.xori %or3A_1185, %add3A_1180 : i32
    %add3A_1187 = arith.addi %add3A_1180, %xor3A_1186 : i32
    %shift_left3A_1188 = arith.constant 24 : i32
    %shift_left3A_1189 = arith.shli %xor3A_1186, %shift_left3A_1188 : i32
    %shift_right_logical3A_1190 = arith.constant 8 : i32
    %shift_right_logical3A_1191 = arith.shrui %xor3A_1186, %shift_right_logical3A_1190 : i32
    %or3A_1192 = arith.ori %shift_left3A_1189, %shift_right_logical3A_1191 : i32
    %xor3A_1193 = arith.xori %or3A_1192, %add3A_1187 : i32
    %add3A_1194 = arith.addi %add3A_1187, %add3A_348 : i32
    %add3A_1195 = arith.addi %xor3A_1193, %xor3A_1065 : i32
    %add3A_1196 = arith.constant 4 : i32
    %add3A_1197 = arith.addi %add3A_1195, %add3A_1196 : i32
    %add3A_1198 = arith.addi %add3A_1194, %add3A_1197 : i32
    %shift_left3A_1199 = arith.constant 13 : i32
    %shift_left3A_1200 = arith.shli %add3A_1197, %shift_left3A_1199 : i32
    %shift_right_logical3A_1201 = arith.constant 19 : i32
    %shift_right_logical3A_1202 = arith.shrui %add3A_1197, %shift_right_logical3A_1201 : i32
    %or3A_1203 = arith.ori %shift_left3A_1200, %shift_right_logical3A_1202 : i32
    %xor3A_1204 = arith.xori %or3A_1203, %add3A_1198 : i32
    %add3A_1205 = arith.addi %add3A_1198, %xor3A_1204 : i32
    %shift_left3A_1206 = arith.constant 15 : i32
    %shift_left3A_1207 = arith.shli %xor3A_1204, %shift_left3A_1206 : i32
    %shift_right_logical3A_1208 = arith.constant 17 : i32
    %shift_right_logical3A_1209 = arith.shrui %xor3A_1204, %shift_right_logical3A_1208 : i32
    %or3A_1210 = arith.ori %shift_left3A_1207, %shift_right_logical3A_1209 : i32
    %xor3A_1211 = arith.xori %or3A_1210, %add3A_1205 : i32
    %add3A_1212 = arith.addi %add3A_1205, %xor3A_1211 : i32
    %shift_left3A_1213 = arith.constant 26 : i32
    %shift_left3A_1214 = arith.shli %xor3A_1211, %shift_left3A_1213 : i32
    %shift_right_logical3A_1215 = arith.constant 6 : i32
    %shift_right_logical3A_1216 = arith.shrui %xor3A_1211, %shift_right_logical3A_1215 : i32
    %or3A_1217 = arith.ori %shift_left3A_1214, %shift_right_logical3A_1216 : i32
    %xor3A_1218 = arith.xori %or3A_1217, %add3A_1212 : i32
    %add3A_1219 = arith.addi %add3A_1212, %xor3A_1218 : i32
    %shift_left3A_1220 = arith.constant 6 : i32
    %shift_left3A_1221 = arith.shli %xor3A_1218, %shift_left3A_1220 : i32
    %shift_right_logical3A_1222 = arith.constant 26 : i32
    %shift_right_logical3A_1223 = arith.shrui %xor3A_1218, %shift_right_logical3A_1222 : i32
    %or3A_1224 = arith.ori %shift_left3A_1221, %shift_right_logical3A_1223 : i32
    %xor3A_1225 = arith.xori %or3A_1224, %add3A_1219 : i32
    %add3A_1226 = arith.addi %add3A_1219, %xor3A_1065 : i32
    %add3A_1227 = arith.addi %xor3A_1225, %add3A_345 : i32
    %add3A_1228 = arith.constant 5 : i32
    %add3A_1229 = arith.addi %add3A_1227, %add3A_1228 : i32
    %xor3A_1230 = arith.xori %add3A_345, %add3A_348 : i32
    %xor3A_1231 = arith.constant 466688986 : i32
    %xor3A_1232 = arith.xori %xor3A_1230, %xor3A_1231 : i32
    %add3A_1233 = arith.constant 0 : i32
    %add3A_1234 = arith.addi %add3A_1233, %add3A_345 : i32
    %add3A_1235 = arith.constant 1 : i32
    %add3A_1236 = arith.addi %add3A_1235, %add3A_348 : i32
    %add3A_1237 = arith.addi %add3A_1234, %add3A_1236 : i32
    %shift_left3A_1238 = arith.constant 13 : i32
    %shift_left3A_1239 = arith.shli %add3A_1236, %shift_left3A_1238 : i32
    %shift_right_logical3A_1240 = arith.constant 19 : i32
    %shift_right_logical3A_1241 = arith.shrui %add3A_1236, %shift_right_logical3A_1240 : i32
    %or3A_1242 = arith.ori %shift_left3A_1239, %shift_right_logical3A_1241 : i32
    %xor3A_1243 = arith.xori %or3A_1242, %add3A_1237 : i32
    %add3A_1244 = arith.addi %add3A_1237, %xor3A_1243 : i32
    %shift_left3A_1245 = arith.constant 15 : i32
    %shift_left3A_1246 = arith.shli %xor3A_1243, %shift_left3A_1245 : i32
    %shift_right_logical3A_1247 = arith.constant 17 : i32
    %shift_right_logical3A_1248 = arith.shrui %xor3A_1243, %shift_right_logical3A_1247 : i32
    %or3A_1249 = arith.ori %shift_left3A_1246, %shift_right_logical3A_1248 : i32
    %xor3A_1250 = arith.xori %or3A_1249, %add3A_1244 : i32
    %add3A_1251 = arith.addi %add3A_1244, %xor3A_1250 : i32
    %shift_left3A_1252 = arith.constant 26 : i32
    %shift_left3A_1253 = arith.shli %xor3A_1250, %shift_left3A_1252 : i32
    %shift_right_logical3A_1254 = arith.constant 6 : i32
    %shift_right_logical3A_1255 = arith.shrui %xor3A_1250, %shift_right_logical3A_1254 : i32
    %or3A_1256 = arith.ori %shift_left3A_1253, %shift_right_logical3A_1255 : i32
    %xor3A_1257 = arith.xori %or3A_1256, %add3A_1251 : i32
    %add3A_1258 = arith.addi %add3A_1251, %xor3A_1257 : i32
    %shift_left3A_1259 = arith.constant 6 : i32
    %shift_left3A_1260 = arith.shli %xor3A_1257, %shift_left3A_1259 : i32
    %shift_right_logical3A_1261 = arith.constant 26 : i32
    %shift_right_logical3A_1262 = arith.shrui %xor3A_1257, %shift_right_logical3A_1261 : i32
    %or3A_1263 = arith.ori %shift_left3A_1260, %shift_right_logical3A_1262 : i32
    %xor3A_1264 = arith.xori %or3A_1263, %add3A_1258 : i32
    %add3A_1265 = arith.addi %add3A_1258, %add3A_348 : i32
    %add3A_1266 = arith.addi %xor3A_1264, %xor3A_1232 : i32
    %add3A_1267 = arith.constant 1 : i32
    %add3A_1268 = arith.addi %add3A_1266, %add3A_1267 : i32
    %add3A_1269 = arith.addi %add3A_1265, %add3A_1268 : i32
    %shift_left3A_1270 = arith.constant 17 : i32
    %shift_left3A_1271 = arith.shli %add3A_1268, %shift_left3A_1270 : i32
    %shift_right_logical3A_1272 = arith.constant 15 : i32
    %shift_right_logical3A_1273 = arith.shrui %add3A_1268, %shift_right_logical3A_1272 : i32
    %or3A_1274 = arith.ori %shift_left3A_1271, %shift_right_logical3A_1273 : i32
    %xor3A_1275 = arith.xori %or3A_1274, %add3A_1269 : i32
    %add3A_1276 = arith.addi %add3A_1269, %xor3A_1275 : i32
    %shift_left3A_1277 = arith.constant 29 : i32
    %shift_left3A_1278 = arith.shli %xor3A_1275, %shift_left3A_1277 : i32
    %shift_right_logical3A_1279 = arith.constant 3 : i32
    %shift_right_logical3A_1280 = arith.shrui %xor3A_1275, %shift_right_logical3A_1279 : i32
    %or3A_1281 = arith.ori %shift_left3A_1278, %shift_right_logical3A_1280 : i32
    %xor3A_1282 = arith.xori %or3A_1281, %add3A_1276 : i32
    %add3A_1283 = arith.addi %add3A_1276, %xor3A_1282 : i32
    %shift_left3A_1284 = arith.constant 16 : i32
    %shift_left3A_1285 = arith.shli %xor3A_1282, %shift_left3A_1284 : i32
    %shift_right_logical3A_1286 = arith.constant 16 : i32
    %shift_right_logical3A_1287 = arith.shrui %xor3A_1282, %shift_right_logical3A_1286 : i32
    %or3A_1288 = arith.ori %shift_left3A_1285, %shift_right_logical3A_1287 : i32
    %xor3A_1289 = arith.xori %or3A_1288, %add3A_1283 : i32
    %add3A_1290 = arith.addi %add3A_1283, %xor3A_1289 : i32
    %shift_left3A_1291 = arith.constant 24 : i32
    %shift_left3A_1292 = arith.shli %xor3A_1289, %shift_left3A_1291 : i32
    %shift_right_logical3A_1293 = arith.constant 8 : i32
    %shift_right_logical3A_1294 = arith.shrui %xor3A_1289, %shift_right_logical3A_1293 : i32
    %or3A_1295 = arith.ori %shift_left3A_1292, %shift_right_logical3A_1294 : i32
    %xor3A_1296 = arith.xori %or3A_1295, %add3A_1290 : i32
    %add3A_1297 = arith.addi %add3A_1290, %xor3A_1232 : i32
    %add3A_1298 = arith.addi %xor3A_1296, %add3A_345 : i32
    %add3A_1299 = arith.constant 2 : i32
    %add3A_1300 = arith.addi %add3A_1298, %add3A_1299 : i32
    %add3A_1301 = arith.addi %add3A_1297, %add3A_1300 : i32
    %shift_left3A_1302 = arith.constant 13 : i32
    %shift_left3A_1303 = arith.shli %add3A_1300, %shift_left3A_1302 : i32
    %shift_right_logical3A_1304 = arith.constant 19 : i32
    %shift_right_logical3A_1305 = arith.shrui %add3A_1300, %shift_right_logical3A_1304 : i32
    %or3A_1306 = arith.ori %shift_left3A_1303, %shift_right_logical3A_1305 : i32
    %xor3A_1307 = arith.xori %or3A_1306, %add3A_1301 : i32
    %add3A_1308 = arith.addi %add3A_1301, %xor3A_1307 : i32
    %shift_left3A_1309 = arith.constant 15 : i32
    %shift_left3A_1310 = arith.shli %xor3A_1307, %shift_left3A_1309 : i32
    %shift_right_logical3A_1311 = arith.constant 17 : i32
    %shift_right_logical3A_1312 = arith.shrui %xor3A_1307, %shift_right_logical3A_1311 : i32
    %or3A_1313 = arith.ori %shift_left3A_1310, %shift_right_logical3A_1312 : i32
    %xor3A_1314 = arith.xori %or3A_1313, %add3A_1308 : i32
    %add3A_1315 = arith.addi %add3A_1308, %xor3A_1314 : i32
    %shift_left3A_1316 = arith.constant 26 : i32
    %shift_left3A_1317 = arith.shli %xor3A_1314, %shift_left3A_1316 : i32
    %shift_right_logical3A_1318 = arith.constant 6 : i32
    %shift_right_logical3A_1319 = arith.shrui %xor3A_1314, %shift_right_logical3A_1318 : i32
    %or3A_1320 = arith.ori %shift_left3A_1317, %shift_right_logical3A_1319 : i32
    %xor3A_1321 = arith.xori %or3A_1320, %add3A_1315 : i32
    %add3A_1322 = arith.addi %add3A_1315, %xor3A_1321 : i32
    %shift_left3A_1323 = arith.constant 6 : i32
    %shift_left3A_1324 = arith.shli %xor3A_1321, %shift_left3A_1323 : i32
    %shift_right_logical3A_1325 = arith.constant 26 : i32
    %shift_right_logical3A_1326 = arith.shrui %xor3A_1321, %shift_right_logical3A_1325 : i32
    %or3A_1327 = arith.ori %shift_left3A_1324, %shift_right_logical3A_1326 : i32
    %xor3A_1328 = arith.xori %or3A_1327, %add3A_1322 : i32
    %add3A_1329 = arith.addi %add3A_1322, %add3A_345 : i32
    %add3A_1330 = arith.addi %xor3A_1328, %add3A_348 : i32
    %add3A_1331 = arith.constant 3 : i32
    %add3A_1332 = arith.addi %add3A_1330, %add3A_1331 : i32
    %add3A_1333 = arith.addi %add3A_1329, %add3A_1332 : i32
    %shift_left3A_1334 = arith.constant 17 : i32
    %shift_left3A_1335 = arith.shli %add3A_1332, %shift_left3A_1334 : i32
    %shift_right_logical3A_1336 = arith.constant 15 : i32
    %shift_right_logical3A_1337 = arith.shrui %add3A_1332, %shift_right_logical3A_1336 : i32
    %or3A_1338 = arith.ori %shift_left3A_1335, %shift_right_logical3A_1337 : i32
    %xor3A_1339 = arith.xori %or3A_1338, %add3A_1333 : i32
    %add3A_1340 = arith.addi %add3A_1333, %xor3A_1339 : i32
    %shift_left3A_1341 = arith.constant 29 : i32
    %shift_left3A_1342 = arith.shli %xor3A_1339, %shift_left3A_1341 : i32
    %shift_right_logical3A_1343 = arith.constant 3 : i32
    %shift_right_logical3A_1344 = arith.shrui %xor3A_1339, %shift_right_logical3A_1343 : i32
    %or3A_1345 = arith.ori %shift_left3A_1342, %shift_right_logical3A_1344 : i32
    %xor3A_1346 = arith.xori %or3A_1345, %add3A_1340 : i32
    %add3A_1347 = arith.addi %add3A_1340, %xor3A_1346 : i32
    %shift_left3A_1348 = arith.constant 16 : i32
    %shift_left3A_1349 = arith.shli %xor3A_1346, %shift_left3A_1348 : i32
    %shift_right_logical3A_1350 = arith.constant 16 : i32
    %shift_right_logical3A_1351 = arith.shrui %xor3A_1346, %shift_right_logical3A_1350 : i32
    %or3A_1352 = arith.ori %shift_left3A_1349, %shift_right_logical3A_1351 : i32
    %xor3A_1353 = arith.xori %or3A_1352, %add3A_1347 : i32
    %add3A_1354 = arith.addi %add3A_1347, %xor3A_1353 : i32
    %shift_left3A_1355 = arith.constant 24 : i32
    %shift_left3A_1356 = arith.shli %xor3A_1353, %shift_left3A_1355 : i32
    %shift_right_logical3A_1357 = arith.constant 8 : i32
    %shift_right_logical3A_1358 = arith.shrui %xor3A_1353, %shift_right_logical3A_1357 : i32
    %or3A_1359 = arith.ori %shift_left3A_1356, %shift_right_logical3A_1358 : i32
    %xor3A_1360 = arith.xori %or3A_1359, %add3A_1354 : i32
    %add3A_1361 = arith.addi %add3A_1354, %add3A_348 : i32
    %add3A_1362 = arith.addi %xor3A_1360, %xor3A_1232 : i32
    %add3A_1363 = arith.constant 4 : i32
    %add3A_1364 = arith.addi %add3A_1362, %add3A_1363 : i32
    %add3A_1365 = arith.addi %add3A_1361, %add3A_1364 : i32
    %shift_left3A_1366 = arith.constant 13 : i32
    %shift_left3A_1367 = arith.shli %add3A_1364, %shift_left3A_1366 : i32
    %shift_right_logical3A_1368 = arith.constant 19 : i32
    %shift_right_logical3A_1369 = arith.shrui %add3A_1364, %shift_right_logical3A_1368 : i32
    %or3A_1370 = arith.ori %shift_left3A_1367, %shift_right_logical3A_1369 : i32
    %xor3A_1371 = arith.xori %or3A_1370, %add3A_1365 : i32
    %add3A_1372 = arith.addi %add3A_1365, %xor3A_1371 : i32
    %shift_left3A_1373 = arith.constant 15 : i32
    %shift_left3A_1374 = arith.shli %xor3A_1371, %shift_left3A_1373 : i32
    %shift_right_logical3A_1375 = arith.constant 17 : i32
    %shift_right_logical3A_1376 = arith.shrui %xor3A_1371, %shift_right_logical3A_1375 : i32
    %or3A_1377 = arith.ori %shift_left3A_1374, %shift_right_logical3A_1376 : i32
    %xor3A_1378 = arith.xori %or3A_1377, %add3A_1372 : i32
    %add3A_1379 = arith.addi %add3A_1372, %xor3A_1378 : i32
    %shift_left3A_1380 = arith.constant 26 : i32
    %shift_left3A_1381 = arith.shli %xor3A_1378, %shift_left3A_1380 : i32
    %shift_right_logical3A_1382 = arith.constant 6 : i32
    %shift_right_logical3A_1383 = arith.shrui %xor3A_1378, %shift_right_logical3A_1382 : i32
    %or3A_1384 = arith.ori %shift_left3A_1381, %shift_right_logical3A_1383 : i32
    %xor3A_1385 = arith.xori %or3A_1384, %add3A_1379 : i32
    %add3A_1386 = arith.addi %add3A_1379, %xor3A_1385 : i32
    %shift_left3A_1387 = arith.constant 6 : i32
    %shift_left3A_1388 = arith.shli %xor3A_1385, %shift_left3A_1387 : i32
    %shift_right_logical3A_1389 = arith.constant 26 : i32
    %shift_right_logical3A_1390 = arith.shrui %xor3A_1385, %shift_right_logical3A_1389 : i32
    %or3A_1391 = arith.ori %shift_left3A_1388, %shift_right_logical3A_1390 : i32
    %xor3A_1392 = arith.xori %or3A_1391, %add3A_1386 : i32
    %add3A_1393 = arith.addi %add3A_1386, %xor3A_1232 : i32
    %add3A_1394 = arith.addi %xor3A_1392, %add3A_345 : i32
    %add3A_1395 = arith.constant 5 : i32
    %add3A_1396 = arith.addi %add3A_1394, %add3A_1395 : i32
    %xor3A_1397 = arith.xori %add3A_1226, %add3A_1229 : i32
    %xor3A_1398 = arith.constant 466688986 : i32
    %xor3A_1399 = arith.xori %xor3A_1397, %xor3A_1398 : i32
    %add3A_1400 = arith.constant 0 : i32
    %add3A_1401 = arith.addi %add3A_1400, %add3A_1226 : i32
    %add3A_1402 = arith.constant 0 : i32
    %add3A_1403 = arith.addi %add3A_1402, %add3A_1229 : i32
    %add3A_1404 = arith.addi %add3A_1401, %add3A_1403 : i32
    %shift_left3A_1405 = arith.constant 13 : i32
    %shift_left3A_1406 = arith.shli %add3A_1403, %shift_left3A_1405 : i32
    %shift_right_logical3A_1407 = arith.constant 19 : i32
    %shift_right_logical3A_1408 = arith.shrui %add3A_1403, %shift_right_logical3A_1407 : i32
    %or3A_1409 = arith.ori %shift_left3A_1406, %shift_right_logical3A_1408 : i32
    %xor3A_1410 = arith.xori %or3A_1409, %add3A_1404 : i32
    %add3A_1411 = arith.addi %add3A_1404, %xor3A_1410 : i32
    %shift_left3A_1412 = arith.constant 15 : i32
    %shift_left3A_1413 = arith.shli %xor3A_1410, %shift_left3A_1412 : i32
    %shift_right_logical3A_1414 = arith.constant 17 : i32
    %shift_right_logical3A_1415 = arith.shrui %xor3A_1410, %shift_right_logical3A_1414 : i32
    %or3A_1416 = arith.ori %shift_left3A_1413, %shift_right_logical3A_1415 : i32
    %xor3A_1417 = arith.xori %or3A_1416, %add3A_1411 : i32
    %add3A_1418 = arith.addi %add3A_1411, %xor3A_1417 : i32
    %shift_left3A_1419 = arith.constant 26 : i32
    %shift_left3A_1420 = arith.shli %xor3A_1417, %shift_left3A_1419 : i32
    %shift_right_logical3A_1421 = arith.constant 6 : i32
    %shift_right_logical3A_1422 = arith.shrui %xor3A_1417, %shift_right_logical3A_1421 : i32
    %or3A_1423 = arith.ori %shift_left3A_1420, %shift_right_logical3A_1422 : i32
    %xor3A_1424 = arith.xori %or3A_1423, %add3A_1418 : i32
    %add3A_1425 = arith.addi %add3A_1418, %xor3A_1424 : i32
    %shift_left3A_1426 = arith.constant 6 : i32
    %shift_left3A_1427 = arith.shli %xor3A_1424, %shift_left3A_1426 : i32
    %shift_right_logical3A_1428 = arith.constant 26 : i32
    %shift_right_logical3A_1429 = arith.shrui %xor3A_1424, %shift_right_logical3A_1428 : i32
    %or3A_1430 = arith.ori %shift_left3A_1427, %shift_right_logical3A_1429 : i32
    %xor3A_1431 = arith.xori %or3A_1430, %add3A_1425 : i32
    %add3A_1432 = arith.addi %add3A_1425, %add3A_1229 : i32
    %add3A_1433 = arith.addi %xor3A_1431, %xor3A_1399 : i32
    %add3A_1434 = arith.constant 1 : i32
    %add3A_1435 = arith.addi %add3A_1433, %add3A_1434 : i32
    %add3A_1436 = arith.addi %add3A_1432, %add3A_1435 : i32
    %shift_left3A_1437 = arith.constant 17 : i32
    %shift_left3A_1438 = arith.shli %add3A_1435, %shift_left3A_1437 : i32
    %shift_right_logical3A_1439 = arith.constant 15 : i32
    %shift_right_logical3A_1440 = arith.shrui %add3A_1435, %shift_right_logical3A_1439 : i32
    %or3A_1441 = arith.ori %shift_left3A_1438, %shift_right_logical3A_1440 : i32
    %xor3A_1442 = arith.xori %or3A_1441, %add3A_1436 : i32
    %add3A_1443 = arith.addi %add3A_1436, %xor3A_1442 : i32
    %shift_left3A_1444 = arith.constant 29 : i32
    %shift_left3A_1445 = arith.shli %xor3A_1442, %shift_left3A_1444 : i32
    %shift_right_logical3A_1446 = arith.constant 3 : i32
    %shift_right_logical3A_1447 = arith.shrui %xor3A_1442, %shift_right_logical3A_1446 : i32
    %or3A_1448 = arith.ori %shift_left3A_1445, %shift_right_logical3A_1447 : i32
    %xor3A_1449 = arith.xori %or3A_1448, %add3A_1443 : i32
    %add3A_1450 = arith.addi %add3A_1443, %xor3A_1449 : i32
    %shift_left3A_1451 = arith.constant 16 : i32
    %shift_left3A_1452 = arith.shli %xor3A_1449, %shift_left3A_1451 : i32
    %shift_right_logical3A_1453 = arith.constant 16 : i32
    %shift_right_logical3A_1454 = arith.shrui %xor3A_1449, %shift_right_logical3A_1453 : i32
    %or3A_1455 = arith.ori %shift_left3A_1452, %shift_right_logical3A_1454 : i32
    %xor3A_1456 = arith.xori %or3A_1455, %add3A_1450 : i32
    %add3A_1457 = arith.addi %add3A_1450, %xor3A_1456 : i32
    %shift_left3A_1458 = arith.constant 24 : i32
    %shift_left3A_1459 = arith.shli %xor3A_1456, %shift_left3A_1458 : i32
    %shift_right_logical3A_1460 = arith.constant 8 : i32
    %shift_right_logical3A_1461 = arith.shrui %xor3A_1456, %shift_right_logical3A_1460 : i32
    %or3A_1462 = arith.ori %shift_left3A_1459, %shift_right_logical3A_1461 : i32
    %xor3A_1463 = arith.xori %or3A_1462, %add3A_1457 : i32
    %add3A_1464 = arith.addi %add3A_1457, %xor3A_1399 : i32
    %add3A_1465 = arith.addi %xor3A_1463, %add3A_1226 : i32
    %add3A_1466 = arith.constant 2 : i32
    %add3A_1467 = arith.addi %add3A_1465, %add3A_1466 : i32
    %add3A_1468 = arith.addi %add3A_1464, %add3A_1467 : i32
    %shift_left3A_1469 = arith.constant 13 : i32
    %shift_left3A_1470 = arith.shli %add3A_1467, %shift_left3A_1469 : i32
    %shift_right_logical3A_1471 = arith.constant 19 : i32
    %shift_right_logical3A_1472 = arith.shrui %add3A_1467, %shift_right_logical3A_1471 : i32
    %or3A_1473 = arith.ori %shift_left3A_1470, %shift_right_logical3A_1472 : i32
    %xor3A_1474 = arith.xori %or3A_1473, %add3A_1468 : i32
    %add3A_1475 = arith.addi %add3A_1468, %xor3A_1474 : i32
    %shift_left3A_1476 = arith.constant 15 : i32
    %shift_left3A_1477 = arith.shli %xor3A_1474, %shift_left3A_1476 : i32
    %shift_right_logical3A_1478 = arith.constant 17 : i32
    %shift_right_logical3A_1479 = arith.shrui %xor3A_1474, %shift_right_logical3A_1478 : i32
    %or3A_1480 = arith.ori %shift_left3A_1477, %shift_right_logical3A_1479 : i32
    %xor3A_1481 = arith.xori %or3A_1480, %add3A_1475 : i32
    %add3A_1482 = arith.addi %add3A_1475, %xor3A_1481 : i32
    %shift_left3A_1483 = arith.constant 26 : i32
    %shift_left3A_1484 = arith.shli %xor3A_1481, %shift_left3A_1483 : i32
    %shift_right_logical3A_1485 = arith.constant 6 : i32
    %shift_right_logical3A_1486 = arith.shrui %xor3A_1481, %shift_right_logical3A_1485 : i32
    %or3A_1487 = arith.ori %shift_left3A_1484, %shift_right_logical3A_1486 : i32
    %xor3A_1488 = arith.xori %or3A_1487, %add3A_1482 : i32
    %add3A_1489 = arith.addi %add3A_1482, %xor3A_1488 : i32
    %shift_left3A_1490 = arith.constant 6 : i32
    %shift_left3A_1491 = arith.shli %xor3A_1488, %shift_left3A_1490 : i32
    %shift_right_logical3A_1492 = arith.constant 26 : i32
    %shift_right_logical3A_1493 = arith.shrui %xor3A_1488, %shift_right_logical3A_1492 : i32
    %or3A_1494 = arith.ori %shift_left3A_1491, %shift_right_logical3A_1493 : i32
    %xor3A_1495 = arith.xori %or3A_1494, %add3A_1489 : i32
    %add3A_1496 = arith.addi %add3A_1489, %add3A_1226 : i32
    %add3A_1497 = arith.addi %xor3A_1495, %add3A_1229 : i32
    %add3A_1498 = arith.constant 3 : i32
    %add3A_1499 = arith.addi %add3A_1497, %add3A_1498 : i32
    %add3A_1500 = arith.addi %add3A_1496, %add3A_1499 : i32
    %shift_left3A_1501 = arith.constant 17 : i32
    %shift_left3A_1502 = arith.shli %add3A_1499, %shift_left3A_1501 : i32
    %shift_right_logical3A_1503 = arith.constant 15 : i32
    %shift_right_logical3A_1504 = arith.shrui %add3A_1499, %shift_right_logical3A_1503 : i32
    %or3A_1505 = arith.ori %shift_left3A_1502, %shift_right_logical3A_1504 : i32
    %xor3A_1506 = arith.xori %or3A_1505, %add3A_1500 : i32
    %add3A_1507 = arith.addi %add3A_1500, %xor3A_1506 : i32
    %shift_left3A_1508 = arith.constant 29 : i32
    %shift_left3A_1509 = arith.shli %xor3A_1506, %shift_left3A_1508 : i32
    %shift_right_logical3A_1510 = arith.constant 3 : i32
    %shift_right_logical3A_1511 = arith.shrui %xor3A_1506, %shift_right_logical3A_1510 : i32
    %or3A_1512 = arith.ori %shift_left3A_1509, %shift_right_logical3A_1511 : i32
    %xor3A_1513 = arith.xori %or3A_1512, %add3A_1507 : i32
    %add3A_1514 = arith.addi %add3A_1507, %xor3A_1513 : i32
    %shift_left3A_1515 = arith.constant 16 : i32
    %shift_left3A_1516 = arith.shli %xor3A_1513, %shift_left3A_1515 : i32
    %shift_right_logical3A_1517 = arith.constant 16 : i32
    %shift_right_logical3A_1518 = arith.shrui %xor3A_1513, %shift_right_logical3A_1517 : i32
    %or3A_1519 = arith.ori %shift_left3A_1516, %shift_right_logical3A_1518 : i32
    %xor3A_1520 = arith.xori %or3A_1519, %add3A_1514 : i32
    %add3A_1521 = arith.addi %add3A_1514, %xor3A_1520 : i32
    %shift_left3A_1522 = arith.constant 24 : i32
    %shift_left3A_1523 = arith.shli %xor3A_1520, %shift_left3A_1522 : i32
    %shift_right_logical3A_1524 = arith.constant 8 : i32
    %shift_right_logical3A_1525 = arith.shrui %xor3A_1520, %shift_right_logical3A_1524 : i32
    %or3A_1526 = arith.ori %shift_left3A_1523, %shift_right_logical3A_1525 : i32
    %xor3A_1527 = arith.xori %or3A_1526, %add3A_1521 : i32
    %add3A_1528 = arith.addi %add3A_1521, %add3A_1229 : i32
    %add3A_1529 = arith.addi %xor3A_1527, %xor3A_1399 : i32
    %add3A_1530 = arith.constant 4 : i32
    %add3A_1531 = arith.addi %add3A_1529, %add3A_1530 : i32
    %add3A_1532 = arith.addi %add3A_1528, %add3A_1531 : i32
    %shift_left3A_1533 = arith.constant 13 : i32
    %shift_left3A_1534 = arith.shli %add3A_1531, %shift_left3A_1533 : i32
    %shift_right_logical3A_1535 = arith.constant 19 : i32
    %shift_right_logical3A_1536 = arith.shrui %add3A_1531, %shift_right_logical3A_1535 : i32
    %or3A_1537 = arith.ori %shift_left3A_1534, %shift_right_logical3A_1536 : i32
    %xor3A_1538 = arith.xori %or3A_1537, %add3A_1532 : i32
    %add3A_1539 = arith.addi %add3A_1532, %xor3A_1538 : i32
    %shift_left3A_1540 = arith.constant 15 : i32
    %shift_left3A_1541 = arith.shli %xor3A_1538, %shift_left3A_1540 : i32
    %shift_right_logical3A_1542 = arith.constant 17 : i32
    %shift_right_logical3A_1543 = arith.shrui %xor3A_1538, %shift_right_logical3A_1542 : i32
    %or3A_1544 = arith.ori %shift_left3A_1541, %shift_right_logical3A_1543 : i32
    %xor3A_1545 = arith.xori %or3A_1544, %add3A_1539 : i32
    %add3A_1546 = arith.addi %add3A_1539, %xor3A_1545 : i32
    %shift_left3A_1547 = arith.constant 26 : i32
    %shift_left3A_1548 = arith.shli %xor3A_1545, %shift_left3A_1547 : i32
    %shift_right_logical3A_1549 = arith.constant 6 : i32
    %shift_right_logical3A_1550 = arith.shrui %xor3A_1545, %shift_right_logical3A_1549 : i32
    %or3A_1551 = arith.ori %shift_left3A_1548, %shift_right_logical3A_1550 : i32
    %xor3A_1552 = arith.xori %or3A_1551, %add3A_1546 : i32
    %add3A_1553 = arith.addi %add3A_1546, %xor3A_1552 : i32
    %shift_left3A_1554 = arith.constant 6 : i32
    %shift_left3A_1555 = arith.shli %xor3A_1552, %shift_left3A_1554 : i32
    %shift_right_logical3A_1556 = arith.constant 26 : i32
    %shift_right_logical3A_1557 = arith.shrui %xor3A_1552, %shift_right_logical3A_1556 : i32
    %or3A_1558 = arith.ori %shift_left3A_1555, %shift_right_logical3A_1557 : i32
    %xor3A_1559 = arith.xori %or3A_1558, %add3A_1553 : i32
    %add3A_1560 = arith.addi %add3A_1553, %xor3A_1399 : i32
    %add3A_1561 = arith.addi %xor3A_1559, %add3A_1226 : i32
    %add3A_1562 = arith.constant 5 : i32
    %add3A_1563 = arith.addi %add3A_1561, %add3A_1562 : i32
    %xor3A_1564 = arith.xori %add3A_1393, %add3A_1396 : i32
    %xor3A_1565 = arith.constant 466688986 : i32
    %xor3A_1566 = arith.xori %xor3A_1564, %xor3A_1565 : i32
    %add3A_1567 = arith.constant 0 : i32
    %add3A_1568 = arith.addi %add3A_1567, %add3A_1393 : i32
    %add3A_1569 = arith.constant 0 : i32
    %add3A_1570 = arith.addi %add3A_1569, %add3A_1396 : i32
    %add3A_1571 = arith.addi %add3A_1568, %add3A_1570 : i32
    %shift_left3A_1572 = arith.constant 13 : i32
    %shift_left3A_1573 = arith.shli %add3A_1570, %shift_left3A_1572 : i32
    %shift_right_logical3A_1574 = arith.constant 19 : i32
    %shift_right_logical3A_1575 = arith.shrui %add3A_1570, %shift_right_logical3A_1574 : i32
    %or3A_1576 = arith.ori %shift_left3A_1573, %shift_right_logical3A_1575 : i32
    %xor3A_1577 = arith.xori %or3A_1576, %add3A_1571 : i32
    %add3A_1578 = arith.addi %add3A_1571, %xor3A_1577 : i32
    %shift_left3A_1579 = arith.constant 15 : i32
    %shift_left3A_1580 = arith.shli %xor3A_1577, %shift_left3A_1579 : i32
    %shift_right_logical3A_1581 = arith.constant 17 : i32
    %shift_right_logical3A_1582 = arith.shrui %xor3A_1577, %shift_right_logical3A_1581 : i32
    %or3A_1583 = arith.ori %shift_left3A_1580, %shift_right_logical3A_1582 : i32
    %xor3A_1584 = arith.xori %or3A_1583, %add3A_1578 : i32
    %add3A_1585 = arith.addi %add3A_1578, %xor3A_1584 : i32
    %shift_left3A_1586 = arith.constant 26 : i32
    %shift_left3A_1587 = arith.shli %xor3A_1584, %shift_left3A_1586 : i32
    %shift_right_logical3A_1588 = arith.constant 6 : i32
    %shift_right_logical3A_1589 = arith.shrui %xor3A_1584, %shift_right_logical3A_1588 : i32
    %or3A_1590 = arith.ori %shift_left3A_1587, %shift_right_logical3A_1589 : i32
    %xor3A_1591 = arith.xori %or3A_1590, %add3A_1585 : i32
    %add3A_1592 = arith.addi %add3A_1585, %xor3A_1591 : i32
    %shift_left3A_1593 = arith.constant 6 : i32
    %shift_left3A_1594 = arith.shli %xor3A_1591, %shift_left3A_1593 : i32
    %shift_right_logical3A_1595 = arith.constant 26 : i32
    %shift_right_logical3A_1596 = arith.shrui %xor3A_1591, %shift_right_logical3A_1595 : i32
    %or3A_1597 = arith.ori %shift_left3A_1594, %shift_right_logical3A_1596 : i32
    %xor3A_1598 = arith.xori %or3A_1597, %add3A_1592 : i32
    %add3A_1599 = arith.addi %add3A_1592, %add3A_1396 : i32
    %add3A_1600 = arith.addi %xor3A_1598, %xor3A_1566 : i32
    %add3A_1601 = arith.constant 1 : i32
    %add3A_1602 = arith.addi %add3A_1600, %add3A_1601 : i32
    %add3A_1603 = arith.addi %add3A_1599, %add3A_1602 : i32
    %shift_left3A_1604 = arith.constant 17 : i32
    %shift_left3A_1605 = arith.shli %add3A_1602, %shift_left3A_1604 : i32
    %shift_right_logical3A_1606 = arith.constant 15 : i32
    %shift_right_logical3A_1607 = arith.shrui %add3A_1602, %shift_right_logical3A_1606 : i32
    %or3A_1608 = arith.ori %shift_left3A_1605, %shift_right_logical3A_1607 : i32
    %xor3A_1609 = arith.xori %or3A_1608, %add3A_1603 : i32
    %add3A_1610 = arith.addi %add3A_1603, %xor3A_1609 : i32
    %shift_left3A_1611 = arith.constant 29 : i32
    %shift_left3A_1612 = arith.shli %xor3A_1609, %shift_left3A_1611 : i32
    %shift_right_logical3A_1613 = arith.constant 3 : i32
    %shift_right_logical3A_1614 = arith.shrui %xor3A_1609, %shift_right_logical3A_1613 : i32
    %or3A_1615 = arith.ori %shift_left3A_1612, %shift_right_logical3A_1614 : i32
    %xor3A_1616 = arith.xori %or3A_1615, %add3A_1610 : i32
    %add3A_1617 = arith.addi %add3A_1610, %xor3A_1616 : i32
    %shift_left3A_1618 = arith.constant 16 : i32
    %shift_left3A_1619 = arith.shli %xor3A_1616, %shift_left3A_1618 : i32
    %shift_right_logical3A_1620 = arith.constant 16 : i32
    %shift_right_logical3A_1621 = arith.shrui %xor3A_1616, %shift_right_logical3A_1620 : i32
    %or3A_1622 = arith.ori %shift_left3A_1619, %shift_right_logical3A_1621 : i32
    %xor3A_1623 = arith.xori %or3A_1622, %add3A_1617 : i32
    %add3A_1624 = arith.addi %add3A_1617, %xor3A_1623 : i32
    %shift_left3A_1625 = arith.constant 24 : i32
    %shift_left3A_1626 = arith.shli %xor3A_1623, %shift_left3A_1625 : i32
    %shift_right_logical3A_1627 = arith.constant 8 : i32
    %shift_right_logical3A_1628 = arith.shrui %xor3A_1623, %shift_right_logical3A_1627 : i32
    %or3A_1629 = arith.ori %shift_left3A_1626, %shift_right_logical3A_1628 : i32
    %xor3A_1630 = arith.xori %or3A_1629, %add3A_1624 : i32
    %add3A_1631 = arith.addi %add3A_1624, %xor3A_1566 : i32
    %add3A_1632 = arith.addi %xor3A_1630, %add3A_1393 : i32
    %add3A_1633 = arith.constant 2 : i32
    %add3A_1634 = arith.addi %add3A_1632, %add3A_1633 : i32
    %add3A_1635 = arith.addi %add3A_1631, %add3A_1634 : i32
    %shift_left3A_1636 = arith.constant 13 : i32
    %shift_left3A_1637 = arith.shli %add3A_1634, %shift_left3A_1636 : i32
    %shift_right_logical3A_1638 = arith.constant 19 : i32
    %shift_right_logical3A_1639 = arith.shrui %add3A_1634, %shift_right_logical3A_1638 : i32
    %or3A_1640 = arith.ori %shift_left3A_1637, %shift_right_logical3A_1639 : i32
    %xor3A_1641 = arith.xori %or3A_1640, %add3A_1635 : i32
    %add3A_1642 = arith.addi %add3A_1635, %xor3A_1641 : i32
    %shift_left3A_1643 = arith.constant 15 : i32
    %shift_left3A_1644 = arith.shli %xor3A_1641, %shift_left3A_1643 : i32
    %shift_right_logical3A_1645 = arith.constant 17 : i32
    %shift_right_logical3A_1646 = arith.shrui %xor3A_1641, %shift_right_logical3A_1645 : i32
    %or3A_1647 = arith.ori %shift_left3A_1644, %shift_right_logical3A_1646 : i32
    %xor3A_1648 = arith.xori %or3A_1647, %add3A_1642 : i32
    %add3A_1649 = arith.addi %add3A_1642, %xor3A_1648 : i32
    %shift_left3A_1650 = arith.constant 26 : i32
    %shift_left3A_1651 = arith.shli %xor3A_1648, %shift_left3A_1650 : i32
    %shift_right_logical3A_1652 = arith.constant 6 : i32
    %shift_right_logical3A_1653 = arith.shrui %xor3A_1648, %shift_right_logical3A_1652 : i32
    %or3A_1654 = arith.ori %shift_left3A_1651, %shift_right_logical3A_1653 : i32
    %xor3A_1655 = arith.xori %or3A_1654, %add3A_1649 : i32
    %add3A_1656 = arith.addi %add3A_1649, %xor3A_1655 : i32
    %shift_left3A_1657 = arith.constant 6 : i32
    %shift_left3A_1658 = arith.shli %xor3A_1655, %shift_left3A_1657 : i32
    %shift_right_logical3A_1659 = arith.constant 26 : i32
    %shift_right_logical3A_1660 = arith.shrui %xor3A_1655, %shift_right_logical3A_1659 : i32
    %or3A_1661 = arith.ori %shift_left3A_1658, %shift_right_logical3A_1660 : i32
    %xor3A_1662 = arith.xori %or3A_1661, %add3A_1656 : i32
    %add3A_1663 = arith.addi %add3A_1656, %add3A_1393 : i32
    %add3A_1664 = arith.addi %xor3A_1662, %add3A_1396 : i32
    %add3A_1665 = arith.constant 3 : i32
    %add3A_1666 = arith.addi %add3A_1664, %add3A_1665 : i32
    %add3A_1667 = arith.addi %add3A_1663, %add3A_1666 : i32
    %shift_left3A_1668 = arith.constant 17 : i32
    %shift_left3A_1669 = arith.shli %add3A_1666, %shift_left3A_1668 : i32
    %shift_right_logical3A_1670 = arith.constant 15 : i32
    %shift_right_logical3A_1671 = arith.shrui %add3A_1666, %shift_right_logical3A_1670 : i32
    %or3A_1672 = arith.ori %shift_left3A_1669, %shift_right_logical3A_1671 : i32
    %xor3A_1673 = arith.xori %or3A_1672, %add3A_1667 : i32
    %add3A_1674 = arith.addi %add3A_1667, %xor3A_1673 : i32
    %shift_left3A_1675 = arith.constant 29 : i32
    %shift_left3A_1676 = arith.shli %xor3A_1673, %shift_left3A_1675 : i32
    %shift_right_logical3A_1677 = arith.constant 3 : i32
    %shift_right_logical3A_1678 = arith.shrui %xor3A_1673, %shift_right_logical3A_1677 : i32
    %or3A_1679 = arith.ori %shift_left3A_1676, %shift_right_logical3A_1678 : i32
    %xor3A_1680 = arith.xori %or3A_1679, %add3A_1674 : i32
    %add3A_1681 = arith.addi %add3A_1674, %xor3A_1680 : i32
    %shift_left3A_1682 = arith.constant 16 : i32
    %shift_left3A_1683 = arith.shli %xor3A_1680, %shift_left3A_1682 : i32
    %shift_right_logical3A_1684 = arith.constant 16 : i32
    %shift_right_logical3A_1685 = arith.shrui %xor3A_1680, %shift_right_logical3A_1684 : i32
    %or3A_1686 = arith.ori %shift_left3A_1683, %shift_right_logical3A_1685 : i32
    %xor3A_1687 = arith.xori %or3A_1686, %add3A_1681 : i32
    %add3A_1688 = arith.addi %add3A_1681, %xor3A_1687 : i32
    %shift_left3A_1689 = arith.constant 24 : i32
    %shift_left3A_1690 = arith.shli %xor3A_1687, %shift_left3A_1689 : i32
    %shift_right_logical3A_1691 = arith.constant 8 : i32
    %shift_right_logical3A_1692 = arith.shrui %xor3A_1687, %shift_right_logical3A_1691 : i32
    %or3A_1693 = arith.ori %shift_left3A_1690, %shift_right_logical3A_1692 : i32
    %xor3A_1694 = arith.xori %or3A_1693, %add3A_1688 : i32
    %add3A_1695 = arith.addi %add3A_1688, %add3A_1396 : i32
    %add3A_1696 = arith.addi %xor3A_1694, %xor3A_1566 : i32
    %add3A_1697 = arith.constant 4 : i32
    %add3A_1698 = arith.addi %add3A_1696, %add3A_1697 : i32
    %add3A_1699 = arith.addi %add3A_1695, %add3A_1698 : i32
    %shift_left3A_1700 = arith.constant 13 : i32
    %shift_left3A_1701 = arith.shli %add3A_1698, %shift_left3A_1700 : i32
    %shift_right_logical3A_1702 = arith.constant 19 : i32
    %shift_right_logical3A_1703 = arith.shrui %add3A_1698, %shift_right_logical3A_1702 : i32
    %or3A_1704 = arith.ori %shift_left3A_1701, %shift_right_logical3A_1703 : i32
    %xor3A_1705 = arith.xori %or3A_1704, %add3A_1699 : i32
    %add3A_1706 = arith.addi %add3A_1699, %xor3A_1705 : i32
    %shift_left3A_1707 = arith.constant 15 : i32
    %shift_left3A_1708 = arith.shli %xor3A_1705, %shift_left3A_1707 : i32
    %shift_right_logical3A_1709 = arith.constant 17 : i32
    %shift_right_logical3A_1710 = arith.shrui %xor3A_1705, %shift_right_logical3A_1709 : i32
    %or3A_1711 = arith.ori %shift_left3A_1708, %shift_right_logical3A_1710 : i32
    %xor3A_1712 = arith.xori %or3A_1711, %add3A_1706 : i32
    %add3A_1713 = arith.addi %add3A_1706, %xor3A_1712 : i32
    %shift_left3A_1714 = arith.constant 26 : i32
    %shift_left3A_1715 = arith.shli %xor3A_1712, %shift_left3A_1714 : i32
    %shift_right_logical3A_1716 = arith.constant 6 : i32
    %shift_right_logical3A_1717 = arith.shrui %xor3A_1712, %shift_right_logical3A_1716 : i32
    %or3A_1718 = arith.ori %shift_left3A_1715, %shift_right_logical3A_1717 : i32
    %xor3A_1719 = arith.xori %or3A_1718, %add3A_1713 : i32
    %add3A_1720 = arith.addi %add3A_1713, %xor3A_1719 : i32
    %shift_left3A_1721 = arith.constant 6 : i32
    %shift_left3A_1722 = arith.shli %xor3A_1719, %shift_left3A_1721 : i32
    %shift_right_logical3A_1723 = arith.constant 26 : i32
    %shift_right_logical3A_1724 = arith.shrui %xor3A_1719, %shift_right_logical3A_1723 : i32
    %or3A_1725 = arith.ori %shift_left3A_1722, %shift_right_logical3A_1724 : i32
    %xor3A_1726 = arith.xori %or3A_1725, %add3A_1720 : i32
    %add3A_1727 = arith.addi %add3A_1720, %xor3A_1566 : i32
    %add3A_1728 = arith.addi %xor3A_1726, %add3A_1393 : i32
    %add3A_1729 = arith.constant 5 : i32
    %add3A_1730 = arith.addi %add3A_1728, %add3A_1729 : i32
    %xor3A_1731 = arith.xori %add3A_1560, %add3A_1563 : i32
    %xor3A_1732 = arith.xori %add3A_1727, %add3A_1730 : i32
    %jit3A_1733 = arith.constant 513 : i32
    %eq3A_1734 = arith.constant 0 : i32
    %eq3A_1735 = arith.cmpi eq, %jit3A_1733, %eq3A_1734 : i32
    %jit3A_1736 = arith.constant 1 : i32
    %select_n3A_1737 = arith.select %eq3A_1735, %jit3A_1736, %jit3A_1733 : i32
    %rem3A_1738 = arith.remui %xor3A_1731, %select_n3A_1737 : i32
    %ne3A_1739 = arith.constant 0 : i32
    %ne3A_1740 = arith.cmpi ne, %rem3A_1738, %ne3A_1739 : i32
    %lt3A_1741 = arith.constant 0 : i32
    %lt3A_1742 = arith.cmpi ult, %rem3A_1738, %lt3A_1741 : i32
    %lt3A_1743 = arith.constant 0 : i32
    %lt3A_1744 = arith.cmpi ult, %select_n3A_1737, %lt3A_1743 : i32
    %ne3A_1745 = arith.xori %lt3A_1742, %lt3A_1744 : i1
    %and3A_1746 = arith.andi %ne3A_1745, %ne3A_1740 : i1
    %add3A_1747 = arith.addi %rem3A_1738, %select_n3A_1737 : i32
    %select_n3A_1748 = arith.select %and3A_1746, %add3A_1747, %rem3A_1738 : i32
    %mul3A_1749 = arith.constant 481 : i32
    %mul3A_1750 = arith.muli %select_n3A_1748, %mul3A_1749 : i32
    %jit3A_1751 = arith.constant 513 : i32
    %eq3A_1752 = arith.constant 0 : i32
    %eq3A_1753 = arith.cmpi eq, %jit3A_1751, %eq3A_1752 : i32
    %jit3A_1754 = arith.constant 1 : i32
    %select_n3A_1755 = arith.select %eq3A_1753, %jit3A_1754, %jit3A_1751 : i32
    %rem3A_1756 = arith.remui %xor3A_1732, %select_n3A_1755 : i32
    %ne3A_1757 = arith.constant 0 : i32
    %ne3A_1758 = arith.cmpi ne, %rem3A_1756, %ne3A_1757 : i32
    %lt3A_1759 = arith.constant 0 : i32
    %lt3A_1760 = arith.cmpi ult, %rem3A_1756, %lt3A_1759 : i32
    %lt3A_1761 = arith.constant 0 : i32
    %lt3A_1762 = arith.cmpi ult, %select_n3A_1755, %lt3A_1761 : i32
    %ne3A_1763 = arith.xori %lt3A_1760, %lt3A_1762 : i1
    %and3A_1764 = arith.andi %ne3A_1763, %ne3A_1758 : i1
    %add3A_1765 = arith.addi %rem3A_1756, %select_n3A_1755 : i32
    %select_n3A_1766 = arith.select %and3A_1764, %add3A_1765, %rem3A_1756 : i32
    %add3A_1767 = arith.addi %mul3A_1750, %select_n3A_1766 : i32
    %jit3A_1768 = arith.constant 513 : i32
    %eq3A_1769 = arith.constant 0 : i32
    %eq3A_1770 = arith.cmpi eq, %jit3A_1768, %eq3A_1769 : i32
    %jit3A_1771 = arith.constant 1 : i32
    %select_n3A_1772 = arith.select %eq3A_1770, %jit3A_1771, %jit3A_1768 : i32
    %rem3A_1773 = arith.remui %add3A_1767, %select_n3A_1772 : i32
    %ne3A_1774 = arith.constant 0 : i32
    %ne3A_1775 = arith.cmpi ne, %rem3A_1773, %ne3A_1774 : i32
    %lt3A_1776 = arith.constant 0 : i32
    %lt3A_1777 = arith.cmpi ult, %rem3A_1773, %lt3A_1776 : i32
    %lt3A_1778 = arith.constant 0 : i32
    %lt3A_1779 = arith.cmpi ult, %select_n3A_1772, %lt3A_1778 : i32
    %ne3A_1780 = arith.xori %lt3A_1777, %lt3A_1779 : i1
    %and3A_1781 = arith.andi %ne3A_1780, %ne3A_1775 : i1
    %add3A_1782 = arith.addi %rem3A_1773, %select_n3A_1772 : i32
    %select_n3A_1783 = arith.select %and3A_1781, %add3A_1782, %rem3A_1773 : i32
    %sub3A = arith.constant 51 : i32
    %sub3A_1784 = arith.subi %select_n3A_1062, %sub3A : i32
    %max3A = arith.constant 0 : i32
    %max3A_1785 = arith.maxsi %sub3A_1784, %max3A : i32
    %sub3A_1786 = arith.constant 51 : i32
    %sub3A_1787 = arith.subi %select_n3A_1062, %sub3A_1786 : i32
    %add3A_1788 = arith.constant 102 : i32
    %add3A_1789 = arith.addi %sub3A_1787, %add3A_1788 : i32
    %sub3A_1790 = arith.constant 1 : i32
    %sub3A_1791 = arith.subi %add3A_1789, %sub3A_1790 : i32
    %min3A = arith.constant 511 : i32
    %min3A_1792 = arith.minsi %sub3A_1791, %min3A : i32
    %sub3A_1793 = arith.constant 51 : i32
    %sub3A_1794 = arith.subi %select_n3A_1783, %sub3A_1793 : i32
    %max3A_1795 = arith.constant 0 : i32
    %max3A_1796 = arith.maxsi %sub3A_1794, %max3A_1795 : i32
    %sub3A_1797 = arith.constant 51 : i32
    %sub3A_1798 = arith.subi %select_n3A_1783, %sub3A_1797 : i32
    %add3A_1799 = arith.constant 102 : i32
    %add3A_1800 = arith.addi %sub3A_1798, %add3A_1799 : i32
    %sub3A_1801 = arith.constant 1 : i32
    %sub3A_1802 = arith.subi %add3A_1800, %sub3A_1801 : i32
    %min3A_1803 = arith.constant 511 : i32
    %min3A_1804 = arith.minsi %sub3A_1802, %min3A_1803 : i32
    %scan3A = arith.constant 0 : i32
    %scan3A_1805 = arith.constant 0 : i32
    %scan3A_1806 = arith.constant 1224 : i32
    %scan3A_1807 = arith.addi %scan3A_1805, %scan3A_1806 : i32
    %scan3A_1808 = arith.constant 1 : i32
    scf.for %scan3A_2604 = %scan3A_1805 to %scan3A_1807 step %scan3A_1808  : i32 {
      %broadcast_in_dim3A = arith.constant 0.000000e+00 : f32
      %broadcast_in_dim3A_2605 = vector.broadcast %broadcast_in_dim3A : f32 to vector<16xf32>
      %mul3A_2606 = arith.constant 16 : i32
      %mul3A_2607 = arith.muli %scan3A_2604, %mul3A_2606 : i32
      %swap3A = arith.index_cast %mul3A_2607 : i32 to index
      %swap3A_2608 = tpu.vector_load %arg6[%swap3A] {strides = array<i32>} : memref<19584xf32, #tpu.memory_space<vmem>>, vector<16xf32>,
      %swap3A_2609 = vector.shape_cast %swap3A_2608 : vector<16xf32> to vector<16xf32>
      %swap3A_2610 = vector.shape_cast %broadcast_in_dim3A_2605 : vector<16xf32> to vector<16xf32>
      tpu.vector_store %arg6[%swap3A], %swap3A_2610 {strides = array<i32>} : memref<19584xf32, #tpu.memory_space<vmem>>, vector<16xf32>,
    }
    %scan3A_1809 = arith.constant 1224 : i32
    %add3A_1810 = arith.constant 0 : i32
    %add3A_1811 = arith.addi %mul3A_2, %add3A_1810 : i32
    %dma_start3A = tpu.memref_slice %arg5[%mul3A_8] : memref<1572864xf32, #tpu.memory_space<vmem_shared>> -> memref<49152xf32, #tpu.memory_space<vmem_shared>>
    %dma_start3A_1812 = tpu.memref_slice %arg3[%add3A_1811] : memref<100663296xf32, #tpu.memory_space<hbm>> -> memref<49152xf32, #tpu.memory_space<hbm>>
    tpu.enqueue_dma source(%dma_start3A_1812 : memref<49152xf32, #tpu.memory_space<hbm>>) target(%dma_start3A : memref<49152xf32, #tpu.memory_space<vmem_shared>>) target_semaphore(%arg8 : memref<!tpu.dma_semaphore, #tpu.memory_space<semaphore_mem>>)
    %add3A_1813 = arith.constant 49152 : i32
    %add3A_1814 = arith.addi %mul3A_2, %add3A_1813 : i32
    %dma_start3A_1815 = tpu.memref_slice %arg5[%mul3A_14] : memref<1572864xf32, #tpu.memory_space<vmem_shared>> -> memref<49152xf32, #tpu.memory_space<vmem_shared>>
    %dma_start3A_1816 = tpu.memref_slice %arg3[%add3A_1814] : memref<100663296xf32, #tpu.memory_space<hbm>> -> memref<49152xf32, #tpu.memory_space<hbm>>
    tpu.enqueue_dma source(%dma_start3A_1816 : memref<49152xf32, #tpu.memory_space<hbm>>) target(%dma_start3A_1815 : memref<49152xf32, #tpu.memory_space<vmem_shared>>) target_semaphore(%arg9 : memref<!tpu.dma_semaphore, #tpu.memory_space<semaphore_mem>>)
    %dma_wait3A = tpu.memref_slice %arg5[%mul3A_8] : memref<1572864xf32, #tpu.memory_space<vmem_shared>> -> memref<49152xf32, #tpu.memory_space<vmem_shared>>
    %dma_wait3A_1817 = tpu.memref_slice %arg3[%add3A_1811] : memref<100663296xf32, #tpu.memory_space<hbm>> -> memref<49152xf32, #tpu.memory_space<hbm>>
    tpu.wait_dma2 semaphore(%arg8 : memref<!tpu.dma_semaphore, #tpu.memory_space<semaphore_mem>>) src(%dma_wait3A_1817 : memref<49152xf32, #tpu.memory_space<hbm>>) dst(%dma_wait3A : memref<49152xf32, #tpu.memory_space<vmem_shared>>)
    %add3A_1818 = arith.constant 0 : i32
    %add3A_1819 = arith.addi %mul3A_2, %add3A_1818 : i32
    %dma_start3A_1820 = tpu.memref_slice %arg4[%add3A_1819] : memref<100663296xf32, #tpu.memory_space<hbm>> -> memref<49152xf32, #tpu.memory_space<hbm>>
    %dma_start3A_1821 = tpu.memref_slice %arg5[%mul3A_8] : memref<1572864xf32, #tpu.memory_space<vmem_shared>> -> memref<49152xf32, #tpu.memory_space<vmem_shared>>
    tpu.enqueue_dma source(%dma_start3A_1821 : memref<49152xf32, #tpu.memory_space<vmem_shared>>) target(%dma_start3A_1820 : memref<49152xf32, #tpu.memory_space<hbm>>) target_semaphore(%arg10 : memref<!tpu.dma_semaphore, #tpu.memory_space<semaphore_mem>>)
    %dma_wait3A_1822 = tpu.memref_slice %arg4[%add3A_1819] : memref<100663296xf32, #tpu.memory_space<hbm>> -> memref<49152xf32, #tpu.memory_space<hbm>>
    %dma_wait3A_1823 = tpu.memref_slice %arg5[%mul3A_8] : memref<1572864xf32, #tpu.memory_space<vmem_shared>> -> memref<49152xf32, #tpu.memory_space<vmem_shared>>
    tpu.wait_dma2 semaphore(%arg10 : memref<!tpu.dma_semaphore, #tpu.memory_space<semaphore_mem>>) src(%dma_wait3A_1823 : memref<49152xf32, #tpu.memory_space<vmem_shared>>) dst(%dma_wait3A_1822 : memref<49152xf32, #tpu.memory_space<hbm>>)
    %add3A_1824 = arith.constant 98304 : i32
    %add3A_1825 = arith.addi %mul3A_2, %add3A_1824 : i32
    %dma_start3A_1826 = tpu.memref_slice %arg5[%mul3A_8] : memref<1572864xf32, #tpu.memory_space<vmem_shared>> -> memref<49152xf32, #tpu.memory_space<vmem_shared>>
    %dma_start3A_1827 = tpu.memref_slice %arg3[%add3A_1825] : memref<100663296xf32, #tpu.memory_space<hbm>> -> memref<49152xf32, #tpu.memory_space<hbm>>
    tpu.enqueue_dma source(%dma_start3A_1827 : memref<49152xf32, #tpu.memory_space<hbm>>) target(%dma_start3A_1826 : memref<49152xf32, #tpu.memory_space<vmem_shared>>) target_semaphore(%arg8 : memref<!tpu.dma_semaphore, #tpu.memory_space<semaphore_mem>>)
    %dma_wait3A_1828 = tpu.memref_slice %arg5[%mul3A_14] : memref<1572864xf32, #tpu.memory_space<vmem_shared>> -> memref<49152xf32, #tpu.memory_space<vmem_shared>>
    %dma_wait3A_1829 = tpu.memref_slice %arg3[%add3A_1814] : memref<100663296xf32, #tpu.memory_space<hbm>> -> memref<49152xf32, #tpu.memory_space<hbm>>
    tpu.wait_dma2 semaphore(%arg9 : memref<!tpu.dma_semaphore, #tpu.memory_space<semaphore_mem>>) src(%dma_wait3A_1829 : memref<49152xf32, #tpu.memory_space<hbm>>) dst(%dma_wait3A_1828 : memref<49152xf32, #tpu.memory_space<vmem_shared>>)
    %add3A_1830 = arith.constant 49152 : i32
    %add3A_1831 = arith.addi %mul3A_2, %add3A_1830 : i32
    %dma_start3A_1832 = tpu.memref_slice %arg4[%add3A_1831] : memref<100663296xf32, #tpu.memory_space<hbm>> -> memref<49152xf32, #tpu.memory_space<hbm>>
    %dma_start3A_1833 = tpu.memref_slice %arg5[%mul3A_14] : memref<1572864xf32, #tpu.memory_space<vmem_shared>> -> memref<49152xf32, #tpu.memory_space<vmem_shared>>
    tpu.enqueue_dma source(%dma_start3A_1833 : memref<49152xf32, #tpu.memory_space<vmem_shared>>) target(%dma_start3A_1832 : memref<49152xf32, #tpu.memory_space<hbm>>) target_semaphore(%arg11 : memref<!tpu.dma_semaphore, #tpu.memory_space<semaphore_mem>>)
    %dma_wait3A_1834 = tpu.memref_slice %arg4[%add3A_1831] : memref<100663296xf32, #tpu.memory_space<hbm>> -> memref<49152xf32, #tpu.memory_space<hbm>>
    %dma_wait3A_1835 = tpu.memref_slice %arg5[%mul3A_14] : memref<1572864xf32, #tpu.memory_space<vmem_shared>> -> memref<49152xf32, #tpu.memory_space<vmem_shared>>
    tpu.wait_dma2 semaphore(%arg11 : memref<!tpu.dma_semaphore, #tpu.memory_space<semaphore_mem>>) src(%dma_wait3A_1835 : memref<49152xf32, #tpu.memory_space<vmem_shared>>) dst(%dma_wait3A_1834 : memref<49152xf32, #tpu.memory_space<hbm>>)
    %add3A_1836 = arith.constant 147456 : i32
    %add3A_1837 = arith.addi %mul3A_2, %add3A_1836 : i32
    %dma_start3A_1838 = tpu.memref_slice %arg5[%mul3A_14] : memref<1572864xf32, #tpu.memory_space<vmem_shared>> -> memref<49152xf32, #tpu.memory_space<vmem_shared>>
    %dma_start3A_1839 = tpu.memref_slice %arg3[%add3A_1837] : memref<100663296xf32, #tpu.memory_space<hbm>> -> memref<49152xf32, #tpu.memory_space<hbm>>
    tpu.enqueue_dma source(%dma_start3A_1839 : memref<49152xf32, #tpu.memory_space<hbm>>) target(%dma_start3A_1838 : memref<49152xf32, #tpu.memory_space<vmem_shared>>) target_semaphore(%arg9 : memref<!tpu.dma_semaphore, #tpu.memory_space<semaphore_mem>>)
    %dma_wait3A_1840 = tpu.memref_slice %arg5[%mul3A_8] : memref<1572864xf32, #tpu.memory_space<vmem_shared>> -> memref<49152xf32, #tpu.memory_space<vmem_shared>>
    %dma_wait3A_1841 = tpu.memref_slice %arg3[%add3A_1825] : memref<100663296xf32, #tpu.memory_space<hbm>> -> memref<49152xf32, #tpu.memory_space<hbm>>
    tpu.wait_dma2 semaphore(%arg8 : memref<!tpu.dma_semaphore, #tpu.memory_space<semaphore_mem>>) src(%dma_wait3A_1841 : memref<49152xf32, #tpu.memory_space<hbm>>) dst(%dma_wait3A_1840 : memref<49152xf32, #tpu.memory_space<vmem_shared>>)
    %add3A_1842 = arith.constant 98304 : i32
    %add3A_1843 = arith.addi %mul3A_2, %add3A_1842 : i32
    %dma_start3A_1844 = tpu.memref_slice %arg4[%add3A_1843] : memref<100663296xf32, #tpu.memory_space<hbm>> -> memref<49152xf32, #tpu.memory_space<hbm>>
    %dma_start3A_1845 = tpu.memref_slice %arg5[%mul3A_8] : memref<1572864xf32, #tpu.memory_space<vmem_shared>> -> memref<49152xf32, #tpu.memory_space<vmem_shared>>
    tpu.enqueue_dma source(%dma_start3A_1845 : memref<49152xf32, #tpu.memory_space<vmem_shared>>) target(%dma_start3A_1844 : memref<49152xf32, #tpu.memory_space<hbm>>) target_semaphore(%arg10 : memref<!tpu.dma_semaphore, #tpu.memory_space<semaphore_mem>>)
    %dma_wait3A_1846 = tpu.memref_slice %arg4[%add3A_1843] : memref<100663296xf32, #tpu.memory_space<hbm>> -> memref<49152xf32, #tpu.memory_space<hbm>>
    %dma_wait3A_1847 = tpu.memref_slice %arg5[%mul3A_8] : memref<1572864xf32, #tpu.memory_space<vmem_shared>> -> memref<49152xf32, #tpu.memory_space<vmem_shared>>
    tpu.wait_dma2 semaphore(%arg10 : memref<!tpu.dma_semaphore, #tpu.memory_space<semaphore_mem>>) src(%dma_wait3A_1847 : memref<49152xf32, #tpu.memory_space<vmem_shared>>) dst(%dma_wait3A_1846 : memref<49152xf32, #tpu.memory_space<hbm>>)
    %add3A_1848 = arith.constant 196608 : i32
    %add3A_1849 = arith.addi %mul3A_2, %add3A_1848 : i32
    %dma_start3A_1850 = tpu.memref_slice %arg5[%mul3A_8] : memref<1572864xf32, #tpu.memory_space<vmem_shared>> -> memref<49152xf32, #tpu.memory_space<vmem_shared>>
    %dma_start3A_1851 = tpu.memref_slice %arg3[%add3A_1849] : memref<100663296xf32, #tpu.memory_space<hbm>> -> memref<49152xf32, #tpu.memory_space<hbm>>
    tpu.enqueue_dma source(%dma_start3A_1851 : memref<49152xf32, #tpu.memory_space<hbm>>) target(%dma_start3A_1850 : memref<49152xf32, #tpu.memory_space<vmem_shared>>) target_semaphore(%arg8 : memref<!tpu.dma_semaphore, #tpu.memory_space<semaphore_mem>>)
    %dma_wait3A_1852 = tpu.memref_slice %arg5[%mul3A_14] : memref<1572864xf32, #tpu.memory_space<vmem_shared>> -> memref<49152xf32, #tpu.memory_space<vmem_shared>>
    %dma_wait3A_1853 = tpu.memref_slice %arg3[%add3A_1837] : memref<100663296xf32, #tpu.memory_space<hbm>> -> memref<49152xf32, #tpu.memory_space<hbm>>
    tpu.wait_dma2 semaphore(%arg9 : memref<!tpu.dma_semaphore, #tpu.memory_space<semaphore_mem>>) src(%dma_wait3A_1853 : memref<49152xf32, #tpu.memory_space<hbm>>) dst(%dma_wait3A_1852 : memref<49152xf32, #tpu.memory_space<vmem_shared>>)
    %add3A_1854 = arith.constant 147456 : i32
    %add3A_1855 = arith.addi %mul3A_2, %add3A_1854 : i32
    %dma_start3A_1856 = tpu.memref_slice %arg4[%add3A_1855] : memref<100663296xf32, #tpu.memory_space<hbm>> -> memref<49152xf32, #tpu.memory_space<hbm>>
    %dma_start3A_1857 = tpu.memref_slice %arg5[%mul3A_14] : memref<1572864xf32, #tpu.memory_space<vmem_shared>> -> memref<49152xf32, #tpu.memory_space<vmem_shared>>
    tpu.enqueue_dma source(%dma_start3A_1857 : memref<49152xf32, #tpu.memory_space<vmem_shared>>) target(%dma_start3A_1856 : memref<49152xf32, #tpu.memory_space<hbm>>) target_semaphore(%arg11 : memref<!tpu.dma_semaphore, #tpu.memory_space<semaphore_mem>>)
    %dma_wait3A_1858 = tpu.memref_slice %arg4[%add3A_1855] : memref<100663296xf32, #tpu.memory_space<hbm>> -> memref<49152xf32, #tpu.memory_space<hbm>>
    %dma_wait3A_1859 = tpu.memref_slice %arg5[%mul3A_14] : memref<1572864xf32, #tpu.memory_space<vmem_shared>> -> memref<49152xf32, #tpu.memory_space<vmem_shared>>
    tpu.wait_dma2 semaphore(%arg11 : memref<!tpu.dma_semaphore, #tpu.memory_space<semaphore_mem>>) src(%dma_wait3A_1859 : memref<49152xf32, #tpu.memory_space<vmem_shared>>) dst(%dma_wait3A_1858 : memref<49152xf32, #tpu.memory_space<hbm>>)
    %add3A_1860 = arith.constant 245760 : i32
    %add3A_1861 = arith.addi %mul3A_2, %add3A_1860 : i32
    %dma_start3A_1862 = tpu.memref_slice %arg5[%mul3A_14] : memref<1572864xf32, #tpu.memory_space<vmem_shared>> -> memref<49152xf32, #tpu.memory_space<vmem_shared>>
    %dma_start3A_1863 = tpu.memref_slice %arg3[%add3A_1861] : memref<100663296xf32, #tpu.memory_space<hbm>> -> memref<49152xf32, #tpu.memory_space<hbm>>
    tpu.enqueue_dma source(%dma_start3A_1863 : memref<49152xf32, #tpu.memory_space<hbm>>) target(%dma_start3A_1862 : memref<49152xf32, #tpu.memory_space<vmem_shared>>) target_semaphore(%arg9 : memref<!tpu.dma_semaphore, #tpu.memory_space<semaphore_mem>>)
    %dma_wait3A_1864 = tpu.memref_slice %arg5[%mul3A_8] : memref<1572864xf32, #tpu.memory_space<vmem_shared>> -> memref<49152xf32, #tpu.memory_space<vmem_shared>>
    %dma_wait3A_1865 = tpu.memref_slice %arg3[%add3A_1849] : memref<100663296xf32, #tpu.memory_space<hbm>> -> memref<49152xf32, #tpu.memory_space<hbm>>
    tpu.wait_dma2 semaphore(%arg8 : memref<!tpu.dma_semaphore, #tpu.memory_space<semaphore_mem>>) src(%dma_wait3A_1865 : memref<49152xf32, #tpu.memory_space<hbm>>) dst(%dma_wait3A_1864 : memref<49152xf32, #tpu.memory_space<vmem_shared>>)
    %add3A_1866 = arith.constant 196608 : i32
    %add3A_1867 = arith.addi %mul3A_2, %add3A_1866 : i32
    %dma_start3A_1868 = tpu.memref_slice %arg4[%add3A_1867] : memref<100663296xf32, #tpu.memory_space<hbm>> -> memref<49152xf32, #tpu.memory_space<hbm>>
    %dma_start3A_1869 = tpu.memref_slice %arg5[%mul3A_8] : memref<1572864xf32, #tpu.memory_space<vmem_shared>> -> memref<49152xf32, #tpu.memory_space<vmem_shared>>
    tpu.enqueue_dma source(%dma_start3A_1869 : memref<49152xf32, #tpu.memory_space<vmem_shared>>) target(%dma_start3A_1868 : memref<49152xf32, #tpu.memory_space<hbm>>) target_semaphore(%arg10 : memref<!tpu.dma_semaphore, #tpu.memory_space<semaphore_mem>>)
    %dma_wait3A_1870 = tpu.memref_slice %arg4[%add3A_1867] : memref<100663296xf32, #tpu.memory_space<hbm>> -> memref<49152xf32, #tpu.memory_space<hbm>>
    %dma_wait3A_1871 = tpu.memref_slice %arg5[%mul3A_8] : memref<1572864xf32, #tpu.memory_space<vmem_shared>> -> memref<49152xf32, #tpu.memory_space<vmem_shared>>
    tpu.wait_dma2 semaphore(%arg10 : memref<!tpu.dma_semaphore, #tpu.memory_space<semaphore_mem>>) src(%dma_wait3A_1871 : memref<49152xf32, #tpu.memory_space<vmem_shared>>) dst(%dma_wait3A_1870 : memref<49152xf32, #tpu.memory_space<hbm>>)
    %add3A_1872 = arith.constant 294912 : i32
    %add3A_1873 = arith.addi %mul3A_2, %add3A_1872 : i32
    %dma_start3A_1874 = tpu.memref_slice %arg5[%mul3A_8] : memref<1572864xf32, #tpu.memory_space<vmem_shared>> -> memref<49152xf32, #tpu.memory_space<vmem_shared>>
    %dma_start3A_1875 = tpu.memref_slice %arg3[%add3A_1873] : memref<100663296xf32, #tpu.memory_space<hbm>> -> memref<49152xf32, #tpu.memory_space<hbm>>
    tpu.enqueue_dma source(%dma_start3A_1875 : memref<49152xf32, #tpu.memory_space<hbm>>) target(%dma_start3A_1874 : memref<49152xf32, #tpu.memory_space<vmem_shared>>) target_semaphore(%arg8 : memref<!tpu.dma_semaphore, #tpu.memory_space<semaphore_mem>>)
    %dma_wait3A_1876 = tpu.memref_slice %arg5[%mul3A_14] : memref<1572864xf32, #tpu.memory_space<vmem_shared>> -> memref<49152xf32, #tpu.memory_space<vmem_shared>>
    %dma_wait3A_1877 = tpu.memref_slice %arg3[%add3A_1861] : memref<100663296xf32, #tpu.memory_space<hbm>> -> memref<49152xf32, #tpu.memory_space<hbm>>
    tpu.wait_dma2 semaphore(%arg9 : memref<!tpu.dma_semaphore, #tpu.memory_space<semaphore_mem>>) src(%dma_wait3A_1877 : memref<49152xf32, #tpu.memory_space<hbm>>) dst(%dma_wait3A_1876 : memref<49152xf32, #tpu.memory_space<vmem_shared>>)
    %add3A_1878 = arith.constant 245760 : i32
    %add3A_1879 = arith.addi %mul3A_2, %add3A_1878 : i32
    %dma_start3A_1880 = tpu.memref_slice %arg4[%add3A_1879] : memref<100663296xf32, #tpu.memory_space<hbm>> -> memref<49152xf32, #tpu.memory_space<hbm>>
    %dma_start3A_1881 = tpu.memref_slice %arg5[%mul3A_14] : memref<1572864xf32, #tpu.memory_space<vmem_shared>> -> memref<49152xf32, #tpu.memory_space<vmem_shared>>
    tpu.enqueue_dma source(%dma_start3A_1881 : memref<49152xf32, #tpu.memory_space<vmem_shared>>) target(%dma_start3A_1880 : memref<49152xf32, #tpu.memory_space<hbm>>) target_semaphore(%arg11 : memref<!tpu.dma_semaphore, #tpu.memory_space<semaphore_mem>>)
    %dma_wait3A_1882 = tpu.memref_slice %arg4[%add3A_1879] : memref<100663296xf32, #tpu.memory_space<hbm>> -> memref<49152xf32, #tpu.memory_space<hbm>>
    %dma_wait3A_1883 = tpu.memref_slice %arg5[%mul3A_14] : memref<1572864xf32, #tpu.memory_space<vmem_shared>> -> memref<49152xf32, #tpu.memory_space<vmem_shared>>
    tpu.wait_dma2 semaphore(%arg11 : memref<!tpu.dma_semaphore, #tpu.memory_space<semaphore_mem>>) src(%dma_wait3A_1883 : memref<49152xf32, #tpu.memory_space<vmem_shared>>) dst(%dma_wait3A_1882 : memref<49152xf32, #tpu.memory_space<hbm>>)
    %add3A_1884 = arith.constant 344064 : i32
    %add3A_1885 = arith.addi %mul3A_2, %add3A_1884 : i32
    %dma_start3A_1886 = tpu.memref_slice %arg5[%mul3A_14] : memref<1572864xf32, #tpu.memory_space<vmem_shared>> -> memref<49152xf32, #tpu.memory_space<vmem_shared>>
    %dma_start3A_1887 = tpu.memref_slice %arg3[%add3A_1885] : memref<100663296xf32, #tpu.memory_space<hbm>> -> memref<49152xf32, #tpu.memory_space<hbm>>
    tpu.enqueue_dma source(%dma_start3A_1887 : memref<49152xf32, #tpu.memory_space<hbm>>) target(%dma_start3A_1886 : memref<49152xf32, #tpu.memory_space<vmem_shared>>) target_semaphore(%arg9 : memref<!tpu.dma_semaphore, #tpu.memory_space<semaphore_mem>>)
    %dma_wait3A_1888 = tpu.memref_slice %arg5[%mul3A_8] : memref<1572864xf32, #tpu.memory_space<vmem_shared>> -> memref<49152xf32, #tpu.memory_space<vmem_shared>>
    %dma_wait3A_1889 = tpu.memref_slice %arg3[%add3A_1873] : memref<100663296xf32, #tpu.memory_space<hbm>> -> memref<49152xf32, #tpu.memory_space<hbm>>
    tpu.wait_dma2 semaphore(%arg8 : memref<!tpu.dma_semaphore, #tpu.memory_space<semaphore_mem>>) src(%dma_wait3A_1889 : memref<49152xf32, #tpu.memory_space<hbm>>) dst(%dma_wait3A_1888 : memref<49152xf32, #tpu.memory_space<vmem_shared>>)
    %add3A_1890 = arith.constant 294912 : i32
    %add3A_1891 = arith.addi %mul3A_2, %add3A_1890 : i32
    %dma_start3A_1892 = tpu.memref_slice %arg4[%add3A_1891] : memref<100663296xf32, #tpu.memory_space<hbm>> -> memref<49152xf32, #tpu.memory_space<hbm>>
    %dma_start3A_1893 = tpu.memref_slice %arg5[%mul3A_8] : memref<1572864xf32, #tpu.memory_space<vmem_shared>> -> memref<49152xf32, #tpu.memory_space<vmem_shared>>
    tpu.enqueue_dma source(%dma_start3A_1893 : memref<49152xf32, #tpu.memory_space<vmem_shared>>) target(%dma_start3A_1892 : memref<49152xf32, #tpu.memory_space<hbm>>) target_semaphore(%arg10 : memref<!tpu.dma_semaphore, #tpu.memory_space<semaphore_mem>>)
    %dma_wait3A_1894 = tpu.memref_slice %arg4[%add3A_1891] : memref<100663296xf32, #tpu.memory_space<hbm>> -> memref<49152xf32, #tpu.memory_space<hbm>>
    %dma_wait3A_1895 = tpu.memref_slice %arg5[%mul3A_8] : memref<1572864xf32, #tpu.memory_space<vmem_shared>> -> memref<49152xf32, #tpu.memory_space<vmem_shared>>
    tpu.wait_dma2 semaphore(%arg10 : memref<!tpu.dma_semaphore, #tpu.memory_space<semaphore_mem>>) src(%dma_wait3A_1895 : memref<49152xf32, #tpu.memory_space<vmem_shared>>) dst(%dma_wait3A_1894 : memref<49152xf32, #tpu.memory_space<hbm>>)
    %add3A_1896 = arith.constant 393216 : i32
    %add3A_1897 = arith.addi %mul3A_2, %add3A_1896 : i32
    %dma_start3A_1898 = tpu.memref_slice %arg5[%mul3A_8] : memref<1572864xf32, #tpu.memory_space<vmem_shared>> -> memref<49152xf32, #tpu.memory_space<vmem_shared>>
    %dma_start3A_1899 = tpu.memref_slice %arg3[%add3A_1897] : memref<100663296xf32, #tpu.memory_space<hbm>> -> memref<49152xf32, #tpu.memory_space<hbm>>
    tpu.enqueue_dma source(%dma_start3A_1899 : memref<49152xf32, #tpu.memory_space<hbm>>) target(%dma_start3A_1898 : memref<49152xf32, #tpu.memory_space<vmem_shared>>) target_semaphore(%arg8 : memref<!tpu.dma_semaphore, #tpu.memory_space<semaphore_mem>>)
    %dma_wait3A_1900 = tpu.memref_slice %arg5[%mul3A_14] : memref<1572864xf32, #tpu.memory_space<vmem_shared>> -> memref<49152xf32, #tpu.memory_space<vmem_shared>>
    %dma_wait3A_1901 = tpu.memref_slice %arg3[%add3A_1885] : memref<100663296xf32, #tpu.memory_space<hbm>> -> memref<49152xf32, #tpu.memory_space<hbm>>
    tpu.wait_dma2 semaphore(%arg9 : memref<!tpu.dma_semaphore, #tpu.memory_space<semaphore_mem>>) src(%dma_wait3A_1901 : memref<49152xf32, #tpu.memory_space<hbm>>) dst(%dma_wait3A_1900 : memref<49152xf32, #tpu.memory_space<vmem_shared>>)
    %add3A_1902 = arith.constant 344064 : i32
    %add3A_1903 = arith.addi %mul3A_2, %add3A_1902 : i32
    %dma_start3A_1904 = tpu.memref_slice %arg4[%add3A_1903] : memref<100663296xf32, #tpu.memory_space<hbm>> -> memref<49152xf32, #tpu.memory_space<hbm>>
    %dma_start3A_1905 = tpu.memref_slice %arg5[%mul3A_14] : memref<1572864xf32, #tpu.memory_space<vmem_shared>> -> memref<49152xf32, #tpu.memory_space<vmem_shared>>
    tpu.enqueue_dma source(%dma_start3A_1905 : memref<49152xf32, #tpu.memory_space<vmem_shared>>) target(%dma_start3A_1904 : memref<49152xf32, #tpu.memory_space<hbm>>) target_semaphore(%arg11 : memref<!tpu.dma_semaphore, #tpu.memory_space<semaphore_mem>>)
    %dma_wait3A_1906 = tpu.memref_slice %arg4[%add3A_1903] : memref<100663296xf32, #tpu.memory_space<hbm>> -> memref<49152xf32, #tpu.memory_space<hbm>>
    %dma_wait3A_1907 = tpu.memref_slice %arg5[%mul3A_14] : memref<1572864xf32, #tpu.memory_space<vmem_shared>> -> memref<49152xf32, #tpu.memory_space<vmem_shared>>
    tpu.wait_dma2 semaphore(%arg11 : memref<!tpu.dma_semaphore, #tpu.memory_space<semaphore_mem>>) src(%dma_wait3A_1907 : memref<49152xf32, #tpu.memory_space<vmem_shared>>) dst(%dma_wait3A_1906 : memref<49152xf32, #tpu.memory_space<hbm>>)
    %add3A_1908 = arith.constant 442368 : i32
    %add3A_1909 = arith.addi %mul3A_2, %add3A_1908 : i32
    %dma_start3A_1910 = tpu.memref_slice %arg5[%mul3A_14] : memref<1572864xf32, #tpu.memory_space<vmem_shared>> -> memref<49152xf32, #tpu.memory_space<vmem_shared>>
    %dma_start3A_1911 = tpu.memref_slice %arg3[%add3A_1909] : memref<100663296xf32, #tpu.memory_space<hbm>> -> memref<49152xf32, #tpu.memory_space<hbm>>
    tpu.enqueue_dma source(%dma_start3A_1911 : memref<49152xf32, #tpu.memory_space<hbm>>) target(%dma_start3A_1910 : memref<49152xf32, #tpu.memory_space<vmem_shared>>) target_semaphore(%arg9 : memref<!tpu.dma_semaphore, #tpu.memory_space<semaphore_mem>>)
    %dma_wait3A_1912 = tpu.memref_slice %arg5[%mul3A_8] : memref<1572864xf32, #tpu.memory_space<vmem_shared>> -> memref<49152xf32, #tpu.memory_space<vmem_shared>>
    %dma_wait3A_1913 = tpu.memref_slice %arg3[%add3A_1897] : memref<100663296xf32, #tpu.memory_space<hbm>> -> memref<49152xf32, #tpu.memory_space<hbm>>
    tpu.wait_dma2 semaphore(%arg8 : memref<!tpu.dma_semaphore, #tpu.memory_space<semaphore_mem>>) src(%dma_wait3A_1913 : memref<49152xf32, #tpu.memory_space<hbm>>) dst(%dma_wait3A_1912 : memref<49152xf32, #tpu.memory_space<vmem_shared>>)
    %add3A_1914 = arith.constant 393216 : i32
    %add3A_1915 = arith.addi %mul3A_2, %add3A_1914 : i32
    %dma_start3A_1916 = tpu.memref_slice %arg4[%add3A_1915] : memref<100663296xf32, #tpu.memory_space<hbm>> -> memref<49152xf32, #tpu.memory_space<hbm>>
    %dma_start3A_1917 = tpu.memref_slice %arg5[%mul3A_8] : memref<1572864xf32, #tpu.memory_space<vmem_shared>> -> memref<49152xf32, #tpu.memory_space<vmem_shared>>
    tpu.enqueue_dma source(%dma_start3A_1917 : memref<49152xf32, #tpu.memory_space<vmem_shared>>) target(%dma_start3A_1916 : memref<49152xf32, #tpu.memory_space<hbm>>) target_semaphore(%arg10 : memref<!tpu.dma_semaphore, #tpu.memory_space<semaphore_mem>>)
    %dma_wait3A_1918 = tpu.memref_slice %arg4[%add3A_1915] : memref<100663296xf32, #tpu.memory_space<hbm>> -> memref<49152xf32, #tpu.memory_space<hbm>>
    %dma_wait3A_1919 = tpu.memref_slice %arg5[%mul3A_8] : memref<1572864xf32, #tpu.memory_space<vmem_shared>> -> memref<49152xf32, #tpu.memory_space<vmem_shared>>
    tpu.wait_dma2 semaphore(%arg10 : memref<!tpu.dma_semaphore, #tpu.memory_space<semaphore_mem>>) src(%dma_wait3A_1919 : memref<49152xf32, #tpu.memory_space<vmem_shared>>) dst(%dma_wait3A_1918 : memref<49152xf32, #tpu.memory_space<hbm>>)
    %add3A_1920 = arith.constant 491520 : i32
    %add3A_1921 = arith.addi %mul3A_2, %add3A_1920 : i32
    %dma_start3A_1922 = tpu.memref_slice %arg5[%mul3A_8] : memref<1572864xf32, #tpu.memory_space<vmem_shared>> -> memref<49152xf32, #tpu.memory_space<vmem_shared>>
    %dma_start3A_1923 = tpu.memref_slice %arg3[%add3A_1921] : memref<100663296xf32, #tpu.memory_space<hbm>> -> memref<49152xf32, #tpu.memory_space<hbm>>
    tpu.enqueue_dma source(%dma_start3A_1923 : memref<49152xf32, #tpu.memory_space<hbm>>) target(%dma_start3A_1922 : memref<49152xf32, #tpu.memory_space<vmem_shared>>) target_semaphore(%arg8 : memref<!tpu.dma_semaphore, #tpu.memory_space<semaphore_mem>>)
    %dma_wait3A_1924 = tpu.memref_slice %arg5[%mul3A_14] : memref<1572864xf32, #tpu.memory_space<vmem_shared>> -> memref<49152xf32, #tpu.memory_space<vmem_shared>>
    %dma_wait3A_1925 = tpu.memref_slice %arg3[%add3A_1909] : memref<100663296xf32, #tpu.memory_space<hbm>> -> memref<49152xf32, #tpu.memory_space<hbm>>
    tpu.wait_dma2 semaphore(%arg9 : memref<!tpu.dma_semaphore, #tpu.memory_space<semaphore_mem>>) src(%dma_wait3A_1925 : memref<49152xf32, #tpu.memory_space<hbm>>) dst(%dma_wait3A_1924 : memref<49152xf32, #tpu.memory_space<vmem_shared>>)
    %add3A_1926 = arith.constant 442368 : i32
    %add3A_1927 = arith.addi %mul3A_2, %add3A_1926 : i32
    %dma_start3A_1928 = tpu.memref_slice %arg4[%add3A_1927] : memref<100663296xf32, #tpu.memory_space<hbm>> -> memref<49152xf32, #tpu.memory_space<hbm>>
    %dma_start3A_1929 = tpu.memref_slice %arg5[%mul3A_14] : memref<1572864xf32, #tpu.memory_space<vmem_shared>> -> memref<49152xf32, #tpu.memory_space<vmem_shared>>
    tpu.enqueue_dma source(%dma_start3A_1929 : memref<49152xf32, #tpu.memory_space<vmem_shared>>) target(%dma_start3A_1928 : memref<49152xf32, #tpu.memory_space<hbm>>) target_semaphore(%arg11 : memref<!tpu.dma_semaphore, #tpu.memory_space<semaphore_mem>>)
    %dma_wait3A_1930 = tpu.memref_slice %arg4[%add3A_1927] : memref<100663296xf32, #tpu.memory_space<hbm>> -> memref<49152xf32, #tpu.memory_space<hbm>>
    %dma_wait3A_1931 = tpu.memref_slice %arg5[%mul3A_14] : memref<1572864xf32, #tpu.memory_space<vmem_shared>> -> memref<49152xf32, #tpu.memory_space<vmem_shared>>
    tpu.wait_dma2 semaphore(%arg11 : memref<!tpu.dma_semaphore, #tpu.memory_space<semaphore_mem>>) src(%dma_wait3A_1931 : memref<49152xf32, #tpu.memory_space<vmem_shared>>) dst(%dma_wait3A_1930 : memref<49152xf32, #tpu.memory_space<hbm>>)
    %add3A_1932 = arith.constant 540672 : i32
    %add3A_1933 = arith.addi %mul3A_2, %add3A_1932 : i32
    %dma_start3A_1934 = tpu.memref_slice %arg5[%mul3A_14] : memref<1572864xf32, #tpu.memory_space<vmem_shared>> -> memref<49152xf32, #tpu.memory_space<vmem_shared>>
    %dma_start3A_1935 = tpu.memref_slice %arg3[%add3A_1933] : memref<100663296xf32, #tpu.memory_space<hbm>> -> memref<49152xf32, #tpu.memory_space<hbm>>
    tpu.enqueue_dma source(%dma_start3A_1935 : memref<49152xf32, #tpu.memory_space<hbm>>) target(%dma_start3A_1934 : memref<49152xf32, #tpu.memory_space<vmem_shared>>) target_semaphore(%arg9 : memref<!tpu.dma_semaphore, #tpu.memory_space<semaphore_mem>>)
    %dma_wait3A_1936 = tpu.memref_slice %arg5[%mul3A_8] : memref<1572864xf32, #tpu.memory_space<vmem_shared>> -> memref<49152xf32, #tpu.memory_space<vmem_shared>>
    %dma_wait3A_1937 = tpu.memref_slice %arg3[%add3A_1921] : memref<100663296xf32, #tpu.memory_space<hbm>> -> memref<49152xf32, #tpu.memory_space<hbm>>
    tpu.wait_dma2 semaphore(%arg8 : memref<!tpu.dma_semaphore, #tpu.memory_space<semaphore_mem>>) src(%dma_wait3A_1937 : memref<49152xf32, #tpu.memory_space<hbm>>) dst(%dma_wait3A_1936 : memref<49152xf32, #tpu.memory_space<vmem_shared>>)
    %add3A_1938 = arith.constant 491520 : i32
    %add3A_1939 = arith.addi %mul3A_2, %add3A_1938 : i32
    %dma_start3A_1940 = tpu.memref_slice %arg4[%add3A_1939] : memref<100663296xf32, #tpu.memory_space<hbm>> -> memref<49152xf32, #tpu.memory_space<hbm>>
    %dma_start3A_1941 = tpu.memref_slice %arg5[%mul3A_8] : memref<1572864xf32, #tpu.memory_space<vmem_shared>> -> memref<49152xf32, #tpu.memory_space<vmem_shared>>
    tpu.enqueue_dma source(%dma_start3A_1941 : memref<49152xf32, #tpu.memory_space<vmem_shared>>) target(%dma_start3A_1940 : memref<49152xf32, #tpu.memory_space<hbm>>) target_semaphore(%arg10 : memref<!tpu.dma_semaphore, #tpu.memory_space<semaphore_mem>>)
    %dma_wait3A_1942 = tpu.memref_slice %arg4[%add3A_1939] : memref<100663296xf32, #tpu.memory_space<hbm>> -> memref<49152xf32, #tpu.memory_space<hbm>>
    %dma_wait3A_1943 = tpu.memref_slice %arg5[%mul3A_8] : memref<1572864xf32, #tpu.memory_space<vmem_shared>> -> memref<49152xf32, #tpu.memory_space<vmem_shared>>
    tpu.wait_dma2 semaphore(%arg10 : memref<!tpu.dma_semaphore, #tpu.memory_space<semaphore_mem>>) src(%dma_wait3A_1943 : memref<49152xf32, #tpu.memory_space<vmem_shared>>) dst(%dma_wait3A_1942 : memref<49152xf32, #tpu.memory_space<hbm>>)
    %add3A_1944 = arith.constant 589824 : i32
    %add3A_1945 = arith.addi %mul3A_2, %add3A_1944 : i32
    %dma_start3A_1946 = tpu.memref_slice %arg5[%mul3A_8] : memref<1572864xf32, #tpu.memory_space<vmem_shared>> -> memref<49152xf32, #tpu.memory_space<vmem_shared>>
    %dma_start3A_1947 = tpu.memref_slice %arg3[%add3A_1945] : memref<100663296xf32, #tpu.memory_space<hbm>> -> memref<49152xf32, #tpu.memory_space<hbm>>
    tpu.enqueue_dma source(%dma_start3A_1947 : memref<49152xf32, #tpu.memory_space<hbm>>) target(%dma_start3A_1946 : memref<49152xf32, #tpu.memory_space<vmem_shared>>) target_semaphore(%arg8 : memref<!tpu.dma_semaphore, #tpu.memory_space<semaphore_mem>>)
    %dma_wait3A_1948 = tpu.memref_slice %arg5[%mul3A_14] : memref<1572864xf32, #tpu.memory_space<vmem_shared>> -> memref<49152xf32, #tpu.memory_space<vmem_shared>>
    %dma_wait3A_1949 = tpu.memref_slice %arg3[%add3A_1933] : memref<100663296xf32, #tpu.memory_space<hbm>> -> memref<49152xf32, #tpu.memory_space<hbm>>
    tpu.wait_dma2 semaphore(%arg9 : memref<!tpu.dma_semaphore, #tpu.memory_space<semaphore_mem>>) src(%dma_wait3A_1949 : memref<49152xf32, #tpu.memory_space<hbm>>) dst(%dma_wait3A_1948 : memref<49152xf32, #tpu.memory_space<vmem_shared>>)
    %add3A_1950 = arith.constant 540672 : i32
    %add3A_1951 = arith.addi %mul3A_2, %add3A_1950 : i32
    %dma_start3A_1952 = tpu.memref_slice %arg4[%add3A_1951] : memref<100663296xf32, #tpu.memory_space<hbm>> -> memref<49152xf32, #tpu.memory_space<hbm>>
    %dma_start3A_1953 = tpu.memref_slice %arg5[%mul3A_14] : memref<1572864xf32, #tpu.memory_space<vmem_shared>> -> memref<49152xf32, #tpu.memory_space<vmem_shared>>
    tpu.enqueue_dma source(%dma_start3A_1953 : memref<49152xf32, #tpu.memory_space<vmem_shared>>) target(%dma_start3A_1952 : memref<49152xf32, #tpu.memory_space<hbm>>) target_semaphore(%arg11 : memref<!tpu.dma_semaphore, #tpu.memory_space<semaphore_mem>>)
    %dma_wait3A_1954 = tpu.memref_slice %arg4[%add3A_1951] : memref<100663296xf32, #tpu.memory_space<hbm>> -> memref<49152xf32, #tpu.memory_space<hbm>>
    %dma_wait3A_1955 = tpu.memref_slice %arg5[%mul3A_14] : memref<1572864xf32, #tpu.memory_space<vmem_shared>> -> memref<49152xf32, #tpu.memory_space<vmem_shared>>
    tpu.wait_dma2 semaphore(%arg11 : memref<!tpu.dma_semaphore, #tpu.memory_space<semaphore_mem>>) src(%dma_wait3A_1955 : memref<49152xf32, #tpu.memory_space<vmem_shared>>) dst(%dma_wait3A_1954 : memref<49152xf32, #tpu.memory_space<hbm>>)
    %add3A_1956 = arith.constant 638976 : i32
    %add3A_1957 = arith.addi %mul3A_2, %add3A_1956 : i32
    %dma_start3A_1958 = tpu.memref_slice %arg5[%mul3A_14] : memref<1572864xf32, #tpu.memory_space<vmem_shared>> -> memref<49152xf32, #tpu.memory_space<vmem_shared>>
    %dma_start3A_1959 = tpu.memref_slice %arg3[%add3A_1957] : memref<100663296xf32, #tpu.memory_space<hbm>> -> memref<49152xf32, #tpu.memory_space<hbm>>
    tpu.enqueue_dma source(%dma_start3A_1959 : memref<49152xf32, #tpu.memory_space<hbm>>) target(%dma_start3A_1958 : memref<49152xf32, #tpu.memory_space<vmem_shared>>) target_semaphore(%arg9 : memref<!tpu.dma_semaphore, #tpu.memory_space<semaphore_mem>>)
    %dma_wait3A_1960 = tpu.memref_slice %arg5[%mul3A_8] : memref<1572864xf32, #tpu.memory_space<vmem_shared>> -> memref<49152xf32, #tpu.memory_space<vmem_shared>>
    %dma_wait3A_1961 = tpu.memref_slice %arg3[%add3A_1945] : memref<100663296xf32, #tpu.memory_space<hbm>> -> memref<49152xf32, #tpu.memory_space<hbm>>
    tpu.wait_dma2 semaphore(%arg8 : memref<!tpu.dma_semaphore, #tpu.memory_space<semaphore_mem>>) src(%dma_wait3A_1961 : memref<49152xf32, #tpu.memory_space<hbm>>) dst(%dma_wait3A_1960 : memref<49152xf32, #tpu.memory_space<vmem_shared>>)
    %add3A_1962 = arith.constant 589824 : i32
    %add3A_1963 = arith.addi %mul3A_2, %add3A_1962 : i32
    %dma_start3A_1964 = tpu.memref_slice %arg4[%add3A_1963] : memref<100663296xf32, #tpu.memory_space<hbm>> -> memref<49152xf32, #tpu.memory_space<hbm>>
    %dma_start3A_1965 = tpu.memref_slice %arg5[%mul3A_8] : memref<1572864xf32, #tpu.memory_space<vmem_shared>> -> memref<49152xf32, #tpu.memory_space<vmem_shared>>
    tpu.enqueue_dma source(%dma_start3A_1965 : memref<49152xf32, #tpu.memory_space<vmem_shared>>) target(%dma_start3A_1964 : memref<49152xf32, #tpu.memory_space<hbm>>) target_semaphore(%arg10 : memref<!tpu.dma_semaphore, #tpu.memory_space<semaphore_mem>>)
    %dma_wait3A_1966 = tpu.memref_slice %arg4[%add3A_1963] : memref<100663296xf32, #tpu.memory_space<hbm>> -> memref<49152xf32, #tpu.memory_space<hbm>>
    %dma_wait3A_1967 = tpu.memref_slice %arg5[%mul3A_8] : memref<1572864xf32, #tpu.memory_space<vmem_shared>> -> memref<49152xf32, #tpu.memory_space<vmem_shared>>
    tpu.wait_dma2 semaphore(%arg10 : memref<!tpu.dma_semaphore, #tpu.memory_space<semaphore_mem>>) src(%dma_wait3A_1967 : memref<49152xf32, #tpu.memory_space<vmem_shared>>) dst(%dma_wait3A_1966 : memref<49152xf32, #tpu.memory_space<hbm>>)
    %add3A_1968 = arith.constant 688128 : i32
    %add3A_1969 = arith.addi %mul3A_2, %add3A_1968 : i32
    %dma_start3A_1970 = tpu.memref_slice %arg5[%mul3A_8] : memref<1572864xf32, #tpu.memory_space<vmem_shared>> -> memref<49152xf32, #tpu.memory_space<vmem_shared>>
    %dma_start3A_1971 = tpu.memref_slice %arg3[%add3A_1969] : memref<100663296xf32, #tpu.memory_space<hbm>> -> memref<49152xf32, #tpu.memory_space<hbm>>
    tpu.enqueue_dma source(%dma_start3A_1971 : memref<49152xf32, #tpu.memory_space<hbm>>) target(%dma_start3A_1970 : memref<49152xf32, #tpu.memory_space<vmem_shared>>) target_semaphore(%arg8 : memref<!tpu.dma_semaphore, #tpu.memory_space<semaphore_mem>>)
    %dma_wait3A_1972 = tpu.memref_slice %arg5[%mul3A_14] : memref<1572864xf32, #tpu.memory_space<vmem_shared>> -> memref<49152xf32, #tpu.memory_space<vmem_shared>>
    %dma_wait3A_1973 = tpu.memref_slice %arg3[%add3A_1957] : memref<100663296xf32, #tpu.memory_space<hbm>> -> memref<49152xf32, #tpu.memory_space<hbm>>
    tpu.wait_dma2 semaphore(%arg9 : memref<!tpu.dma_semaphore, #tpu.memory_space<semaphore_mem>>) src(%dma_wait3A_1973 : memref<49152xf32, #tpu.memory_space<hbm>>) dst(%dma_wait3A_1972 : memref<49152xf32, #tpu.memory_space<vmem_shared>>)
    %add3A_1974 = arith.constant 638976 : i32
    %add3A_1975 = arith.addi %mul3A_2, %add3A_1974 : i32
    %dma_start3A_1976 = tpu.memref_slice %arg4[%add3A_1975] : memref<100663296xf32, #tpu.memory_space<hbm>> -> memref<49152xf32, #tpu.memory_space<hbm>>
    %dma_start3A_1977 = tpu.memref_slice %arg5[%mul3A_14] : memref<1572864xf32, #tpu.memory_space<vmem_shared>> -> memref<49152xf32, #tpu.memory_space<vmem_shared>>
    tpu.enqueue_dma source(%dma_start3A_1977 : memref<49152xf32, #tpu.memory_space<vmem_shared>>) target(%dma_start3A_1976 : memref<49152xf32, #tpu.memory_space<hbm>>) target_semaphore(%arg11 : memref<!tpu.dma_semaphore, #tpu.memory_space<semaphore_mem>>)
    %dma_wait3A_1978 = tpu.memref_slice %arg4[%add3A_1975] : memref<100663296xf32, #tpu.memory_space<hbm>> -> memref<49152xf32, #tpu.memory_space<hbm>>
    %dma_wait3A_1979 = tpu.memref_slice %arg5[%mul3A_14] : memref<1572864xf32, #tpu.memory_space<vmem_shared>> -> memref<49152xf32, #tpu.memory_space<vmem_shared>>
    tpu.wait_dma2 semaphore(%arg11 : memref<!tpu.dma_semaphore, #tpu.memory_space<semaphore_mem>>) src(%dma_wait3A_1979 : memref<49152xf32, #tpu.memory_space<vmem_shared>>) dst(%dma_wait3A_1978 : memref<49152xf32, #tpu.memory_space<hbm>>)
    %add3A_1980 = arith.constant 737280 : i32
    %add3A_1981 = arith.addi %mul3A_2, %add3A_1980 : i32
    %dma_start3A_1982 = tpu.memref_slice %arg5[%mul3A_14] : memref<1572864xf32, #tpu.memory_space<vmem_shared>> -> memref<49152xf32, #tpu.memory_space<vmem_shared>>
    %dma_start3A_1983 = tpu.memref_slice %arg3[%add3A_1981] : memref<100663296xf32, #tpu.memory_space<hbm>> -> memref<49152xf32, #tpu.memory_space<hbm>>
    tpu.enqueue_dma source(%dma_start3A_1983 : memref<49152xf32, #tpu.memory_space<hbm>>) target(%dma_start3A_1982 : memref<49152xf32, #tpu.memory_space<vmem_shared>>) target_semaphore(%arg9 : memref<!tpu.dma_semaphore, #tpu.memory_space<semaphore_mem>>)
    %dma_wait3A_1984 = tpu.memref_slice %arg5[%mul3A_8] : memref<1572864xf32, #tpu.memory_space<vmem_shared>> -> memref<49152xf32, #tpu.memory_space<vmem_shared>>
    %dma_wait3A_1985 = tpu.memref_slice %arg3[%add3A_1969] : memref<100663296xf32, #tpu.memory_space<hbm>> -> memref<49152xf32, #tpu.memory_space<hbm>>
    tpu.wait_dma2 semaphore(%arg8 : memref<!tpu.dma_semaphore, #tpu.memory_space<semaphore_mem>>) src(%dma_wait3A_1985 : memref<49152xf32, #tpu.memory_space<hbm>>) dst(%dma_wait3A_1984 : memref<49152xf32, #tpu.memory_space<vmem_shared>>)
    %add3A_1986 = arith.constant 688128 : i32
    %add3A_1987 = arith.addi %mul3A_2, %add3A_1986 : i32
    %dma_start3A_1988 = tpu.memref_slice %arg4[%add3A_1987] : memref<100663296xf32, #tpu.memory_space<hbm>> -> memref<49152xf32, #tpu.memory_space<hbm>>
    %dma_start3A_1989 = tpu.memref_slice %arg5[%mul3A_8] : memref<1572864xf32, #tpu.memory_space<vmem_shared>> -> memref<49152xf32, #tpu.memory_space<vmem_shared>>
    tpu.enqueue_dma source(%dma_start3A_1989 : memref<49152xf32, #tpu.memory_space<vmem_shared>>) target(%dma_start3A_1988 : memref<49152xf32, #tpu.memory_space<hbm>>) target_semaphore(%arg10 : memref<!tpu.dma_semaphore, #tpu.memory_space<semaphore_mem>>)
    %dma_wait3A_1990 = tpu.memref_slice %arg4[%add3A_1987] : memref<100663296xf32, #tpu.memory_space<hbm>> -> memref<49152xf32, #tpu.memory_space<hbm>>
    %dma_wait3A_1991 = tpu.memref_slice %arg5[%mul3A_8] : memref<1572864xf32, #tpu.memory_space<vmem_shared>> -> memref<49152xf32, #tpu.memory_space<vmem_shared>>
    tpu.wait_dma2 semaphore(%arg10 : memref<!tpu.dma_semaphore, #tpu.memory_space<semaphore_mem>>) src(%dma_wait3A_1991 : memref<49152xf32, #tpu.memory_space<vmem_shared>>) dst(%dma_wait3A_1990 : memref<49152xf32, #tpu.memory_space<hbm>>)
    %add3A_1992 = arith.constant 786432 : i32
    %add3A_1993 = arith.addi %mul3A_2, %add3A_1992 : i32
    %dma_start3A_1994 = tpu.memref_slice %arg5[%mul3A_8] : memref<1572864xf32, #tpu.memory_space<vmem_shared>> -> memref<49152xf32, #tpu.memory_space<vmem_shared>>
    %dma_start3A_1995 = tpu.memref_slice %arg3[%add3A_1993] : memref<100663296xf32, #tpu.memory_space<hbm>> -> memref<49152xf32, #tpu.memory_space<hbm>>
    tpu.enqueue_dma source(%dma_start3A_1995 : memref<49152xf32, #tpu.memory_space<hbm>>) target(%dma_start3A_1994 : memref<49152xf32, #tpu.memory_space<vmem_shared>>) target_semaphore(%arg8 : memref<!tpu.dma_semaphore, #tpu.memory_space<semaphore_mem>>)
    %dma_wait3A_1996 = tpu.memref_slice %arg5[%mul3A_14] : memref<1572864xf32, #tpu.memory_space<vmem_shared>> -> memref<49152xf32, #tpu.memory_space<vmem_shared>>
    %dma_wait3A_1997 = tpu.memref_slice %arg3[%add3A_1981] : memref<100663296xf32, #tpu.memory_space<hbm>> -> memref<49152xf32, #tpu.memory_space<hbm>>
    tpu.wait_dma2 semaphore(%arg9 : memref<!tpu.dma_semaphore, #tpu.memory_space<semaphore_mem>>) src(%dma_wait3A_1997 : memref<49152xf32, #tpu.memory_space<hbm>>) dst(%dma_wait3A_1996 : memref<49152xf32, #tpu.memory_space<vmem_shared>>)
    %add3A_1998 = arith.constant 737280 : i32
    %add3A_1999 = arith.addi %mul3A_2, %add3A_1998 : i32
    %dma_start3A_2000 = tpu.memref_slice %arg4[%add3A_1999] : memref<100663296xf32, #tpu.memory_space<hbm>> -> memref<49152xf32, #tpu.memory_space<hbm>>
    %dma_start3A_2001 = tpu.memref_slice %arg5[%mul3A_14] : memref<1572864xf32, #tpu.memory_space<vmem_shared>> -> memref<49152xf32, #tpu.memory_space<vmem_shared>>
    tpu.enqueue_dma source(%dma_start3A_2001 : memref<49152xf32, #tpu.memory_space<vmem_shared>>) target(%dma_start3A_2000 : memref<49152xf32, #tpu.memory_space<hbm>>) target_semaphore(%arg11 : memref<!tpu.dma_semaphore, #tpu.memory_space<semaphore_mem>>)
    %dma_wait3A_2002 = tpu.memref_slice %arg4[%add3A_1999] : memref<100663296xf32, #tpu.memory_space<hbm>> -> memref<49152xf32, #tpu.memory_space<hbm>>
    %dma_wait3A_2003 = tpu.memref_slice %arg5[%mul3A_14] : memref<1572864xf32, #tpu.memory_space<vmem_shared>> -> memref<49152xf32, #tpu.memory_space<vmem_shared>>
    tpu.wait_dma2 semaphore(%arg11 : memref<!tpu.dma_semaphore, #tpu.memory_space<semaphore_mem>>) src(%dma_wait3A_2003 : memref<49152xf32, #tpu.memory_space<vmem_shared>>) dst(%dma_wait3A_2002 : memref<49152xf32, #tpu.memory_space<hbm>>)
    %add3A_2004 = arith.constant 835584 : i32
    %add3A_2005 = arith.addi %mul3A_2, %add3A_2004 : i32
    %dma_start3A_2006 = tpu.memref_slice %arg5[%mul3A_14] : memref<1572864xf32, #tpu.memory_space<vmem_shared>> -> memref<49152xf32, #tpu.memory_space<vmem_shared>>
    %dma_start3A_2007 = tpu.memref_slice %arg3[%add3A_2005] : memref<100663296xf32, #tpu.memory_space<hbm>> -> memref<49152xf32, #tpu.memory_space<hbm>>
    tpu.enqueue_dma source(%dma_start3A_2007 : memref<49152xf32, #tpu.memory_space<hbm>>) target(%dma_start3A_2006 : memref<49152xf32, #tpu.memory_space<vmem_shared>>) target_semaphore(%arg9 : memref<!tpu.dma_semaphore, #tpu.memory_space<semaphore_mem>>)
    %dma_wait3A_2008 = tpu.memref_slice %arg5[%mul3A_8] : memref<1572864xf32, #tpu.memory_space<vmem_shared>> -> memref<49152xf32, #tpu.memory_space<vmem_shared>>
    %dma_wait3A_2009 = tpu.memref_slice %arg3[%add3A_1993] : memref<100663296xf32, #tpu.memory_space<hbm>> -> memref<49152xf32, #tpu.memory_space<hbm>>
    tpu.wait_dma2 semaphore(%arg8 : memref<!tpu.dma_semaphore, #tpu.memory_space<semaphore_mem>>) src(%dma_wait3A_2009 : memref<49152xf32, #tpu.memory_space<hbm>>) dst(%dma_wait3A_2008 : memref<49152xf32, #tpu.memory_space<vmem_shared>>)
    %add3A_2010 = arith.constant 786432 : i32
    %add3A_2011 = arith.addi %mul3A_2, %add3A_2010 : i32
    %dma_start3A_2012 = tpu.memref_slice %arg4[%add3A_2011] : memref<100663296xf32, #tpu.memory_space<hbm>> -> memref<49152xf32, #tpu.memory_space<hbm>>
    %dma_start3A_2013 = tpu.memref_slice %arg5[%mul3A_8] : memref<1572864xf32, #tpu.memory_space<vmem_shared>> -> memref<49152xf32, #tpu.memory_space<vmem_shared>>
    tpu.enqueue_dma source(%dma_start3A_2013 : memref<49152xf32, #tpu.memory_space<vmem_shared>>) target(%dma_start3A_2012 : memref<49152xf32, #tpu.memory_space<hbm>>) target_semaphore(%arg10 : memref<!tpu.dma_semaphore, #tpu.memory_space<semaphore_mem>>)
    %dma_wait3A_2014 = tpu.memref_slice %arg4[%add3A_2011] : memref<100663296xf32, #tpu.memory_space<hbm>> -> memref<49152xf32, #tpu.memory_space<hbm>>
    %dma_wait3A_2015 = tpu.memref_slice %arg5[%mul3A_8] : memref<1572864xf32, #tpu.memory_space<vmem_shared>> -> memref<49152xf32, #tpu.memory_space<vmem_shared>>
    tpu.wait_dma2 semaphore(%arg10 : memref<!tpu.dma_semaphore, #tpu.memory_space<semaphore_mem>>) src(%dma_wait3A_2015 : memref<49152xf32, #tpu.memory_space<vmem_shared>>) dst(%dma_wait3A_2014 : memref<49152xf32, #tpu.memory_space<hbm>>)
    %add3A_2016 = arith.constant 884736 : i32
    %add3A_2017 = arith.addi %mul3A_2, %add3A_2016 : i32
    %dma_start3A_2018 = tpu.memref_slice %arg5[%mul3A_8] : memref<1572864xf32, #tpu.memory_space<vmem_shared>> -> memref<49152xf32, #tpu.memory_space<vmem_shared>>
    %dma_start3A_2019 = tpu.memref_slice %arg3[%add3A_2017] : memref<100663296xf32, #tpu.memory_space<hbm>> -> memref<49152xf32, #tpu.memory_space<hbm>>
    tpu.enqueue_dma source(%dma_start3A_2019 : memref<49152xf32, #tpu.memory_space<hbm>>) target(%dma_start3A_2018 : memref<49152xf32, #tpu.memory_space<vmem_shared>>) target_semaphore(%arg8 : memref<!tpu.dma_semaphore, #tpu.memory_space<semaphore_mem>>)
    %dma_wait3A_2020 = tpu.memref_slice %arg5[%mul3A_14] : memref<1572864xf32, #tpu.memory_space<vmem_shared>> -> memref<49152xf32, #tpu.memory_space<vmem_shared>>
    %dma_wait3A_2021 = tpu.memref_slice %arg3[%add3A_2005] : memref<100663296xf32, #tpu.memory_space<hbm>> -> memref<49152xf32, #tpu.memory_space<hbm>>
    tpu.wait_dma2 semaphore(%arg9 : memref<!tpu.dma_semaphore, #tpu.memory_space<semaphore_mem>>) src(%dma_wait3A_2021 : memref<49152xf32, #tpu.memory_space<hbm>>) dst(%dma_wait3A_2020 : memref<49152xf32, #tpu.memory_space<vmem_shared>>)
    %add3A_2022 = arith.constant 835584 : i32
    %add3A_2023 = arith.addi %mul3A_2, %add3A_2022 : i32
    %dma_start3A_2024 = tpu.memref_slice %arg4[%add3A_2023] : memref<100663296xf32, #tpu.memory_space<hbm>> -> memref<49152xf32, #tpu.memory_space<hbm>>
    %dma_start3A_2025 = tpu.memref_slice %arg5[%mul3A_14] : memref<1572864xf32, #tpu.memory_space<vmem_shared>> -> memref<49152xf32, #tpu.memory_space<vmem_shared>>
    tpu.enqueue_dma source(%dma_start3A_2025 : memref<49152xf32, #tpu.memory_space<vmem_shared>>) target(%dma_start3A_2024 : memref<49152xf32, #tpu.memory_space<hbm>>) target_semaphore(%arg11 : memref<!tpu.dma_semaphore, #tpu.memory_space<semaphore_mem>>)
    %dma_wait3A_2026 = tpu.memref_slice %arg4[%add3A_2023] : memref<100663296xf32, #tpu.memory_space<hbm>> -> memref<49152xf32, #tpu.memory_space<hbm>>
    %dma_wait3A_2027 = tpu.memref_slice %arg5[%mul3A_14] : memref<1572864xf32, #tpu.memory_space<vmem_shared>> -> memref<49152xf32, #tpu.memory_space<vmem_shared>>
    tpu.wait_dma2 semaphore(%arg11 : memref<!tpu.dma_semaphore, #tpu.memory_space<semaphore_mem>>) src(%dma_wait3A_2027 : memref<49152xf32, #tpu.memory_space<vmem_shared>>) dst(%dma_wait3A_2026 : memref<49152xf32, #tpu.memory_space<hbm>>)
    %add3A_2028 = arith.constant 933888 : i32
    %add3A_2029 = arith.addi %mul3A_2, %add3A_2028 : i32
    %dma_start3A_2030 = tpu.memref_slice %arg5[%mul3A_14] : memref<1572864xf32, #tpu.memory_space<vmem_shared>> -> memref<49152xf32, #tpu.memory_space<vmem_shared>>
    %dma_start3A_2031 = tpu.memref_slice %arg3[%add3A_2029] : memref<100663296xf32, #tpu.memory_space<hbm>> -> memref<49152xf32, #tpu.memory_space<hbm>>
    tpu.enqueue_dma source(%dma_start3A_2031 : memref<49152xf32, #tpu.memory_space<hbm>>) target(%dma_start3A_2030 : memref<49152xf32, #tpu.memory_space<vmem_shared>>) target_semaphore(%arg9 : memref<!tpu.dma_semaphore, #tpu.memory_space<semaphore_mem>>)
    %dma_wait3A_2032 = tpu.memref_slice %arg5[%mul3A_8] : memref<1572864xf32, #tpu.memory_space<vmem_shared>> -> memref<49152xf32, #tpu.memory_space<vmem_shared>>
    %dma_wait3A_2033 = tpu.memref_slice %arg3[%add3A_2017] : memref<100663296xf32, #tpu.memory_space<hbm>> -> memref<49152xf32, #tpu.memory_space<hbm>>
    tpu.wait_dma2 semaphore(%arg8 : memref<!tpu.dma_semaphore, #tpu.memory_space<semaphore_mem>>) src(%dma_wait3A_2033 : memref<49152xf32, #tpu.memory_space<hbm>>) dst(%dma_wait3A_2032 : memref<49152xf32, #tpu.memory_space<vmem_shared>>)
    %add3A_2034 = arith.constant 884736 : i32
    %add3A_2035 = arith.addi %mul3A_2, %add3A_2034 : i32
    %dma_start3A_2036 = tpu.memref_slice %arg4[%add3A_2035] : memref<100663296xf32, #tpu.memory_space<hbm>> -> memref<49152xf32, #tpu.memory_space<hbm>>
    %dma_start3A_2037 = tpu.memref_slice %arg5[%mul3A_8] : memref<1572864xf32, #tpu.memory_space<vmem_shared>> -> memref<49152xf32, #tpu.memory_space<vmem_shared>>
    tpu.enqueue_dma source(%dma_start3A_2037 : memref<49152xf32, #tpu.memory_space<vmem_shared>>) target(%dma_start3A_2036 : memref<49152xf32, #tpu.memory_space<hbm>>) target_semaphore(%arg10 : memref<!tpu.dma_semaphore, #tpu.memory_space<semaphore_mem>>)
    %dma_wait3A_2038 = tpu.memref_slice %arg4[%add3A_2035] : memref<100663296xf32, #tpu.memory_space<hbm>> -> memref<49152xf32, #tpu.memory_space<hbm>>
    %dma_wait3A_2039 = tpu.memref_slice %arg5[%mul3A_8] : memref<1572864xf32, #tpu.memory_space<vmem_shared>> -> memref<49152xf32, #tpu.memory_space<vmem_shared>>
    tpu.wait_dma2 semaphore(%arg10 : memref<!tpu.dma_semaphore, #tpu.memory_space<semaphore_mem>>) src(%dma_wait3A_2039 : memref<49152xf32, #tpu.memory_space<vmem_shared>>) dst(%dma_wait3A_2038 : memref<49152xf32, #tpu.memory_space<hbm>>)
    %add3A_2040 = arith.constant 983040 : i32
    %add3A_2041 = arith.addi %mul3A_2, %add3A_2040 : i32
    %dma_start3A_2042 = tpu.memref_slice %arg5[%mul3A_8] : memref<1572864xf32, #tpu.memory_space<vmem_shared>> -> memref<49152xf32, #tpu.memory_space<vmem_shared>>
    %dma_start3A_2043 = tpu.memref_slice %arg3[%add3A_2041] : memref<100663296xf32, #tpu.memory_space<hbm>> -> memref<49152xf32, #tpu.memory_space<hbm>>
    tpu.enqueue_dma source(%dma_start3A_2043 : memref<49152xf32, #tpu.memory_space<hbm>>) target(%dma_start3A_2042 : memref<49152xf32, #tpu.memory_space<vmem_shared>>) target_semaphore(%arg8 : memref<!tpu.dma_semaphore, #tpu.memory_space<semaphore_mem>>)
    %dma_wait3A_2044 = tpu.memref_slice %arg5[%mul3A_14] : memref<1572864xf32, #tpu.memory_space<vmem_shared>> -> memref<49152xf32, #tpu.memory_space<vmem_shared>>
    %dma_wait3A_2045 = tpu.memref_slice %arg3[%add3A_2029] : memref<100663296xf32, #tpu.memory_space<hbm>> -> memref<49152xf32, #tpu.memory_space<hbm>>
    tpu.wait_dma2 semaphore(%arg9 : memref<!tpu.dma_semaphore, #tpu.memory_space<semaphore_mem>>) src(%dma_wait3A_2045 : memref<49152xf32, #tpu.memory_space<hbm>>) dst(%dma_wait3A_2044 : memref<49152xf32, #tpu.memory_space<vmem_shared>>)
    %add3A_2046 = arith.constant 933888 : i32
    %add3A_2047 = arith.addi %mul3A_2, %add3A_2046 : i32
    %dma_start3A_2048 = tpu.memref_slice %arg4[%add3A_2047] : memref<100663296xf32, #tpu.memory_space<hbm>> -> memref<49152xf32, #tpu.memory_space<hbm>>
    %dma_start3A_2049 = tpu.memref_slice %arg5[%mul3A_14] : memref<1572864xf32, #tpu.memory_space<vmem_shared>> -> memref<49152xf32, #tpu.memory_space<vmem_shared>>
    tpu.enqueue_dma source(%dma_start3A_2049 : memref<49152xf32, #tpu.memory_space<vmem_shared>>) target(%dma_start3A_2048 : memref<49152xf32, #tpu.memory_space<hbm>>) target_semaphore(%arg11 : memref<!tpu.dma_semaphore, #tpu.memory_space<semaphore_mem>>)
    %dma_wait3A_2050 = tpu.memref_slice %arg4[%add3A_2047] : memref<100663296xf32, #tpu.memory_space<hbm>> -> memref<49152xf32, #tpu.memory_space<hbm>>
    %dma_wait3A_2051 = tpu.memref_slice %arg5[%mul3A_14] : memref<1572864xf32, #tpu.memory_space<vmem_shared>> -> memref<49152xf32, #tpu.memory_space<vmem_shared>>
    tpu.wait_dma2 semaphore(%arg11 : memref<!tpu.dma_semaphore, #tpu.memory_space<semaphore_mem>>) src(%dma_wait3A_2051 : memref<49152xf32, #tpu.memory_space<vmem_shared>>) dst(%dma_wait3A_2050 : memref<49152xf32, #tpu.memory_space<hbm>>)
    %add3A_2052 = arith.constant 1032192 : i32
    %add3A_2053 = arith.addi %mul3A_2, %add3A_2052 : i32
    %dma_start3A_2054 = tpu.memref_slice %arg5[%mul3A_14] : memref<1572864xf32, #tpu.memory_space<vmem_shared>> -> memref<49152xf32, #tpu.memory_space<vmem_shared>>
    %dma_start3A_2055 = tpu.memref_slice %arg3[%add3A_2053] : memref<100663296xf32, #tpu.memory_space<hbm>> -> memref<49152xf32, #tpu.memory_space<hbm>>
    tpu.enqueue_dma source(%dma_start3A_2055 : memref<49152xf32, #tpu.memory_space<hbm>>) target(%dma_start3A_2054 : memref<49152xf32, #tpu.memory_space<vmem_shared>>) target_semaphore(%arg9 : memref<!tpu.dma_semaphore, #tpu.memory_space<semaphore_mem>>)
    %dma_wait3A_2056 = tpu.memref_slice %arg5[%mul3A_8] : memref<1572864xf32, #tpu.memory_space<vmem_shared>> -> memref<49152xf32, #tpu.memory_space<vmem_shared>>
    %dma_wait3A_2057 = tpu.memref_slice %arg3[%add3A_2041] : memref<100663296xf32, #tpu.memory_space<hbm>> -> memref<49152xf32, #tpu.memory_space<hbm>>
    tpu.wait_dma2 semaphore(%arg8 : memref<!tpu.dma_semaphore, #tpu.memory_space<semaphore_mem>>) src(%dma_wait3A_2057 : memref<49152xf32, #tpu.memory_space<hbm>>) dst(%dma_wait3A_2056 : memref<49152xf32, #tpu.memory_space<vmem_shared>>)
    %add3A_2058 = arith.constant 983040 : i32
    %add3A_2059 = arith.addi %mul3A_2, %add3A_2058 : i32
    %dma_start3A_2060 = tpu.memref_slice %arg4[%add3A_2059] : memref<100663296xf32, #tpu.memory_space<hbm>> -> memref<49152xf32, #tpu.memory_space<hbm>>
    %dma_start3A_2061 = tpu.memref_slice %arg5[%mul3A_8] : memref<1572864xf32, #tpu.memory_space<vmem_shared>> -> memref<49152xf32, #tpu.memory_space<vmem_shared>>
    tpu.enqueue_dma source(%dma_start3A_2061 : memref<49152xf32, #tpu.memory_space<vmem_shared>>) target(%dma_start3A_2060 : memref<49152xf32, #tpu.memory_space<hbm>>) target_semaphore(%arg10 : memref<!tpu.dma_semaphore, #tpu.memory_space<semaphore_mem>>)
    %dma_wait3A_2062 = tpu.memref_slice %arg4[%add3A_2059] : memref<100663296xf32, #tpu.memory_space<hbm>> -> memref<49152xf32, #tpu.memory_space<hbm>>
    %dma_wait3A_2063 = tpu.memref_slice %arg5[%mul3A_8] : memref<1572864xf32, #tpu.memory_space<vmem_shared>> -> memref<49152xf32, #tpu.memory_space<vmem_shared>>
    tpu.wait_dma2 semaphore(%arg10 : memref<!tpu.dma_semaphore, #tpu.memory_space<semaphore_mem>>) src(%dma_wait3A_2063 : memref<49152xf32, #tpu.memory_space<vmem_shared>>) dst(%dma_wait3A_2062 : memref<49152xf32, #tpu.memory_space<hbm>>)
    %add3A_2064 = arith.constant 1081344 : i32
    %add3A_2065 = arith.addi %mul3A_2, %add3A_2064 : i32
    %dma_start3A_2066 = tpu.memref_slice %arg5[%mul3A_8] : memref<1572864xf32, #tpu.memory_space<vmem_shared>> -> memref<49152xf32, #tpu.memory_space<vmem_shared>>
    %dma_start3A_2067 = tpu.memref_slice %arg3[%add3A_2065] : memref<100663296xf32, #tpu.memory_space<hbm>> -> memref<49152xf32, #tpu.memory_space<hbm>>
    tpu.enqueue_dma source(%dma_start3A_2067 : memref<49152xf32, #tpu.memory_space<hbm>>) target(%dma_start3A_2066 : memref<49152xf32, #tpu.memory_space<vmem_shared>>) target_semaphore(%arg8 : memref<!tpu.dma_semaphore, #tpu.memory_space<semaphore_mem>>)
    %dma_wait3A_2068 = tpu.memref_slice %arg5[%mul3A_14] : memref<1572864xf32, #tpu.memory_space<vmem_shared>> -> memref<49152xf32, #tpu.memory_space<vmem_shared>>
    %dma_wait3A_2069 = tpu.memref_slice %arg3[%add3A_2053] : memref<100663296xf32, #tpu.memory_space<hbm>> -> memref<49152xf32, #tpu.memory_space<hbm>>
    tpu.wait_dma2 semaphore(%arg9 : memref<!tpu.dma_semaphore, #tpu.memory_space<semaphore_mem>>) src(%dma_wait3A_2069 : memref<49152xf32, #tpu.memory_space<hbm>>) dst(%dma_wait3A_2068 : memref<49152xf32, #tpu.memory_space<vmem_shared>>)
    %add3A_2070 = arith.constant 1032192 : i32
    %add3A_2071 = arith.addi %mul3A_2, %add3A_2070 : i32
    %dma_start3A_2072 = tpu.memref_slice %arg4[%add3A_2071] : memref<100663296xf32, #tpu.memory_space<hbm>> -> memref<49152xf32, #tpu.memory_space<hbm>>
    %dma_start3A_2073 = tpu.memref_slice %arg5[%mul3A_14] : memref<1572864xf32, #tpu.memory_space<vmem_shared>> -> memref<49152xf32, #tpu.memory_space<vmem_shared>>
    tpu.enqueue_dma source(%dma_start3A_2073 : memref<49152xf32, #tpu.memory_space<vmem_shared>>) target(%dma_start3A_2072 : memref<49152xf32, #tpu.memory_space<hbm>>) target_semaphore(%arg11 : memref<!tpu.dma_semaphore, #tpu.memory_space<semaphore_mem>>)
    %dma_wait3A_2074 = tpu.memref_slice %arg4[%add3A_2071] : memref<100663296xf32, #tpu.memory_space<hbm>> -> memref<49152xf32, #tpu.memory_space<hbm>>
    %dma_wait3A_2075 = tpu.memref_slice %arg5[%mul3A_14] : memref<1572864xf32, #tpu.memory_space<vmem_shared>> -> memref<49152xf32, #tpu.memory_space<vmem_shared>>
    tpu.wait_dma2 semaphore(%arg11 : memref<!tpu.dma_semaphore, #tpu.memory_space<semaphore_mem>>) src(%dma_wait3A_2075 : memref<49152xf32, #tpu.memory_space<vmem_shared>>) dst(%dma_wait3A_2074 : memref<49152xf32, #tpu.memory_space<hbm>>)
    %add3A_2076 = arith.constant 1130496 : i32
    %add3A_2077 = arith.addi %mul3A_2, %add3A_2076 : i32
    %dma_start3A_2078 = tpu.memref_slice %arg5[%mul3A_14] : memref<1572864xf32, #tpu.memory_space<vmem_shared>> -> memref<49152xf32, #tpu.memory_space<vmem_shared>>
    %dma_start3A_2079 = tpu.memref_slice %arg3[%add3A_2077] : memref<100663296xf32, #tpu.memory_space<hbm>> -> memref<49152xf32, #tpu.memory_space<hbm>>
    tpu.enqueue_dma source(%dma_start3A_2079 : memref<49152xf32, #tpu.memory_space<hbm>>) target(%dma_start3A_2078 : memref<49152xf32, #tpu.memory_space<vmem_shared>>) target_semaphore(%arg9 : memref<!tpu.dma_semaphore, #tpu.memory_space<semaphore_mem>>)
    %dma_wait3A_2080 = tpu.memref_slice %arg5[%mul3A_8] : memref<1572864xf32, #tpu.memory_space<vmem_shared>> -> memref<49152xf32, #tpu.memory_space<vmem_shared>>
    %dma_wait3A_2081 = tpu.memref_slice %arg3[%add3A_2065] : memref<100663296xf32, #tpu.memory_space<hbm>> -> memref<49152xf32, #tpu.memory_space<hbm>>
    tpu.wait_dma2 semaphore(%arg8 : memref<!tpu.dma_semaphore, #tpu.memory_space<semaphore_mem>>) src(%dma_wait3A_2081 : memref<49152xf32, #tpu.memory_space<hbm>>) dst(%dma_wait3A_2080 : memref<49152xf32, #tpu.memory_space<vmem_shared>>)
    %add3A_2082 = arith.constant 1081344 : i32
    %add3A_2083 = arith.addi %mul3A_2, %add3A_2082 : i32
    %dma_start3A_2084 = tpu.memref_slice %arg4[%add3A_2083] : memref<100663296xf32, #tpu.memory_space<hbm>> -> memref<49152xf32, #tpu.memory_space<hbm>>
    %dma_start3A_2085 = tpu.memref_slice %arg5[%mul3A_8] : memref<1572864xf32, #tpu.memory_space<vmem_shared>> -> memref<49152xf32, #tpu.memory_space<vmem_shared>>
    tpu.enqueue_dma source(%dma_start3A_2085 : memref<49152xf32, #tpu.memory_space<vmem_shared>>) target(%dma_start3A_2084 : memref<49152xf32, #tpu.memory_space<hbm>>) target_semaphore(%arg10 : memref<!tpu.dma_semaphore, #tpu.memory_space<semaphore_mem>>)
    %dma_wait3A_2086 = tpu.memref_slice %arg4[%add3A_2083] : memref<100663296xf32, #tpu.memory_space<hbm>> -> memref<49152xf32, #tpu.memory_space<hbm>>
    %dma_wait3A_2087 = tpu.memref_slice %arg5[%mul3A_8] : memref<1572864xf32, #tpu.memory_space<vmem_shared>> -> memref<49152xf32, #tpu.memory_space<vmem_shared>>
    tpu.wait_dma2 semaphore(%arg10 : memref<!tpu.dma_semaphore, #tpu.memory_space<semaphore_mem>>) src(%dma_wait3A_2087 : memref<49152xf32, #tpu.memory_space<vmem_shared>>) dst(%dma_wait3A_2086 : memref<49152xf32, #tpu.memory_space<hbm>>)
    %add3A_2088 = arith.constant 1179648 : i32
    %add3A_2089 = arith.addi %mul3A_2, %add3A_2088 : i32
    %dma_start3A_2090 = tpu.memref_slice %arg5[%mul3A_8] : memref<1572864xf32, #tpu.memory_space<vmem_shared>> -> memref<49152xf32, #tpu.memory_space<vmem_shared>>
    %dma_start3A_2091 = tpu.memref_slice %arg3[%add3A_2089] : memref<100663296xf32, #tpu.memory_space<hbm>> -> memref<49152xf32, #tpu.memory_space<hbm>>
    tpu.enqueue_dma source(%dma_start3A_2091 : memref<49152xf32, #tpu.memory_space<hbm>>) target(%dma_start3A_2090 : memref<49152xf32, #tpu.memory_space<vmem_shared>>) target_semaphore(%arg8 : memref<!tpu.dma_semaphore, #tpu.memory_space<semaphore_mem>>)
    %dma_wait3A_2092 = tpu.memref_slice %arg5[%mul3A_14] : memref<1572864xf32, #tpu.memory_space<vmem_shared>> -> memref<49152xf32, #tpu.memory_space<vmem_shared>>
    %dma_wait3A_2093 = tpu.memref_slice %arg3[%add3A_2077] : memref<100663296xf32, #tpu.memory_space<hbm>> -> memref<49152xf32, #tpu.memory_space<hbm>>
    tpu.wait_dma2 semaphore(%arg9 : memref<!tpu.dma_semaphore, #tpu.memory_space<semaphore_mem>>) src(%dma_wait3A_2093 : memref<49152xf32, #tpu.memory_space<hbm>>) dst(%dma_wait3A_2092 : memref<49152xf32, #tpu.memory_space<vmem_shared>>)
    %add3A_2094 = arith.constant 1130496 : i32
    %add3A_2095 = arith.addi %mul3A_2, %add3A_2094 : i32
    %dma_start3A_2096 = tpu.memref_slice %arg4[%add3A_2095] : memref<100663296xf32, #tpu.memory_space<hbm>> -> memref<49152xf32, #tpu.memory_space<hbm>>
    %dma_start3A_2097 = tpu.memref_slice %arg5[%mul3A_14] : memref<1572864xf32, #tpu.memory_space<vmem_shared>> -> memref<49152xf32, #tpu.memory_space<vmem_shared>>
    tpu.enqueue_dma source(%dma_start3A_2097 : memref<49152xf32, #tpu.memory_space<vmem_shared>>) target(%dma_start3A_2096 : memref<49152xf32, #tpu.memory_space<hbm>>) target_semaphore(%arg11 : memref<!tpu.dma_semaphore, #tpu.memory_space<semaphore_mem>>)
    %dma_wait3A_2098 = tpu.memref_slice %arg4[%add3A_2095] : memref<100663296xf32, #tpu.memory_space<hbm>> -> memref<49152xf32, #tpu.memory_space<hbm>>
    %dma_wait3A_2099 = tpu.memref_slice %arg5[%mul3A_14] : memref<1572864xf32, #tpu.memory_space<vmem_shared>> -> memref<49152xf32, #tpu.memory_space<vmem_shared>>
    tpu.wait_dma2 semaphore(%arg11 : memref<!tpu.dma_semaphore, #tpu.memory_space<semaphore_mem>>) src(%dma_wait3A_2099 : memref<49152xf32, #tpu.memory_space<vmem_shared>>) dst(%dma_wait3A_2098 : memref<49152xf32, #tpu.memory_space<hbm>>)
    %add3A_2100 = arith.constant 1228800 : i32
    %add3A_2101 = arith.addi %mul3A_2, %add3A_2100 : i32
    %dma_start3A_2102 = tpu.memref_slice %arg5[%mul3A_14] : memref<1572864xf32, #tpu.memory_space<vmem_shared>> -> memref<49152xf32, #tpu.memory_space<vmem_shared>>
    %dma_start3A_2103 = tpu.memref_slice %arg3[%add3A_2101] : memref<100663296xf32, #tpu.memory_space<hbm>> -> memref<49152xf32, #tpu.memory_space<hbm>>
    tpu.enqueue_dma source(%dma_start3A_2103 : memref<49152xf32, #tpu.memory_space<hbm>>) target(%dma_start3A_2102 : memref<49152xf32, #tpu.memory_space<vmem_shared>>) target_semaphore(%arg9 : memref<!tpu.dma_semaphore, #tpu.memory_space<semaphore_mem>>)
    %dma_wait3A_2104 = tpu.memref_slice %arg5[%mul3A_8] : memref<1572864xf32, #tpu.memory_space<vmem_shared>> -> memref<49152xf32, #tpu.memory_space<vmem_shared>>
    %dma_wait3A_2105 = tpu.memref_slice %arg3[%add3A_2089] : memref<100663296xf32, #tpu.memory_space<hbm>> -> memref<49152xf32, #tpu.memory_space<hbm>>
    tpu.wait_dma2 semaphore(%arg8 : memref<!tpu.dma_semaphore, #tpu.memory_space<semaphore_mem>>) src(%dma_wait3A_2105 : memref<49152xf32, #tpu.memory_space<hbm>>) dst(%dma_wait3A_2104 : memref<49152xf32, #tpu.memory_space<vmem_shared>>)
    %add3A_2106 = arith.constant 1179648 : i32
    %add3A_2107 = arith.addi %mul3A_2, %add3A_2106 : i32
    %dma_start3A_2108 = tpu.memref_slice %arg4[%add3A_2107] : memref<100663296xf32, #tpu.memory_space<hbm>> -> memref<49152xf32, #tpu.memory_space<hbm>>
    %dma_start3A_2109 = tpu.memref_slice %arg5[%mul3A_8] : memref<1572864xf32, #tpu.memory_space<vmem_shared>> -> memref<49152xf32, #tpu.memory_space<vmem_shared>>
    tpu.enqueue_dma source(%dma_start3A_2109 : memref<49152xf32, #tpu.memory_space<vmem_shared>>) target(%dma_start3A_2108 : memref<49152xf32, #tpu.memory_space<hbm>>) target_semaphore(%arg10 : memref<!tpu.dma_semaphore, #tpu.memory_space<semaphore_mem>>)
    %dma_wait3A_2110 = tpu.memref_slice %arg4[%add3A_2107] : memref<100663296xf32, #tpu.memory_space<hbm>> -> memref<49152xf32, #tpu.memory_space<hbm>>
    %dma_wait3A_2111 = tpu.memref_slice %arg5[%mul3A_8] : memref<1572864xf32, #tpu.memory_space<vmem_shared>> -> memref<49152xf32, #tpu.memory_space<vmem_shared>>
    tpu.wait_dma2 semaphore(%arg10 : memref<!tpu.dma_semaphore, #tpu.memory_space<semaphore_mem>>) src(%dma_wait3A_2111 : memref<49152xf32, #tpu.memory_space<vmem_shared>>) dst(%dma_wait3A_2110 : memref<49152xf32, #tpu.memory_space<hbm>>)
    %add3A_2112 = arith.constant 1277952 : i32
    %add3A_2113 = arith.addi %mul3A_2, %add3A_2112 : i32
    %dma_start3A_2114 = tpu.memref_slice %arg5[%mul3A_8] : memref<1572864xf32, #tpu.memory_space<vmem_shared>> -> memref<49152xf32, #tpu.memory_space<vmem_shared>>
    %dma_start3A_2115 = tpu.memref_slice %arg3[%add3A_2113] : memref<100663296xf32, #tpu.memory_space<hbm>> -> memref<49152xf32, #tpu.memory_space<hbm>>
    tpu.enqueue_dma source(%dma_start3A_2115 : memref<49152xf32, #tpu.memory_space<hbm>>) target(%dma_start3A_2114 : memref<49152xf32, #tpu.memory_space<vmem_shared>>) target_semaphore(%arg8 : memref<!tpu.dma_semaphore, #tpu.memory_space<semaphore_mem>>)
    %dma_wait3A_2116 = tpu.memref_slice %arg5[%mul3A_14] : memref<1572864xf32, #tpu.memory_space<vmem_shared>> -> memref<49152xf32, #tpu.memory_space<vmem_shared>>
    %dma_wait3A_2117 = tpu.memref_slice %arg3[%add3A_2101] : memref<100663296xf32, #tpu.memory_space<hbm>> -> memref<49152xf32, #tpu.memory_space<hbm>>
    tpu.wait_dma2 semaphore(%arg9 : memref<!tpu.dma_semaphore, #tpu.memory_space<semaphore_mem>>) src(%dma_wait3A_2117 : memref<49152xf32, #tpu.memory_space<hbm>>) dst(%dma_wait3A_2116 : memref<49152xf32, #tpu.memory_space<vmem_shared>>)
    %add3A_2118 = arith.constant 1228800 : i32
    %add3A_2119 = arith.addi %mul3A_2, %add3A_2118 : i32
    %dma_start3A_2120 = tpu.memref_slice %arg4[%add3A_2119] : memref<100663296xf32, #tpu.memory_space<hbm>> -> memref<49152xf32, #tpu.memory_space<hbm>>
    %dma_start3A_2121 = tpu.memref_slice %arg5[%mul3A_14] : memref<1572864xf32, #tpu.memory_space<vmem_shared>> -> memref<49152xf32, #tpu.memory_space<vmem_shared>>
    tpu.enqueue_dma source(%dma_start3A_2121 : memref<49152xf32, #tpu.memory_space<vmem_shared>>) target(%dma_start3A_2120 : memref<49152xf32, #tpu.memory_space<hbm>>) target_semaphore(%arg11 : memref<!tpu.dma_semaphore, #tpu.memory_space<semaphore_mem>>)
    %dma_wait3A_2122 = tpu.memref_slice %arg4[%add3A_2119] : memref<100663296xf32, #tpu.memory_space<hbm>> -> memref<49152xf32, #tpu.memory_space<hbm>>
    %dma_wait3A_2123 = tpu.memref_slice %arg5[%mul3A_14] : memref<1572864xf32, #tpu.memory_space<vmem_shared>> -> memref<49152xf32, #tpu.memory_space<vmem_shared>>
    tpu.wait_dma2 semaphore(%arg11 : memref<!tpu.dma_semaphore, #tpu.memory_space<semaphore_mem>>) src(%dma_wait3A_2123 : memref<49152xf32, #tpu.memory_space<vmem_shared>>) dst(%dma_wait3A_2122 : memref<49152xf32, #tpu.memory_space<hbm>>)
    %add3A_2124 = arith.constant 1327104 : i32
    %add3A_2125 = arith.addi %mul3A_2, %add3A_2124 : i32
    %dma_start3A_2126 = tpu.memref_slice %arg5[%mul3A_14] : memref<1572864xf32, #tpu.memory_space<vmem_shared>> -> memref<49152xf32, #tpu.memory_space<vmem_shared>>
    %dma_start3A_2127 = tpu.memref_slice %arg3[%add3A_2125] : memref<100663296xf32, #tpu.memory_space<hbm>> -> memref<49152xf32, #tpu.memory_space<hbm>>
    tpu.enqueue_dma source(%dma_start3A_2127 : memref<49152xf32, #tpu.memory_space<hbm>>) target(%dma_start3A_2126 : memref<49152xf32, #tpu.memory_space<vmem_shared>>) target_semaphore(%arg9 : memref<!tpu.dma_semaphore, #tpu.memory_space<semaphore_mem>>)
    %dma_wait3A_2128 = tpu.memref_slice %arg5[%mul3A_8] : memref<1572864xf32, #tpu.memory_space<vmem_shared>> -> memref<49152xf32, #tpu.memory_space<vmem_shared>>
    %dma_wait3A_2129 = tpu.memref_slice %arg3[%add3A_2113] : memref<100663296xf32, #tpu.memory_space<hbm>> -> memref<49152xf32, #tpu.memory_space<hbm>>
    tpu.wait_dma2 semaphore(%arg8 : memref<!tpu.dma_semaphore, #tpu.memory_space<semaphore_mem>>) src(%dma_wait3A_2129 : memref<49152xf32, #tpu.memory_space<hbm>>) dst(%dma_wait3A_2128 : memref<49152xf32, #tpu.memory_space<vmem_shared>>)
    %add3A_2130 = arith.constant 1277952 : i32
    %add3A_2131 = arith.addi %mul3A_2, %add3A_2130 : i32
    %dma_start3A_2132 = tpu.memref_slice %arg4[%add3A_2131] : memref<100663296xf32, #tpu.memory_space<hbm>> -> memref<49152xf32, #tpu.memory_space<hbm>>
    %dma_start3A_2133 = tpu.memref_slice %arg5[%mul3A_8] : memref<1572864xf32, #tpu.memory_space<vmem_shared>> -> memref<49152xf32, #tpu.memory_space<vmem_shared>>
    tpu.enqueue_dma source(%dma_start3A_2133 : memref<49152xf32, #tpu.memory_space<vmem_shared>>) target(%dma_start3A_2132 : memref<49152xf32, #tpu.memory_space<hbm>>) target_semaphore(%arg10 : memref<!tpu.dma_semaphore, #tpu.memory_space<semaphore_mem>>)
    %dma_wait3A_2134 = tpu.memref_slice %arg4[%add3A_2131] : memref<100663296xf32, #tpu.memory_space<hbm>> -> memref<49152xf32, #tpu.memory_space<hbm>>
    %dma_wait3A_2135 = tpu.memref_slice %arg5[%mul3A_8] : memref<1572864xf32, #tpu.memory_space<vmem_shared>> -> memref<49152xf32, #tpu.memory_space<vmem_shared>>
    tpu.wait_dma2 semaphore(%arg10 : memref<!tpu.dma_semaphore, #tpu.memory_space<semaphore_mem>>) src(%dma_wait3A_2135 : memref<49152xf32, #tpu.memory_space<vmem_shared>>) dst(%dma_wait3A_2134 : memref<49152xf32, #tpu.memory_space<hbm>>)
    %add3A_2136 = arith.constant 1376256 : i32
    %add3A_2137 = arith.addi %mul3A_2, %add3A_2136 : i32
    %dma_start3A_2138 = tpu.memref_slice %arg5[%mul3A_8] : memref<1572864xf32, #tpu.memory_space<vmem_shared>> -> memref<49152xf32, #tpu.memory_space<vmem_shared>>
    %dma_start3A_2139 = tpu.memref_slice %arg3[%add3A_2137] : memref<100663296xf32, #tpu.memory_space<hbm>> -> memref<49152xf32, #tpu.memory_space<hbm>>
    tpu.enqueue_dma source(%dma_start3A_2139 : memref<49152xf32, #tpu.memory_space<hbm>>) target(%dma_start3A_2138 : memref<49152xf32, #tpu.memory_space<vmem_shared>>) target_semaphore(%arg8 : memref<!tpu.dma_semaphore, #tpu.memory_space<semaphore_mem>>)
    %dma_wait3A_2140 = tpu.memref_slice %arg5[%mul3A_14] : memref<1572864xf32, #tpu.memory_space<vmem_shared>> -> memref<49152xf32, #tpu.memory_space<vmem_shared>>
    %dma_wait3A_2141 = tpu.memref_slice %arg3[%add3A_2125] : memref<100663296xf32, #tpu.memory_space<hbm>> -> memref<49152xf32, #tpu.memory_space<hbm>>
    tpu.wait_dma2 semaphore(%arg9 : memref<!tpu.dma_semaphore, #tpu.memory_space<semaphore_mem>>) src(%dma_wait3A_2141 : memref<49152xf32, #tpu.memory_space<hbm>>) dst(%dma_wait3A_2140 : memref<49152xf32, #tpu.memory_space<vmem_shared>>)
    %add3A_2142 = arith.constant 1327104 : i32
    %add3A_2143 = arith.addi %mul3A_2, %add3A_2142 : i32
    %dma_start3A_2144 = tpu.memref_slice %arg4[%add3A_2143] : memref<100663296xf32, #tpu.memory_space<hbm>> -> memref<49152xf32, #tpu.memory_space<hbm>>
    %dma_start3A_2145 = tpu.memref_slice %arg5[%mul3A_14] : memref<1572864xf32, #tpu.memory_space<vmem_shared>> -> memref<49152xf32, #tpu.memory_space<vmem_shared>>
    tpu.enqueue_dma source(%dma_start3A_2145 : memref<49152xf32, #tpu.memory_space<vmem_shared>>) target(%dma_start3A_2144 : memref<49152xf32, #tpu.memory_space<hbm>>) target_semaphore(%arg11 : memref<!tpu.dma_semaphore, #tpu.memory_space<semaphore_mem>>)
    %dma_wait3A_2146 = tpu.memref_slice %arg4[%add3A_2143] : memref<100663296xf32, #tpu.memory_space<hbm>> -> memref<49152xf32, #tpu.memory_space<hbm>>
    %dma_wait3A_2147 = tpu.memref_slice %arg5[%mul3A_14] : memref<1572864xf32, #tpu.memory_space<vmem_shared>> -> memref<49152xf32, #tpu.memory_space<vmem_shared>>
    tpu.wait_dma2 semaphore(%arg11 : memref<!tpu.dma_semaphore, #tpu.memory_space<semaphore_mem>>) src(%dma_wait3A_2147 : memref<49152xf32, #tpu.memory_space<vmem_shared>>) dst(%dma_wait3A_2146 : memref<49152xf32, #tpu.memory_space<hbm>>)
    %add3A_2148 = arith.constant 1425408 : i32
    %add3A_2149 = arith.addi %mul3A_2, %add3A_2148 : i32
    %dma_start3A_2150 = tpu.memref_slice %arg5[%mul3A_14] : memref<1572864xf32, #tpu.memory_space<vmem_shared>> -> memref<49152xf32, #tpu.memory_space<vmem_shared>>
    %dma_start3A_2151 = tpu.memref_slice %arg3[%add3A_2149] : memref<100663296xf32, #tpu.memory_space<hbm>> -> memref<49152xf32, #tpu.memory_space<hbm>>
    tpu.enqueue_dma source(%dma_start3A_2151 : memref<49152xf32, #tpu.memory_space<hbm>>) target(%dma_start3A_2150 : memref<49152xf32, #tpu.memory_space<vmem_shared>>) target_semaphore(%arg9 : memref<!tpu.dma_semaphore, #tpu.memory_space<semaphore_mem>>)
    %dma_wait3A_2152 = tpu.memref_slice %arg5[%mul3A_8] : memref<1572864xf32, #tpu.memory_space<vmem_shared>> -> memref<49152xf32, #tpu.memory_space<vmem_shared>>
    %dma_wait3A_2153 = tpu.memref_slice %arg3[%add3A_2137] : memref<100663296xf32, #tpu.memory_space<hbm>> -> memref<49152xf32, #tpu.memory_space<hbm>>
    tpu.wait_dma2 semaphore(%arg8 : memref<!tpu.dma_semaphore, #tpu.memory_space<semaphore_mem>>) src(%dma_wait3A_2153 : memref<49152xf32, #tpu.memory_space<hbm>>) dst(%dma_wait3A_2152 : memref<49152xf32, #tpu.memory_space<vmem_shared>>)
    %add3A_2154 = arith.constant 1376256 : i32
    %add3A_2155 = arith.addi %mul3A_2, %add3A_2154 : i32
    %dma_start3A_2156 = tpu.memref_slice %arg4[%add3A_2155] : memref<100663296xf32, #tpu.memory_space<hbm>> -> memref<49152xf32, #tpu.memory_space<hbm>>
    %dma_start3A_2157 = tpu.memref_slice %arg5[%mul3A_8] : memref<1572864xf32, #tpu.memory_space<vmem_shared>> -> memref<49152xf32, #tpu.memory_space<vmem_shared>>
    tpu.enqueue_dma source(%dma_start3A_2157 : memref<49152xf32, #tpu.memory_space<vmem_shared>>) target(%dma_start3A_2156 : memref<49152xf32, #tpu.memory_space<hbm>>) target_semaphore(%arg10 : memref<!tpu.dma_semaphore, #tpu.memory_space<semaphore_mem>>)
    %dma_wait3A_2158 = tpu.memref_slice %arg4[%add3A_2155] : memref<100663296xf32, #tpu.memory_space<hbm>> -> memref<49152xf32, #tpu.memory_space<hbm>>
    %dma_wait3A_2159 = tpu.memref_slice %arg5[%mul3A_8] : memref<1572864xf32, #tpu.memory_space<vmem_shared>> -> memref<49152xf32, #tpu.memory_space<vmem_shared>>
    tpu.wait_dma2 semaphore(%arg10 : memref<!tpu.dma_semaphore, #tpu.memory_space<semaphore_mem>>) src(%dma_wait3A_2159 : memref<49152xf32, #tpu.memory_space<vmem_shared>>) dst(%dma_wait3A_2158 : memref<49152xf32, #tpu.memory_space<hbm>>)
    %add3A_2160 = arith.constant 1474560 : i32
    %add3A_2161 = arith.addi %mul3A_2, %add3A_2160 : i32
    %dma_start3A_2162 = tpu.memref_slice %arg5[%mul3A_8] : memref<1572864xf32, #tpu.memory_space<vmem_shared>> -> memref<49152xf32, #tpu.memory_space<vmem_shared>>
    %dma_start3A_2163 = tpu.memref_slice %arg3[%add3A_2161] : memref<100663296xf32, #tpu.memory_space<hbm>> -> memref<49152xf32, #tpu.memory_space<hbm>>
    tpu.enqueue_dma source(%dma_start3A_2163 : memref<49152xf32, #tpu.memory_space<hbm>>) target(%dma_start3A_2162 : memref<49152xf32, #tpu.memory_space<vmem_shared>>) target_semaphore(%arg8 : memref<!tpu.dma_semaphore, #tpu.memory_space<semaphore_mem>>)
    %dma_wait3A_2164 = tpu.memref_slice %arg5[%mul3A_14] : memref<1572864xf32, #tpu.memory_space<vmem_shared>> -> memref<49152xf32, #tpu.memory_space<vmem_shared>>
    %dma_wait3A_2165 = tpu.memref_slice %arg3[%add3A_2149] : memref<100663296xf32, #tpu.memory_space<hbm>> -> memref<49152xf32, #tpu.memory_space<hbm>>
    tpu.wait_dma2 semaphore(%arg9 : memref<!tpu.dma_semaphore, #tpu.memory_space<semaphore_mem>>) src(%dma_wait3A_2165 : memref<49152xf32, #tpu.memory_space<hbm>>) dst(%dma_wait3A_2164 : memref<49152xf32, #tpu.memory_space<vmem_shared>>)
    %add3A_2166 = arith.constant 1425408 : i32
    %add3A_2167 = arith.addi %mul3A_2, %add3A_2166 : i32
    %dma_start3A_2168 = tpu.memref_slice %arg4[%add3A_2167] : memref<100663296xf32, #tpu.memory_space<hbm>> -> memref<49152xf32, #tpu.memory_space<hbm>>
    %dma_start3A_2169 = tpu.memref_slice %arg5[%mul3A_14] : memref<1572864xf32, #tpu.memory_space<vmem_shared>> -> memref<49152xf32, #tpu.memory_space<vmem_shared>>
    tpu.enqueue_dma source(%dma_start3A_2169 : memref<49152xf32, #tpu.memory_space<vmem_shared>>) target(%dma_start3A_2168 : memref<49152xf32, #tpu.memory_space<hbm>>) target_semaphore(%arg11 : memref<!tpu.dma_semaphore, #tpu.memory_space<semaphore_mem>>)
    %dma_wait3A_2170 = tpu.memref_slice %arg4[%add3A_2167] : memref<100663296xf32, #tpu.memory_space<hbm>> -> memref<49152xf32, #tpu.memory_space<hbm>>
    %dma_wait3A_2171 = tpu.memref_slice %arg5[%mul3A_14] : memref<1572864xf32, #tpu.memory_space<vmem_shared>> -> memref<49152xf32, #tpu.memory_space<vmem_shared>>
    tpu.wait_dma2 semaphore(%arg11 : memref<!tpu.dma_semaphore, #tpu.memory_space<semaphore_mem>>) src(%dma_wait3A_2171 : memref<49152xf32, #tpu.memory_space<vmem_shared>>) dst(%dma_wait3A_2170 : memref<49152xf32, #tpu.memory_space<hbm>>)
    %add3A_2172 = arith.constant 1523712 : i32
    %add3A_2173 = arith.addi %mul3A_2, %add3A_2172 : i32
    %dma_start3A_2174 = tpu.memref_slice %arg5[%mul3A_14] : memref<1572864xf32, #tpu.memory_space<vmem_shared>> -> memref<49152xf32, #tpu.memory_space<vmem_shared>>
    %dma_start3A_2175 = tpu.memref_slice %arg3[%add3A_2173] : memref<100663296xf32, #tpu.memory_space<hbm>> -> memref<49152xf32, #tpu.memory_space<hbm>>
    tpu.enqueue_dma source(%dma_start3A_2175 : memref<49152xf32, #tpu.memory_space<hbm>>) target(%dma_start3A_2174 : memref<49152xf32, #tpu.memory_space<vmem_shared>>) target_semaphore(%arg9 : memref<!tpu.dma_semaphore, #tpu.memory_space<semaphore_mem>>)
    %dma_wait3A_2176 = tpu.memref_slice %arg5[%mul3A_8] : memref<1572864xf32, #tpu.memory_space<vmem_shared>> -> memref<49152xf32, #tpu.memory_space<vmem_shared>>
    %dma_wait3A_2177 = tpu.memref_slice %arg3[%add3A_2161] : memref<100663296xf32, #tpu.memory_space<hbm>> -> memref<49152xf32, #tpu.memory_space<hbm>>
    tpu.wait_dma2 semaphore(%arg8 : memref<!tpu.dma_semaphore, #tpu.memory_space<semaphore_mem>>) src(%dma_wait3A_2177 : memref<49152xf32, #tpu.memory_space<hbm>>) dst(%dma_wait3A_2176 : memref<49152xf32, #tpu.memory_space<vmem_shared>>)
    %add3A_2178 = arith.constant 1474560 : i32
    %add3A_2179 = arith.addi %mul3A_2, %add3A_2178 : i32
    %dma_start3A_2180 = tpu.memref_slice %arg4[%add3A_2179] : memref<100663296xf32, #tpu.memory_space<hbm>> -> memref<49152xf32, #tpu.memory_space<hbm>>
    %dma_start3A_2181 = tpu.memref_slice %arg5[%mul3A_8] : memref<1572864xf32, #tpu.memory_space<vmem_shared>> -> memref<49152xf32, #tpu.memory_space<vmem_shared>>
    tpu.enqueue_dma source(%dma_start3A_2181 : memref<49152xf32, #tpu.memory_space<vmem_shared>>) target(%dma_start3A_2180 : memref<49152xf32, #tpu.memory_space<hbm>>) target_semaphore(%arg10 : memref<!tpu.dma_semaphore, #tpu.memory_space<semaphore_mem>>)
    %dma_wait3A_2182 = tpu.memref_slice %arg4[%add3A_2179] : memref<100663296xf32, #tpu.memory_space<hbm>> -> memref<49152xf32, #tpu.memory_space<hbm>>
    %dma_wait3A_2183 = tpu.memref_slice %arg5[%mul3A_8] : memref<1572864xf32, #tpu.memory_space<vmem_shared>> -> memref<49152xf32, #tpu.memory_space<vmem_shared>>
    tpu.wait_dma2 semaphore(%arg10 : memref<!tpu.dma_semaphore, #tpu.memory_space<semaphore_mem>>) src(%dma_wait3A_2183 : memref<49152xf32, #tpu.memory_space<vmem_shared>>) dst(%dma_wait3A_2182 : memref<49152xf32, #tpu.memory_space<hbm>>)
    %add3A_2184 = arith.constant 1572864 : i32
    %add3A_2185 = arith.addi %mul3A_2, %add3A_2184 : i32
    %dma_start3A_2186 = tpu.memref_slice %arg5[%mul3A_8] : memref<1572864xf32, #tpu.memory_space<vmem_shared>> -> memref<49152xf32, #tpu.memory_space<vmem_shared>>
    %dma_start3A_2187 = tpu.memref_slice %arg3[%add3A_2185] : memref<100663296xf32, #tpu.memory_space<hbm>> -> memref<49152xf32, #tpu.memory_space<hbm>>
    tpu.enqueue_dma source(%dma_start3A_2187 : memref<49152xf32, #tpu.memory_space<hbm>>) target(%dma_start3A_2186 : memref<49152xf32, #tpu.memory_space<vmem_shared>>) target_semaphore(%arg8 : memref<!tpu.dma_semaphore, #tpu.memory_space<semaphore_mem>>)
    %dma_wait3A_2188 = tpu.memref_slice %arg5[%mul3A_14] : memref<1572864xf32, #tpu.memory_space<vmem_shared>> -> memref<49152xf32, #tpu.memory_space<vmem_shared>>
    %dma_wait3A_2189 = tpu.memref_slice %arg3[%add3A_2173] : memref<100663296xf32, #tpu.memory_space<hbm>> -> memref<49152xf32, #tpu.memory_space<hbm>>
    tpu.wait_dma2 semaphore(%arg9 : memref<!tpu.dma_semaphore, #tpu.memory_space<semaphore_mem>>) src(%dma_wait3A_2189 : memref<49152xf32, #tpu.memory_space<hbm>>) dst(%dma_wait3A_2188 : memref<49152xf32, #tpu.memory_space<vmem_shared>>)
    %add3A_2190 = arith.constant 1523712 : i32
    %add3A_2191 = arith.addi %mul3A_2, %add3A_2190 : i32
    %dma_start3A_2192 = tpu.memref_slice %arg4[%add3A_2191] : memref<100663296xf32, #tpu.memory_space<hbm>> -> memref<49152xf32, #tpu.memory_space<hbm>>
    %dma_start3A_2193 = tpu.memref_slice %arg5[%mul3A_14] : memref<1572864xf32, #tpu.memory_space<vmem_shared>> -> memref<49152xf32, #tpu.memory_space<vmem_shared>>
    tpu.enqueue_dma source(%dma_start3A_2193 : memref<49152xf32, #tpu.memory_space<vmem_shared>>) target(%dma_start3A_2192 : memref<49152xf32, #tpu.memory_space<hbm>>) target_semaphore(%arg11 : memref<!tpu.dma_semaphore, #tpu.memory_space<semaphore_mem>>)
    %dma_wait3A_2194 = tpu.memref_slice %arg4[%add3A_2191] : memref<100663296xf32, #tpu.memory_space<hbm>> -> memref<49152xf32, #tpu.memory_space<hbm>>
    %dma_wait3A_2195 = tpu.memref_slice %arg5[%mul3A_14] : memref<1572864xf32, #tpu.memory_space<vmem_shared>> -> memref<49152xf32, #tpu.memory_space<vmem_shared>>
    tpu.wait_dma2 semaphore(%arg11 : memref<!tpu.dma_semaphore, #tpu.memory_space<semaphore_mem>>) src(%dma_wait3A_2195 : memref<49152xf32, #tpu.memory_space<vmem_shared>>) dst(%dma_wait3A_2194 : memref<49152xf32, #tpu.memory_space<hbm>>)
    %add3A_2196 = arith.constant 1622016 : i32
    %add3A_2197 = arith.addi %mul3A_2, %add3A_2196 : i32
    %dma_start3A_2198 = tpu.memref_slice %arg5[%mul3A_14] : memref<1572864xf32, #tpu.memory_space<vmem_shared>> -> memref<49152xf32, #tpu.memory_space<vmem_shared>>
    %dma_start3A_2199 = tpu.memref_slice %arg3[%add3A_2197] : memref<100663296xf32, #tpu.memory_space<hbm>> -> memref<49152xf32, #tpu.memory_space<hbm>>
    tpu.enqueue_dma source(%dma_start3A_2199 : memref<49152xf32, #tpu.memory_space<hbm>>) target(%dma_start3A_2198 : memref<49152xf32, #tpu.memory_space<vmem_shared>>) target_semaphore(%arg9 : memref<!tpu.dma_semaphore, #tpu.memory_space<semaphore_mem>>)
    %dma_wait3A_2200 = tpu.memref_slice %arg5[%mul3A_8] : memref<1572864xf32, #tpu.memory_space<vmem_shared>> -> memref<49152xf32, #tpu.memory_space<vmem_shared>>
    %dma_wait3A_2201 = tpu.memref_slice %arg3[%add3A_2185] : memref<100663296xf32, #tpu.memory_space<hbm>> -> memref<49152xf32, #tpu.memory_space<hbm>>
    tpu.wait_dma2 semaphore(%arg8 : memref<!tpu.dma_semaphore, #tpu.memory_space<semaphore_mem>>) src(%dma_wait3A_2201 : memref<49152xf32, #tpu.memory_space<hbm>>) dst(%dma_wait3A_2200 : memref<49152xf32, #tpu.memory_space<vmem_shared>>)
    %add3A_2202 = arith.constant 1572864 : i32
    %add3A_2203 = arith.addi %mul3A_2, %add3A_2202 : i32
    %dma_start3A_2204 = tpu.memref_slice %arg4[%add3A_2203] : memref<100663296xf32, #tpu.memory_space<hbm>> -> memref<49152xf32, #tpu.memory_space<hbm>>
    %dma_start3A_2205 = tpu.memref_slice %arg5[%mul3A_8] : memref<1572864xf32, #tpu.memory_space<vmem_shared>> -> memref<49152xf32, #tpu.memory_space<vmem_shared>>
    tpu.enqueue_dma source(%dma_start3A_2205 : memref<49152xf32, #tpu.memory_space<vmem_shared>>) target(%dma_start3A_2204 : memref<49152xf32, #tpu.memory_space<hbm>>) target_semaphore(%arg10 : memref<!tpu.dma_semaphore, #tpu.memory_space<semaphore_mem>>)
    %dma_wait3A_2206 = tpu.memref_slice %arg4[%add3A_2203] : memref<100663296xf32, #tpu.memory_space<hbm>> -> memref<49152xf32, #tpu.memory_space<hbm>>
    %dma_wait3A_2207 = tpu.memref_slice %arg5[%mul3A_8] : memref<1572864xf32, #tpu.memory_space<vmem_shared>> -> memref<49152xf32, #tpu.memory_space<vmem_shared>>
    tpu.wait_dma2 semaphore(%arg10 : memref<!tpu.dma_semaphore, #tpu.memory_space<semaphore_mem>>) src(%dma_wait3A_2207 : memref<49152xf32, #tpu.memory_space<vmem_shared>>) dst(%dma_wait3A_2206 : memref<49152xf32, #tpu.memory_space<hbm>>)
    %add3A_2208 = arith.constant 1671168 : i32
    %add3A_2209 = arith.addi %mul3A_2, %add3A_2208 : i32
    %dma_start3A_2210 = tpu.memref_slice %arg5[%mul3A_8] : memref<1572864xf32, #tpu.memory_space<vmem_shared>> -> memref<49152xf32, #tpu.memory_space<vmem_shared>>
    %dma_start3A_2211 = tpu.memref_slice %arg3[%add3A_2209] : memref<100663296xf32, #tpu.memory_space<hbm>> -> memref<49152xf32, #tpu.memory_space<hbm>>
    tpu.enqueue_dma source(%dma_start3A_2211 : memref<49152xf32, #tpu.memory_space<hbm>>) target(%dma_start3A_2210 : memref<49152xf32, #tpu.memory_space<vmem_shared>>) target_semaphore(%arg8 : memref<!tpu.dma_semaphore, #tpu.memory_space<semaphore_mem>>)
    %dma_wait3A_2212 = tpu.memref_slice %arg5[%mul3A_14] : memref<1572864xf32, #tpu.memory_space<vmem_shared>> -> memref<49152xf32, #tpu.memory_space<vmem_shared>>
    %dma_wait3A_2213 = tpu.memref_slice %arg3[%add3A_2197] : memref<100663296xf32, #tpu.memory_space<hbm>> -> memref<49152xf32, #tpu.memory_space<hbm>>
    tpu.wait_dma2 semaphore(%arg9 : memref<!tpu.dma_semaphore, #tpu.memory_space<semaphore_mem>>) src(%dma_wait3A_2213 : memref<49152xf32, #tpu.memory_space<hbm>>) dst(%dma_wait3A_2212 : memref<49152xf32, #tpu.memory_space<vmem_shared>>)
    %add3A_2214 = arith.constant 1622016 : i32
    %add3A_2215 = arith.addi %mul3A_2, %add3A_2214 : i32
    %dma_start3A_2216 = tpu.memref_slice %arg4[%add3A_2215] : memref<100663296xf32, #tpu.memory_space<hbm>> -> memref<49152xf32, #tpu.memory_space<hbm>>
    %dma_start3A_2217 = tpu.memref_slice %arg5[%mul3A_14] : memref<1572864xf32, #tpu.memory_space<vmem_shared>> -> memref<49152xf32, #tpu.memory_space<vmem_shared>>
    tpu.enqueue_dma source(%dma_start3A_2217 : memref<49152xf32, #tpu.memory_space<vmem_shared>>) target(%dma_start3A_2216 : memref<49152xf32, #tpu.memory_space<hbm>>) target_semaphore(%arg11 : memref<!tpu.dma_semaphore, #tpu.memory_space<semaphore_mem>>)
    %dma_wait3A_2218 = tpu.memref_slice %arg4[%add3A_2215] : memref<100663296xf32, #tpu.memory_space<hbm>> -> memref<49152xf32, #tpu.memory_space<hbm>>
    %dma_wait3A_2219 = tpu.memref_slice %arg5[%mul3A_14] : memref<1572864xf32, #tpu.memory_space<vmem_shared>> -> memref<49152xf32, #tpu.memory_space<vmem_shared>>
    tpu.wait_dma2 semaphore(%arg11 : memref<!tpu.dma_semaphore, #tpu.memory_space<semaphore_mem>>) src(%dma_wait3A_2219 : memref<49152xf32, #tpu.memory_space<vmem_shared>>) dst(%dma_wait3A_2218 : memref<49152xf32, #tpu.memory_space<hbm>>)
    %add3A_2220 = arith.constant 1720320 : i32
    %add3A_2221 = arith.addi %mul3A_2, %add3A_2220 : i32
    %dma_start3A_2222 = tpu.memref_slice %arg5[%mul3A_14] : memref<1572864xf32, #tpu.memory_space<vmem_shared>> -> memref<49152xf32, #tpu.memory_space<vmem_shared>>
    %dma_start3A_2223 = tpu.memref_slice %arg3[%add3A_2221] : memref<100663296xf32, #tpu.memory_space<hbm>> -> memref<49152xf32, #tpu.memory_space<hbm>>
    tpu.enqueue_dma source(%dma_start3A_2223 : memref<49152xf32, #tpu.memory_space<hbm>>) target(%dma_start3A_2222 : memref<49152xf32, #tpu.memory_space<vmem_shared>>) target_semaphore(%arg9 : memref<!tpu.dma_semaphore, #tpu.memory_space<semaphore_mem>>)
    %dma_wait3A_2224 = tpu.memref_slice %arg5[%mul3A_8] : memref<1572864xf32, #tpu.memory_space<vmem_shared>> -> memref<49152xf32, #tpu.memory_space<vmem_shared>>
    %dma_wait3A_2225 = tpu.memref_slice %arg3[%add3A_2209] : memref<100663296xf32, #tpu.memory_space<hbm>> -> memref<49152xf32, #tpu.memory_space<hbm>>
    tpu.wait_dma2 semaphore(%arg8 : memref<!tpu.dma_semaphore, #tpu.memory_space<semaphore_mem>>) src(%dma_wait3A_2225 : memref<49152xf32, #tpu.memory_space<hbm>>) dst(%dma_wait3A_2224 : memref<49152xf32, #tpu.memory_space<vmem_shared>>)
    %add3A_2226 = arith.constant 1671168 : i32
    %add3A_2227 = arith.addi %mul3A_2, %add3A_2226 : i32
    %dma_start3A_2228 = tpu.memref_slice %arg4[%add3A_2227] : memref<100663296xf32, #tpu.memory_space<hbm>> -> memref<49152xf32, #tpu.memory_space<hbm>>
    %dma_start3A_2229 = tpu.memref_slice %arg5[%mul3A_8] : memref<1572864xf32, #tpu.memory_space<vmem_shared>> -> memref<49152xf32, #tpu.memory_space<vmem_shared>>
    tpu.enqueue_dma source(%dma_start3A_2229 : memref<49152xf32, #tpu.memory_space<vmem_shared>>) target(%dma_start3A_2228 : memref<49152xf32, #tpu.memory_space<hbm>>) target_semaphore(%arg10 : memref<!tpu.dma_semaphore, #tpu.memory_space<semaphore_mem>>)
    %dma_wait3A_2230 = tpu.memref_slice %arg4[%add3A_2227] : memref<100663296xf32, #tpu.memory_space<hbm>> -> memref<49152xf32, #tpu.memory_space<hbm>>
    %dma_wait3A_2231 = tpu.memref_slice %arg5[%mul3A_8] : memref<1572864xf32, #tpu.memory_space<vmem_shared>> -> memref<49152xf32, #tpu.memory_space<vmem_shared>>
    tpu.wait_dma2 semaphore(%arg10 : memref<!tpu.dma_semaphore, #tpu.memory_space<semaphore_mem>>) src(%dma_wait3A_2231 : memref<49152xf32, #tpu.memory_space<vmem_shared>>) dst(%dma_wait3A_2230 : memref<49152xf32, #tpu.memory_space<hbm>>)
    %add3A_2232 = arith.constant 1769472 : i32
    %add3A_2233 = arith.addi %mul3A_2, %add3A_2232 : i32
    %dma_start3A_2234 = tpu.memref_slice %arg5[%mul3A_8] : memref<1572864xf32, #tpu.memory_space<vmem_shared>> -> memref<49152xf32, #tpu.memory_space<vmem_shared>>
    %dma_start3A_2235 = tpu.memref_slice %arg3[%add3A_2233] : memref<100663296xf32, #tpu.memory_space<hbm>> -> memref<49152xf32, #tpu.memory_space<hbm>>
    tpu.enqueue_dma source(%dma_start3A_2235 : memref<49152xf32, #tpu.memory_space<hbm>>) target(%dma_start3A_2234 : memref<49152xf32, #tpu.memory_space<vmem_shared>>) target_semaphore(%arg8 : memref<!tpu.dma_semaphore, #tpu.memory_space<semaphore_mem>>)
    %dma_wait3A_2236 = tpu.memref_slice %arg5[%mul3A_14] : memref<1572864xf32, #tpu.memory_space<vmem_shared>> -> memref<49152xf32, #tpu.memory_space<vmem_shared>>
    %dma_wait3A_2237 = tpu.memref_slice %arg3[%add3A_2221] : memref<100663296xf32, #tpu.memory_space<hbm>> -> memref<49152xf32, #tpu.memory_space<hbm>>
    tpu.wait_dma2 semaphore(%arg9 : memref<!tpu.dma_semaphore, #tpu.memory_space<semaphore_mem>>) src(%dma_wait3A_2237 : memref<49152xf32, #tpu.memory_space<hbm>>) dst(%dma_wait3A_2236 : memref<49152xf32, #tpu.memory_space<vmem_shared>>)
    %add3A_2238 = arith.constant 1720320 : i32
    %add3A_2239 = arith.addi %mul3A_2, %add3A_2238 : i32
    %dma_start3A_2240 = tpu.memref_slice %arg4[%add3A_2239] : memref<100663296xf32, #tpu.memory_space<hbm>> -> memref<49152xf32, #tpu.memory_space<hbm>>
    %dma_start3A_2241 = tpu.memref_slice %arg5[%mul3A_14] : memref<1572864xf32, #tpu.memory_space<vmem_shared>> -> memref<49152xf32, #tpu.memory_space<vmem_shared>>
    tpu.enqueue_dma source(%dma_start3A_2241 : memref<49152xf32, #tpu.memory_space<vmem_shared>>) target(%dma_start3A_2240 : memref<49152xf32, #tpu.memory_space<hbm>>) target_semaphore(%arg11 : memref<!tpu.dma_semaphore, #tpu.memory_space<semaphore_mem>>)
    %dma_wait3A_2242 = tpu.memref_slice %arg4[%add3A_2239] : memref<100663296xf32, #tpu.memory_space<hbm>> -> memref<49152xf32, #tpu.memory_space<hbm>>
    %dma_wait3A_2243 = tpu.memref_slice %arg5[%mul3A_14] : memref<1572864xf32, #tpu.memory_space<vmem_shared>> -> memref<49152xf32, #tpu.memory_space<vmem_shared>>
    tpu.wait_dma2 semaphore(%arg11 : memref<!tpu.dma_semaphore, #tpu.memory_space<semaphore_mem>>) src(%dma_wait3A_2243 : memref<49152xf32, #tpu.memory_space<vmem_shared>>) dst(%dma_wait3A_2242 : memref<49152xf32, #tpu.memory_space<hbm>>)
    %add3A_2244 = arith.constant 1818624 : i32
    %add3A_2245 = arith.addi %mul3A_2, %add3A_2244 : i32
    %dma_start3A_2246 = tpu.memref_slice %arg5[%mul3A_14] : memref<1572864xf32, #tpu.memory_space<vmem_shared>> -> memref<49152xf32, #tpu.memory_space<vmem_shared>>
    %dma_start3A_2247 = tpu.memref_slice %arg3[%add3A_2245] : memref<100663296xf32, #tpu.memory_space<hbm>> -> memref<49152xf32, #tpu.memory_space<hbm>>
    tpu.enqueue_dma source(%dma_start3A_2247 : memref<49152xf32, #tpu.memory_space<hbm>>) target(%dma_start3A_2246 : memref<49152xf32, #tpu.memory_space<vmem_shared>>) target_semaphore(%arg9 : memref<!tpu.dma_semaphore, #tpu.memory_space<semaphore_mem>>)
    %dma_wait3A_2248 = tpu.memref_slice %arg5[%mul3A_8] : memref<1572864xf32, #tpu.memory_space<vmem_shared>> -> memref<49152xf32, #tpu.memory_space<vmem_shared>>
    %dma_wait3A_2249 = tpu.memref_slice %arg3[%add3A_2233] : memref<100663296xf32, #tpu.memory_space<hbm>> -> memref<49152xf32, #tpu.memory_space<hbm>>
    tpu.wait_dma2 semaphore(%arg8 : memref<!tpu.dma_semaphore, #tpu.memory_space<semaphore_mem>>) src(%dma_wait3A_2249 : memref<49152xf32, #tpu.memory_space<hbm>>) dst(%dma_wait3A_2248 : memref<49152xf32, #tpu.memory_space<vmem_shared>>)
    %add3A_2250 = arith.constant 1769472 : i32
    %add3A_2251 = arith.addi %mul3A_2, %add3A_2250 : i32
    %dma_start3A_2252 = tpu.memref_slice %arg4[%add3A_2251] : memref<100663296xf32, #tpu.memory_space<hbm>> -> memref<49152xf32, #tpu.memory_space<hbm>>
    %dma_start3A_2253 = tpu.memref_slice %arg5[%mul3A_8] : memref<1572864xf32, #tpu.memory_space<vmem_shared>> -> memref<49152xf32, #tpu.memory_space<vmem_shared>>
    tpu.enqueue_dma source(%dma_start3A_2253 : memref<49152xf32, #tpu.memory_space<vmem_shared>>) target(%dma_start3A_2252 : memref<49152xf32, #tpu.memory_space<hbm>>) target_semaphore(%arg10 : memref<!tpu.dma_semaphore, #tpu.memory_space<semaphore_mem>>)
    %dma_wait3A_2254 = tpu.memref_slice %arg4[%add3A_2251] : memref<100663296xf32, #tpu.memory_space<hbm>> -> memref<49152xf32, #tpu.memory_space<hbm>>
    %dma_wait3A_2255 = tpu.memref_slice %arg5[%mul3A_8] : memref<1572864xf32, #tpu.memory_space<vmem_shared>> -> memref<49152xf32, #tpu.memory_space<vmem_shared>>
    tpu.wait_dma2 semaphore(%arg10 : memref<!tpu.dma_semaphore, #tpu.memory_space<semaphore_mem>>) src(%dma_wait3A_2255 : memref<49152xf32, #tpu.memory_space<vmem_shared>>) dst(%dma_wait3A_2254 : memref<49152xf32, #tpu.memory_space<hbm>>)
    %add3A_2256 = arith.constant 1867776 : i32
    %add3A_2257 = arith.addi %mul3A_2, %add3A_2256 : i32
    %dma_start3A_2258 = tpu.memref_slice %arg5[%mul3A_8] : memref<1572864xf32, #tpu.memory_space<vmem_shared>> -> memref<49152xf32, #tpu.memory_space<vmem_shared>>
    %dma_start3A_2259 = tpu.memref_slice %arg3[%add3A_2257] : memref<100663296xf32, #tpu.memory_space<hbm>> -> memref<49152xf32, #tpu.memory_space<hbm>>
    tpu.enqueue_dma source(%dma_start3A_2259 : memref<49152xf32, #tpu.memory_space<hbm>>) target(%dma_start3A_2258 : memref<49152xf32, #tpu.memory_space<vmem_shared>>) target_semaphore(%arg8 : memref<!tpu.dma_semaphore, #tpu.memory_space<semaphore_mem>>)
    %dma_wait3A_2260 = tpu.memref_slice %arg5[%mul3A_14] : memref<1572864xf32, #tpu.memory_space<vmem_shared>> -> memref<49152xf32, #tpu.memory_space<vmem_shared>>
    %dma_wait3A_2261 = tpu.memref_slice %arg3[%add3A_2245] : memref<100663296xf32, #tpu.memory_space<hbm>> -> memref<49152xf32, #tpu.memory_space<hbm>>
    tpu.wait_dma2 semaphore(%arg9 : memref<!tpu.dma_semaphore, #tpu.memory_space<semaphore_mem>>) src(%dma_wait3A_2261 : memref<49152xf32, #tpu.memory_space<hbm>>) dst(%dma_wait3A_2260 : memref<49152xf32, #tpu.memory_space<vmem_shared>>)
    %add3A_2262 = arith.constant 1818624 : i32
    %add3A_2263 = arith.addi %mul3A_2, %add3A_2262 : i32
    %dma_start3A_2264 = tpu.memref_slice %arg4[%add3A_2263] : memref<100663296xf32, #tpu.memory_space<hbm>> -> memref<49152xf32, #tpu.memory_space<hbm>>
    %dma_start3A_2265 = tpu.memref_slice %arg5[%mul3A_14] : memref<1572864xf32, #tpu.memory_space<vmem_shared>> -> memref<49152xf32, #tpu.memory_space<vmem_shared>>
    tpu.enqueue_dma source(%dma_start3A_2265 : memref<49152xf32, #tpu.memory_space<vmem_shared>>) target(%dma_start3A_2264 : memref<49152xf32, #tpu.memory_space<hbm>>) target_semaphore(%arg11 : memref<!tpu.dma_semaphore, #tpu.memory_space<semaphore_mem>>)
    %dma_wait3A_2266 = tpu.memref_slice %arg4[%add3A_2263] : memref<100663296xf32, #tpu.memory_space<hbm>> -> memref<49152xf32, #tpu.memory_space<hbm>>
    %dma_wait3A_2267 = tpu.memref_slice %arg5[%mul3A_14] : memref<1572864xf32, #tpu.memory_space<vmem_shared>> -> memref<49152xf32, #tpu.memory_space<vmem_shared>>
    tpu.wait_dma2 semaphore(%arg11 : memref<!tpu.dma_semaphore, #tpu.memory_space<semaphore_mem>>) src(%dma_wait3A_2267 : memref<49152xf32, #tpu.memory_space<vmem_shared>>) dst(%dma_wait3A_2266 : memref<49152xf32, #tpu.memory_space<hbm>>)
    %add3A_2268 = arith.constant 1916928 : i32
    %add3A_2269 = arith.addi %mul3A_2, %add3A_2268 : i32
    %dma_start3A_2270 = tpu.memref_slice %arg5[%mul3A_14] : memref<1572864xf32, #tpu.memory_space<vmem_shared>> -> memref<49152xf32, #tpu.memory_space<vmem_shared>>
    %dma_start3A_2271 = tpu.memref_slice %arg3[%add3A_2269] : memref<100663296xf32, #tpu.memory_space<hbm>> -> memref<49152xf32, #tpu.memory_space<hbm>>
    tpu.enqueue_dma source(%dma_start3A_2271 : memref<49152xf32, #tpu.memory_space<hbm>>) target(%dma_start3A_2270 : memref<49152xf32, #tpu.memory_space<vmem_shared>>) target_semaphore(%arg9 : memref<!tpu.dma_semaphore, #tpu.memory_space<semaphore_mem>>)
    %dma_wait3A_2272 = tpu.memref_slice %arg5[%mul3A_8] : memref<1572864xf32, #tpu.memory_space<vmem_shared>> -> memref<49152xf32, #tpu.memory_space<vmem_shared>>
    %dma_wait3A_2273 = tpu.memref_slice %arg3[%add3A_2257] : memref<100663296xf32, #tpu.memory_space<hbm>> -> memref<49152xf32, #tpu.memory_space<hbm>>
    tpu.wait_dma2 semaphore(%arg8 : memref<!tpu.dma_semaphore, #tpu.memory_space<semaphore_mem>>) src(%dma_wait3A_2273 : memref<49152xf32, #tpu.memory_space<hbm>>) dst(%dma_wait3A_2272 : memref<49152xf32, #tpu.memory_space<vmem_shared>>)
    %add3A_2274 = arith.constant 1867776 : i32
    %add3A_2275 = arith.addi %mul3A_2, %add3A_2274 : i32
    %dma_start3A_2276 = tpu.memref_slice %arg4[%add3A_2275] : memref<100663296xf32, #tpu.memory_space<hbm>> -> memref<49152xf32, #tpu.memory_space<hbm>>
    %dma_start3A_2277 = tpu.memref_slice %arg5[%mul3A_8] : memref<1572864xf32, #tpu.memory_space<vmem_shared>> -> memref<49152xf32, #tpu.memory_space<vmem_shared>>
    tpu.enqueue_dma source(%dma_start3A_2277 : memref<49152xf32, #tpu.memory_space<vmem_shared>>) target(%dma_start3A_2276 : memref<49152xf32, #tpu.memory_space<hbm>>) target_semaphore(%arg10 : memref<!tpu.dma_semaphore, #tpu.memory_space<semaphore_mem>>)
    %dma_wait3A_2278 = tpu.memref_slice %arg4[%add3A_2275] : memref<100663296xf32, #tpu.memory_space<hbm>> -> memref<49152xf32, #tpu.memory_space<hbm>>
    %dma_wait3A_2279 = tpu.memref_slice %arg5[%mul3A_8] : memref<1572864xf32, #tpu.memory_space<vmem_shared>> -> memref<49152xf32, #tpu.memory_space<vmem_shared>>
    tpu.wait_dma2 semaphore(%arg10 : memref<!tpu.dma_semaphore, #tpu.memory_space<semaphore_mem>>) src(%dma_wait3A_2279 : memref<49152xf32, #tpu.memory_space<vmem_shared>>) dst(%dma_wait3A_2278 : memref<49152xf32, #tpu.memory_space<hbm>>)
    %add3A_2280 = arith.constant 1966080 : i32
    %add3A_2281 = arith.addi %mul3A_2, %add3A_2280 : i32
    %dma_start3A_2282 = tpu.memref_slice %arg5[%mul3A_8] : memref<1572864xf32, #tpu.memory_space<vmem_shared>> -> memref<49152xf32, #tpu.memory_space<vmem_shared>>
    %dma_start3A_2283 = tpu.memref_slice %arg3[%add3A_2281] : memref<100663296xf32, #tpu.memory_space<hbm>> -> memref<49152xf32, #tpu.memory_space<hbm>>
    tpu.enqueue_dma source(%dma_start3A_2283 : memref<49152xf32, #tpu.memory_space<hbm>>) target(%dma_start3A_2282 : memref<49152xf32, #tpu.memory_space<vmem_shared>>) target_semaphore(%arg8 : memref<!tpu.dma_semaphore, #tpu.memory_space<semaphore_mem>>)
    %dma_wait3A_2284 = tpu.memref_slice %arg5[%mul3A_14] : memref<1572864xf32, #tpu.memory_space<vmem_shared>> -> memref<49152xf32, #tpu.memory_space<vmem_shared>>
    %dma_wait3A_2285 = tpu.memref_slice %arg3[%add3A_2269] : memref<100663296xf32, #tpu.memory_space<hbm>> -> memref<49152xf32, #tpu.memory_space<hbm>>
    tpu.wait_dma2 semaphore(%arg9 : memref<!tpu.dma_semaphore, #tpu.memory_space<semaphore_mem>>) src(%dma_wait3A_2285 : memref<49152xf32, #tpu.memory_space<hbm>>) dst(%dma_wait3A_2284 : memref<49152xf32, #tpu.memory_space<vmem_shared>>)
    %add3A_2286 = arith.constant 1916928 : i32
    %add3A_2287 = arith.addi %mul3A_2, %add3A_2286 : i32
    %dma_start3A_2288 = tpu.memref_slice %arg4[%add3A_2287] : memref<100663296xf32, #tpu.memory_space<hbm>> -> memref<49152xf32, #tpu.memory_space<hbm>>
    %dma_start3A_2289 = tpu.memref_slice %arg5[%mul3A_14] : memref<1572864xf32, #tpu.memory_space<vmem_shared>> -> memref<49152xf32, #tpu.memory_space<vmem_shared>>
    tpu.enqueue_dma source(%dma_start3A_2289 : memref<49152xf32, #tpu.memory_space<vmem_shared>>) target(%dma_start3A_2288 : memref<49152xf32, #tpu.memory_space<hbm>>) target_semaphore(%arg11 : memref<!tpu.dma_semaphore, #tpu.memory_space<semaphore_mem>>)
    %dma_wait3A_2290 = tpu.memref_slice %arg4[%add3A_2287] : memref<100663296xf32, #tpu.memory_space<hbm>> -> memref<49152xf32, #tpu.memory_space<hbm>>
    %dma_wait3A_2291 = tpu.memref_slice %arg5[%mul3A_14] : memref<1572864xf32, #tpu.memory_space<vmem_shared>> -> memref<49152xf32, #tpu.memory_space<vmem_shared>>
    tpu.wait_dma2 semaphore(%arg11 : memref<!tpu.dma_semaphore, #tpu.memory_space<semaphore_mem>>) src(%dma_wait3A_2291 : memref<49152xf32, #tpu.memory_space<vmem_shared>>) dst(%dma_wait3A_2290 : memref<49152xf32, #tpu.memory_space<hbm>>)
    %add3A_2292 = arith.constant 2015232 : i32
    %add3A_2293 = arith.addi %mul3A_2, %add3A_2292 : i32
    %dma_start3A_2294 = tpu.memref_slice %arg5[%mul3A_14] : memref<1572864xf32, #tpu.memory_space<vmem_shared>> -> memref<49152xf32, #tpu.memory_space<vmem_shared>>
    %dma_start3A_2295 = tpu.memref_slice %arg3[%add3A_2293] : memref<100663296xf32, #tpu.memory_space<hbm>> -> memref<49152xf32, #tpu.memory_space<hbm>>
    tpu.enqueue_dma source(%dma_start3A_2295 : memref<49152xf32, #tpu.memory_space<hbm>>) target(%dma_start3A_2294 : memref<49152xf32, #tpu.memory_space<vmem_shared>>) target_semaphore(%arg9 : memref<!tpu.dma_semaphore, #tpu.memory_space<semaphore_mem>>)
    %dma_wait3A_2296 = tpu.memref_slice %arg5[%mul3A_8] : memref<1572864xf32, #tpu.memory_space<vmem_shared>> -> memref<49152xf32, #tpu.memory_space<vmem_shared>>
    %dma_wait3A_2297 = tpu.memref_slice %arg3[%add3A_2281] : memref<100663296xf32, #tpu.memory_space<hbm>> -> memref<49152xf32, #tpu.memory_space<hbm>>
    tpu.wait_dma2 semaphore(%arg8 : memref<!tpu.dma_semaphore, #tpu.memory_space<semaphore_mem>>) src(%dma_wait3A_2297 : memref<49152xf32, #tpu.memory_space<hbm>>) dst(%dma_wait3A_2296 : memref<49152xf32, #tpu.memory_space<vmem_shared>>)
    %add3A_2298 = arith.constant 1966080 : i32
    %add3A_2299 = arith.addi %mul3A_2, %add3A_2298 : i32
    %dma_start3A_2300 = tpu.memref_slice %arg4[%add3A_2299] : memref<100663296xf32, #tpu.memory_space<hbm>> -> memref<49152xf32, #tpu.memory_space<hbm>>
    %dma_start3A_2301 = tpu.memref_slice %arg5[%mul3A_8] : memref<1572864xf32, #tpu.memory_space<vmem_shared>> -> memref<49152xf32, #tpu.memory_space<vmem_shared>>
    tpu.enqueue_dma source(%dma_start3A_2301 : memref<49152xf32, #tpu.memory_space<vmem_shared>>) target(%dma_start3A_2300 : memref<49152xf32, #tpu.memory_space<hbm>>) target_semaphore(%arg10 : memref<!tpu.dma_semaphore, #tpu.memory_space<semaphore_mem>>)
    %dma_wait3A_2302 = tpu.memref_slice %arg4[%add3A_2299] : memref<100663296xf32, #tpu.memory_space<hbm>> -> memref<49152xf32, #tpu.memory_space<hbm>>
    %dma_wait3A_2303 = tpu.memref_slice %arg5[%mul3A_8] : memref<1572864xf32, #tpu.memory_space<vmem_shared>> -> memref<49152xf32, #tpu.memory_space<vmem_shared>>
    tpu.wait_dma2 semaphore(%arg10 : memref<!tpu.dma_semaphore, #tpu.memory_space<semaphore_mem>>) src(%dma_wait3A_2303 : memref<49152xf32, #tpu.memory_space<vmem_shared>>) dst(%dma_wait3A_2302 : memref<49152xf32, #tpu.memory_space<hbm>>)
    %add3A_2304 = arith.constant 2064384 : i32
    %add3A_2305 = arith.addi %mul3A_2, %add3A_2304 : i32
    %dma_start3A_2306 = tpu.memref_slice %arg5[%mul3A_8] : memref<1572864xf32, #tpu.memory_space<vmem_shared>> -> memref<49152xf32, #tpu.memory_space<vmem_shared>>
    %dma_start3A_2307 = tpu.memref_slice %arg3[%add3A_2305] : memref<100663296xf32, #tpu.memory_space<hbm>> -> memref<49152xf32, #tpu.memory_space<hbm>>
    tpu.enqueue_dma source(%dma_start3A_2307 : memref<49152xf32, #tpu.memory_space<hbm>>) target(%dma_start3A_2306 : memref<49152xf32, #tpu.memory_space<vmem_shared>>) target_semaphore(%arg8 : memref<!tpu.dma_semaphore, #tpu.memory_space<semaphore_mem>>)
    %dma_wait3A_2308 = tpu.memref_slice %arg5[%mul3A_14] : memref<1572864xf32, #tpu.memory_space<vmem_shared>> -> memref<49152xf32, #tpu.memory_space<vmem_shared>>
    %dma_wait3A_2309 = tpu.memref_slice %arg3[%add3A_2293] : memref<100663296xf32, #tpu.memory_space<hbm>> -> memref<49152xf32, #tpu.memory_space<hbm>>
    tpu.wait_dma2 semaphore(%arg9 : memref<!tpu.dma_semaphore, #tpu.memory_space<semaphore_mem>>) src(%dma_wait3A_2309 : memref<49152xf32, #tpu.memory_space<hbm>>) dst(%dma_wait3A_2308 : memref<49152xf32, #tpu.memory_space<vmem_shared>>)
    %add3A_2310 = arith.constant 2015232 : i32
    %add3A_2311 = arith.addi %mul3A_2, %add3A_2310 : i32
    %dma_start3A_2312 = tpu.memref_slice %arg4[%add3A_2311] : memref<100663296xf32, #tpu.memory_space<hbm>> -> memref<49152xf32, #tpu.memory_space<hbm>>
    %dma_start3A_2313 = tpu.memref_slice %arg5[%mul3A_14] : memref<1572864xf32, #tpu.memory_space<vmem_shared>> -> memref<49152xf32, #tpu.memory_space<vmem_shared>>
    tpu.enqueue_dma source(%dma_start3A_2313 : memref<49152xf32, #tpu.memory_space<vmem_shared>>) target(%dma_start3A_2312 : memref<49152xf32, #tpu.memory_space<hbm>>) target_semaphore(%arg11 : memref<!tpu.dma_semaphore, #tpu.memory_space<semaphore_mem>>)
    %dma_wait3A_2314 = tpu.memref_slice %arg4[%add3A_2311] : memref<100663296xf32, #tpu.memory_space<hbm>> -> memref<49152xf32, #tpu.memory_space<hbm>>
    %dma_wait3A_2315 = tpu.memref_slice %arg5[%mul3A_14] : memref<1572864xf32, #tpu.memory_space<vmem_shared>> -> memref<49152xf32, #tpu.memory_space<vmem_shared>>
    tpu.wait_dma2 semaphore(%arg11 : memref<!tpu.dma_semaphore, #tpu.memory_space<semaphore_mem>>) src(%dma_wait3A_2315 : memref<49152xf32, #tpu.memory_space<vmem_shared>>) dst(%dma_wait3A_2314 : memref<49152xf32, #tpu.memory_space<hbm>>)
    %add3A_2316 = arith.constant 2113536 : i32
    %add3A_2317 = arith.addi %mul3A_2, %add3A_2316 : i32
    %dma_start3A_2318 = tpu.memref_slice %arg5[%mul3A_14] : memref<1572864xf32, #tpu.memory_space<vmem_shared>> -> memref<49152xf32, #tpu.memory_space<vmem_shared>>
    %dma_start3A_2319 = tpu.memref_slice %arg3[%add3A_2317] : memref<100663296xf32, #tpu.memory_space<hbm>> -> memref<49152xf32, #tpu.memory_space<hbm>>
    tpu.enqueue_dma source(%dma_start3A_2319 : memref<49152xf32, #tpu.memory_space<hbm>>) target(%dma_start3A_2318 : memref<49152xf32, #tpu.memory_space<vmem_shared>>) target_semaphore(%arg9 : memref<!tpu.dma_semaphore, #tpu.memory_space<semaphore_mem>>)
    %dma_wait3A_2320 = tpu.memref_slice %arg5[%mul3A_8] : memref<1572864xf32, #tpu.memory_space<vmem_shared>> -> memref<49152xf32, #tpu.memory_space<vmem_shared>>
    %dma_wait3A_2321 = tpu.memref_slice %arg3[%add3A_2305] : memref<100663296xf32, #tpu.memory_space<hbm>> -> memref<49152xf32, #tpu.memory_space<hbm>>
    tpu.wait_dma2 semaphore(%arg8 : memref<!tpu.dma_semaphore, #tpu.memory_space<semaphore_mem>>) src(%dma_wait3A_2321 : memref<49152xf32, #tpu.memory_space<hbm>>) dst(%dma_wait3A_2320 : memref<49152xf32, #tpu.memory_space<vmem_shared>>)
    %add3A_2322 = arith.constant 2064384 : i32
    %add3A_2323 = arith.addi %mul3A_2, %add3A_2322 : i32
    %dma_start3A_2324 = tpu.memref_slice %arg4[%add3A_2323] : memref<100663296xf32, #tpu.memory_space<hbm>> -> memref<49152xf32, #tpu.memory_space<hbm>>
    %dma_start3A_2325 = tpu.memref_slice %arg5[%mul3A_8] : memref<1572864xf32, #tpu.memory_space<vmem_shared>> -> memref<49152xf32, #tpu.memory_space<vmem_shared>>
    tpu.enqueue_dma source(%dma_start3A_2325 : memref<49152xf32, #tpu.memory_space<vmem_shared>>) target(%dma_start3A_2324 : memref<49152xf32, #tpu.memory_space<hbm>>) target_semaphore(%arg10 : memref<!tpu.dma_semaphore, #tpu.memory_space<semaphore_mem>>)
    %dma_wait3A_2326 = tpu.memref_slice %arg4[%add3A_2323] : memref<100663296xf32, #tpu.memory_space<hbm>> -> memref<49152xf32, #tpu.memory_space<hbm>>
    %dma_wait3A_2327 = tpu.memref_slice %arg5[%mul3A_8] : memref<1572864xf32, #tpu.memory_space<vmem_shared>> -> memref<49152xf32, #tpu.memory_space<vmem_shared>>
    tpu.wait_dma2 semaphore(%arg10 : memref<!tpu.dma_semaphore, #tpu.memory_space<semaphore_mem>>) src(%dma_wait3A_2327 : memref<49152xf32, #tpu.memory_space<vmem_shared>>) dst(%dma_wait3A_2326 : memref<49152xf32, #tpu.memory_space<hbm>>)
    %add3A_2328 = arith.constant 2162688 : i32
    %add3A_2329 = arith.addi %mul3A_2, %add3A_2328 : i32
    %dma_start3A_2330 = tpu.memref_slice %arg5[%mul3A_8] : memref<1572864xf32, #tpu.memory_space<vmem_shared>> -> memref<49152xf32, #tpu.memory_space<vmem_shared>>
    %dma_start3A_2331 = tpu.memref_slice %arg3[%add3A_2329] : memref<100663296xf32, #tpu.memory_space<hbm>> -> memref<49152xf32, #tpu.memory_space<hbm>>
    tpu.enqueue_dma source(%dma_start3A_2331 : memref<49152xf32, #tpu.memory_space<hbm>>) target(%dma_start3A_2330 : memref<49152xf32, #tpu.memory_space<vmem_shared>>) target_semaphore(%arg8 : memref<!tpu.dma_semaphore, #tpu.memory_space<semaphore_mem>>)
    %dma_wait3A_2332 = tpu.memref_slice %arg5[%mul3A_14] : memref<1572864xf32, #tpu.memory_space<vmem_shared>> -> memref<49152xf32, #tpu.memory_space<vmem_shared>>
    %dma_wait3A_2333 = tpu.memref_slice %arg3[%add3A_2317] : memref<100663296xf32, #tpu.memory_space<hbm>> -> memref<49152xf32, #tpu.memory_space<hbm>>
    tpu.wait_dma2 semaphore(%arg9 : memref<!tpu.dma_semaphore, #tpu.memory_space<semaphore_mem>>) src(%dma_wait3A_2333 : memref<49152xf32, #tpu.memory_space<hbm>>) dst(%dma_wait3A_2332 : memref<49152xf32, #tpu.memory_space<vmem_shared>>)
    %add3A_2334 = arith.constant 2113536 : i32
    %add3A_2335 = arith.addi %mul3A_2, %add3A_2334 : i32
    %dma_start3A_2336 = tpu.memref_slice %arg4[%add3A_2335] : memref<100663296xf32, #tpu.memory_space<hbm>> -> memref<49152xf32, #tpu.memory_space<hbm>>
    %dma_start3A_2337 = tpu.memref_slice %arg5[%mul3A_14] : memref<1572864xf32, #tpu.memory_space<vmem_shared>> -> memref<49152xf32, #tpu.memory_space<vmem_shared>>
    tpu.enqueue_dma source(%dma_start3A_2337 : memref<49152xf32, #tpu.memory_space<vmem_shared>>) target(%dma_start3A_2336 : memref<49152xf32, #tpu.memory_space<hbm>>) target_semaphore(%arg11 : memref<!tpu.dma_semaphore, #tpu.memory_space<semaphore_mem>>)
    %dma_wait3A_2338 = tpu.memref_slice %arg4[%add3A_2335] : memref<100663296xf32, #tpu.memory_space<hbm>> -> memref<49152xf32, #tpu.memory_space<hbm>>
    %dma_wait3A_2339 = tpu.memref_slice %arg5[%mul3A_14] : memref<1572864xf32, #tpu.memory_space<vmem_shared>> -> memref<49152xf32, #tpu.memory_space<vmem_shared>>
    tpu.wait_dma2 semaphore(%arg11 : memref<!tpu.dma_semaphore, #tpu.memory_space<semaphore_mem>>) src(%dma_wait3A_2339 : memref<49152xf32, #tpu.memory_space<vmem_shared>>) dst(%dma_wait3A_2338 : memref<49152xf32, #tpu.memory_space<hbm>>)
    %add3A_2340 = arith.constant 2211840 : i32
    %add3A_2341 = arith.addi %mul3A_2, %add3A_2340 : i32
    %dma_start3A_2342 = tpu.memref_slice %arg5[%mul3A_14] : memref<1572864xf32, #tpu.memory_space<vmem_shared>> -> memref<49152xf32, #tpu.memory_space<vmem_shared>>
    %dma_start3A_2343 = tpu.memref_slice %arg3[%add3A_2341] : memref<100663296xf32, #tpu.memory_space<hbm>> -> memref<49152xf32, #tpu.memory_space<hbm>>
    tpu.enqueue_dma source(%dma_start3A_2343 : memref<49152xf32, #tpu.memory_space<hbm>>) target(%dma_start3A_2342 : memref<49152xf32, #tpu.memory_space<vmem_shared>>) target_semaphore(%arg9 : memref<!tpu.dma_semaphore, #tpu.memory_space<semaphore_mem>>)
    %dma_wait3A_2344 = tpu.memref_slice %arg5[%mul3A_8] : memref<1572864xf32, #tpu.memory_space<vmem_shared>> -> memref<49152xf32, #tpu.memory_space<vmem_shared>>
    %dma_wait3A_2345 = tpu.memref_slice %arg3[%add3A_2329] : memref<100663296xf32, #tpu.memory_space<hbm>> -> memref<49152xf32, #tpu.memory_space<hbm>>
    tpu.wait_dma2 semaphore(%arg8 : memref<!tpu.dma_semaphore, #tpu.memory_space<semaphore_mem>>) src(%dma_wait3A_2345 : memref<49152xf32, #tpu.memory_space<hbm>>) dst(%dma_wait3A_2344 : memref<49152xf32, #tpu.memory_space<vmem_shared>>)
    %add3A_2346 = arith.constant 2162688 : i32
    %add3A_2347 = arith.addi %mul3A_2, %add3A_2346 : i32
    %dma_start3A_2348 = tpu.memref_slice %arg4[%add3A_2347] : memref<100663296xf32, #tpu.memory_space<hbm>> -> memref<49152xf32, #tpu.memory_space<hbm>>
    %dma_start3A_2349 = tpu.memref_slice %arg5[%mul3A_8] : memref<1572864xf32, #tpu.memory_space<vmem_shared>> -> memref<49152xf32, #tpu.memory_space<vmem_shared>>
    tpu.enqueue_dma source(%dma_start3A_2349 : memref<49152xf32, #tpu.memory_space<vmem_shared>>) target(%dma_start3A_2348 : memref<49152xf32, #tpu.memory_space<hbm>>) target_semaphore(%arg10 : memref<!tpu.dma_semaphore, #tpu.memory_space<semaphore_mem>>)
    %dma_wait3A_2350 = tpu.memref_slice %arg4[%add3A_2347] : memref<100663296xf32, #tpu.memory_space<hbm>> -> memref<49152xf32, #tpu.memory_space<hbm>>
    %dma_wait3A_2351 = tpu.memref_slice %arg5[%mul3A_8] : memref<1572864xf32, #tpu.memory_space<vmem_shared>> -> memref<49152xf32, #tpu.memory_space<vmem_shared>>
    tpu.wait_dma2 semaphore(%arg10 : memref<!tpu.dma_semaphore, #tpu.memory_space<semaphore_mem>>) src(%dma_wait3A_2351 : memref<49152xf32, #tpu.memory_space<vmem_shared>>) dst(%dma_wait3A_2350 : memref<49152xf32, #tpu.memory_space<hbm>>)
    %add3A_2352 = arith.constant 2260992 : i32
    %add3A_2353 = arith.addi %mul3A_2, %add3A_2352 : i32
    %dma_start3A_2354 = tpu.memref_slice %arg5[%mul3A_8] : memref<1572864xf32, #tpu.memory_space<vmem_shared>> -> memref<49152xf32, #tpu.memory_space<vmem_shared>>
    %dma_start3A_2355 = tpu.memref_slice %arg3[%add3A_2353] : memref<100663296xf32, #tpu.memory_space<hbm>> -> memref<49152xf32, #tpu.memory_space<hbm>>
    tpu.enqueue_dma source(%dma_start3A_2355 : memref<49152xf32, #tpu.memory_space<hbm>>) target(%dma_start3A_2354 : memref<49152xf32, #tpu.memory_space<vmem_shared>>) target_semaphore(%arg8 : memref<!tpu.dma_semaphore, #tpu.memory_space<semaphore_mem>>)
    %dma_wait3A_2356 = tpu.memref_slice %arg5[%mul3A_14] : memref<1572864xf32, #tpu.memory_space<vmem_shared>> -> memref<49152xf32, #tpu.memory_space<vmem_shared>>
    %dma_wait3A_2357 = tpu.memref_slice %arg3[%add3A_2341] : memref<100663296xf32, #tpu.memory_space<hbm>> -> memref<49152xf32, #tpu.memory_space<hbm>>
    tpu.wait_dma2 semaphore(%arg9 : memref<!tpu.dma_semaphore, #tpu.memory_space<semaphore_mem>>) src(%dma_wait3A_2357 : memref<49152xf32, #tpu.memory_space<hbm>>) dst(%dma_wait3A_2356 : memref<49152xf32, #tpu.memory_space<vmem_shared>>)
    %add3A_2358 = arith.constant 2211840 : i32
    %add3A_2359 = arith.addi %mul3A_2, %add3A_2358 : i32
    %dma_start3A_2360 = tpu.memref_slice %arg4[%add3A_2359] : memref<100663296xf32, #tpu.memory_space<hbm>> -> memref<49152xf32, #tpu.memory_space<hbm>>
    %dma_start3A_2361 = tpu.memref_slice %arg5[%mul3A_14] : memref<1572864xf32, #tpu.memory_space<vmem_shared>> -> memref<49152xf32, #tpu.memory_space<vmem_shared>>
    tpu.enqueue_dma source(%dma_start3A_2361 : memref<49152xf32, #tpu.memory_space<vmem_shared>>) target(%dma_start3A_2360 : memref<49152xf32, #tpu.memory_space<hbm>>) target_semaphore(%arg11 : memref<!tpu.dma_semaphore, #tpu.memory_space<semaphore_mem>>)
    %dma_wait3A_2362 = tpu.memref_slice %arg4[%add3A_2359] : memref<100663296xf32, #tpu.memory_space<hbm>> -> memref<49152xf32, #tpu.memory_space<hbm>>
    %dma_wait3A_2363 = tpu.memref_slice %arg5[%mul3A_14] : memref<1572864xf32, #tpu.memory_space<vmem_shared>> -> memref<49152xf32, #tpu.memory_space<vmem_shared>>
    tpu.wait_dma2 semaphore(%arg11 : memref<!tpu.dma_semaphore, #tpu.memory_space<semaphore_mem>>) src(%dma_wait3A_2363 : memref<49152xf32, #tpu.memory_space<vmem_shared>>) dst(%dma_wait3A_2362 : memref<49152xf32, #tpu.memory_space<hbm>>)
    %add3A_2364 = arith.constant 2310144 : i32
    %add3A_2365 = arith.addi %mul3A_2, %add3A_2364 : i32
    %dma_start3A_2366 = tpu.memref_slice %arg5[%mul3A_14] : memref<1572864xf32, #tpu.memory_space<vmem_shared>> -> memref<49152xf32, #tpu.memory_space<vmem_shared>>
    %dma_start3A_2367 = tpu.memref_slice %arg3[%add3A_2365] : memref<100663296xf32, #tpu.memory_space<hbm>> -> memref<49152xf32, #tpu.memory_space<hbm>>
    tpu.enqueue_dma source(%dma_start3A_2367 : memref<49152xf32, #tpu.memory_space<hbm>>) target(%dma_start3A_2366 : memref<49152xf32, #tpu.memory_space<vmem_shared>>) target_semaphore(%arg9 : memref<!tpu.dma_semaphore, #tpu.memory_space<semaphore_mem>>)
    %dma_wait3A_2368 = tpu.memref_slice %arg5[%mul3A_8] : memref<1572864xf32, #tpu.memory_space<vmem_shared>> -> memref<49152xf32, #tpu.memory_space<vmem_shared>>
    %dma_wait3A_2369 = tpu.memref_slice %arg3[%add3A_2353] : memref<100663296xf32, #tpu.memory_space<hbm>> -> memref<49152xf32, #tpu.memory_space<hbm>>
    tpu.wait_dma2 semaphore(%arg8 : memref<!tpu.dma_semaphore, #tpu.memory_space<semaphore_mem>>) src(%dma_wait3A_2369 : memref<49152xf32, #tpu.memory_space<hbm>>) dst(%dma_wait3A_2368 : memref<49152xf32, #tpu.memory_space<vmem_shared>>)
    %add3A_2370 = arith.constant 2260992 : i32
    %add3A_2371 = arith.addi %mul3A_2, %add3A_2370 : i32
    %dma_start3A_2372 = tpu.memref_slice %arg4[%add3A_2371] : memref<100663296xf32, #tpu.memory_space<hbm>> -> memref<49152xf32, #tpu.memory_space<hbm>>
    %dma_start3A_2373 = tpu.memref_slice %arg5[%mul3A_8] : memref<1572864xf32, #tpu.memory_space<vmem_shared>> -> memref<49152xf32, #tpu.memory_space<vmem_shared>>
    tpu.enqueue_dma source(%dma_start3A_2373 : memref<49152xf32, #tpu.memory_space<vmem_shared>>) target(%dma_start3A_2372 : memref<49152xf32, #tpu.memory_space<hbm>>) target_semaphore(%arg10 : memref<!tpu.dma_semaphore, #tpu.memory_space<semaphore_mem>>)
    %dma_wait3A_2374 = tpu.memref_slice %arg4[%add3A_2371] : memref<100663296xf32, #tpu.memory_space<hbm>> -> memref<49152xf32, #tpu.memory_space<hbm>>
    %dma_wait3A_2375 = tpu.memref_slice %arg5[%mul3A_8] : memref<1572864xf32, #tpu.memory_space<vmem_shared>> -> memref<49152xf32, #tpu.memory_space<vmem_shared>>
    tpu.wait_dma2 semaphore(%arg10 : memref<!tpu.dma_semaphore, #tpu.memory_space<semaphore_mem>>) src(%dma_wait3A_2375 : memref<49152xf32, #tpu.memory_space<vmem_shared>>) dst(%dma_wait3A_2374 : memref<49152xf32, #tpu.memory_space<hbm>>)
    %add3A_2376 = arith.constant 2359296 : i32
    %add3A_2377 = arith.addi %mul3A_2, %add3A_2376 : i32
    %dma_start3A_2378 = tpu.memref_slice %arg5[%mul3A_8] : memref<1572864xf32, #tpu.memory_space<vmem_shared>> -> memref<49152xf32, #tpu.memory_space<vmem_shared>>
    %dma_start3A_2379 = tpu.memref_slice %arg3[%add3A_2377] : memref<100663296xf32, #tpu.memory_space<hbm>> -> memref<49152xf32, #tpu.memory_space<hbm>>
    tpu.enqueue_dma source(%dma_start3A_2379 : memref<49152xf32, #tpu.memory_space<hbm>>) target(%dma_start3A_2378 : memref<49152xf32, #tpu.memory_space<vmem_shared>>) target_semaphore(%arg8 : memref<!tpu.dma_semaphore, #tpu.memory_space<semaphore_mem>>)
    %dma_wait3A_2380 = tpu.memref_slice %arg5[%mul3A_14] : memref<1572864xf32, #tpu.memory_space<vmem_shared>> -> memref<49152xf32, #tpu.memory_space<vmem_shared>>
    %dma_wait3A_2381 = tpu.memref_slice %arg3[%add3A_2365] : memref<100663296xf32, #tpu.memory_space<hbm>> -> memref<49152xf32, #tpu.memory_space<hbm>>
    tpu.wait_dma2 semaphore(%arg9 : memref<!tpu.dma_semaphore, #tpu.memory_space<semaphore_mem>>) src(%dma_wait3A_2381 : memref<49152xf32, #tpu.memory_space<hbm>>) dst(%dma_wait3A_2380 : memref<49152xf32, #tpu.memory_space<vmem_shared>>)
    %add3A_2382 = arith.constant 2310144 : i32
    %add3A_2383 = arith.addi %mul3A_2, %add3A_2382 : i32
    %dma_start3A_2384 = tpu.memref_slice %arg4[%add3A_2383] : memref<100663296xf32, #tpu.memory_space<hbm>> -> memref<49152xf32, #tpu.memory_space<hbm>>
    %dma_start3A_2385 = tpu.memref_slice %arg5[%mul3A_14] : memref<1572864xf32, #tpu.memory_space<vmem_shared>> -> memref<49152xf32, #tpu.memory_space<vmem_shared>>
    tpu.enqueue_dma source(%dma_start3A_2385 : memref<49152xf32, #tpu.memory_space<vmem_shared>>) target(%dma_start3A_2384 : memref<49152xf32, #tpu.memory_space<hbm>>) target_semaphore(%arg11 : memref<!tpu.dma_semaphore, #tpu.memory_space<semaphore_mem>>)
    %dma_wait3A_2386 = tpu.memref_slice %arg4[%add3A_2383] : memref<100663296xf32, #tpu.memory_space<hbm>> -> memref<49152xf32, #tpu.memory_space<hbm>>
    %dma_wait3A_2387 = tpu.memref_slice %arg5[%mul3A_14] : memref<1572864xf32, #tpu.memory_space<vmem_shared>> -> memref<49152xf32, #tpu.memory_space<vmem_shared>>
    tpu.wait_dma2 semaphore(%arg11 : memref<!tpu.dma_semaphore, #tpu.memory_space<semaphore_mem>>) src(%dma_wait3A_2387 : memref<49152xf32, #tpu.memory_space<vmem_shared>>) dst(%dma_wait3A_2386 : memref<49152xf32, #tpu.memory_space<hbm>>)
    %add3A_2388 = arith.constant 2408448 : i32
    %add3A_2389 = arith.addi %mul3A_2, %add3A_2388 : i32
    %dma_start3A_2390 = tpu.memref_slice %arg5[%mul3A_14] : memref<1572864xf32, #tpu.memory_space<vmem_shared>> -> memref<49152xf32, #tpu.memory_space<vmem_shared>>
    %dma_start3A_2391 = tpu.memref_slice %arg3[%add3A_2389] : memref<100663296xf32, #tpu.memory_space<hbm>> -> memref<49152xf32, #tpu.memory_space<hbm>>
    tpu.enqueue_dma source(%dma_start3A_2391 : memref<49152xf32, #tpu.memory_space<hbm>>) target(%dma_start3A_2390 : memref<49152xf32, #tpu.memory_space<vmem_shared>>) target_semaphore(%arg9 : memref<!tpu.dma_semaphore, #tpu.memory_space<semaphore_mem>>)
    %dma_wait3A_2392 = tpu.memref_slice %arg5[%mul3A_8] : memref<1572864xf32, #tpu.memory_space<vmem_shared>> -> memref<49152xf32, #tpu.memory_space<vmem_shared>>
    %dma_wait3A_2393 = tpu.memref_slice %arg3[%add3A_2377] : memref<100663296xf32, #tpu.memory_space<hbm>> -> memref<49152xf32, #tpu.memory_space<hbm>>
    tpu.wait_dma2 semaphore(%arg8 : memref<!tpu.dma_semaphore, #tpu.memory_space<semaphore_mem>>) src(%dma_wait3A_2393 : memref<49152xf32, #tpu.memory_space<hbm>>) dst(%dma_wait3A_2392 : memref<49152xf32, #tpu.memory_space<vmem_shared>>)
    %add3A_2394 = arith.constant 2359296 : i32
    %add3A_2395 = arith.addi %mul3A_2, %add3A_2394 : i32
    %dma_start3A_2396 = tpu.memref_slice %arg4[%add3A_2395] : memref<100663296xf32, #tpu.memory_space<hbm>> -> memref<49152xf32, #tpu.memory_space<hbm>>
    %dma_start3A_2397 = tpu.memref_slice %arg5[%mul3A_8] : memref<1572864xf32, #tpu.memory_space<vmem_shared>> -> memref<49152xf32, #tpu.memory_space<vmem_shared>>
    tpu.enqueue_dma source(%dma_start3A_2397 : memref<49152xf32, #tpu.memory_space<vmem_shared>>) target(%dma_start3A_2396 : memref<49152xf32, #tpu.memory_space<hbm>>) target_semaphore(%arg10 : memref<!tpu.dma_semaphore, #tpu.memory_space<semaphore_mem>>)
    %dma_wait3A_2398 = tpu.memref_slice %arg4[%add3A_2395] : memref<100663296xf32, #tpu.memory_space<hbm>> -> memref<49152xf32, #tpu.memory_space<hbm>>
    %dma_wait3A_2399 = tpu.memref_slice %arg5[%mul3A_8] : memref<1572864xf32, #tpu.memory_space<vmem_shared>> -> memref<49152xf32, #tpu.memory_space<vmem_shared>>
    tpu.wait_dma2 semaphore(%arg10 : memref<!tpu.dma_semaphore, #tpu.memory_space<semaphore_mem>>) src(%dma_wait3A_2399 : memref<49152xf32, #tpu.memory_space<vmem_shared>>) dst(%dma_wait3A_2398 : memref<49152xf32, #tpu.memory_space<hbm>>)
    %add3A_2400 = arith.constant 2457600 : i32
    %add3A_2401 = arith.addi %mul3A_2, %add3A_2400 : i32
    %dma_start3A_2402 = tpu.memref_slice %arg5[%mul3A_8] : memref<1572864xf32, #tpu.memory_space<vmem_shared>> -> memref<49152xf32, #tpu.memory_space<vmem_shared>>
    %dma_start3A_2403 = tpu.memref_slice %arg3[%add3A_2401] : memref<100663296xf32, #tpu.memory_space<hbm>> -> memref<49152xf32, #tpu.memory_space<hbm>>
    tpu.enqueue_dma source(%dma_start3A_2403 : memref<49152xf32, #tpu.memory_space<hbm>>) target(%dma_start3A_2402 : memref<49152xf32, #tpu.memory_space<vmem_shared>>) target_semaphore(%arg8 : memref<!tpu.dma_semaphore, #tpu.memory_space<semaphore_mem>>)
    %dma_wait3A_2404 = tpu.memref_slice %arg5[%mul3A_14] : memref<1572864xf32, #tpu.memory_space<vmem_shared>> -> memref<49152xf32, #tpu.memory_space<vmem_shared>>
    %dma_wait3A_2405 = tpu.memref_slice %arg3[%add3A_2389] : memref<100663296xf32, #tpu.memory_space<hbm>> -> memref<49152xf32, #tpu.memory_space<hbm>>
    tpu.wait_dma2 semaphore(%arg9 : memref<!tpu.dma_semaphore, #tpu.memory_space<semaphore_mem>>) src(%dma_wait3A_2405 : memref<49152xf32, #tpu.memory_space<hbm>>) dst(%dma_wait3A_2404 : memref<49152xf32, #tpu.memory_space<vmem_shared>>)
    %add3A_2406 = arith.constant 2408448 : i32
    %add3A_2407 = arith.addi %mul3A_2, %add3A_2406 : i32
    %dma_start3A_2408 = tpu.memref_slice %arg4[%add3A_2407] : memref<100663296xf32, #tpu.memory_space<hbm>> -> memref<49152xf32, #tpu.memory_space<hbm>>
    %dma_start3A_2409 = tpu.memref_slice %arg5[%mul3A_14] : memref<1572864xf32, #tpu.memory_space<vmem_shared>> -> memref<49152xf32, #tpu.memory_space<vmem_shared>>
    tpu.enqueue_dma source(%dma_start3A_2409 : memref<49152xf32, #tpu.memory_space<vmem_shared>>) target(%dma_start3A_2408 : memref<49152xf32, #tpu.memory_space<hbm>>) target_semaphore(%arg11 : memref<!tpu.dma_semaphore, #tpu.memory_space<semaphore_mem>>)
    %dma_wait3A_2410 = tpu.memref_slice %arg4[%add3A_2407] : memref<100663296xf32, #tpu.memory_space<hbm>> -> memref<49152xf32, #tpu.memory_space<hbm>>
    %dma_wait3A_2411 = tpu.memref_slice %arg5[%mul3A_14] : memref<1572864xf32, #tpu.memory_space<vmem_shared>> -> memref<49152xf32, #tpu.memory_space<vmem_shared>>
    tpu.wait_dma2 semaphore(%arg11 : memref<!tpu.dma_semaphore, #tpu.memory_space<semaphore_mem>>) src(%dma_wait3A_2411 : memref<49152xf32, #tpu.memory_space<vmem_shared>>) dst(%dma_wait3A_2410 : memref<49152xf32, #tpu.memory_space<hbm>>)
    %add3A_2412 = arith.constant 2506752 : i32
    %add3A_2413 = arith.addi %mul3A_2, %add3A_2412 : i32
    %dma_start3A_2414 = tpu.memref_slice %arg5[%mul3A_14] : memref<1572864xf32, #tpu.memory_space<vmem_shared>> -> memref<49152xf32, #tpu.memory_space<vmem_shared>>
    %dma_start3A_2415 = tpu.memref_slice %arg3[%add3A_2413] : memref<100663296xf32, #tpu.memory_space<hbm>> -> memref<49152xf32, #tpu.memory_space<hbm>>
    tpu.enqueue_dma source(%dma_start3A_2415 : memref<49152xf32, #tpu.memory_space<hbm>>) target(%dma_start3A_2414 : memref<49152xf32, #tpu.memory_space<vmem_shared>>) target_semaphore(%arg9 : memref<!tpu.dma_semaphore, #tpu.memory_space<semaphore_mem>>)
    %dma_wait3A_2416 = tpu.memref_slice %arg5[%mul3A_8] : memref<1572864xf32, #tpu.memory_space<vmem_shared>> -> memref<49152xf32, #tpu.memory_space<vmem_shared>>
    %dma_wait3A_2417 = tpu.memref_slice %arg3[%add3A_2401] : memref<100663296xf32, #tpu.memory_space<hbm>> -> memref<49152xf32, #tpu.memory_space<hbm>>
    tpu.wait_dma2 semaphore(%arg8 : memref<!tpu.dma_semaphore, #tpu.memory_space<semaphore_mem>>) src(%dma_wait3A_2417 : memref<49152xf32, #tpu.memory_space<hbm>>) dst(%dma_wait3A_2416 : memref<49152xf32, #tpu.memory_space<vmem_shared>>)
    %add3A_2418 = arith.constant 2457600 : i32
    %add3A_2419 = arith.addi %mul3A_2, %add3A_2418 : i32
    %dma_start3A_2420 = tpu.memref_slice %arg4[%add3A_2419] : memref<100663296xf32, #tpu.memory_space<hbm>> -> memref<49152xf32, #tpu.memory_space<hbm>>
    %dma_start3A_2421 = tpu.memref_slice %arg5[%mul3A_8] : memref<1572864xf32, #tpu.memory_space<vmem_shared>> -> memref<49152xf32, #tpu.memory_space<vmem_shared>>
    tpu.enqueue_dma source(%dma_start3A_2421 : memref<49152xf32, #tpu.memory_space<vmem_shared>>) target(%dma_start3A_2420 : memref<49152xf32, #tpu.memory_space<hbm>>) target_semaphore(%arg10 : memref<!tpu.dma_semaphore, #tpu.memory_space<semaphore_mem>>)
    %dma_wait3A_2422 = tpu.memref_slice %arg4[%add3A_2419] : memref<100663296xf32, #tpu.memory_space<hbm>> -> memref<49152xf32, #tpu.memory_space<hbm>>
    %dma_wait3A_2423 = tpu.memref_slice %arg5[%mul3A_8] : memref<1572864xf32, #tpu.memory_space<vmem_shared>> -> memref<49152xf32, #tpu.memory_space<vmem_shared>>
    tpu.wait_dma2 semaphore(%arg10 : memref<!tpu.dma_semaphore, #tpu.memory_space<semaphore_mem>>) src(%dma_wait3A_2423 : memref<49152xf32, #tpu.memory_space<vmem_shared>>) dst(%dma_wait3A_2422 : memref<49152xf32, #tpu.memory_space<hbm>>)
    %add3A_2424 = arith.constant 2555904 : i32
    %add3A_2425 = arith.addi %mul3A_2, %add3A_2424 : i32
    %dma_start3A_2426 = tpu.memref_slice %arg5[%mul3A_8] : memref<1572864xf32, #tpu.memory_space<vmem_shared>> -> memref<49152xf32, #tpu.memory_space<vmem_shared>>
    %dma_start3A_2427 = tpu.memref_slice %arg3[%add3A_2425] : memref<100663296xf32, #tpu.memory_space<hbm>> -> memref<49152xf32, #tpu.memory_space<hbm>>
    tpu.enqueue_dma source(%dma_start3A_2427 : memref<49152xf32, #tpu.memory_space<hbm>>) target(%dma_start3A_2426 : memref<49152xf32, #tpu.memory_space<vmem_shared>>) target_semaphore(%arg8 : memref<!tpu.dma_semaphore, #tpu.memory_space<semaphore_mem>>)
    %dma_wait3A_2428 = tpu.memref_slice %arg5[%mul3A_14] : memref<1572864xf32, #tpu.memory_space<vmem_shared>> -> memref<49152xf32, #tpu.memory_space<vmem_shared>>
    %dma_wait3A_2429 = tpu.memref_slice %arg3[%add3A_2413] : memref<100663296xf32, #tpu.memory_space<hbm>> -> memref<49152xf32, #tpu.memory_space<hbm>>
    tpu.wait_dma2 semaphore(%arg9 : memref<!tpu.dma_semaphore, #tpu.memory_space<semaphore_mem>>) src(%dma_wait3A_2429 : memref<49152xf32, #tpu.memory_space<hbm>>) dst(%dma_wait3A_2428 : memref<49152xf32, #tpu.memory_space<vmem_shared>>)
    %add3A_2430 = arith.constant 2506752 : i32
    %add3A_2431 = arith.addi %mul3A_2, %add3A_2430 : i32
    %dma_start3A_2432 = tpu.memref_slice %arg4[%add3A_2431] : memref<100663296xf32, #tpu.memory_space<hbm>> -> memref<49152xf32, #tpu.memory_space<hbm>>
    %dma_start3A_2433 = tpu.memref_slice %arg5[%mul3A_14] : memref<1572864xf32, #tpu.memory_space<vmem_shared>> -> memref<49152xf32, #tpu.memory_space<vmem_shared>>
    tpu.enqueue_dma source(%dma_start3A_2433 : memref<49152xf32, #tpu.memory_space<vmem_shared>>) target(%dma_start3A_2432 : memref<49152xf32, #tpu.memory_space<hbm>>) target_semaphore(%arg11 : memref<!tpu.dma_semaphore, #tpu.memory_space<semaphore_mem>>)
    %dma_wait3A_2434 = tpu.memref_slice %arg4[%add3A_2431] : memref<100663296xf32, #tpu.memory_space<hbm>> -> memref<49152xf32, #tpu.memory_space<hbm>>
    %dma_wait3A_2435 = tpu.memref_slice %arg5[%mul3A_14] : memref<1572864xf32, #tpu.memory_space<vmem_shared>> -> memref<49152xf32, #tpu.memory_space<vmem_shared>>
    tpu.wait_dma2 semaphore(%arg11 : memref<!tpu.dma_semaphore, #tpu.memory_space<semaphore_mem>>) src(%dma_wait3A_2435 : memref<49152xf32, #tpu.memory_space<vmem_shared>>) dst(%dma_wait3A_2434 : memref<49152xf32, #tpu.memory_space<hbm>>)
    %add3A_2436 = arith.constant 2605056 : i32
    %add3A_2437 = arith.addi %mul3A_2, %add3A_2436 : i32
    %dma_start3A_2438 = tpu.memref_slice %arg5[%mul3A_14] : memref<1572864xf32, #tpu.memory_space<vmem_shared>> -> memref<49152xf32, #tpu.memory_space<vmem_shared>>
    %dma_start3A_2439 = tpu.memref_slice %arg3[%add3A_2437] : memref<100663296xf32, #tpu.memory_space<hbm>> -> memref<49152xf32, #tpu.memory_space<hbm>>
    tpu.enqueue_dma source(%dma_start3A_2439 : memref<49152xf32, #tpu.memory_space<hbm>>) target(%dma_start3A_2438 : memref<49152xf32, #tpu.memory_space<vmem_shared>>) target_semaphore(%arg9 : memref<!tpu.dma_semaphore, #tpu.memory_space<semaphore_mem>>)
    %dma_wait3A_2440 = tpu.memref_slice %arg5[%mul3A_8] : memref<1572864xf32, #tpu.memory_space<vmem_shared>> -> memref<49152xf32, #tpu.memory_space<vmem_shared>>
    %dma_wait3A_2441 = tpu.memref_slice %arg3[%add3A_2425] : memref<100663296xf32, #tpu.memory_space<hbm>> -> memref<49152xf32, #tpu.memory_space<hbm>>
    tpu.wait_dma2 semaphore(%arg8 : memref<!tpu.dma_semaphore, #tpu.memory_space<semaphore_mem>>) src(%dma_wait3A_2441 : memref<49152xf32, #tpu.memory_space<hbm>>) dst(%dma_wait3A_2440 : memref<49152xf32, #tpu.memory_space<vmem_shared>>)
    %add3A_2442 = arith.constant 2555904 : i32
    %add3A_2443 = arith.addi %mul3A_2, %add3A_2442 : i32
    %dma_start3A_2444 = tpu.memref_slice %arg4[%add3A_2443] : memref<100663296xf32, #tpu.memory_space<hbm>> -> memref<49152xf32, #tpu.memory_space<hbm>>
    %dma_start3A_2445 = tpu.memref_slice %arg5[%mul3A_8] : memref<1572864xf32, #tpu.memory_space<vmem_shared>> -> memref<49152xf32, #tpu.memory_space<vmem_shared>>
    tpu.enqueue_dma source(%dma_start3A_2445 : memref<49152xf32, #tpu.memory_space<vmem_shared>>) target(%dma_start3A_2444 : memref<49152xf32, #tpu.memory_space<hbm>>) target_semaphore(%arg10 : memref<!tpu.dma_semaphore, #tpu.memory_space<semaphore_mem>>)
    %dma_wait3A_2446 = tpu.memref_slice %arg4[%add3A_2443] : memref<100663296xf32, #tpu.memory_space<hbm>> -> memref<49152xf32, #tpu.memory_space<hbm>>
    %dma_wait3A_2447 = tpu.memref_slice %arg5[%mul3A_8] : memref<1572864xf32, #tpu.memory_space<vmem_shared>> -> memref<49152xf32, #tpu.memory_space<vmem_shared>>
    tpu.wait_dma2 semaphore(%arg10 : memref<!tpu.dma_semaphore, #tpu.memory_space<semaphore_mem>>) src(%dma_wait3A_2447 : memref<49152xf32, #tpu.memory_space<vmem_shared>>) dst(%dma_wait3A_2446 : memref<49152xf32, #tpu.memory_space<hbm>>)
    %add3A_2448 = arith.constant 2654208 : i32
    %add3A_2449 = arith.addi %mul3A_2, %add3A_2448 : i32
    %dma_start3A_2450 = tpu.memref_slice %arg5[%mul3A_8] : memref<1572864xf32, #tpu.memory_space<vmem_shared>> -> memref<49152xf32, #tpu.memory_space<vmem_shared>>
    %dma_start3A_2451 = tpu.memref_slice %arg3[%add3A_2449] : memref<100663296xf32, #tpu.memory_space<hbm>> -> memref<49152xf32, #tpu.memory_space<hbm>>
    tpu.enqueue_dma source(%dma_start3A_2451 : memref<49152xf32, #tpu.memory_space<hbm>>) target(%dma_start3A_2450 : memref<49152xf32, #tpu.memory_space<vmem_shared>>) target_semaphore(%arg8 : memref<!tpu.dma_semaphore, #tpu.memory_space<semaphore_mem>>)
    %dma_wait3A_2452 = tpu.memref_slice %arg5[%mul3A_14] : memref<1572864xf32, #tpu.memory_space<vmem_shared>> -> memref<49152xf32, #tpu.memory_space<vmem_shared>>
    %dma_wait3A_2453 = tpu.memref_slice %arg3[%add3A_2437] : memref<100663296xf32, #tpu.memory_space<hbm>> -> memref<49152xf32, #tpu.memory_space<hbm>>
    tpu.wait_dma2 semaphore(%arg9 : memref<!tpu.dma_semaphore, #tpu.memory_space<semaphore_mem>>) src(%dma_wait3A_2453 : memref<49152xf32, #tpu.memory_space<hbm>>) dst(%dma_wait3A_2452 : memref<49152xf32, #tpu.memory_space<vmem_shared>>)
    %add3A_2454 = arith.constant 2605056 : i32
    %add3A_2455 = arith.addi %mul3A_2, %add3A_2454 : i32
    %dma_start3A_2456 = tpu.memref_slice %arg4[%add3A_2455] : memref<100663296xf32, #tpu.memory_space<hbm>> -> memref<49152xf32, #tpu.memory_space<hbm>>
    %dma_start3A_2457 = tpu.memref_slice %arg5[%mul3A_14] : memref<1572864xf32, #tpu.memory_space<vmem_shared>> -> memref<49152xf32, #tpu.memory_space<vmem_shared>>
    tpu.enqueue_dma source(%dma_start3A_2457 : memref<49152xf32, #tpu.memory_space<vmem_shared>>) target(%dma_start3A_2456 : memref<49152xf32, #tpu.memory_space<hbm>>) target_semaphore(%arg11 : memref<!tpu.dma_semaphore, #tpu.memory_space<semaphore_mem>>)
    %dma_wait3A_2458 = tpu.memref_slice %arg4[%add3A_2455] : memref<100663296xf32, #tpu.memory_space<hbm>> -> memref<49152xf32, #tpu.memory_space<hbm>>
    %dma_wait3A_2459 = tpu.memref_slice %arg5[%mul3A_14] : memref<1572864xf32, #tpu.memory_space<vmem_shared>> -> memref<49152xf32, #tpu.memory_space<vmem_shared>>
    tpu.wait_dma2 semaphore(%arg11 : memref<!tpu.dma_semaphore, #tpu.memory_space<semaphore_mem>>) src(%dma_wait3A_2459 : memref<49152xf32, #tpu.memory_space<vmem_shared>>) dst(%dma_wait3A_2458 : memref<49152xf32, #tpu.memory_space<hbm>>)
    %add3A_2460 = arith.constant 2703360 : i32
    %add3A_2461 = arith.addi %mul3A_2, %add3A_2460 : i32
    %dma_start3A_2462 = tpu.memref_slice %arg5[%mul3A_14] : memref<1572864xf32, #tpu.memory_space<vmem_shared>> -> memref<49152xf32, #tpu.memory_space<vmem_shared>>
    %dma_start3A_2463 = tpu.memref_slice %arg3[%add3A_2461] : memref<100663296xf32, #tpu.memory_space<hbm>> -> memref<49152xf32, #tpu.memory_space<hbm>>
    tpu.enqueue_dma source(%dma_start3A_2463 : memref<49152xf32, #tpu.memory_space<hbm>>) target(%dma_start3A_2462 : memref<49152xf32, #tpu.memory_space<vmem_shared>>) target_semaphore(%arg9 : memref<!tpu.dma_semaphore, #tpu.memory_space<semaphore_mem>>)
    %dma_wait3A_2464 = tpu.memref_slice %arg5[%mul3A_8] : memref<1572864xf32, #tpu.memory_space<vmem_shared>> -> memref<49152xf32, #tpu.memory_space<vmem_shared>>
    %dma_wait3A_2465 = tpu.memref_slice %arg3[%add3A_2449] : memref<100663296xf32, #tpu.memory_space<hbm>> -> memref<49152xf32, #tpu.memory_space<hbm>>
    tpu.wait_dma2 semaphore(%arg8 : memref<!tpu.dma_semaphore, #tpu.memory_space<semaphore_mem>>) src(%dma_wait3A_2465 : memref<49152xf32, #tpu.memory_space<hbm>>) dst(%dma_wait3A_2464 : memref<49152xf32, #tpu.memory_space<vmem_shared>>)
    %add3A_2466 = arith.constant 2654208 : i32
    %add3A_2467 = arith.addi %mul3A_2, %add3A_2466 : i32
    %dma_start3A_2468 = tpu.memref_slice %arg4[%add3A_2467] : memref<100663296xf32, #tpu.memory_space<hbm>> -> memref<49152xf32, #tpu.memory_space<hbm>>
    %dma_start3A_2469 = tpu.memref_slice %arg5[%mul3A_8] : memref<1572864xf32, #tpu.memory_space<vmem_shared>> -> memref<49152xf32, #tpu.memory_space<vmem_shared>>
    tpu.enqueue_dma source(%dma_start3A_2469 : memref<49152xf32, #tpu.memory_space<vmem_shared>>) target(%dma_start3A_2468 : memref<49152xf32, #tpu.memory_space<hbm>>) target_semaphore(%arg10 : memref<!tpu.dma_semaphore, #tpu.memory_space<semaphore_mem>>)
    %dma_wait3A_2470 = tpu.memref_slice %arg4[%add3A_2467] : memref<100663296xf32, #tpu.memory_space<hbm>> -> memref<49152xf32, #tpu.memory_space<hbm>>
    %dma_wait3A_2471 = tpu.memref_slice %arg5[%mul3A_8] : memref<1572864xf32, #tpu.memory_space<vmem_shared>> -> memref<49152xf32, #tpu.memory_space<vmem_shared>>
    tpu.wait_dma2 semaphore(%arg10 : memref<!tpu.dma_semaphore, #tpu.memory_space<semaphore_mem>>) src(%dma_wait3A_2471 : memref<49152xf32, #tpu.memory_space<vmem_shared>>) dst(%dma_wait3A_2470 : memref<49152xf32, #tpu.memory_space<hbm>>)
    %add3A_2472 = arith.constant 2752512 : i32
    %add3A_2473 = arith.addi %mul3A_2, %add3A_2472 : i32
    %dma_start3A_2474 = tpu.memref_slice %arg5[%mul3A_8] : memref<1572864xf32, #tpu.memory_space<vmem_shared>> -> memref<49152xf32, #tpu.memory_space<vmem_shared>>
    %dma_start3A_2475 = tpu.memref_slice %arg3[%add3A_2473] : memref<100663296xf32, #tpu.memory_space<hbm>> -> memref<49152xf32, #tpu.memory_space<hbm>>
    tpu.enqueue_dma source(%dma_start3A_2475 : memref<49152xf32, #tpu.memory_space<hbm>>) target(%dma_start3A_2474 : memref<49152xf32, #tpu.memory_space<vmem_shared>>) target_semaphore(%arg8 : memref<!tpu.dma_semaphore, #tpu.memory_space<semaphore_mem>>)
    %dma_wait3A_2476 = tpu.memref_slice %arg5[%mul3A_14] : memref<1572864xf32, #tpu.memory_space<vmem_shared>> -> memref<49152xf32, #tpu.memory_space<vmem_shared>>
    %dma_wait3A_2477 = tpu.memref_slice %arg3[%add3A_2461] : memref<100663296xf32, #tpu.memory_space<hbm>> -> memref<49152xf32, #tpu.memory_space<hbm>>
    tpu.wait_dma2 semaphore(%arg9 : memref<!tpu.dma_semaphore, #tpu.memory_space<semaphore_mem>>) src(%dma_wait3A_2477 : memref<49152xf32, #tpu.memory_space<hbm>>) dst(%dma_wait3A_2476 : memref<49152xf32, #tpu.memory_space<vmem_shared>>)
    %add3A_2478 = arith.constant 2703360 : i32
    %add3A_2479 = arith.addi %mul3A_2, %add3A_2478 : i32
    %dma_start3A_2480 = tpu.memref_slice %arg4[%add3A_2479] : memref<100663296xf32, #tpu.memory_space<hbm>> -> memref<49152xf32, #tpu.memory_space<hbm>>
    %dma_start3A_2481 = tpu.memref_slice %arg5[%mul3A_14] : memref<1572864xf32, #tpu.memory_space<vmem_shared>> -> memref<49152xf32, #tpu.memory_space<vmem_shared>>
    tpu.enqueue_dma source(%dma_start3A_2481 : memref<49152xf32, #tpu.memory_space<vmem_shared>>) target(%dma_start3A_2480 : memref<49152xf32, #tpu.memory_space<hbm>>) target_semaphore(%arg11 : memref<!tpu.dma_semaphore, #tpu.memory_space<semaphore_mem>>)
    %dma_wait3A_2482 = tpu.memref_slice %arg4[%add3A_2479] : memref<100663296xf32, #tpu.memory_space<hbm>> -> memref<49152xf32, #tpu.memory_space<hbm>>
    %dma_wait3A_2483 = tpu.memref_slice %arg5[%mul3A_14] : memref<1572864xf32, #tpu.memory_space<vmem_shared>> -> memref<49152xf32, #tpu.memory_space<vmem_shared>>
    tpu.wait_dma2 semaphore(%arg11 : memref<!tpu.dma_semaphore, #tpu.memory_space<semaphore_mem>>) src(%dma_wait3A_2483 : memref<49152xf32, #tpu.memory_space<vmem_shared>>) dst(%dma_wait3A_2482 : memref<49152xf32, #tpu.memory_space<hbm>>)
    %add3A_2484 = arith.constant 2801664 : i32
    %add3A_2485 = arith.addi %mul3A_2, %add3A_2484 : i32
    %dma_start3A_2486 = tpu.memref_slice %arg5[%mul3A_14] : memref<1572864xf32, #tpu.memory_space<vmem_shared>> -> memref<49152xf32, #tpu.memory_space<vmem_shared>>
    %dma_start3A_2487 = tpu.memref_slice %arg3[%add3A_2485] : memref<100663296xf32, #tpu.memory_space<hbm>> -> memref<49152xf32, #tpu.memory_space<hbm>>
    tpu.enqueue_dma source(%dma_start3A_2487 : memref<49152xf32, #tpu.memory_space<hbm>>) target(%dma_start3A_2486 : memref<49152xf32, #tpu.memory_space<vmem_shared>>) target_semaphore(%arg9 : memref<!tpu.dma_semaphore, #tpu.memory_space<semaphore_mem>>)
    %dma_wait3A_2488 = tpu.memref_slice %arg5[%mul3A_8] : memref<1572864xf32, #tpu.memory_space<vmem_shared>> -> memref<49152xf32, #tpu.memory_space<vmem_shared>>
    %dma_wait3A_2489 = tpu.memref_slice %arg3[%add3A_2473] : memref<100663296xf32, #tpu.memory_space<hbm>> -> memref<49152xf32, #tpu.memory_space<hbm>>
    tpu.wait_dma2 semaphore(%arg8 : memref<!tpu.dma_semaphore, #tpu.memory_space<semaphore_mem>>) src(%dma_wait3A_2489 : memref<49152xf32, #tpu.memory_space<hbm>>) dst(%dma_wait3A_2488 : memref<49152xf32, #tpu.memory_space<vmem_shared>>)
    %add3A_2490 = arith.constant 2752512 : i32
    %add3A_2491 = arith.addi %mul3A_2, %add3A_2490 : i32
    %dma_start3A_2492 = tpu.memref_slice %arg4[%add3A_2491] : memref<100663296xf32, #tpu.memory_space<hbm>> -> memref<49152xf32, #tpu.memory_space<hbm>>
    %dma_start3A_2493 = tpu.memref_slice %arg5[%mul3A_8] : memref<1572864xf32, #tpu.memory_space<vmem_shared>> -> memref<49152xf32, #tpu.memory_space<vmem_shared>>
    tpu.enqueue_dma source(%dma_start3A_2493 : memref<49152xf32, #tpu.memory_space<vmem_shared>>) target(%dma_start3A_2492 : memref<49152xf32, #tpu.memory_space<hbm>>) target_semaphore(%arg10 : memref<!tpu.dma_semaphore, #tpu.memory_space<semaphore_mem>>)
    %dma_wait3A_2494 = tpu.memref_slice %arg4[%add3A_2491] : memref<100663296xf32, #tpu.memory_space<hbm>> -> memref<49152xf32, #tpu.memory_space<hbm>>
    %dma_wait3A_2495 = tpu.memref_slice %arg5[%mul3A_8] : memref<1572864xf32, #tpu.memory_space<vmem_shared>> -> memref<49152xf32, #tpu.memory_space<vmem_shared>>
    tpu.wait_dma2 semaphore(%arg10 : memref<!tpu.dma_semaphore, #tpu.memory_space<semaphore_mem>>) src(%dma_wait3A_2495 : memref<49152xf32, #tpu.memory_space<vmem_shared>>) dst(%dma_wait3A_2494 : memref<49152xf32, #tpu.memory_space<hbm>>)
    %add3A_2496 = arith.constant 2850816 : i32
    %add3A_2497 = arith.addi %mul3A_2, %add3A_2496 : i32
    %dma_start3A_2498 = tpu.memref_slice %arg5[%mul3A_8] : memref<1572864xf32, #tpu.memory_space<vmem_shared>> -> memref<49152xf32, #tpu.memory_space<vmem_shared>>
    %dma_start3A_2499 = tpu.memref_slice %arg3[%add3A_2497] : memref<100663296xf32, #tpu.memory_space<hbm>> -> memref<49152xf32, #tpu.memory_space<hbm>>
    tpu.enqueue_dma source(%dma_start3A_2499 : memref<49152xf32, #tpu.memory_space<hbm>>) target(%dma_start3A_2498 : memref<49152xf32, #tpu.memory_space<vmem_shared>>) target_semaphore(%arg8 : memref<!tpu.dma_semaphore, #tpu.memory_space<semaphore_mem>>)
    %dma_wait3A_2500 = tpu.memref_slice %arg5[%mul3A_14] : memref<1572864xf32, #tpu.memory_space<vmem_shared>> -> memref<49152xf32, #tpu.memory_space<vmem_shared>>
    %dma_wait3A_2501 = tpu.memref_slice %arg3[%add3A_2485] : memref<100663296xf32, #tpu.memory_space<hbm>> -> memref<49152xf32, #tpu.memory_space<hbm>>
    tpu.wait_dma2 semaphore(%arg9 : memref<!tpu.dma_semaphore, #tpu.memory_space<semaphore_mem>>) src(%dma_wait3A_2501 : memref<49152xf32, #tpu.memory_space<hbm>>) dst(%dma_wait3A_2500 : memref<49152xf32, #tpu.memory_space<vmem_shared>>)
    %add3A_2502 = arith.constant 2801664 : i32
    %add3A_2503 = arith.addi %mul3A_2, %add3A_2502 : i32
    %dma_start3A_2504 = tpu.memref_slice %arg4[%add3A_2503] : memref<100663296xf32, #tpu.memory_space<hbm>> -> memref<49152xf32, #tpu.memory_space<hbm>>
    %dma_start3A_2505 = tpu.memref_slice %arg5[%mul3A_14] : memref<1572864xf32, #tpu.memory_space<vmem_shared>> -> memref<49152xf32, #tpu.memory_space<vmem_shared>>
    tpu.enqueue_dma source(%dma_start3A_2505 : memref<49152xf32, #tpu.memory_space<vmem_shared>>) target(%dma_start3A_2504 : memref<49152xf32, #tpu.memory_space<hbm>>) target_semaphore(%arg11 : memref<!tpu.dma_semaphore, #tpu.memory_space<semaphore_mem>>)
    %dma_wait3A_2506 = tpu.memref_slice %arg4[%add3A_2503] : memref<100663296xf32, #tpu.memory_space<hbm>> -> memref<49152xf32, #tpu.memory_space<hbm>>
    %dma_wait3A_2507 = tpu.memref_slice %arg5[%mul3A_14] : memref<1572864xf32, #tpu.memory_space<vmem_shared>> -> memref<49152xf32, #tpu.memory_space<vmem_shared>>
    tpu.wait_dma2 semaphore(%arg11 : memref<!tpu.dma_semaphore, #tpu.memory_space<semaphore_mem>>) src(%dma_wait3A_2507 : memref<49152xf32, #tpu.memory_space<vmem_shared>>) dst(%dma_wait3A_2506 : memref<49152xf32, #tpu.memory_space<hbm>>)
    %add3A_2508 = arith.constant 2899968 : i32
    %add3A_2509 = arith.addi %mul3A_2, %add3A_2508 : i32
    %dma_start3A_2510 = tpu.memref_slice %arg5[%mul3A_14] : memref<1572864xf32, #tpu.memory_space<vmem_shared>> -> memref<49152xf32, #tpu.memory_space<vmem_shared>>
    %dma_start3A_2511 = tpu.memref_slice %arg3[%add3A_2509] : memref<100663296xf32, #tpu.memory_space<hbm>> -> memref<49152xf32, #tpu.memory_space<hbm>>
    tpu.enqueue_dma source(%dma_start3A_2511 : memref<49152xf32, #tpu.memory_space<hbm>>) target(%dma_start3A_2510 : memref<49152xf32, #tpu.memory_space<vmem_shared>>) target_semaphore(%arg9 : memref<!tpu.dma_semaphore, #tpu.memory_space<semaphore_mem>>)
    %dma_wait3A_2512 = tpu.memref_slice %arg5[%mul3A_8] : memref<1572864xf32, #tpu.memory_space<vmem_shared>> -> memref<49152xf32, #tpu.memory_space<vmem_shared>>
    %dma_wait3A_2513 = tpu.memref_slice %arg3[%add3A_2497] : memref<100663296xf32, #tpu.memory_space<hbm>> -> memref<49152xf32, #tpu.memory_space<hbm>>
    tpu.wait_dma2 semaphore(%arg8 : memref<!tpu.dma_semaphore, #tpu.memory_space<semaphore_mem>>) src(%dma_wait3A_2513 : memref<49152xf32, #tpu.memory_space<hbm>>) dst(%dma_wait3A_2512 : memref<49152xf32, #tpu.memory_space<vmem_shared>>)
    %add3A_2514 = arith.constant 2850816 : i32
    %add3A_2515 = arith.addi %mul3A_2, %add3A_2514 : i32
    %dma_start3A_2516 = tpu.memref_slice %arg4[%add3A_2515] : memref<100663296xf32, #tpu.memory_space<hbm>> -> memref<49152xf32, #tpu.memory_space<hbm>>
    %dma_start3A_2517 = tpu.memref_slice %arg5[%mul3A_8] : memref<1572864xf32, #tpu.memory_space<vmem_shared>> -> memref<49152xf32, #tpu.memory_space<vmem_shared>>
    tpu.enqueue_dma source(%dma_start3A_2517 : memref<49152xf32, #tpu.memory_space<vmem_shared>>) target(%dma_start3A_2516 : memref<49152xf32, #tpu.memory_space<hbm>>) target_semaphore(%arg10 : memref<!tpu.dma_semaphore, #tpu.memory_space<semaphore_mem>>)
    %dma_wait3A_2518 = tpu.memref_slice %arg4[%add3A_2515] : memref<100663296xf32, #tpu.memory_space<hbm>> -> memref<49152xf32, #tpu.memory_space<hbm>>
    %dma_wait3A_2519 = tpu.memref_slice %arg5[%mul3A_8] : memref<1572864xf32, #tpu.memory_space<vmem_shared>> -> memref<49152xf32, #tpu.memory_space<vmem_shared>>
    tpu.wait_dma2 semaphore(%arg10 : memref<!tpu.dma_semaphore, #tpu.memory_space<semaphore_mem>>) src(%dma_wait3A_2519 : memref<49152xf32, #tpu.memory_space<vmem_shared>>) dst(%dma_wait3A_2518 : memref<49152xf32, #tpu.memory_space<hbm>>)
    %add3A_2520 = arith.constant 2949120 : i32
    %add3A_2521 = arith.addi %mul3A_2, %add3A_2520 : i32
    %dma_start3A_2522 = tpu.memref_slice %arg5[%mul3A_8] : memref<1572864xf32, #tpu.memory_space<vmem_shared>> -> memref<49152xf32, #tpu.memory_space<vmem_shared>>
    %dma_start3A_2523 = tpu.memref_slice %arg3[%add3A_2521] : memref<100663296xf32, #tpu.memory_space<hbm>> -> memref<49152xf32, #tpu.memory_space<hbm>>
    tpu.enqueue_dma source(%dma_start3A_2523 : memref<49152xf32, #tpu.memory_space<hbm>>) target(%dma_start3A_2522 : memref<49152xf32, #tpu.memory_space<vmem_shared>>) target_semaphore(%arg8 : memref<!tpu.dma_semaphore, #tpu.memory_space<semaphore_mem>>)
    %dma_wait3A_2524 = tpu.memref_slice %arg5[%mul3A_14] : memref<1572864xf32, #tpu.memory_space<vmem_shared>> -> memref<49152xf32, #tpu.memory_space<vmem_shared>>
    %dma_wait3A_2525 = tpu.memref_slice %arg3[%add3A_2509] : memref<100663296xf32, #tpu.memory_space<hbm>> -> memref<49152xf32, #tpu.memory_space<hbm>>
    tpu.wait_dma2 semaphore(%arg9 : memref<!tpu.dma_semaphore, #tpu.memory_space<semaphore_mem>>) src(%dma_wait3A_2525 : memref<49152xf32, #tpu.memory_space<hbm>>) dst(%dma_wait3A_2524 : memref<49152xf32, #tpu.memory_space<vmem_shared>>)
    %add3A_2526 = arith.constant 2899968 : i32
    %add3A_2527 = arith.addi %mul3A_2, %add3A_2526 : i32
    %dma_start3A_2528 = tpu.memref_slice %arg4[%add3A_2527] : memref<100663296xf32, #tpu.memory_space<hbm>> -> memref<49152xf32, #tpu.memory_space<hbm>>
    %dma_start3A_2529 = tpu.memref_slice %arg5[%mul3A_14] : memref<1572864xf32, #tpu.memory_space<vmem_shared>> -> memref<49152xf32, #tpu.memory_space<vmem_shared>>
    tpu.enqueue_dma source(%dma_start3A_2529 : memref<49152xf32, #tpu.memory_space<vmem_shared>>) target(%dma_start3A_2528 : memref<49152xf32, #tpu.memory_space<hbm>>) target_semaphore(%arg11 : memref<!tpu.dma_semaphore, #tpu.memory_space<semaphore_mem>>)
    %dma_wait3A_2530 = tpu.memref_slice %arg4[%add3A_2527] : memref<100663296xf32, #tpu.memory_space<hbm>> -> memref<49152xf32, #tpu.memory_space<hbm>>
    %dma_wait3A_2531 = tpu.memref_slice %arg5[%mul3A_14] : memref<1572864xf32, #tpu.memory_space<vmem_shared>> -> memref<49152xf32, #tpu.memory_space<vmem_shared>>
    tpu.wait_dma2 semaphore(%arg11 : memref<!tpu.dma_semaphore, #tpu.memory_space<semaphore_mem>>) src(%dma_wait3A_2531 : memref<49152xf32, #tpu.memory_space<vmem_shared>>) dst(%dma_wait3A_2530 : memref<49152xf32, #tpu.memory_space<hbm>>)
    %add3A_2532 = arith.constant 2998272 : i32
    %add3A_2533 = arith.addi %mul3A_2, %add3A_2532 : i32
    %dma_start3A_2534 = tpu.memref_slice %arg5[%mul3A_14] : memref<1572864xf32, #tpu.memory_space<vmem_shared>> -> memref<49152xf32, #tpu.memory_space<vmem_shared>>
    %dma_start3A_2535 = tpu.memref_slice %arg3[%add3A_2533] : memref<100663296xf32, #tpu.memory_space<hbm>> -> memref<49152xf32, #tpu.memory_space<hbm>>
    tpu.enqueue_dma source(%dma_start3A_2535 : memref<49152xf32, #tpu.memory_space<hbm>>) target(%dma_start3A_2534 : memref<49152xf32, #tpu.memory_space<vmem_shared>>) target_semaphore(%arg9 : memref<!tpu.dma_semaphore, #tpu.memory_space<semaphore_mem>>)
    %dma_wait3A_2536 = tpu.memref_slice %arg5[%mul3A_8] : memref<1572864xf32, #tpu.memory_space<vmem_shared>> -> memref<49152xf32, #tpu.memory_space<vmem_shared>>
    %dma_wait3A_2537 = tpu.memref_slice %arg3[%add3A_2521] : memref<100663296xf32, #tpu.memory_space<hbm>> -> memref<49152xf32, #tpu.memory_space<hbm>>
    tpu.wait_dma2 semaphore(%arg8 : memref<!tpu.dma_semaphore, #tpu.memory_space<semaphore_mem>>) src(%dma_wait3A_2537 : memref<49152xf32, #tpu.memory_space<hbm>>) dst(%dma_wait3A_2536 : memref<49152xf32, #tpu.memory_space<vmem_shared>>)
    %add3A_2538 = arith.constant 2949120 : i32
    %add3A_2539 = arith.addi %mul3A_2, %add3A_2538 : i32
    %dma_start3A_2540 = tpu.memref_slice %arg4[%add3A_2539] : memref<100663296xf32, #tpu.memory_space<hbm>> -> memref<49152xf32, #tpu.memory_space<hbm>>
    %dma_start3A_2541 = tpu.memref_slice %arg5[%mul3A_8] : memref<1572864xf32, #tpu.memory_space<vmem_shared>> -> memref<49152xf32, #tpu.memory_space<vmem_shared>>
    tpu.enqueue_dma source(%dma_start3A_2541 : memref<49152xf32, #tpu.memory_space<vmem_shared>>) target(%dma_start3A_2540 : memref<49152xf32, #tpu.memory_space<hbm>>) target_semaphore(%arg10 : memref<!tpu.dma_semaphore, #tpu.memory_space<semaphore_mem>>)
    %dma_wait3A_2542 = tpu.memref_slice %arg4[%add3A_2539] : memref<100663296xf32, #tpu.memory_space<hbm>> -> memref<49152xf32, #tpu.memory_space<hbm>>
    %dma_wait3A_2543 = tpu.memref_slice %arg5[%mul3A_8] : memref<1572864xf32, #tpu.memory_space<vmem_shared>> -> memref<49152xf32, #tpu.memory_space<vmem_shared>>
    tpu.wait_dma2 semaphore(%arg10 : memref<!tpu.dma_semaphore, #tpu.memory_space<semaphore_mem>>) src(%dma_wait3A_2543 : memref<49152xf32, #tpu.memory_space<vmem_shared>>) dst(%dma_wait3A_2542 : memref<49152xf32, #tpu.memory_space<hbm>>)
    %add3A_2544 = arith.constant 3047424 : i32
    %add3A_2545 = arith.addi %mul3A_2, %add3A_2544 : i32
    %dma_start3A_2546 = tpu.memref_slice %arg5[%mul3A_8] : memref<1572864xf32, #tpu.memory_space<vmem_shared>> -> memref<49152xf32, #tpu.memory_space<vmem_shared>>
    %dma_start3A_2547 = tpu.memref_slice %arg3[%add3A_2545] : memref<100663296xf32, #tpu.memory_space<hbm>> -> memref<49152xf32, #tpu.memory_space<hbm>>
    tpu.enqueue_dma source(%dma_start3A_2547 : memref<49152xf32, #tpu.memory_space<hbm>>) target(%dma_start3A_2546 : memref<49152xf32, #tpu.memory_space<vmem_shared>>) target_semaphore(%arg8 : memref<!tpu.dma_semaphore, #tpu.memory_space<semaphore_mem>>)
    %dma_wait3A_2548 = tpu.memref_slice %arg5[%mul3A_14] : memref<1572864xf32, #tpu.memory_space<vmem_shared>> -> memref<49152xf32, #tpu.memory_space<vmem_shared>>
    %dma_wait3A_2549 = tpu.memref_slice %arg3[%add3A_2533] : memref<100663296xf32, #tpu.memory_space<hbm>> -> memref<49152xf32, #tpu.memory_space<hbm>>
    tpu.wait_dma2 semaphore(%arg9 : memref<!tpu.dma_semaphore, #tpu.memory_space<semaphore_mem>>) src(%dma_wait3A_2549 : memref<49152xf32, #tpu.memory_space<hbm>>) dst(%dma_wait3A_2548 : memref<49152xf32, #tpu.memory_space<vmem_shared>>)
    %add3A_2550 = arith.constant 2998272 : i32
    %add3A_2551 = arith.addi %mul3A_2, %add3A_2550 : i32
    %dma_start3A_2552 = tpu.memref_slice %arg4[%add3A_2551] : memref<100663296xf32, #tpu.memory_space<hbm>> -> memref<49152xf32, #tpu.memory_space<hbm>>
    %dma_start3A_2553 = tpu.memref_slice %arg5[%mul3A_14] : memref<1572864xf32, #tpu.memory_space<vmem_shared>> -> memref<49152xf32, #tpu.memory_space<vmem_shared>>
    tpu.enqueue_dma source(%dma_start3A_2553 : memref<49152xf32, #tpu.memory_space<vmem_shared>>) target(%dma_start3A_2552 : memref<49152xf32, #tpu.memory_space<hbm>>) target_semaphore(%arg11 : memref<!tpu.dma_semaphore, #tpu.memory_space<semaphore_mem>>)
    %dma_wait3A_2554 = tpu.memref_slice %arg4[%add3A_2551] : memref<100663296xf32, #tpu.memory_space<hbm>> -> memref<49152xf32, #tpu.memory_space<hbm>>
    %dma_wait3A_2555 = tpu.memref_slice %arg5[%mul3A_14] : memref<1572864xf32, #tpu.memory_space<vmem_shared>> -> memref<49152xf32, #tpu.memory_space<vmem_shared>>
    tpu.wait_dma2 semaphore(%arg11 : memref<!tpu.dma_semaphore, #tpu.memory_space<semaphore_mem>>) src(%dma_wait3A_2555 : memref<49152xf32, #tpu.memory_space<vmem_shared>>) dst(%dma_wait3A_2554 : memref<49152xf32, #tpu.memory_space<hbm>>)
    %add3A_2556 = arith.constant 3096576 : i32
    %add3A_2557 = arith.addi %mul3A_2, %add3A_2556 : i32
    %dma_start3A_2558 = tpu.memref_slice %arg5[%mul3A_14] : memref<1572864xf32, #tpu.memory_space<vmem_shared>> -> memref<49152xf32, #tpu.memory_space<vmem_shared>>
    %dma_start3A_2559 = tpu.memref_slice %arg3[%add3A_2557] : memref<100663296xf32, #tpu.memory_space<hbm>> -> memref<49152xf32, #tpu.memory_space<hbm>>
    tpu.enqueue_dma source(%dma_start3A_2559 : memref<49152xf32, #tpu.memory_space<hbm>>) target(%dma_start3A_2558 : memref<49152xf32, #tpu.memory_space<vmem_shared>>) target_semaphore(%arg9 : memref<!tpu.dma_semaphore, #tpu.memory_space<semaphore_mem>>)
    %dma_wait3A_2560 = tpu.memref_slice %arg5[%mul3A_8] : memref<1572864xf32, #tpu.memory_space<vmem_shared>> -> memref<49152xf32, #tpu.memory_space<vmem_shared>>
    %dma_wait3A_2561 = tpu.memref_slice %arg3[%add3A_2545] : memref<100663296xf32, #tpu.memory_space<hbm>> -> memref<49152xf32, #tpu.memory_space<hbm>>
    tpu.wait_dma2 semaphore(%arg8 : memref<!tpu.dma_semaphore, #tpu.memory_space<semaphore_mem>>) src(%dma_wait3A_2561 : memref<49152xf32, #tpu.memory_space<hbm>>) dst(%dma_wait3A_2560 : memref<49152xf32, #tpu.memory_space<vmem_shared>>)
    %add3A_2562 = arith.constant 3047424 : i32
    %add3A_2563 = arith.addi %mul3A_2, %add3A_2562 : i32
    %dma_start3A_2564 = tpu.memref_slice %arg4[%add3A_2563] : memref<100663296xf32, #tpu.memory_space<hbm>> -> memref<49152xf32, #tpu.memory_space<hbm>>
    %dma_start3A_2565 = tpu.memref_slice %arg5[%mul3A_8] : memref<1572864xf32, #tpu.memory_space<vmem_shared>> -> memref<49152xf32, #tpu.memory_space<vmem_shared>>
    tpu.enqueue_dma source(%dma_start3A_2565 : memref<49152xf32, #tpu.memory_space<vmem_shared>>) target(%dma_start3A_2564 : memref<49152xf32, #tpu.memory_space<hbm>>) target_semaphore(%arg10 : memref<!tpu.dma_semaphore, #tpu.memory_space<semaphore_mem>>)
    %dma_wait3A_2566 = tpu.memref_slice %arg5[%mul3A_14] : memref<1572864xf32, #tpu.memory_space<vmem_shared>> -> memref<49152xf32, #tpu.memory_space<vmem_shared>>
    %dma_wait3A_2567 = tpu.memref_slice %arg3[%add3A_2557] : memref<100663296xf32, #tpu.memory_space<hbm>> -> memref<49152xf32, #tpu.memory_space<hbm>>
    tpu.wait_dma2 semaphore(%arg9 : memref<!tpu.dma_semaphore, #tpu.memory_space<semaphore_mem>>) src(%dma_wait3A_2567 : memref<49152xf32, #tpu.memory_space<hbm>>) dst(%dma_wait3A_2566 : memref<49152xf32, #tpu.memory_space<vmem_shared>>)
    %add3A_2568 = arith.constant 3096576 : i32
    %add3A_2569 = arith.addi %mul3A_2, %add3A_2568 : i32
    %dma_start3A_2570 = tpu.memref_slice %arg4[%add3A_2569] : memref<100663296xf32, #tpu.memory_space<hbm>> -> memref<49152xf32, #tpu.memory_space<hbm>>
    %dma_start3A_2571 = tpu.memref_slice %arg5[%mul3A_14] : memref<1572864xf32, #tpu.memory_space<vmem_shared>> -> memref<49152xf32, #tpu.memory_space<vmem_shared>>
    tpu.enqueue_dma source(%dma_start3A_2571 : memref<49152xf32, #tpu.memory_space<vmem_shared>>) target(%dma_start3A_2570 : memref<49152xf32, #tpu.memory_space<hbm>>) target_semaphore(%arg11 : memref<!tpu.dma_semaphore, #tpu.memory_space<semaphore_mem>>)
    %dma_wait3A_2572 = tpu.memref_slice %arg4[%add3A_2563] : memref<100663296xf32, #tpu.memory_space<hbm>> -> memref<49152xf32, #tpu.memory_space<hbm>>
    %dma_wait3A_2573 = tpu.memref_slice %arg5[%mul3A_8] : memref<1572864xf32, #tpu.memory_space<vmem_shared>> -> memref<49152xf32, #tpu.memory_space<vmem_shared>>
    tpu.wait_dma2 semaphore(%arg10 : memref<!tpu.dma_semaphore, #tpu.memory_space<semaphore_mem>>) src(%dma_wait3A_2573 : memref<49152xf32, #tpu.memory_space<vmem_shared>>) dst(%dma_wait3A_2572 : memref<49152xf32, #tpu.memory_space<hbm>>)
    %dma_wait3A_2574 = tpu.memref_slice %arg4[%add3A_2569] : memref<100663296xf32, #tpu.memory_space<hbm>> -> memref<49152xf32, #tpu.memory_space<hbm>>
    %dma_wait3A_2575 = tpu.memref_slice %arg5[%mul3A_14] : memref<1572864xf32, #tpu.memory_space<vmem_shared>> -> memref<49152xf32, #tpu.memory_space<vmem_shared>>
    tpu.wait_dma2 semaphore(%arg11 : memref<!tpu.dma_semaphore, #tpu.memory_space<semaphore_mem>>) src(%dma_wait3A_2575 : memref<49152xf32, #tpu.memory_space<vmem_shared>>) dst(%dma_wait3A_2574 : memref<49152xf32, #tpu.memory_space<hbm>>)
    %mul3A_2576 = arith.constant 16 : i32
    %mul3A_2577 = arith.muli %add3A, %mul3A_2576 : i32
    %max3A_2578 = arith.maxsi %max3A_1796, %mul3A_2577 : i32
    %mul3A_2579 = arith.constant 16 : i32
    %mul3A_2580 = arith.muli %add3A, %mul3A_2579 : i32
    %add3A_2581 = arith.constant 16 : i32
    %add3A_2582 = arith.addi %mul3A_2580, %add3A_2581 : i32
    %sub3A_2583 = arith.constant 1 : i32
    %sub3A_2584 = arith.subi %add3A_2582, %sub3A_2583 : i32
    %min3A_2585 = arith.minsi %min3A_1804, %sub3A_2584 : i32
    %mul3A_2586 = arith.constant 384 : i32
    %mul3A_2587 = arith.muli %max3A_1785, %mul3A_2586 : i32
    %add3A_2588 = arith.constant 1 : i32
    %add3A_2589 = arith.addi %min3A_1792, %add3A_2588 : i32
    %mul3A_2590 = arith.constant 384 : i32
    %mul3A_2591 = arith.muli %add3A_2589, %mul3A_2590 : i32
    %sub3A_2592 = arith.constant 19584 : i32
    %sub3A_2593 = arith.subi %mul3A_2591, %sub3A_2592 : i32
    %add3A_2594 = arith.constant 1 : i32
    %add3A_2595 = arith.addi %min3A_2585, %add3A_2594 : i32
    %while3A = arith.constant 0 : i32
    %while3A_2596 = arith.subi %add3A_2595, %max3A_2578 : i32
    %while3A_2597 = arith.addi %max3A_2578, %while3A_2596 : i32
    %while3A_2598 = arith.constant 1 : i32
    %while3A_2599 = arith.divsi %while3A_2596, %while3A_2598 : i32
    %while3A_2600 = arith.muli %while3A_2599, %while3A_2598 : i32
    %while3A_2601 = arith.addi %max3A_2578, %while3A_2600 : i32
    %while3A_2602 = arith.constant 1 : i32
    scf.for %while3A_2604 = %max3A_2578 to %while3A_2601 step %while3A_2602  : i32 {
      %mul3A_2605 = arith.constant 196608 : i32
      %mul3A_2606 = arith.muli %while3A_2604, %mul3A_2605 : i32
      %add3A_2607 = arith.addi %mul3A_2606, %mul3A_2587 : i32
      "tpu.region"() ({
        %run_scoped3A = tpu.sem_alloc : memref<!tpu.dma_semaphore, #tpu.memory_space<semaphore_mem>>
        %dma_start3A_2609 = tpu.memref_slice %arg4[%add3A_2607] : memref<100663296xf32, #tpu.memory_space<hbm>> -> memref<19584xf32, #tpu.memory_space<hbm>>
        %dma_start3A_2610 = tpu.memref_slice %arg4[%add3A_2607] : memref<100663296xf32, #tpu.memory_space<hbm>> -> memref<19584xf32, #tpu.memory_space<hbm>>
        tpu.enqueue_dma source(%arg6 : memref<19584xf32, #tpu.memory_space<vmem>>) target(%dma_start3A_2610 : memref<19584xf32, #tpu.memory_space<hbm>>) target_semaphore(%run_scoped3A : memref<!tpu.dma_semaphore, #tpu.memory_space<semaphore_mem>>)
        %dma_wait3A_2611 = tpu.memref_slice %arg4[%add3A_2607] : memref<100663296xf32, #tpu.memory_space<hbm>> -> memref<19584xf32, #tpu.memory_space<hbm>>
        %dma_wait3A_2612 = tpu.memref_slice %arg4[%add3A_2607] : memref<100663296xf32, #tpu.memory_space<hbm>> -> memref<19584xf32, #tpu.memory_space<hbm>>
        tpu.wait_dma2 semaphore(%run_scoped3A : memref<!tpu.dma_semaphore, #tpu.memory_space<semaphore_mem>>) src(%arg6 : memref<19584xf32, #tpu.memory_space<vmem>>) dst(%dma_wait3A_2612 : memref<19584xf32, #tpu.memory_space<hbm>>)
        tpu.yield
      }) : () -> ()
      %add3A_2608 = arith.addi %mul3A_2606, %sub3A_2593 : i32
      "tpu.region"() ({
        %run_scoped3A = tpu.sem_alloc : memref<!tpu.dma_semaphore, #tpu.memory_space<semaphore_mem>>
        %dma_start3A_2609 = tpu.memref_slice %arg4[%add3A_2608] : memref<100663296xf32, #tpu.memory_space<hbm>> -> memref<19584xf32, #tpu.memory_space<hbm>>
        %dma_start3A_2610 = tpu.memref_slice %arg4[%add3A_2608] : memref<100663296xf32, #tpu.memory_space<hbm>> -> memref<19584xf32, #tpu.memory_space<hbm>>
        tpu.enqueue_dma source(%arg6 : memref<19584xf32, #tpu.memory_space<vmem>>) target(%dma_start3A_2610 : memref<19584xf32, #tpu.memory_space<hbm>>) target_semaphore(%run_scoped3A : memref<!tpu.dma_semaphore, #tpu.memory_space<semaphore_mem>>)
        %dma_wait3A_2611 = tpu.memref_slice %arg4[%add3A_2608] : memref<100663296xf32, #tpu.memory_space<hbm>> -> memref<19584xf32, #tpu.memory_space<hbm>>
        %dma_wait3A_2612 = tpu.memref_slice %arg4[%add3A_2608] : memref<100663296xf32, #tpu.memory_space<hbm>> -> memref<19584xf32, #tpu.memory_space<hbm>>
        tpu.wait_dma2 semaphore(%run_scoped3A : memref<!tpu.dma_semaphore, #tpu.memory_space<semaphore_mem>>) src(%arg6 : memref<19584xf32, #tpu.memory_space<vmem>>) dst(%dma_wait3A_2612 : memref<19584xf32, #tpu.memory_space<hbm>>)
        tpu.yield
      }) : () -> ()
    }
    %while3A_2603 = arith.constant 1 : i32
    scf.for %while3A_2604 = %while3A_2601 to %while3A_2597 step %while3A_2603  : i32 {
      %mul3A_2605 = arith.constant 196608 : i32
      %mul3A_2606 = arith.muli %while3A_2604, %mul3A_2605 : i32
      %add3A_2607 = arith.addi %mul3A_2606, %mul3A_2587 : i32
      "tpu.region"() ({
        %run_scoped3A = tpu.sem_alloc : memref<!tpu.dma_semaphore, #tpu.memory_space<semaphore_mem>>
        %dma_start3A_2609 = tpu.memref_slice %arg4[%add3A_2607] : memref<100663296xf32, #tpu.memory_space<hbm>> -> memref<19584xf32, #tpu.memory_space<hbm>>
        %dma_start3A_2610 = tpu.memref_slice %arg4[%add3A_2607] : memref<100663296xf32, #tpu.memory_space<hbm>> -> memref<19584xf32, #tpu.memory_space<hbm>>
        tpu.enqueue_dma source(%arg6 : memref<19584xf32, #tpu.memory_space<vmem>>) target(%dma_start3A_2610 : memref<19584xf32, #tpu.memory_space<hbm>>) target_semaphore(%run_scoped3A : memref<!tpu.dma_semaphore, #tpu.memory_space<semaphore_mem>>)
        %dma_wait3A_2611 = tpu.memref_slice %arg4[%add3A_2607] : memref<100663296xf32, #tpu.memory_space<hbm>> -> memref<19584xf32, #tpu.memory_space<hbm>>
        %dma_wait3A_2612 = tpu.memref_slice %arg4[%add3A_2607] : memref<100663296xf32, #tpu.memory_space<hbm>> -> memref<19584xf32, #tpu.memory_space<hbm>>
        tpu.wait_dma2 semaphore(%run_scoped3A : memref<!tpu.dma_semaphore, #tpu.memory_space<semaphore_mem>>) src(%arg6 : memref<19584xf32, #tpu.memory_space<vmem>>) dst(%dma_wait3A_2612 : memref<19584xf32, #tpu.memory_space<hbm>>)
        tpu.yield
      }) : () -> ()
      %add3A_2608 = arith.addi %mul3A_2606, %sub3A_2593 : i32
      "tpu.region"() ({
        %run_scoped3A = tpu.sem_alloc : memref<!tpu.dma_semaphore, #tpu.memory_space<semaphore_mem>>
        %dma_start3A_2609 = tpu.memref_slice %arg4[%add3A_2608] : memref<100663296xf32, #tpu.memory_space<hbm>> -> memref<19584xf32, #tpu.memory_space<hbm>>
        %dma_start3A_2610 = tpu.memref_slice %arg4[%add3A_2608] : memref<100663296xf32, #tpu.memory_space<hbm>> -> memref<19584xf32, #tpu.memory_space<hbm>>
        tpu.enqueue_dma source(%arg6 : memref<19584xf32, #tpu.memory_space<vmem>>) target(%dma_start3A_2610 : memref<19584xf32, #tpu.memory_space<hbm>>) target_semaphore(%run_scoped3A : memref<!tpu.dma_semaphore, #tpu.memory_space<semaphore_mem>>)
        %dma_wait3A_2611 = tpu.memref_slice %arg4[%add3A_2608] : memref<100663296xf32, #tpu.memory_space<hbm>> -> memref<19584xf32, #tpu.memory_space<hbm>>
        %dma_wait3A_2612 = tpu.memref_slice %arg4[%add3A_2608] : memref<100663296xf32, #tpu.memory_space<hbm>> -> memref<19584xf32, #tpu.memory_space<hbm>>
        tpu.wait_dma2 semaphore(%run_scoped3A : memref<!tpu.dma_semaphore, #tpu.memory_space<semaphore_mem>>) src(%arg6 : memref<19584xf32, #tpu.memory_space<vmem>>) dst(%dma_wait3A_2612 : memref<19584xf32, #tpu.memory_space<hbm>>)
        tpu.yield
      }) : () -> ()
    }
    return
  }
}

</mosaic_0001>

<sc_bundles>
// kernel: kernel.3.cloned.1.call-start
scs
__scs_entry_jumppad:
0x0: {  	(pc) =	sbr.rel $0x88, $3  }
0x1: {  	(tag) =	ssettag $0x0;
	lr =	simm.s32 $0x1  }
0x2: {  	[smem:$0x3F9F] =	sst lr;
	_ =	strace $0xD0000000  }
0x3: {  	_ = 	snop  }
0x4: {  	_ = 	snop  }
0x5: {  	_ = 	snop  }
0x6: {  	_ = 	snop  }
0x7: {  	_ = 	snop  }
__scs_overlays_trampoline_lowered:
0x8: {  	[smem:$0x3FAE] =	sst s0  }
0x9: {  	[smem:$0x3FAF] =	sst s1  }
0xa: {  	[smem:$0x3FB0] =	sst s2  }
0xb: {  	[smem:$0x3FB1] =	sst s3  }
0xc: {  	[smem:$0x3FB2] =	sst s4  }
0xd: {  	[smem:$0x3FB3] =	sst s5  }
0xe: {  	[smem:$0x3FB4] =	sst s6  }
0xf: {  	[smem:$0x3FB5] =	sst s7  }
0x10: {  	[smem:$0x3FB6] =	sst s8  }
0x11: {  	[smem:$0x3FB7] =	sst s9;
	s0 =	simm.s32 @!p0 $0x0  }
0x12: {  	s1 =	sld [smem:$0x3F9D];
	s0 =	simm.s32 @p0 $0x1  }
0x13: {  	[smem:$0x3FB8] =	sst s0;
	s0 =	simm.s32 @!p1 $0x0  }
0x14: {  	s2 =	sld [smem:$0x3F9C];
	s0 =	simm.s32 @p1 $0x1  }
0x15: {  	[smem:$0x3FB9] =	sst s0;
	s0 =	simm.s32 @!p2 $0x0  }
0x16: {  	s3 =	sld [smem:$0x3FDB];
	s0 =	simm.s32 @p2 $0x1  }
0x17: {  	s4 =	simm.s32 $0x1BF5;
	[smem:$0x3FBB] =	sst s0  }
0x18: {  	s0 =	sld [smem:$0x3F9E];
	_ =	swait.ge [sflag:s4], $0x0  }
0x19: {  	s7 =	sld [smem:$0x3F9F]  }
0x1a: {  	s8 =	sadd.s32 $0xFFFFE003, lr  }
0x1b: {  	s9 =	sadd.s32 $0xFFFFFEF7, lr;
	s5 =	simm.s32 $0xFFFFFFFF;
	p2 =	slt.u32 s8, $0xFFFFF086  }
0x1c: {  	p1 =	slt.u32 s9, $0xF7A;
	s5 =	simm.s32 @!p2 $0x0  }
0x1d: {  	s5 =	simm.s32 @p1 $0x1;
	p0 =	seq.s32 s7, s2  }
0x1e: {  	s7 =	smul.u32 @!p0 $0xF7A, s2;
	p2 =	seq.s32 @!p0 s5, $0x0  }
0x1f: {  	s9 =	smul.u32 $0xF7A, s1;
	s8 =	simm.s32 @!p0 $0x1BF5;
	p2 =	por !p2, p0  }
0x20: {  	[sflag:s8] =	ssyncset.s32 @!p0 $0xFFFFF086;
	s6 =	sadd.s32 @!p0 s3, s7;
	s7 =	simm.s32 @!p0 $0x108  }
0x21: {  	s3 =	sadd.s32 s3, s9;
	s6 =	sadd.s32 @!p0 $0x88, s6;
	s7 =	simm.s32 @p2 $0x1082  }
0x22: {  	[simem:s7], [sflag:s8] =	dma.local @!p0 [hbm:s6], $0xF7A  }
0x23: {  	s9 =	sor.u32 $0xD0000000, s2;
	s6 =	simm.s32 $0x108;
	_ =	swait.ge @!p0 [sflag:s8], $0x0  }
0x24: {  	s3 =	sadd.s32 $0x88, s3;
	s6 =	simm.s32 @!p1 $0x1082;
	[sflag:s4] =	ssyncset.s32 $0xFFFFF086  }
0x25: {  	[simem:s6], [sflag:s4] =	dma.local [hbm:s3], $0xF7A  }
0x26: {  	[smem:$0x3F9F] =	sst s1;
	(tag) =	ssettag s2;
	_ =	strace s9  }
0x27: {  	s1 =	sld [smem:$0x3FAF]  }
0x28: {  	s2 =	sld [smem:$0x3FB0]  }
0x29: {  	s4 =	sld [smem:$0x3FB2]  }
0x2a: {  	p0 =	seq.s32 s5, $0x0;
	s5 =	sld [smem:$0x3FB3]  }
0x2b: {  	s6 =	sld [smem:$0x3FB4]  }
0x2c: {  	s7 =	sld [smem:$0x3FB5]  }
0x2d: {  	s3 =	simm.s32 $0x108;
	s8 =	sld [smem:$0x3FB6]  }
0x2e: {  	s3 =	simm.s32 @!p0 $0x1082;
	s9 =	sld [smem:$0x3FB7]  }
0x2f: {  	lr =	sadd.s32 s0, s3;
	s0 =	sld [smem:$0x3FAE]  }
0x30: {  	s3 =	sld [smem:$0x3FB1]  }
0x31: {  	[smem:$0x3FBA] =	sst s10  }
0x32: {  	s10 =	sld [smem:$0x3FB8];
	_ =	sdelay $0x3  }
0x33: {  	p0 =	seq.s32 s10, $0x1;
	s10 =	sld [smem:$0x3FBA];
	_ =	sdelay $0x3  }
0x34: {  	[smem:$0x3FBA] =	sst s10  }
0x35: {  	s10 =	sld [smem:$0x3FB9];
	_ =	sdelay $0x3  }
0x36: {  	p1 =	seq.s32 s10, $0x1;
	s10 =	sld [smem:$0x3FBA];
	_ =	sdelay $0x3  }
0x37: {  	[smem:$0x3FBA] =	sst s10  }
0x38: {  	s10 =	sld [smem:$0x3FBB]  }
0x39: {  	_ = 	snop;
	(pc) =	sbr.ind lr, $3  }
0x3a: {  	_ = 	snop  }
0x3b: {  	_ = 	snop  }
0x3c: {  	p2 =	seq.s32 s10, $0x1;
	s10 =	sld [smem:$0x3FBA]  }
0x3d: {  	_ =	shalt  }
0x3e: {  	_ =	shalt  }
0x3f: {  	_ =	shalt  }
0x40: {  	_ =	shalt  }
0x41: {  	_ =	shalt  }
0x42: {  	_ =	shalt  }
0x43: {  	_ =	shalt  }
0x44: {  	_ =	shalt  }
0x45: {  	_ =	shalt  }
0x46: {  	_ =	shalt  }
0x47: {  	_ =	shalt  }
0x48: {  	_ =	shalt  }
0x49: {  	_ =	shalt  }
0x4a: {  	_ =	shalt  }
0x4b: {  	_ =	shalt  }
0x4c: {  	_ =	shalt  }
0x4d: {  	_ =	shalt  }
0x4e: {  	_ =	shalt  }
0x4f: {  	_ =	shalt  }
0x50: {  	_ =	shalt  }
0x51: {  	_ =	shalt  }
0x52: {  	_ =	shalt  }
0x53: {  	_ =	shalt  }
0x54: {  	_ =	shalt  }
0x55: {  	_ =	shalt  }
0x56: {  	_ =	shalt  }
0x57: {  	_ =	shalt  }
0x58: {  	_ =	shalt  }
0x59: {  	_ =	shalt  }
0x5a: {  	_ =	shalt  }
0x5b: {  	_ =	shalt  }
0x5c: {  	_ =	shalt  }
0x5d: {  	_ =	shalt  }
0x5e: {  	_ =	shalt  }
0x5f: {  	_ =	shalt  }
0x60: {  	_ =	shalt  }
0x61: {  	_ =	shalt  }
0x62: {  	_ =	shalt  }
0x63: {  	_ =	shalt  }
0x64: {  	_ =	shalt  }
0x65: {  	_ =	shalt  }
0x66: {  	_ =	shalt  }
0x67: {  	_ =	shalt  }
0x68: {  	_ =	shalt  }
0x69: {  	_ =	shalt  }
0x6a: {  	_ =	shalt  }
0x6b: {  	_ =	shalt  }
0x6c: {  	_ =	shalt  }
0x6d: {  	_ =	shalt  }
0x6e: {  	_ =	shalt  }
0x6f: {  	_ =	shalt  }
0x70: {  	_ =	shalt  }
0x71: {  	_ =	shalt  }
0x72: {  	_ =	shalt  }
0x73: {  	_ =	shalt  }
0x74: {  	_ =	shalt  }
0x75: {  	_ =	shalt  }
0x76: {  	_ =	shalt  }
0x77: {  	_ =	shalt  }
0x78: {  	_ =	shalt  }
0x79: {  	_ =	shalt  }
0x7a: {  	_ =	shalt  }
0x7b: {  	_ =	shalt  }
0x7c: {  	_ =	shalt  }
0x7d: {  	_ =	shalt  }
0x7e: {  	_ =	shalt  }
0x7f: {  	_ =	shalt  }
0x80: {  	_ =	shalt  }
0x81: {  	_ =	shalt  }
0x82: {  	_ =	shalt  }
0x83: {  	_ =	shalt  }
0x84: {  	_ =	shalt  }
0x85: {  	_ =	shalt  }
0x86: {  	_ =	shalt  }
0x87: {  	_ =	shalt  }
.Lfunc_end0:
.L_simem_size_0:
called_computation_lowered:
.L_overlay_start_0:
0x88: {  	s2 =	sld [smem:$0x3FD9]  }
0x89: {  	s3 =	sld [smem:$0x3FFE];
	_ =	sdelay $0x1  }
0x8a: {  	s1 =	srdreg.scid  }
0x8b: {  	s0 =	sand.u32 $0x1, s1  }
0x8c: {  	s17 =	sshll.u32 s0, $0xA;
	s2 =	sadd.s32 s3, s2  }
0x8d: {  	s2 =	sadd.s32 s2, s17  }
0x8e: {  	[smem:$0x3FC6] =	sst s2  }
0x8f: {  	_ = 	snop  }
0x90: {  	s2 =	sld [smem:$0x3FC8]  }
0x91: {  	s18 =	sld [smem:$0x3FD0];
	(tm) =	ssettm $0x1  }
0x92: {  	s4 =	sld [smem:$0x3FFB];
	_ =	sdelay $0x3  }
0x93: {  	_ =	strace s4  }
0x94: {  	s4 =	sld [smem:$0x3FFC];
	_ =	sdelay $0x3  }
0x95: {  	_ =	strace s4  }
0x96: {  	s4 =	sld [smem:$0x3FFD];
	_ =	sdelay $0x3  }
0x97: {  	_ =	strace s4  }
0x98: {  	_ =	strace $0x8FFFFFFF  }
0x99: {  	s19 =	sld [smem:$0x3FDB];
	_ =	sdelay $0x1  }
0x9a: {  	s5 =	simm.s32 $_scs_section_size  }
0x9b: {  	s6 =	simm.s32 $_size__tile_overlayer_lowered;
	s7 =	simm.s32 $_tile_overlayer_lowered  }
0x9c: {  	s22 =	simm.s32 $0x1BFF;
	s21 =	sshll.u32 s7, $0x1;
	s4 =	sadd.s32 s5, s19  }
0x9d: {  	s8 =	simm.s32 $0x0;
	s20 =	sshll.u32 s6, $0x1;
	s6 =	sadd.s32 s21, s4  }
0x9e: {  	[timem:s8], [sflag:s22] =	dma.local [hbm:s6], s20  }
0x9f: {  	_ =	swait.ge [sflag:s22], s20  }
0xa0: {  	s5 =	ssub.s32 $0x0, s20;
	[sflag:s22] =	ssyncset.done $0x0  }
0xa1: {  	[sflag:s22] =	ssyncadd.s32 s5;
	_ =	sdelay $0x1  }
0xa2: {  	s23 =	simm.s32 $0x1B8B  }
0xa3: {  	_ =	swait.ge [sflag:s23], $0x1  }
0xa4: {  	[sflag:s23] =	ssyncset.done $0x0  }
0xa5: {  	s25 =	simm.s32 $0x1B8E;
	s24 =	sld [smem:$0x3FFE];
	[sflag:s23] =	ssyncadd.s32 $0xFFFFFFFF  }
0xa6: {  	s26 =	simm.s32 $execute0_lowered;
	[smem:$0x3FD2] =	sst s25  }
0xa7: {  	s6 =	sshll.u32 s26, $0x1;
	_ =	strace $0x80000046;
	[dreg:$0x1] =	wrdreg $0xFFFFFFFF  }
0xa8: {  	s28 =	simm.s32 $_size_execute0_lowered;
	s4 =	sadd.s32 s4, s6;
	[dreg:$0x0] =	wrdreg $0x0  }
0xa9: {  	s6 =	sshll.u32 s28, $0x1;
	[dreg:$0x2] =	wrdreg s4  }
0xaa: {  	[dreg:$0x3] =	wrdreg s6  }
0xab: {  	[dreg:$0x4] =	wrdreg $0xC0  }
0xac: {  	_ =	task [dreg:s8], $0x5FFFF  }
0xad: {  	[dreg:$0x1] =	wrdreg $0xFFFFFFFF  }
0xae: {  	[dreg:$0x0] =	wrdreg $0x60  }
0xaf: {  	[dreg:$0x2] =	wrdreg s2  }
0xb0: {  	[dreg:$0x3] =	wrdreg s18  }
0xb1: {  	[dreg:$0x4] =	wrdreg s24  }
0xb2: {  	[dreg:$0x5] =	wrdreg $0x0  }
0xb3: {  	[dreg:$0x6] =	wrdreg $0x9  }
0xb4: {  	_ =	task.clear_ibuf [dreg:s8], $0x7FFFF;
	_ =	strace $0x90000046  }
0xb5: {  	s29 =	simm.s32 $0x9;
	_ =	strace $0x80000048  }
0xb6: {  	_ =	swait.ge [sflag:s29], $0x1  }
0xb7: {  	[sflag:s29] =	ssyncadd.s32 $0xFFFFFFFF  }
0xb8: {  	_ =	strace $0x90000048  }
0xb9: {  	_ =	sfence  }
0xba: {  	s30 =	sld [smem:$0x0];
	_ =	sdelay $0x2  }
0xbb: {  	s31 =	sshll.u32 s1, $0xD;
	s1 =	sshrl.u32 s1, $0x2  }
0xbc: {  	s3 =	sand.u32 $0x4000, s31;
	s1 =	sadd.s32 s1, s30  }
0xbd: {  	s0 =	sor.u32 s3, s0;
	s1 =	sshll.u32 s1, $0x11  }
0xbe: {  	s0 =	sor.u32 s1, s0  }
0xbf: {  	s0 =	sadd.s32 $0x8F2B, s0  }
0xc0: {  	[sflag:s0] =	ssyncadd.remote.s32 $0x1  }
0xc1: {  	_ =	sfence.sel $0xFFFF  }
0xc2: {  	[dreg:$0x0] =	wrdreg $0xFFFFFFFF;
	(pc) =	sbr.abs _section_cstart, $3  }
0xc3: {  	[dreg:$0x1] =	wrdreg $0xFFFFFFFF  }
0xc4: {  	_ =	task.clear_ibuf [dreg:s8], $0x2FFFF;
	_ =	strace $0x9FFFFFFF  }
0xc5: {  	(tm) =	ssettm $0x7FFFFFFF  }
tec
execute0_lowered:
.L_overlay_start_1:
0x0: {  	(tag) =	ssettag $0x1  }
0x1: {  	s1 =	srdreg.scid;
	s8 =	stileid.u32  }
0x2: {  	s0 =	rddreg [dreg:$0x1];
	s4 =	sand.u32 $0x1, s1;
	s24 =	sshll.u32 s8, $0x1  }
0x3: {  	s2 =	rddreg [dreg:$0x2];
	s8 =	smul.u32 $0x60000, s8;
	s1 =	sor.u32 s4, s24  }
0x4: {  	s6 =	rddreg [dreg:$0x3];
	s3 =	simm.s32 $0x0;
	s5 =	smul.u32 $0x300000, s1  }
0x5: {  	[smem:$0x7FF] =	sst s3  }
0x6: {  	_ =	strace $0x80000047;
	s26 =	sshrl.u32 s8, $0x2;
	s5 =	sshrl.u32 s5, $0x3  }
0x7: {  	s7 =	ssub.s32 $0x2, s4;
	s9 =	sadd.s32 s26, s6;
	s31 =	sor.u32 $0x1800, s5  }
0x8: {  	[dreg:$0x5] =	wrdreg s9;
	s11 =	sor.u32 $0x3000, s5;
	s10 =	sadd.s32 s0, s31  }
0x9: {  	s4 =	sadd.s32 $0x400, s2;
	s12 =	sadd.s32 s0, s11;
	[dreg:$0x6] =	wrdreg s10  }
0xa: {  	s14 =	sor.u32 $0x4800, s5;
	s13 =	sadd.s32 s4, s31;
	[dreg:$0x7] =	wrdreg s12  }
0xb: {  	s25 =	sshrl.u32 s7, $0x1;
	s15 =	sadd.s32 s0, s14;
	[dreg:$0x8] =	wrdreg s13  }
0xc: {  	s16 =	sor.u32 $0x6000, s5;
	s6 =	sadd.s32 s4, s11;
	[dreg:$0x9] =	wrdreg s15  }
0xd: {  	s2 =	ssub.s32 s7, s25;
	s17 =	sadd.s32 s0, s16;
	[dreg:$0xa] =	wrdreg s6  }
0xe: {  	s18 =	sor.u32 $0x7800, s5;
	s7 =	sadd.s32 s4, s14;
	[dreg:$0xb] =	wrdreg s17  }
0xf: {  	s20 =	sor.u32 $0x9000, s5;
	s19 =	sadd.s32 s0, s18;
	[dreg:$0xc] =	wrdreg s7  }
0x10: {  	s22 =	sor.u32 $0xA800, s5;
	s21 =	sadd.s32 s0, s20;
	[dreg:$0xd] =	wrdreg s19  }
0x11: {  	s24 =	sor.u32 $0xC000, s5;
	s23 =	sadd.s32 s0, s22;
	[dreg:$0xf] =	wrdreg s21  }
0x12: {  	s26 =	sor.u32 $0xD800, s5;
	s25 =	sadd.s32 s0, s24;
	[dreg:$0x11] =	wrdreg s23  }
0x13: {  	s31 =	sadd.s32 s0, s26;
	[dreg:$0x13] =	wrdreg s25  }
0x14: {  	s6 =	sadd.s32 s4, s16;
	[dreg:$0x16] =	wrdreg s31  }
0x15: {  	s8 =	sor.u32 $0xF000, s5;
	s7 =	sadd.s32 s4, s18;
	[dreg:$0xe] =	wrdreg s6  }
0x16: {  	s11 =	sor.u32 $0x10800, s5;
	s10 =	sadd.s32 s0, s8;
	[dreg:$0x10] =	wrdreg s7  }
0x17: {  	s12 =	sadd.s32 s0, s11;
	[dreg:$0x18] =	wrdreg s10  }
0x18: {  	s6 =	sadd.s32 s4, s20;
	[dreg:$0x1a] =	wrdreg s12  }
0x19: {  	s13 =	sor.u32 $0x12000, s5;
	s7 =	sadd.s32 s4, s22;
	[dreg:$0x12] =	wrdreg s6  }
0x1a: {  	s15 =	sor.u32 $0x13800, s5;
	s14 =	sadd.s32 s0, s13;
	[dreg:$0x14] =	wrdreg s7  }
0x1b: {  	s17 =	sor.u32 $0x15000, s5;
	s16 =	sadd.s32 s0, s15;
	[dreg:$0x1c] =	wrdreg s14  }
0x1c: {  	s19 =	sor.u32 $0x16800, s5;
	s18 =	sadd.s32 s0, s17;
	[dreg:$0x1e] =	wrdreg s16  }
0x1d: {  	s21 =	sor.u32 $0x18000, s5;
	s20 =	sadd.s32 s0, s19;
	[smem:$0x795] =	sst s18  }
0x1e: {  	s22 =	sadd.s32 s0, s21;
	[smem:$0x797] =	sst s20  }
0x1f: {  	s6 =	sadd.s32 s4, s24;
	[smem:$0x799] =	sst s22  }
0x20: {  	s23 =	sor.u32 $0x19800, s5;
	s7 =	sadd.s32 s4, s26;
	[dreg:$0x15] =	wrdreg s6  }
0x21: {  	s25 =	sor.u32 $0x1B000, s5;
	s24 =	sadd.s32 s0, s23;
	[dreg:$0x17] =	wrdreg s7  }
0x22: {  	s26 =	sadd.s32 s0, s25;
	[smem:$0x79B] =	sst s24  }
0x23: {  	s6 =	sadd.s32 s4, s8;
	[smem:$0x79D] =	sst s26  }
0x24: {  	s31 =	sor.u32 $0x1C800, s5;
	s7 =	sadd.s32 s4, s11;
	[dreg:$0x19] =	wrdreg s6  }
0x25: {  	s10 =	sor.u32 $0x1E000, s5;
	s8 =	sadd.s32 s0, s31;
	[dreg:$0x1b] =	wrdreg s7  }
0x26: {  	s11 =	sadd.s32 s0, s10;
	[smem:$0x79F] =	sst s8  }
0x27: {  	s6 =	sadd.s32 s4, s13;
	[smem:$0x7A1] =	sst s11  }
0x28: {  	s12 =	sor.u32 $0x1F800, s5;
	s7 =	sadd.s32 s4, s15;
	[dreg:$0x1d] =	wrdreg s6  }
0x29: {  	s14 =	sadd.s32 $0x21000, s5;
	s13 =	sadd.s32 s0, s12;
	[dreg:$0x1f] =	wrdreg s7  }
0x2a: {  	s15 =	sadd.s32 s0, s14;
	[smem:$0x7A3] =	sst s13  }
0x2b: {  	s6 =	sadd.s32 s4, s17;
	[smem:$0x7A5] =	sst s15  }
0x2c: {  	s16 =	sadd.s32 $0x22800, s5;
	s7 =	sadd.s32 s4, s19;
	[smem:$0x796] =	sst s6  }
0x2d: {  	s18 =	sadd.s32 $0x24000, s5;
	s17 =	sadd.s32 s0, s16;
	[smem:$0x798] =	sst s7  }
0x2e: {  	s19 =	sadd.s32 s0, s18;
	[smem:$0x7A7] =	sst s17  }
0x2f: {  	s6 =	sadd.s32 s4, s21;
	[smem:$0x7A9] =	sst s19  }
0x30: {  	s20 =	sadd.s32 $0x25800, s5;
	s7 =	sadd.s32 s4, s23;
	[smem:$0x79A] =	sst s6  }
0x31: {  	s22 =	sadd.s32 $0x27000, s5;
	s21 =	sadd.s32 s0, s20;
	[smem:$0x79C] =	sst s7  }
0x32: {  	s23 =	sadd.s32 s0, s22;
	[smem:$0x7AB] =	sst s21  }
0x33: {  	s6 =	sadd.s32 s4, s25;
	[smem:$0x7AD] =	sst s23  }
0x34: {  	s24 =	sadd.s32 $0x28800, s5;
	s7 =	sadd.s32 s4, s31;
	[smem:$0x79E] =	sst s6  }
0x35: {  	s26 =	sadd.s32 $0x2A000, s5;
	s25 =	sadd.s32 s0, s24;
	[smem:$0x7A0] =	sst s7  }
0x36: {  	s31 =	sadd.s32 s0, s26;
	[smem:$0x7AF] =	sst s25  }
0x37: {  	s6 =	sadd.s32 s4, s10;
	[smem:$0x7B1] =	sst s31  }
0x38: {  	s8 =	sadd.s32 $0x2B800, s5;
	s7 =	sadd.s32 s4, s12;
	[smem:$0x7A2] =	sst s6  }
0x39: {  	s11 =	sadd.s32 $0x2D000, s5;
	s10 =	sadd.s32 s0, s8;
	[smem:$0x7A4] =	sst s7  }
0x3a: {  	s12 =	sadd.s32 s0, s11;
	[smem:$0x7B3] =	sst s10  }
0x3b: {  	s6 =	sadd.s32 s4, s14;
	[smem:$0x7B5] =	sst s12  }
0x3c: {  	s13 =	sadd.s32 $0x2E800, s5;
	s7 =	sadd.s32 s4, s16;
	[smem:$0x7A6] =	sst s6  }
0x3d: {  	s15 =	sadd.s32 $0x30000, s5;
	s14 =	sadd.s32 s0, s13;
	[smem:$0x7A8] =	sst s7  }
0x3e: {  	s16 =	sadd.s32 s0, s15;
	[smem:$0x7B7] =	sst s14  }
0x3f: {  	s6 =	sadd.s32 s4, s18;
	[smem:$0x7B9] =	sst s16  }
0x40: {  	s17 =	sadd.s32 $0x31800, s5;
	s7 =	sadd.s32 s4, s20;
	[smem:$0x7AA] =	sst s6  }
0x41: {  	s19 =	sadd.s32 $0x33000, s5;
	s18 =	sadd.s32 s0, s17;
	[smem:$0x7AC] =	sst s7  }
0x42: {  	s20 =	sadd.s32 s0, s19;
	[smem:$0x7BB] =	sst s18  }
0x43: {  	s6 =	sadd.s32 s4, s22;
	[smem:$0x7BD] =	sst s20  }
0x44: {  	s21 =	sadd.s32 $0x34800, s5;
	s7 =	sadd.s32 s4, s24;
	[smem:$0x7AE] =	sst s6  }
0x45: {  	s23 =	sadd.s32 $0x36000, s5;
	s22 =	sadd.s32 s0, s21;
	[smem:$0x7B0] =	sst s7  }
0x46: {  	s24 =	sadd.s32 s0, s23;
	[smem:$0x7BF] =	sst s22  }
0x47: {  	s6 =	sadd.s32 s4, s26;
	[smem:$0x7C1] =	sst s24  }
0x48: {  	s25 =	sadd.s32 $0x37800, s5;
	s7 =	sadd.s32 s4, s8;
	[smem:$0x7B2] =	sst s6  }
0x49: {  	s31 =	sadd.s32 $0x39000, s5;
	s26 =	sadd.s32 s0, s25;
	[smem:$0x7B4] =	sst s7  }
0x4a: {  	s8 =	sadd.s32 s0, s31;
	[smem:$0x7C3] =	sst s26  }
0x4b: {  	s6 =	sadd.s32 s4, s11;
	[smem:$0x7C5] =	sst s8  }
0x4c: {  	s10 =	sadd.s32 $0x3A800, s5;
	s7 =	sadd.s32 s4, s13;
	[smem:$0x7B6] =	sst s6  }
0x4d: {  	s12 =	sadd.s32 $0x3C000, s5;
	s11 =	sadd.s32 s0, s10;
	[smem:$0x7B8] =	sst s7  }
0x4e: {  	s13 =	sadd.s32 s0, s12;
	[smem:$0x7C7] =	sst s11  }
0x4f: {  	s6 =	sadd.s32 s4, s15;
	[smem:$0x7C9] =	sst s13  }
0x50: {  	s14 =	sadd.s32 $0x3D800, s5;
	s7 =	sadd.s32 s4, s17;
	[smem:$0x7BA] =	sst s6  }
0x51: {  	s16 =	sadd.s32 $0x3F000, s5;
	s15 =	sadd.s32 s0, s14;
	[smem:$0x7BC] =	sst s7  }
0x52: {  	s17 =	sadd.s32 s0, s16;
	[smem:$0x7CB] =	sst s15  }
0x53: {  	s6 =	sadd.s32 s4, s19;
	[smem:$0x7CD] =	sst s17  }
0x54: {  	s18 =	sadd.s32 $0x40800, s5;
	s7 =	sadd.s32 s4, s21;
	[smem:$0x7BE] =	sst s6  }
0x55: {  	s20 =	sadd.s32 $0x42000, s5;
	s19 =	sadd.s32 s0, s18;
	[smem:$0x7C0] =	sst s7  }
0x56: {  	s21 =	sadd.s32 s0, s20;
	[smem:$0x7CF] =	sst s19  }
0x57: {  	s6 =	sadd.s32 s4, s23;
	[smem:$0x7D1] =	sst s21  }
0x58: {  	s22 =	sadd.s32 $0x43800, s5;
	s7 =	sadd.s32 s4, s25;
	[smem:$0x7C2] =	sst s6  }
0x59: {  	s24 =	sadd.s32 $0x45000, s5;
	s23 =	sadd.s32 s0, s22;
	[smem:$0x7C4] =	sst s7  }
0x5a: {  	s25 =	sadd.s32 s0, s24;
	[smem:$0x7D3] =	sst s23  }
0x5b: {  	s6 =	sadd.s32 s4, s31;
	[smem:$0x7D5] =	sst s25  }
0x5c: {  	s26 =	sadd.s32 $0x46800, s5;
	s7 =	sadd.s32 s4, s10;
	[smem:$0x7C6] =	sst s6  }
0x5d: {  	s8 =	sadd.s32 $0x48000, s5;
	s31 =	sadd.s32 s0, s26;
	[smem:$0x7C8] =	sst s7  }
0x5e: {  	s10 =	sadd.s32 s0, s8;
	[smem:$0x7D7] =	sst s31  }
0x5f: {  	s6 =	sadd.s32 s4, s12;
	[smem:$0x7D9] =	sst s10  }
0x60: {  	s11 =	sadd.s32 $0x49800, s5;
	s7 =	sadd.s32 s4, s14;
	[smem:$0x7CA] =	sst s6  }
0x61: {  	s13 =	sadd.s32 $0x4B000, s5;
	s12 =	sadd.s32 s0, s11;
	[smem:$0x7CC] =	sst s7  }
0x62: {  	s14 =	sadd.s32 s0, s13;
	[smem:$0x7DB] =	sst s12  }
0x63: {  	s6 =	sadd.s32 s4, s16;
	[smem:$0x7DD] =	sst s14  }
0x64: {  	s15 =	sadd.s32 $0x4C800, s5;
	s7 =	sadd.s32 s4, s18;
	[smem:$0x7CE] =	sst s6  }
0x65: {  	s17 =	sadd.s32 $0x4E000, s5;
	s16 =	sadd.s32 s0, s15;
	[smem:$0x7D0] =	sst s7  }
0x66: {  	s18 =	sadd.s32 s0, s17;
	[smem:$0x7DF] =	sst s16  }
0x67: {  	s6 =	sadd.s32 s4, s20;
	[smem:$0x7E1] =	sst s18  }
0x68: {  	s19 =	sadd.s32 $0x4F800, s5;
	s7 =	sadd.s32 s4, s22;
	[smem:$0x7D2] =	sst s6  }
0x69: {  	s21 =	sadd.s32 $0x51000, s5;
	s20 =	sadd.s32 s0, s19;
	[smem:$0x7D4] =	sst s7  }
0x6a: {  	s22 =	sadd.s32 s0, s21;
	[smem:$0x7E3] =	sst s20  }
0x6b: {  	s16 =	sadd.s32 s0, s5;
	[smem:$0x7E5] =	sst s22  }
0x6c: {  	s6 =	sadd.s32 s4, s24;
	[smem:$0x7F3] =	sst s16  }
0x6d: {  	s23 =	sadd.s32 $0x52800, s5;
	s7 =	sadd.s32 s4, s26;
	[smem:$0x7D6] =	sst s6  }
0x6e: {  	s25 =	sadd.s32 $0x54000, s5;
	s24 =	sadd.s32 s0, s23;
	[smem:$0x7D8] =	sst s7  }
0x6f: {  	s18 =	sadd.s32 $0x5B800, s5;
	s26 =	sadd.s32 s0, s25;
	[smem:$0x7E7] =	sst s24  }
0x70: {  	s20 =	sadd.s32 s0, s18;
	[smem:$0x7E9] =	sst s26  }
0x71: {  	s6 =	sadd.s32 s4, s8;
	[smem:$0x7F5] =	sst s20  }
0x72: {  	s31 =	sadd.s32 $0x55800, s5;
	s7 =	sadd.s32 s4, s11;
	[smem:$0x7DA] =	sst s6  }
0x73: {  	s10 =	sadd.s32 $0x57000, s5;
	s8 =	sadd.s32 s0, s31;
	[smem:$0x7DC] =	sst s7  }
0x74: {  	s11 =	sadd.s32 s0, s10;
	[smem:$0x7EB] =	sst s8  }
0x75: {  	s24 =	sshll.u32 s1, $0x4;
	[smem:$0x7ED] =	sst s11  }
0x76: {  	s26 =	smax.u32 s2, $0x1;
	[smem:$0x7FB] =	sst s24  }
0x77: {  	s6 =	sadd.s32 s4, s13;
	[smem:$0x7FD] =	sst s26  }
0x78: {  	s12 =	sadd.s32 $0x58800, s5;
	s7 =	sadd.s32 s4, s15;
	[smem:$0x7DE] =	sst s6  }
0x79: {  	s14 =	sadd.s32 $0x5A000, s5;
	s13 =	sadd.s32 s0, s12;
	[smem:$0x7E0] =	sst s7  }
0x7a: {  	s15 =	sadd.s32 s0, s14;
	[smem:$0x7EF] =	sst s13  }
0x7b: {  	s6 =	sadd.s32 s4, s17;
	[smem:$0x7F1] =	sst s15  }
0x7c: {  	s7 =	sadd.s32 s4, s19;
	[smem:$0x7E2] =	sst s6  }
0x7d: {  	s17 =	sadd.s32 s4, s5;
	[smem:$0x7E4] =	sst s7  }
0x7e: {  	s6 =	sadd.s32 s4, s21;
	[smem:$0x7F4] =	sst s17  }
0x7f: {  	s19 =	sadd.s32 $0x5D000, s5;
	s7 =	sadd.s32 s4, s23;
	[smem:$0x7E6] =	sst s6  }
0x80: {  	s5 =	sadd.s32 $0x5E800, s5;
	s21 =	sadd.s32 s0, s19;
	[smem:$0x7E8] =	sst s7  }
0x81: {  	s0 =	sadd.s32 s0, s5;
	[smem:$0x7F7] =	sst s21  }
0x82: {  	s22 =	sadd.s32 s4, s19;
	[smem:$0x7F8] =	sst s0  }
0x83: {  	s28 =	simm.s32 $0x4;
	s23 =	sadd.s32 s4, s5;
	[smem:$0x7F9] =	sst s22  }
0x84: {  	s29 =	simm.s32 $0x18000;
	s6 =	sadd.s32 s4, s25;
	[smem:$0x7FA] =	sst s23  }
0x85: {  	s30 =	simm.s32 $0x0;
	s7 =	sadd.s32 s4, s31;
	[smem:$0x7EA] =	sst s6  }
0x86: {  	s24 =	simm.s32 $0x1;
	s25 =	sshllo.u32 s1, $0x4;
	[smem:$0x7EC] =	sst s7  }
.Ltmp0:
0x87: {  	s6 =	sadd.s32 s4, s10;
	[smem:$0x7FC] =	sst s25;
	(pc) =	sbr.rel .LBB2_1-.Ltmp0, $4  }
0x88: {  	s26 =	simm.s32 $0x2;
	s7 =	sadd.s32 s4, s12;
	[smem:$0x7EE] =	sst s6  }
0x89: {  	s31 =	sadd.s32 $0xC000, s9;
	[smem:$0x7F0] =	sst s7;
	s6 =	sadd.s32 s4, s14  }
0x8a: {  	s23 =	simm.s32 $0x5;
	[smem:$0x7F2] =	sst s6;
	s6 =	sadd.s32 s4, s18  }
0x8b: {  	v0 =	vimm.f32 $0.0e+00;
	s22 =	sshrl.u32 s31, $0x3;
	s25 =	simm.s32 $0x3;
	[smem:$0x7F6] =	sst s6  }
.LBB2_5:
0x8c: {  	s1 =	smov.u32 s0  }
.LBB2_9:
0x8d: {  	s2 =	sadd.s32 s4, s6;
	[sflag:s23] =	ssyncadd.s32 @p0 $0xFFFFB380;
	s1 =	sadd.s32 @p0 $0x30000, s1  }
0x8e: {  	[hbm4b:s2+s3] =	stream.linear.scatter [tilespmem:s29], [sflag:$0x5], $0x4C80, $0x38;
	[tilespmem:$0x1CD00] =	vst v63  }
0x8f: {  	s0 =	smov.u32 @p0 s1;
	_ =	swait.ge [sflag:s23], $0x4C80  }
0x90: {  	s0 =	sshrl.u32 s0, $0x3;
	[sflag:s23] =	ssyncset.done $0x0  }
0x91: {  	s0 =	sadd.s32 s4, s0;
	[sflag:s23] =	ssyncadd.s32 $0xFFFFB380  }
0x92: {  	[hbm4b:s0+s3] =	stream.linear.scatter [tilespmem:s29], [sflag:$0x5], $0x4C80, $0x38;
	[tilespmem:$0x1CD00] =	vst v63  }
0x93: {  	_ =	swait.ge [sflag:s23], $0x4C80  }
0x94: {  	[sflag:s23] =	ssyncset.done $0x0  }
0x95: {  	[sflag:s23] =	ssyncadd.s32 $0xFFFFB380  }
.LBB2_10:
0x96: {  	s0 =	sld [smem:$0x7FD];
	_ =	sdelay $0x1  }
0x97: {  	s30 =	sadd.s32 $0x1, s30  }
0x98: {  	p0 =	sne.s32 s30, s0  }
.Ltmp1:
0x99: {  	_ = 	snop;
	(pc) =	sbr.rel @!p0 .LBB2_11-.Ltmp1, $1  }
0x9a: {  	_ =	sdelay $0x3  }
.LBB2_1:
0x9b: {  	s0 =	rddreg [dreg:$0x0];
	s1 =	simm.s32 $0x1CC80  }
0x9c: {  	[tilespmem:s1], [sflag:$0x5] =	stream.linear.gather [hbm4b:s0+s3], $0x2, $0x38;
	[tilespmem:$0x1CD00] =	vst v63  }
0x9d: {  	_ =	swait.ge [sflag:s23], $0x2  }
0x9e: {  	[sflag:s23] =	ssyncset.done $0x0  }
0x9f: {  	[sflag:s23] =	ssyncadd.s32 $0xFFFFFFFE  }
0xa0: {  	s0 =	simm.s32 $0x40;
	s1 =	simm.s32 $0x0;
	v1 =	vld [tilespmem:$0x1CC80]  }
.LBB2_2:
0xa1: {  	p0 =	sne.s32 s0, $0x131C0;
	[tilespmem:s1+$0x18000] =	vst v0;
	s1 =	smov.u32 s0;
	s0 =	sadd.s32 $0x40, s0  }
.Ltmp2:
0xa2: {  	(pc) =	sbr.rel @p0 .LBB2_2-.Ltmp2, $2  }
0xa3: {  	_ =	sdelay $0x2  }
0xa4: {  	s1 =	sshra.s32 s1, $0x2  }
0xa5: {  	(v2sf) =	vpush v1, $0x0  }
0xa6: {  	(v2sf) =	vpush v1, $0x1;
	_ =	sdelay $0xc  }
0xa7: {  	s0 =	stileid.u32;
	s20 =	sld [smem:$0x7F3]  }
0xa8: {  	s19 =	rddreg [dreg:$0x5];
	s0 =	sshll.u32 s0, $0x6;
	s31 =	spop (v2sf)  }
0xa9: {  	[tilespmem:s1+$0x18000] =	vst v0;
	s6 =	sshrl.u32 s19, $0x3;
	s9 =	sor.u32 $0x1C01, s0;
	s2 =	spop (v2sf)  }
0xaa: {  	[spmem:s6], [sflag:s9] =	dma.local [hbm:s20], $0x1800  }
0xab: {  	s8 =	sor.u32 $0x1C02, s0;
	s1 =	rddreg [dreg:$0x6]  }
0xac: {  	[spmem:s22], [sflag:s8] =	dma.local [hbm:s1], $0x1800  }
0xad: {  	_ =	swait.ge [sflag:s24], $0x1800  }
0xae: {  	s21 =	sld [smem:$0x7F4]  }
0xaf: {  	[sflag:s24] =	ssyncset.done $0x0  }
0xb0: {  	s7 =	sor.u32 $0x1C03, s0;
	[sflag:s24] =	ssyncadd.s32 $0xFFFFE800  }
0xb1: {  	[hbm:s21], [sflag:s7] =	dma.local [spmem:s6], $0x1800  }
0xb2: {  	_ =	swait.ge [sflag:s25], $0x1800  }
0xb3: {  	[sflag:s25] =	ssyncset.done $0x0  }
0xb4: {  	s5 =	rddreg [dreg:$0x7];
	[sflag:s25] =	ssyncadd.s32 $0xFFFFE800  }
0xb5: {  	[spmem:s6], [sflag:s9] =	dma.local [hbm:s5], $0x1800  }
0xb6: {  	_ =	swait.ge [sflag:s26], $0x1800  }
0xb7: {  	[sflag:s26] =	ssyncset.done $0x0  }
0xb8: {  	s0 =	sor.u32 $0x1C04, s0;
	s10 =	rddreg [dreg:$0x8];
	[sflag:s26] =	ssyncadd.s32 $0xFFFFE800  }
0xb9: {  	[hbm:s10], [sflag:s0] =	dma.local [spmem:s22], $0x1800  }
0xba: {  	_ =	swait.ge [sflag:s28], $0x1800  }
0xbb: {  	[sflag:s28] =	ssyncset.done $0x0  }
0xbc: {  	s11 =	rddreg [dreg:$0x9];
	[sflag:s28] =	ssyncadd.s32 $0xFFFFE800  }
0xbd: {  	[spmem:s22], [sflag:s8] =	dma.local [hbm:s11], $0x1800  }
0xbe: {  	_ =	swait.ge [sflag:s24], $0x1800  }
0xbf: {  	[sflag:s24] =	ssyncset.done $0x0  }
0xc0: {  	s12 =	rddreg [dreg:$0xa];
	[sflag:s24] =	ssyncadd.s32 $0xFFFFE800  }
0xc1: {  	[hbm:s12], [sflag:s7] =	dma.local [spmem:s6], $0x1800  }
0xc2: {  	_ =	swait.ge [sflag:s25], $0x1800  }
0xc3: {  	[sflag:s25] =	ssyncset.done $0x0  }
0xc4: {  	s13 =	rddreg [dreg:$0xb];
	[sflag:s25] =	ssyncadd.s32 $0xFFFFE800  }
0xc5: {  	[spmem:s6], [sflag:s9] =	dma.local [hbm:s13], $0x1800  }
0xc6: {  	_ =	swait.ge [sflag:s26], $0x1800  }
0xc7: {  	[sflag:s26] =	ssyncset.done $0x0  }
0xc8: {  	s14 =	rddreg [dreg:$0xc];
	[sflag:s26] =	ssyncadd.s32 $0xFFFFE800  }
0xc9: {  	[hbm:s14], [sflag:s0] =	dma.local [spmem:s22], $0x1800  }
0xca: {  	_ =	swait.ge [sflag:s28], $0x1800  }
0xcb: {  	[sflag:s28] =	ssyncset.done $0x0  }
0xcc: {  	s15 =	rddreg [dreg:$0xd];
	[sflag:s28] =	ssyncadd.s32 $0xFFFFE800  }
0xcd: {  	[spmem:s22], [sflag:s8] =	dma.local [hbm:s15], $0x1800  }
0xce: {  	_ =	swait.ge [sflag:s24], $0x1800  }
0xcf: {  	[sflag:s24] =	ssyncset.done $0x0  }
0xd0: {  	s16 =	rddreg [dreg:$0xe];
	[sflag:s24] =	ssyncadd.s32 $0xFFFFE800  }
0xd1: {  	[hbm:s16], [sflag:s7] =	dma.local [spmem:s6], $0x1800  }
0xd2: {  	_ =	swait.ge [sflag:s25], $0x1800  }
0xd3: {  	[sflag:s25] =	ssyncset.done $0x0  }
0xd4: {  	s17 =	rddreg [dreg:$0xf];
	[sflag:s25] =	ssyncadd.s32 $0xFFFFE800  }
0xd5: {  	[spmem:s6], [sflag:s9] =	dma.local [hbm:s17], $0x1800  }
0xd6: {  	_ =	swait.ge [sflag:s26], $0x1800  }
0xd7: {  	[sflag:s26] =	ssyncset.done $0x0  }
0xd8: {  	s18 =	rddreg [dreg:$0x10];
	[sflag:s26] =	ssyncadd.s32 $0xFFFFE800  }
0xd9: {  	[hbm:s18], [sflag:s0] =	dma.local [spmem:s22], $0x1800  }
0xda: {  	_ =	swait.ge [sflag:s28], $0x1800  }
0xdb: {  	[sflag:s28] =	ssyncset.done $0x0  }
0xdc: {  	s19 =	rddreg [dreg:$0x11];
	[sflag:s28] =	ssyncadd.s32 $0xFFFFE800  }
0xdd: {  	[spmem:s22], [sflag:s8] =	dma.local [hbm:s19], $0x1800  }
0xde: {  	_ =	swait.ge [sflag:s24], $0x1800  }
0xdf: {  	[sflag:s24] =	ssyncset.done $0x0  }
0xe0: {  	s20 =	rddreg [dreg:$0x12];
	[sflag:s24] =	ssyncadd.s32 $0xFFFFE800  }
0xe1: {  	[hbm:s20], [sflag:s7] =	dma.local [spmem:s6], $0x1800  }
0xe2: {  	_ =	swait.ge [sflag:s25], $0x1800  }
0xe3: {  	[sflag:s25] =	ssyncset.done $0x0  }
0xe4: {  	s21 =	rddreg [dreg:$0x13];
	[sflag:s25] =	ssyncadd.s32 $0xFFFFE800  }
0xe5: {  	[spmem:s6], [sflag:s9] =	dma.local [hbm:s21], $0x1800  }
0xe6: {  	_ =	swait.ge [sflag:s26], $0x1800  }
0xe7: {  	[sflag:s26] =	ssyncset.done $0x0  }
0xe8: {  	s5 =	rddreg [dreg:$0x14];
	[sflag:s26] =	ssyncadd.s32 $0xFFFFE800  }
0xe9: {  	[hbm:s5], [sflag:s0] =	dma.local [spmem:s22], $0x1800  }
0xea: {  	_ =	swait.ge [sflag:s28], $0x1800  }
0xeb: {  	[sflag:s28] =	ssyncset.done $0x0  }
0xec: {  	s10 =	rddreg [dreg:$0x16];
	[sflag:s28] =	ssyncadd.s32 $0xFFFFE800  }
0xed: {  	[spmem:s22], [sflag:s8] =	dma.local [hbm:s10], $0x1800  }
0xee: {  	_ =	swait.ge [sflag:s24], $0x1800  }
0xef: {  	[sflag:s24] =	ssyncset.done $0x0  }
0xf0: {  	s11 =	rddreg [dreg:$0x15];
	[sflag:s24] =	ssyncadd.s32 $0xFFFFE800  }
0xf1: {  	[hbm:s11], [sflag:s7] =	dma.local [spmem:s6], $0x1800  }
0xf2: {  	_ =	swait.ge [sflag:s25], $0x1800  }
0xf3: {  	[sflag:s25] =	ssyncset.done $0x0  }
0xf4: {  	s12 =	rddreg [dreg:$0x18];
	[sflag:s25] =	ssyncadd.s32 $0xFFFFE800  }
0xf5: {  	[spmem:s6], [sflag:s9] =	dma.local [hbm:s12], $0x1800  }
0xf6: {  	_ =	swait.ge [sflag:s26], $0x1800  }
0xf7: {  	[sflag:s26] =	ssyncset.done $0x0  }
0xf8: {  	s13 =	rddreg [dreg:$0x17];
	[sflag:s26] =	ssyncadd.s32 $0xFFFFE800  }
0xf9: {  	[hbm:s13], [sflag:s0] =	dma.local [spmem:s22], $0x1800  }
0xfa: {  	_ =	swait.ge [sflag:s28], $0x1800  }
0xfb: {  	[sflag:s28] =	ssyncset.done $0x0  }
0xfc: {  	s14 =	rddreg [dreg:$0x1a];
	[sflag:s28] =	ssyncadd.s32 $0xFFFFE800  }
0xfd: {  	[spmem:s22], [sflag:s8] =	dma.local [hbm:s14], $0x1800  }
0xfe: {  	_ =	swait.ge [sflag:s24], $0x1800  }
0xff: {  	[sflag:s24] =	ssyncset.done $0x0  }
0x100: {  	s15 =	rddreg [dreg:$0x19];
	[sflag:s24] =	ssyncadd.s32 $0xFFFFE800  }
0x101: {  	[hbm:s15], [sflag:s7] =	dma.local [spmem:s6], $0x1800  }
0x102: {  	_ =	swait.ge [sflag:s25], $0x1800  }
0x103: {  	[sflag:s25] =	ssyncset.done $0x0  }
0x104: {  	s16 =	rddreg [dreg:$0x1c];
	[sflag:s25] =	ssyncadd.s32 $0xFFFFE800  }
0x105: {  	[spmem:s6], [sflag:s9] =	dma.local [hbm:s16], $0x1800  }
0x106: {  	_ =	swait.ge [sflag:s26], $0x1800  }
0x107: {  	[sflag:s26] =	ssyncset.done $0x0  }
0x108: {  	s17 =	rddreg [dreg:$0x1b];
	[sflag:s26] =	ssyncadd.s32 $0xFFFFE800  }
0x109: {  	[hbm:s17], [sflag:s0] =	dma.local [spmem:s22], $0x1800  }
0x10a: {  	_ =	swait.ge [sflag:s28], $0x1800  }
0x10b: {  	[sflag:s28] =	ssyncset.done $0x0  }
0x10c: {  	s18 =	rddreg [dreg:$0x1e];
	[sflag:s28] =	ssyncadd.s32 $0xFFFFE800  }
0x10d: {  	[spmem:s22], [sflag:s8] =	dma.local [hbm:s18], $0x1800  }
0x10e: {  	_ =	swait.ge [sflag:s24], $0x1800  }
0x10f: {  	[sflag:s24] =	ssyncset.done $0x0  }
0x110: {  	s19 =	rddreg [dreg:$0x1d];
	[sflag:s24] =	ssyncadd.s32 $0xFFFFE800  }
0x111: {  	[hbm:s19], [sflag:s7] =	dma.local [spmem:s6], $0x1800  }
0x112: {  	_ =	swait.ge [sflag:s25], $0x1800  }
0x113: {  	s20 =	sld [smem:$0x795]  }
0x114: {  	[sflag:s25] =	ssyncset.done $0x0  }
0x115: {  	[sflag:s25] =	ssyncadd.s32 $0xFFFFE800  }
0x116: {  	[spmem:s6], [sflag:s9] =	dma.local [hbm:s20], $0x1800  }
0x117: {  	_ =	swait.ge [sflag:s26], $0x1800  }
0x118: {  	[sflag:s26] =	ssyncset.done $0x0  }
0x119: {  	s11 =	rddreg [dreg:$0x1f];
	[sflag:s26] =	ssyncadd.s32 $0xFFFFE800  }
0x11a: {  	[hbm:s11], [sflag:s0] =	dma.local [spmem:s22], $0x1800  }
0x11b: {  	s21 =	sadd.s32 $0x1, s2;
	_ =	swait.ge [sflag:s28], $0x1800  }
0x11c: {  	s5 =	sshrl.u32 s21, $0x13;
	s10 =	sshll.u32 s21, $0xD;
	s12 =	sld [smem:$0x797]  }
0x11d: {  	s1 =	sadd.s32 s31, s21;
	s5 =	sor.u32 s5, s10;
	[sflag:s28] =	ssyncset.done $0x0  }
0x11e: {  	s5 =	sxor.u32 s1, s5;
	[sflag:s28] =	ssyncadd.s32 $0xFFFFE800  }
0x11f: {  	[spmem:s22], [sflag:s8] =	dma.local [hbm:s12], $0x1800  }
0x120: {  	s13 =	sshll.u32 s5, $0xF;
	s11 =	sshrl.u32 s5, $0x11;
	_ =	swait.ge [sflag:s24], $0x1800  }
0x121: {  	s14 =	sor.u32 s11, s13;
	s13 =	sld [smem:$0x796]  }
0x122: {  	[sflag:s24] =	ssyncset.done $0x0  }
0x123: {  	[sflag:s24] =	ssyncadd.s32 $0xFFFFE800  }
0x124: {  	[hbm:s13], [sflag:s7] =	dma.local [spmem:s6], $0x1800  }
0x125: {  	_ =	swait.ge [sflag:s25], $0x1800  }
0x126: {  	s20 =	sld [smem:$0x799]  }
0x127: {  	s1 =	sadd.s32 s1, s5;
	[sflag:s25] =	ssyncset.done $0x0  }
0x128: {  	s15 =	sxor.u32 s31, s2;
	s5 =	sxor.u32 s1, s14;
	[sflag:s25] =	ssyncadd.s32 $0xFFFFE800  }
0x129: {  	[spmem:s6], [sflag:s9] =	dma.local [hbm:s20], $0x1800  }
0x12a: {  	s16 =	sshrl.u32 s5, $0x6;
	s17 =	sshll.u32 s5, $0x1A;
	_ =	swait.ge [sflag:s26], $0x1800  }
0x12b: {  	s5 =	sadd.s32 s1, s5;
	s1 =	sxor.u32 $0x1BD11BDA, s15;
	s12 =	sld [smem:$0x798]  }
0x12c: {  	s21 =	sadd.s32 $0x1, s1;
	[sflag:s26] =	ssyncset.done $0x0  }
0x12d: {  	[smem:$0x791] =	sst s21;
	[sflag:s26] =	ssyncadd.s32 $0xFFFFE800  }
0x12e: {  	[hbm:s12], [sflag:s0] =	dma.local [spmem:s22], $0x1800  }
0x12f: {  	_ =	swait.ge [sflag:s28], $0x1800  }
0x130: {  	s11 =	sor.u32 s16, s17;
	s16 =	sld [smem:$0x79B]  }
0x131: {  	[sflag:s28] =	ssyncset.done $0x0  }
0x132: {  	s18 =	sxor.u32 s5, s11;
	[sflag:s28] =	ssyncadd.s32 $0xFFFFE800  }
0x133: {  	[spmem:s22], [sflag:s8] =	dma.local [hbm:s16], $0x1800  }
0x134: {  	s11 =	sshrl.u32 s18, $0x1A;
	s19 =	sshll.u32 s18, $0x6;
	_ =	swait.ge [sflag:s24], $0x1800  }
0x135: {  	s5 =	sadd.s32 s5, s18;
	s11 =	sor.u32 s11, s19;
	s20 =	sld [smem:$0x79A]  }
0x136: {  	s11 =	sxor.u32 s5, s11;
	[sflag:s24] =	ssyncset.done $0x0  }
0x137: {  	s11 =	sadd.s32 s11, s21;
	[sflag:s24] =	ssyncadd.s32 $0xFFFFE800  }
0x138: {  	[hbm:s20], [sflag:s7] =	dma.local [spmem:s6], $0x1800  }
0x139: {  	s13 =	sshrl.u32 s11, $0xF;
	s14 =	sshll.u32 s11, $0x11;
	_ =	swait.ge [sflag:s25], $0x1800  }
0x13a: {  	s5 =	sadd.s32 s2, s5;
	s15 =	sor.u32 s13, s14;
	s13 =	sld [smem:$0x79D]  }
0x13b: {  	s5 =	sadd.s32 s11, s5;
	[sflag:s25] =	ssyncset.done $0x0  }
0x13c: {  	s11 =	sxor.u32 s5, s15;
	[sflag:s25] =	ssyncadd.s32 $0xFFFFE800  }
0x13d: {  	[spmem:s6], [sflag:s9] =	dma.local [hbm:s13], $0x1800  }
0x13e: {  	s17 =	sshrl.u32 s11, $0x3;
	s18 =	sshll.u32 s11, $0x1D;
	_ =	swait.ge [sflag:s26], $0x1800  }
0x13f: {  	s19 =	sor.u32 s17, s18;
	s17 =	sld [smem:$0x79C]  }
0x140: {  	[sflag:s26] =	ssyncset.done $0x0  }
0x141: {  	s5 =	sadd.s32 s5, s11;
	s16 =	sadd.s32 $0x2, s31;
	[sflag:s26] =	ssyncadd.s32 $0xFFFFE800  }
0x142: {  	[hbm:s17], [sflag:s0] =	dma.local [spmem:s22], $0x1800  }
0x143: {  	s11 =	sxor.u32 s5, s19;
	[smem:$0x792] =	sst s16  }
0x144: {  	s10 =	sshll.u32 s11, $0x10;
	s21 =	sshrl.u32 s11, $0x10;
	_ =	swait.ge [sflag:s28], $0x1800  }
0x145: {  	s5 =	sadd.s32 s5, s11;
	s12 =	sor.u32 s21, s10;
	s20 =	sld [smem:$0x79F]  }
0x146: {  	s11 =	sxor.u32 s5, s12;
	[sflag:s28] =	ssyncset.done $0x0  }
0x147: {  	s14 =	sshrl.u32 s11, $0x8;
	s15 =	sshll.u32 s11, $0x18;
	[sflag:s28] =	ssyncadd.s32 $0xFFFFE800  }
0x148: {  	[spmem:s22], [sflag:s8] =	dma.local [hbm:s20], $0x1800  }
0x149: {  	s5 =	sadd.s32 s5, s11;
	s12 =	sor.u32 s14, s15;
	_ =	swait.ge [sflag:s24], $0x1800  }
0x14a: {  	s12 =	sxor.u32 s5, s12;
	s13 =	sld [smem:$0x79E]  }
0x14b: {  	s5 =	sadd.s32 s1, s5;
	s12 =	sadd.s32 s12, s16;
	[sflag:s24] =	ssyncset.done $0x0  }
0x14c: {  	s18 =	sshrl.u32 s12, $0x13;
	s14 =	sshll.u32 s12, $0xD;
	[sflag:s24] =	ssyncadd.s32 $0xFFFFE800  }
0x14d: {  	[hbm:s13], [sflag:s7] =	dma.local [spmem:s6], $0x1800  }
0x14e: {  	s5 =	sadd.s32 s12, s5;
	s19 =	sor.u32 s18, s14;
	_ =	swait.ge [sflag:s25], $0x1800  }
0x14f: {  	s12 =	sxor.u32 s5, s19;
	s17 =	sld [smem:$0x7A1]  }
0x150: {  	s21 =	sshrl.u32 s12, $0x11;
	s10 =	sshll.u32 s12, $0xF;
	[sflag:s25] =	ssyncset.done $0x0  }
0x151: {  	s5 =	sadd.s32 s5, s12;
	s11 =	sor.u32 s21, s10;
	[sflag:s25] =	ssyncadd.s32 $0xFFFFE800  }
0x152: {  	[spmem:s6], [sflag:s9] =	dma.local [hbm:s17], $0x1800  }
0x153: {  	s12 =	sxor.u32 s5, s11;
	_ =	swait.ge [sflag:s26], $0x1800  }
0x154: {  	s14 =	sshrl.u32 s12, $0x6;
	s15 =	sshll.u32 s12, $0x1A;
	s20 =	sld [smem:$0x7A0]  }
0x155: {  	s5 =	sadd.s32 s5, s12;
	s16 =	sor.u32 s14, s15;
	[sflag:s26] =	ssyncset.done $0x0  }
0x156: {  	s12 =	sxor.u32 s5, s16;
	[sflag:s26] =	ssyncadd.s32 $0xFFFFE800  }
0x157: {  	[hbm:s20], [sflag:s0] =	dma.local [spmem:s22], $0x1800  }
0x158: {  	s18 =	sshrl.u32 s12, $0x1A;
	_ =	swait.ge [sflag:s28], $0x1800  }
0x159: {  	s19 =	sshll.u32 s12, $0x6;
	s5 =	sadd.s32 s5, s12;
	s12 =	sld [smem:$0x7A3]  }
0x15a: {  	s21 =	sadd.s32 $0x3, s2;
	[sflag:s28] =	ssyncset.done $0x0  }
0x15b: {  	[smem:$0x793] =	sst s21;
	[sflag:s28] =	ssyncadd.s32 $0xFFFFE800  }
0x15c: {  	[spmem:s22], [sflag:s8] =	dma.local [hbm:s12], $0x1800  }
0x15d: {  	_ =	swait.ge [sflag:s24], $0x1800  }
0x15e: {  	s13 =	sor.u32 s18, s19;
	s19 =	sld [smem:$0x7A2]  }
0x15f: {  	[sflag:s24] =	ssyncset.done $0x0  }
0x160: {  	s13 =	sxor.u32 s5, s13;
	[sflag:s24] =	ssyncadd.s32 $0xFFFFE800  }
0x161: {  	[hbm:s19], [sflag:s7] =	dma.local [spmem:s6], $0x1800  }
0x162: {  	s5 =	sadd.s32 s31, s5;
	s13 =	sadd.s32 s13, s21;
	_ =	swait.ge [sflag:s25], $0x1800  }
0x163: {  	s11 =	sshrl.u32 s13, $0xF;
	s15 =	sshll.u32 s13, $0x11;
	s12 =	sld [smem:$0x7A5]  }
0x164: {  	s5 =	sadd.s32 s13, s5;
	s16 =	sor.u32 s11, s15;
	[sflag:s25] =	ssyncset.done $0x0  }
0x165: {  	s13 =	sxor.u32 s5, s16;
	[sflag:s25] =	ssyncadd.s32 $0xFFFFE800  }
0x166: {  	[spmem:s6], [sflag:s9] =	dma.local [hbm:s12], $0x1800  }
0x167: {  	s17 =	sshrl.u32 s13, $0x3;
	s18 =	sshll.u32 s13, $0x1D;
	_ =	swait.ge [sflag:s26], $0x1800  }
0x168: {  	s20 =	sor.u32 s17, s18;
	s18 =	sld [smem:$0x7A4]  }
0x169: {  	[sflag:s26] =	ssyncset.done $0x0  }
0x16a: {  	[sflag:s26] =	ssyncadd.s32 $0xFFFFE800  }
0x16b: {  	[hbm:s18], [sflag:s0] =	dma.local [spmem:s22], $0x1800  }
0x16c: {  	s5 =	sadd.s32 s5, s13;
	_ =	swait.ge [sflag:s28], $0x1800  }
0x16d: {  	s13 =	sxor.u32 s5, s20;
	s20 =	sld [smem:$0x7A7]  }
0x16e: {  	s19 =	sadd.s32 $0x4, s1;
	[sflag:s28] =	ssyncset.done $0x0  }
0x16f: {  	[smem:$0x794] =	sst s19;
	[sflag:s28] =	ssyncadd.s32 $0xFFFFE800  }
0x170: {  	[spmem:s22], [sflag:s8] =	dma.local [hbm:s20], $0x1800  }
0x171: {  	s21 =	sshrl.u32 s13, $0x10;
	s11 =	sshll.u32 s13, $0x10;
	_ =	swait.ge [sflag:s24], $0x1800  }
0x172: {  	s5 =	sadd.s32 s5, s13;
	s15 =	sor.u32 s21, s11;
	s11 =	sld [smem:$0x7A6]  }
0x173: {  	s13 =	sxor.u32 s5, s15;
	[sflag:s24] =	ssyncset.done $0x0  }
0x174: {  	s16 =	sshrl.u32 s13, $0x8;
	s17 =	sshll.u32 s13, $0x18;
	[sflag:s24] =	ssyncadd.s32 $0xFFFFE800  }
0x175: {  	[hbm:s11], [sflag:s7] =	dma.local [spmem:s6], $0x1800  }
0x176: {  	s5 =	sadd.s32 s5, s13;
	s14 =	sor.u32 s16, s17;
	_ =	swait.ge [sflag:s25], $0x1800  }
0x177: {  	s14 =	sxor.u32 s5, s14;
	s17 =	sld [smem:$0x7A9]  }
0x178: {  	s5 =	sadd.s32 s2, s5;
	s14 =	sadd.s32 s14, s19;
	[sflag:s25] =	ssyncset.done $0x0  }
0x179: {  	s21 =	sshrl.u32 s14, $0x13;
	s16 =	sshll.u32 s14, $0xD;
	[sflag:s25] =	ssyncadd.s32 $0xFFFFE800  }
0x17a: {  	[spmem:s6], [sflag:s9] =	dma.local [hbm:s17], $0x1800  }
0x17b: {  	s5 =	sadd.s32 s14, s5;
	s10 =	sor.u32 s21, s16;
	_ =	swait.ge [sflag:s26], $0x1800  }
0x17c: {  	s14 =	sxor.u32 s5, s10;
	s21 =	sld [smem:$0x7A8]  }
0x17d: {  	s12 =	sshrl.u32 s14, $0x11;
	s13 =	sshll.u32 s14, $0xF;
	[sflag:s26] =	ssyncset.done $0x0  }
0x17e: {  	s5 =	sadd.s32 s5, s14;
	s16 =	sor.u32 s12, s13;
	[sflag:s26] =	ssyncadd.s32 $0xFFFFE800  }
0x17f: {  	[hbm:s21], [sflag:s0] =	dma.local [spmem:s22], $0x1800  }
0x180: {  	s14 =	sxor.u32 s5, s16;
	_ =	swait.ge [sflag:s28], $0x1800  }
0x181: {  	s18 =	sshrl.u32 s14, $0x6;
	s19 =	sshll.u32 s14, $0x1A;
	s13 =	sld [smem:$0x7AB]  }
0x182: {  	s5 =	sadd.s32 s5, s14;
	s20 =	sor.u32 s18, s19;
	[sflag:s28] =	ssyncset.done $0x0  }
0x183: {  	s14 =	sxor.u32 s5, s20;
	[sflag:s28] =	ssyncadd.s32 $0xFFFFE800  }
0x184: {  	[spmem:s22], [sflag:s8] =	dma.local [hbm:s13], $0x1800  }
0x185: {  	s10 =	sshrl.u32 s14, $0x1A;
	s11 =	sshll.u32 s14, $0x6;
	_ =	swait.ge [sflag:s24], $0x1800  }
0x186: {  	s5 =	sadd.s32 s5, s14;
	s12 =	sor.u32 s10, s11;
	s20 =	sld [smem:$0x7AA]  }
0x187: {  	s14 =	sxor.u32 s5, s12;
	[sflag:s24] =	ssyncset.done $0x0  }
0x188: {  	s19 =	sadd.s32 s31, s14;
	[sflag:s24] =	ssyncadd.s32 $0xFFFFE800  }
0x189: {  	[hbm:s20], [sflag:s7] =	dma.local [spmem:s6], $0x1800  }
0x18a: {  	s16 =	sadd.s32 $0x5, s19;
	s17 =	sadd.s32 s1, s5;
	_ =	swait.ge [sflag:s25], $0x1800  }
0x18b: {  	s15 =	sshrl.u32 s16, $0x13;
	s18 =	sshll.u32 s16, $0xD;
	s12 =	sld [smem:$0x7AD]  }
0x18c: {  	s5 =	sor.u32 s15, s18;
	s21 =	sadd.s32 s17, s16;
	[sflag:s25] =	ssyncset.done $0x0  }
0x18d: {  	s5 =	sxor.u32 s21, s5;
	[sflag:s25] =	ssyncadd.s32 $0xFFFFE800  }
0x18e: {  	[spmem:s6], [sflag:s9] =	dma.local [hbm:s12], $0x1800  }
0x18f: {  	s11 =	sshrl.u32 s5, $0x11;
	s18 =	sshll.u32 s5, $0xF;
	_ =	swait.ge [sflag:s26], $0x1800  }
0x190: {  	s14 =	sor.u32 s11, s18;
	s11 =	sld [smem:$0x7AC]  }
0x191: {  	s5 =	sadd.s32 s21, s5;
	[sflag:s26] =	ssyncset.done $0x0  }
0x192: {  	s14 =	sxor.u32 s5, s14;
	[sflag:s26] =	ssyncadd.s32 $0xFFFFE800  }
0x193: {  	[hbm:s11], [sflag:s0] =	dma.local [spmem:s22], $0x1800  }
0x194: {  	s21 =	sshrl.u32 s14, $0x6;
	s20 =	sshll.u32 s14, $0x1A;
	_ =	swait.ge [sflag:s28], $0x1800  }
0x195: {  	s18 =	sor.u32 s21, s20;
	s21 =	sld [smem:$0x7AF]  }
0x196: {  	s5 =	sadd.s32 s5, s14;
	[sflag:s28] =	ssyncset.done $0x0  }
0x197: {  	s13 =	sxor.u32 s16, s17;
	s12 =	sxor.u32 s5, s18;
	[sflag:s28] =	ssyncadd.s32 $0xFFFFE800  }
0x198: {  	[spmem:s22], [sflag:s8] =	dma.local [hbm:s21], $0x1800  }
0x199: {  	s14 =	sxor.u32 $0x1BD11BDA, s13;
	s18 =	sshrl.u32 s12, $0x1A;
	_ =	swait.ge [sflag:s24], $0x1800  }
0x19a: {  	s13 =	sshll.u32 s12, $0x6;
	s5 =	sadd.s32 s5, s12;
	s12 =	sld [smem:$0x7AE]  }
0x19b: {  	[sflag:s24] =	ssyncset.done $0x0  }
0x19c: {  	[sflag:s24] =	ssyncadd.s32 $0xFFFFE800  }
0x19d: {  	[hbm:s12], [sflag:s7] =	dma.local [spmem:s6], $0x1800  }
0x19e: {  	s11 =	sor.u32 s18, s13;
	_ =	swait.ge [sflag:s25], $0x1800  }
0x19f: {  	s15 =	sxor.u32 s5, s11;
	s11 =	sld [smem:$0x7B1]  }
0x1a0: {  	[sflag:s25] =	ssyncset.done $0x0  }
0x1a1: {  	[sflag:s25] =	ssyncadd.s32 $0xFFFFE800  }
0x1a2: {  	[spmem:s6], [sflag:s9] =	dma.local [hbm:s11], $0x1800  }
0x1a3: {  	s18 =	sadd.s32 $0x1, s14;
	_ =	swait.ge [sflag:s26], $0x1800  }
0x1a4: {  	s5 =	sadd.s32 s16, s5;
	s15 =	sadd.s32 s15, s18;
	s11 =	sld [smem:$0x7B0]  }
0x1a5: {  	s13 =	sshrl.u32 s15, $0xF;
	s21 =	sshll.u32 s15, $0x11;
	[sflag:s26] =	ssyncset.done $0x0  }
0x1a6: {  	s5 =	sadd.s32 s15, s5;
	s10 =	sor.u32 s13, s21;
	[sflag:s26] =	ssyncadd.s32 $0xFFFFE800  }
0x1a7: {  	[hbm:s11], [sflag:s0] =	dma.local [spmem:s22], $0x1800  }
0x1a8: {  	s15 =	sxor.u32 s5, s10;
	_ =	swait.ge [sflag:s28], $0x1800  }
0x1a9: {  	s13 =	sshll.u32 s15, $0x1D;
	s12 =	sshrl.u32 s15, $0x3;
	s11 =	sld [smem:$0x7B3]  }
0x1aa: {  	s5 =	sadd.s32 s5, s15;
	s10 =	sor.u32 s12, s13;
	[sflag:s28] =	ssyncset.done $0x0  }
0x1ab: {  	s15 =	sxor.u32 s5, s10;
	[sflag:s28] =	ssyncadd.s32 $0xFFFFE800  }
0x1ac: {  	[spmem:s22], [sflag:s8] =	dma.local [hbm:s11], $0x1800  }
0x1ad: {  	s12 =	sshrl.u32 s15, $0x10;
	s13 =	sshll.u32 s15, $0x10;
	_ =	swait.ge [sflag:s24], $0x1800  }
0x1ae: {  	s5 =	sadd.s32 s5, s15;
	s10 =	sor.u32 s12, s13;
	s11 =	sld [smem:$0x7B2]  }
0x1af: {  	s15 =	sxor.u32 s5, s10;
	[sflag:s24] =	ssyncset.done $0x0  }
0x1b0: {  	s12 =	sshrl.u32 s15, $0x8;
	s13 =	sshll.u32 s15, $0x18;
	[sflag:s24] =	ssyncadd.s32 $0xFFFFE800  }
0x1b1: {  	[hbm:s11], [sflag:s7] =	dma.local [spmem:s6], $0x1800  }
0x1b2: {  	s5 =	sadd.s32 s5, s15;
	s10 =	sor.u32 s12, s13;
	_ =	swait.ge [sflag:s25], $0x1800  }
0x1b3: {  	s15 =	sadd.s32 $0x2, s17;
	s20 =	sxor.u32 s5, s10;
	s21 =	sld [smem:$0x7B5]  }
0x1b4: {  	s5 =	sadd.s32 s14, s5;
	s20 =	sadd.s32 s20, s15;
	[sflag:s25] =	ssyncset.done $0x0  }
0x1b5: {  	s12 =	sshrl.u32 s20, $0x13;
	s13 =	sshll.u32 s20, $0xD;
	[sflag:s25] =	ssyncadd.s32 $0xFFFFE800  }
0x1b6: {  	[spmem:s6], [sflag:s9] =	dma.local [hbm:s21], $0x1800  }
0x1b7: {  	s5 =	sadd.s32 s20, s5;
	s10 =	sor.u32 s12, s13;
	_ =	swait.ge [sflag:s26], $0x1800  }
0x1b8: {  	s10 =	sxor.u32 s5, s10;
	s21 =	sld [smem:$0x7B4]  }
0x1b9: {  	s12 =	sshrl.u32 s10, $0x11;
	s13 =	sshll.u32 s10, $0xF;
	[sflag:s26] =	ssyncset.done $0x0  }
0x1ba: {  	s5 =	sadd.s32 s5, s10;
	s20 =	sor.u32 s12, s13;
	[sflag:s26] =	ssyncadd.s32 $0xFFFFE800  }
0x1bb: {  	[hbm:s21], [sflag:s0] =	dma.local [spmem:s22], $0x1800  }
0x1bc: {  	s10 =	sxor.u32 s5, s20;
	_ =	swait.ge [sflag:s28], $0x1800  }
0x1bd: {  	s12 =	sshrl.u32 s10, $0x6;
	s13 =	sshll.u32 s10, $0x1A;
	s21 =	sld [smem:$0x7B7]  }
0x1be: {  	s5 =	sadd.s32 s5, s10;
	s20 =	sor.u32 s12, s13;
	[sflag:s28] =	ssyncset.done $0x0  }
0x1bf: {  	s10 =	sxor.u32 s5, s20;
	[sflag:s28] =	ssyncadd.s32 $0xFFFFE800  }
0x1c0: {  	[spmem:s22], [sflag:s8] =	dma.local [hbm:s21], $0x1800  }
0x1c1: {  	s12 =	sshrl.u32 s10, $0x1A;
	s13 =	sshll.u32 s10, $0x6;
	_ =	swait.ge [sflag:s24], $0x1800  }
0x1c2: {  	s21 =	sor.u32 s12, s13;
	s12 =	sld [smem:$0x7B6]  }
0x1c3: {  	[sflag:s24] =	ssyncset.done $0x0  }
0x1c4: {  	[sflag:s24] =	ssyncadd.s32 $0xFFFFE800  }
0x1c5: {  	[hbm:s12], [sflag:s7] =	dma.local [spmem:s6], $0x1800  }
0x1c6: {  	_ =	swait.ge [sflag:s25], $0x1800  }
0x1c7: {  	s13 =	sld [smem:$0x7B9]  }
0x1c8: {  	[sflag:s25] =	ssyncset.done $0x0  }
0x1c9: {  	s10 =	sadd.s32 s5, s10;
	[sflag:s25] =	ssyncadd.s32 $0xFFFFE800  }
0x1ca: {  	[spmem:s6], [sflag:s9] =	dma.local [hbm:s13], $0x1800  }
0x1cb: {  	s5 =	sadd.s32 $0x8, s19;
	s20 =	sxor.u32 s10, s21;
	_ =	swait.ge [sflag:s26], $0x1800  }
0x1cc: {  	s10 =	sadd.s32 s17, s10;
	s20 =	sadd.s32 s20, s5;
	s13 =	sld [smem:$0x7B8]  }
0x1cd: {  	s21 =	sshrl.u32 s20, $0xF;
	s11 =	sshll.u32 s20, $0x11;
	[sflag:s26] =	ssyncset.done $0x0  }
0x1ce: {  	s10 =	sadd.s32 s20, s10;
	s11 =	sor.u32 s21, s11;
	[sflag:s26] =	ssyncadd.s32 $0xFFFFE800  }
0x1cf: {  	[hbm:s13], [sflag:s0] =	dma.local [spmem:s22], $0x1800  }
0x1d0: {  	s11 =	sxor.u32 s10, s11;
	_ =	swait.ge [sflag:s28], $0x1800  }
0x1d1: {  	s20 =	sshrl.u32 s11, $0x3;
	s21 =	sshll.u32 s11, $0x1D;
	s13 =	sld [smem:$0x7BB]  }
0x1d2: {  	s10 =	sadd.s32 s10, s11;
	s12 =	sor.u32 s20, s21;
	[sflag:s28] =	ssyncset.done $0x0  }
0x1d3: {  	s11 =	sxor.u32 s10, s12;
	[sflag:s28] =	ssyncadd.s32 $0xFFFFE800  }
0x1d4: {  	[spmem:s22], [sflag:s8] =	dma.local [hbm:s13], $0x1800  }
0x1d5: {  	s20 =	sshrl.u32 s11, $0x10;
	s21 =	sshll.u32 s11, $0x10;
	_ =	swait.ge [sflag:s24], $0x1800  }
0x1d6: {  	s20 =	sor.u32 s20, s21;
	s21 =	sld [smem:$0x7BA]  }
0x1d7: {  	[sflag:s24] =	ssyncset.done $0x0  }
0x1d8: {  	[sflag:s24] =	ssyncadd.s32 $0xFFFFE800  }
0x1d9: {  	[hbm:s21], [sflag:s7] =	dma.local [spmem:s6], $0x1800  }
0x1da: {  	_ =	swait.ge [sflag:s25], $0x1800  }
0x1db: {  	s13 =	sld [smem:$0x7BD]  }
0x1dc: {  	[sflag:s25] =	ssyncset.done $0x0  }
0x1dd: {  	s19 =	sadd.s32 $0x6, s19;
	s10 =	sadd.s32 s10, s11;
	[sflag:s25] =	ssyncadd.s32 $0xFFFFE800  }
0x1de: {  	[spmem:s6], [sflag:s9] =	dma.local [hbm:s13], $0x1800  }
0x1df: {  	s11 =	sxor.u32 s10, s20;
	s20 =	sshrl.u32 s19, $0x13;
	_ =	swait.ge [sflag:s26], $0x1800  }
0x1e0: {  	s10 =	sadd.s32 s10, s11;
	s12 =	sshrl.u32 s11, $0x8;
	s13 =	sld [smem:$0x7BC]  }
0x1e1: {  	s11 =	sshll.u32 s11, $0x18;
	s21 =	sshll.u32 s19, $0xD;
	[sflag:s26] =	ssyncset.done $0x0  }
0x1e2: {  	s19 =	sadd.s32 s17, s19;
	s20 =	sor.u32 s20, s21;
	[sflag:s26] =	ssyncadd.s32 $0xFFFFE800  }
0x1e3: {  	[hbm:s13], [sflag:s0] =	dma.local [spmem:s22], $0x1800  }
0x1e4: {  	s11 =	sor.u32 s12, s11;
	s20 =	sxor.u32 s19, s20;
	_ =	swait.ge [sflag:s28], $0x1800  }
0x1e5: {  	s21 =	sshrl.u32 s20, $0x11;
	s12 =	sshll.u32 s20, $0xF;
	s13 =	sld [smem:$0x7BF]  }
0x1e6: {  	s19 =	sadd.s32 s19, s20;
	s12 =	sor.u32 s21, s12;
	[sflag:s28] =	ssyncset.done $0x0  }
0x1e7: {  	s12 =	sxor.u32 s19, s12;
	[sflag:s28] =	ssyncadd.s32 $0xFFFFE800  }
0x1e8: {  	[spmem:s22], [sflag:s8] =	dma.local [hbm:s13], $0x1800  }
0x1e9: {  	s20 =	sshrl.u32 s12, $0x6;
	s21 =	sshll.u32 s12, $0x1A;
	_ =	swait.ge [sflag:s24], $0x1800  }
0x1ea: {  	s12 =	sadd.s32 s19, s12;
	s20 =	sor.u32 s20, s21;
	s21 =	sld [smem:$0x7BE]  }
0x1eb: {  	s20 =	sxor.u32 s12, s20;
	[sflag:s24] =	ssyncset.done $0x0  }
0x1ec: {  	s12 =	sadd.s32 s12, s20;
	[sflag:s24] =	ssyncadd.s32 $0xFFFFE800  }
0x1ed: {  	[hbm:s21], [sflag:s7] =	dma.local [spmem:s6], $0x1800  }
0x1ee: {  	s13 =	sshrl.u32 s20, $0x1A;
	s20 =	sshll.u32 s20, $0x6;
	_ =	swait.ge [sflag:s25], $0x1800  }
0x1ef: {  	s11 =	sxor.u32 s10, s11;
	s20 =	sor.u32 s13, s20;
	s13 =	sld [smem:$0x7C1]  }
0x1f0: {  	s10 =	sadd.s32 s16, s10;
	s19 =	sadd.s32 $0x4, s14;
	[sflag:s25] =	ssyncset.done $0x0  }
0x1f1: {  	s11 =	sadd.s32 s11, s19;
	s20 =	sxor.u32 s12, s20;
	[sflag:s25] =	ssyncadd.s32 $0xFFFFE800  }
0x1f2: {  	[spmem:s6], [sflag:s9] =	dma.local [hbm:s13], $0x1800  }
0x1f3: {  	s10 =	sadd.s32 s11, s10;
	s18 =	sadd.s32 s20, s18;
	_ =	swait.ge [sflag:s26], $0x1800  }
0x1f4: {  	s12 =	sadd.s32 s16, s12;
	s20 =	sshrl.u32 s18, $0xF;
	s13 =	sld [smem:$0x7C0]  }
0x1f5: {  	s21 =	sshrl.u32 s11, $0x13;
	s11 =	sshll.u32 s11, $0xD;
	[sflag:s26] =	ssyncset.done $0x0  }
0x1f6: {  	s11 =	sor.u32 s21, s11;
	s21 =	sshll.u32 s18, $0x11;
	[sflag:s26] =	ssyncadd.s32 $0xFFFFE800  }
0x1f7: {  	[hbm:s13], [sflag:s0] =	dma.local [spmem:s22], $0x1800  }
0x1f8: {  	s12 =	sadd.s32 s18, s12;
	s13 =	sor.u32 s20, s21;
	_ =	swait.ge [sflag:s28], $0x1800  }
0x1f9: {  	s18 =	sxor.u32 s12, s13;
	s13 =	sld [smem:$0x7C3]  }
0x1fa: {  	[sflag:s28] =	ssyncset.done $0x0  }
0x1fb: {  	s11 =	sxor.u32 s10, s11;
	[sflag:s28] =	ssyncadd.s32 $0xFFFFE800  }
0x1fc: {  	[spmem:s22], [sflag:s8] =	dma.local [hbm:s13], $0x1800  }
0x1fd: {  	s20 =	sshrl.u32 s18, $0x3;
	s21 =	sshll.u32 s18, $0x1D;
	_ =	swait.ge [sflag:s24], $0x1800  }
0x1fe: {  	s12 =	sadd.s32 s12, s18;
	s20 =	sor.u32 s20, s21;
	s21 =	sld [smem:$0x7C2]  }
0x1ff: {  	s10 =	sadd.s32 s10, s11;
	s18 =	sxor.u32 s12, s20;
	[sflag:s24] =	ssyncset.done $0x0  }
0x200: {  	s20 =	sshrl.u32 s11, $0x11;
	s11 =	sshll.u32 s11, $0xF;
	[sflag:s24] =	ssyncadd.s32 $0xFFFFE800  }
0x201: {  	[hbm:s21], [sflag:s7] =	dma.local [spmem:s6], $0x1800  }
0x202: {  	s12 =	sadd.s32 s12, s18;
	s13 =	sshrl.u32 s18, $0x10;
	_ =	swait.ge [sflag:s25], $0x1800  }
0x203: {  	s18 =	sshll.u32 s18, $0x10;
	s11 =	sor.u32 s20, s11;
	s20 =	sld [smem:$0x7C5]  }
0x204: {  	s18 =	sor.u32 s13, s18;
	[sflag:s25] =	ssyncset.done $0x0  }
0x205: {  	s18 =	sxor.u32 s12, s18;
	[sflag:s25] =	ssyncadd.s32 $0xFFFFE800  }
0x206: {  	[spmem:s6], [sflag:s9] =	dma.local [hbm:s20], $0x1800  }
0x207: {  	s13 =	sshll.u32 s18, $0x18;
	s21 =	sshrl.u32 s18, $0x8;
	_ =	swait.ge [sflag:s26], $0x1800  }
0x208: {  	s20 =	sor.u32 s21, s13;
	s21 =	sld [smem:$0x7C4]  }
0x209: {  	[sflag:s26] =	ssyncset.done $0x0  }
0x20a: {  	[sflag:s26] =	ssyncadd.s32 $0xFFFFE800  }
0x20b: {  	[hbm:s21], [sflag:s0] =	dma.local [spmem:s22], $0x1800  }
0x20c: {  	s12 =	sadd.s32 s12, s18;
	_ =	swait.ge [sflag:s28], $0x1800  }
0x20d: {  	s18 =	sxor.u32 s12, s20;
	s20 =	sld [smem:$0x7C7]  }
0x20e: {  	[sflag:s28] =	ssyncset.done $0x0  }
0x20f: {  	[sflag:s28] =	ssyncadd.s32 $0xFFFFE800  }
0x210: {  	[spmem:s22], [sflag:s8] =	dma.local [hbm:s20], $0x1800  }
0x211: {  	_ =	swait.ge [sflag:s24], $0x1800  }
0x212: {  	s21 =	sld [smem:$0x7C6]  }
0x213: {  	[sflag:s24] =	ssyncset.done $0x0  }
0x214: {  	s11 =	sxor.u32 s10, s11;
	[sflag:s24] =	ssyncadd.s32 $0xFFFFE800  }
0x215: {  	[hbm:s21], [sflag:s7] =	dma.local [spmem:s6], $0x1800  }
0x216: {  	s10 =	sadd.s32 s10, s11;
	_ =	swait.ge [sflag:s25], $0x1800  }
0x217: {  	s12 =	sadd.s32 s14, s12;
	s15 =	sadd.s32 s18, s15;
	s21 =	sld [smem:$0x7C9]  }
0x218: {  	s18 =	sshrl.u32 s15, $0x13;
	s13 =	sshll.u32 s15, $0xD;
	[sflag:s25] =	ssyncset.done $0x0  }
0x219: {  	s12 =	sadd.s32 s15, s12;
	s18 =	sor.u32 s18, s13;
	[sflag:s25] =	ssyncadd.s32 $0xFFFFE800  }
0x21a: {  	[spmem:s6], [sflag:s9] =	dma.local [hbm:s21], $0x1800  }
0x21b: {  	s15 =	sxor.u32 s12, s18;
	s18 =	sshrl.u32 s11, $0x6;
	_ =	swait.ge [sflag:s26], $0x1800  }
0x21c: {  	s11 =	sshll.u32 s11, $0x1A;
	s12 =	sadd.s32 s12, s15;
	s21 =	sld [smem:$0x7C8]  }
0x21d: {  	s20 =	sshrl.u32 s15, $0x11;
	s15 =	sshll.u32 s15, $0xF;
	[sflag:s26] =	ssyncset.done $0x0  }
0x21e: {  	s11 =	sor.u32 s18, s11;
	s15 =	sor.u32 s20, s15;
	[sflag:s26] =	ssyncadd.s32 $0xFFFFE800  }
0x21f: {  	[hbm:s21], [sflag:s0] =	dma.local [spmem:s22], $0x1800  }
0x220: {  	s11 =	sxor.u32 s10, s11;
	s15 =	sxor.u32 s12, s15;
	_ =	swait.ge [sflag:s28], $0x1800  }
0x221: {  	s18 =	sshrl.u32 s15, $0x6;
	s20 =	sshll.u32 s15, $0x1A;
	s21 =	sld [smem:$0x7CB]  }
0x222: {  	s12 =	sadd.s32 s12, s15;
	s20 =	sor.u32 s18, s20;
	[sflag:s28] =	ssyncset.done $0x0  }
0x223: {  	s10 =	sadd.s32 s10, s11;
	s15 =	sxor.u32 s12, s20;
	[sflag:s28] =	ssyncadd.s32 $0xFFFFE800  }
0x224: {  	[spmem:s22], [sflag:s8] =	dma.local [hbm:s21], $0x1800  }
0x225: {  	s20 =	sshrl.u32 s11, $0x1A;
	s12 =	sadd.s32 s12, s15;
	_ =	swait.ge [sflag:s24], $0x1800  }
0x226: {  	s13 =	sshrl.u32 s15, $0x1A;
	s15 =	sshll.u32 s15, $0x6;
	s18 =	sld [smem:$0x7CA]  }
0x227: {  	s11 =	sshll.u32 s11, $0x6;
	s15 =	sor.u32 s13, s15;
	[sflag:s24] =	ssyncset.done $0x0  }
0x228: {  	s11 =	sor.u32 s20, s11;
	s15 =	sxor.u32 s12, s15;
	[sflag:s24] =	ssyncadd.s32 $0xFFFFE800  }
0x229: {  	[hbm:s18], [sflag:s7] =	dma.local [spmem:s6], $0x1800  }
0x22a: {  	s12 =	sadd.s32 s17, s12;
	s5 =	sadd.s32 s15, s5;
	_ =	swait.ge [sflag:s25], $0x1800  }
0x22b: {  	s15 =	sshrl.u32 s5, $0xF;
	s13 =	sshll.u32 s5, $0x11;
	s20 =	sld [smem:$0x7CD]  }
0x22c: {  	s5 =	sadd.s32 s5, s12;
	s15 =	sor.u32 s15, s13;
	[sflag:s25] =	ssyncset.done $0x0  }
0x22d: {  	s12 =	sxor.u32 s5, s15;
	[sflag:s25] =	ssyncadd.s32 $0xFFFFE800  }
0x22e: {  	[spmem:s6], [sflag:s9] =	dma.local [hbm:s20], $0x1800  }
0x22f: {  	s13 =	sshll.u32 s12, $0x1D;
	s21 =	sshrl.u32 s12, $0x3;
	_ =	swait.ge [sflag:s26], $0x1800  }
0x230: {  	s5 =	sadd.s32 s5, s12;
	s18 =	sor.u32 s21, s13;
	s20 =	sld [smem:$0x7CC]  }
0x231: {  	s12 =	sxor.u32 s5, s18;
	[sflag:s26] =	ssyncset.done $0x0  }
0x232: {  	s21 =	sshrl.u32 s12, $0x10;
	s13 =	sshll.u32 s12, $0x10;
	[sflag:s26] =	ssyncadd.s32 $0xFFFFE800  }
0x233: {  	[hbm:s20], [sflag:s0] =	dma.local [spmem:s22], $0x1800  }
0x234: {  	s5 =	sadd.s32 s5, s12;
	s18 =	sor.u32 s21, s13;
	_ =	swait.ge [sflag:s28], $0x1800  }
0x235: {  	s21 =	sxor.u32 s5, s18;
	s18 =	sld [smem:$0x7CF]  }
0x236: {  	[sflag:s28] =	ssyncset.done $0x0  }
0x237: {  	s11 =	sxor.u32 s10, s11;
	s15 =	sadd.s32 s14, s10;
	[sflag:s28] =	ssyncadd.s32 $0xFFFFE800  }
0x238: {  	[spmem:s22], [sflag:s8] =	dma.local [hbm:s18], $0x1800  }
0x239: {  	s12 =	sshrl.u32 s21, $0x8;
	s13 =	sshll.u32 s21, $0x18;
	_ =	swait.ge [sflag:s24], $0x1800  }
0x23a: {  	s10 =	sadd.s32 s5, s21;
	s12 =	sor.u32 s12, s13;
	s18 =	sld [smem:$0x7CE]  }
0x23b: {  	s12 =	sxor.u32 s10, s12;
	[sflag:s24] =	ssyncset.done $0x0  }
0x23c: {  	s12 =	sadd.s32 s12, s19;
	[sflag:s24] =	ssyncadd.s32 $0xFFFFE800  }
0x23d: {  	[hbm:s18], [sflag:s7] =	dma.local [spmem:s6], $0x1800  }
0x23e: {  	s21 =	sshll.u32 s12, $0xD;
	s20 =	sshrl.u32 s12, $0x13;
	_ =	swait.ge [sflag:s25], $0x1800  }
0x23f: {  	s19 =	sor.u32 s20, s21;
	s20 =	sld [smem:$0x7D1]  }
0x240: {  	s5 =	sadd.s32 $0x5, s17;
	[sflag:s25] =	ssyncset.done $0x0  }
0x241: {  	s17 =	sadd.s32 s11, s5;
	s10 =	sadd.s32 s16, s10;
	[sflag:s25] =	ssyncadd.s32 $0xFFFFE800  }
0x242: {  	[spmem:s6], [sflag:s9] =	dma.local [hbm:s20], $0x1800  }
0x243: {  	s13 =	sshll.u32 s17, $0xD;
	s10 =	sadd.s32 s12, s10;
	_ =	swait.ge [sflag:s26], $0x1800  }
0x244: {  	s21 =	sshrl.u32 s17, $0x13;
	s11 =	sxor.u32 s10, s19;
	s20 =	sld [smem:$0x7D0]  }
0x245: {  	s19 =	sadd.s32 s15, s17;
	s16 =	sor.u32 s21, s13;
	[sflag:s26] =	ssyncset.done $0x0  }
0x246: {  	s16 =	sxor.u32 s19, s16;
	[sflag:s26] =	ssyncadd.s32 $0xFFFFE800  }
0x247: {  	[hbm:s20], [sflag:s0] =	dma.local [spmem:s22], $0x1800  }
0x248: {  	s21 =	sshrl.u32 s16, $0x11;
	s13 =	sshll.u32 s16, $0xF;
	_ =	swait.ge [sflag:s28], $0x1800  }
0x249: {  	s10 =	sadd.s32 s10, s11;
	s18 =	sor.u32 s21, s13;
	s21 =	sld [smem:$0x7D3]  }
0x24a: {  	s12 =	sshrl.u32 s11, $0x11;
	s16 =	sadd.s32 s19, s16;
	[sflag:s28] =	ssyncset.done $0x0  }
0x24b: {  	s11 =	sshll.u32 s11, $0xF;
	s20 =	sxor.u32 s16, s18;
	[sflag:s28] =	ssyncadd.s32 $0xFFFFE800  }
0x24c: {  	[spmem:s22], [sflag:s8] =	dma.local [hbm:s21], $0x1800  }
0x24d: {  	s11 =	sor.u32 s12, s11;
	s18 =	sshrl.u32 s20, $0x6;
	_ =	swait.ge [sflag:s24], $0x1800  }
0x24e: {  	s13 =	sshll.u32 s20, $0x1A;
	s12 =	sadd.s32 s16, s20;
	s20 =	sld [smem:$0x7D2]  }
0x24f: {  	[sflag:s24] =	ssyncset.done $0x0  }
0x250: {  	[sflag:s24] =	ssyncadd.s32 $0xFFFFE800  }
0x251: {  	[hbm:s20], [sflag:s7] =	dma.local [spmem:s6], $0x1800  }
0x252: {  	_ =	swait.ge [sflag:s25], $0x1800  }
0x253: {  	s20 =	sld [smem:$0x7D5]  }
0x254: {  	s19 =	sor.u32 s18, s13;
	[sflag:s25] =	ssyncset.done $0x0  }
0x255: {  	s18 =	sxor.u32 s17, s15;
	s16 =	sxor.u32 s12, s19;
	[sflag:s25] =	ssyncadd.s32 $0xFFFFE800  }
0x256: {  	[spmem:s6], [sflag:s9] =	dma.local [hbm:s20], $0x1800  }
0x257: {  	s13 =	sshll.u32 s16, $0x6;
	s21 =	sshrl.u32 s16, $0x1A;
	_ =	swait.ge [sflag:s26], $0x1800  }
0x258: {  	s12 =	sadd.s32 s12, s16;
	s19 =	sor.u32 s21, s13;
	s21 =	sld [smem:$0x7D4]  }
0x259: {  	s16 =	sxor.u32 $0x1BD11BDA, s18;
	s19 =	sxor.u32 s12, s19;
	[sflag:s26] =	ssyncset.done $0x0  }
0x25a: {  	s18 =	sadd.s32 s19, s16;
	[sflag:s26] =	ssyncadd.s32 $0xFFFFE800  }
0x25b: {  	[hbm:s21], [sflag:s0] =	dma.local [spmem:s22], $0x1800  }
0x25c: {  	s12 =	sadd.s32 s17, s12;
	s18 =	sadd.s32 $0x1, s18;
	_ =	swait.ge [sflag:s28], $0x1800  }
0x25d: {  	s19 =	sshrl.u32 s18, $0xF;
	s20 =	sshll.u32 s18, $0x11;
	s21 =	sld [smem:$0x7D7]  }
0x25e: {  	s12 =	sadd.s32 s18, s12;
	s20 =	sor.u32 s19, s20;
	[sflag:s28] =	ssyncset.done $0x0  }
0x25f: {  	s18 =	sxor.u32 s12, s20;
	[sflag:s28] =	ssyncadd.s32 $0xFFFFE800  }
0x260: {  	[spmem:s22], [sflag:s8] =	dma.local [hbm:s21], $0x1800  }
0x261: {  	s12 =	sadd.s32 s12, s18;
	_ =	swait.ge [sflag:s24], $0x1800  }
0x262: {  	s13 =	sshrl.u32 s18, $0x3;
	s18 =	sshll.u32 s18, $0x1D;
	s20 =	sld [smem:$0x7D6]  }
0x263: {  	s18 =	sor.u32 s13, s18;
	[sflag:s24] =	ssyncset.done $0x0  }
0x264: {  	s18 =	sxor.u32 s12, s18;
	[sflag:s24] =	ssyncadd.s32 $0xFFFFE800  }
0x265: {  	[hbm:s20], [sflag:s7] =	dma.local [spmem:s6], $0x1800  }
0x266: {  	s13 =	sshll.u32 s18, $0x10;
	s21 =	sshrl.u32 s18, $0x10;
	_ =	swait.ge [sflag:s25], $0x1800  }
0x267: {  	s20 =	sor.u32 s21, s13;
	s21 =	sld [smem:$0x7D9]  }
0x268: {  	s11 =	sxor.u32 s10, s11;
	[sflag:s25] =	ssyncset.done $0x0  }
0x269: {  	s10 =	sadd.s32 s10, s11;
	[sflag:s25] =	ssyncadd.s32 $0xFFFFE800  }
0x26a: {  	[spmem:s6], [sflag:s9] =	dma.local [hbm:s21], $0x1800  }
0x26b: {  	s19 =	sshrl.u32 s11, $0x6;
	s11 =	sshll.u32 s11, $0x1A;
	_ =	swait.ge [sflag:s26], $0x1800  }
0x26c: {  	s11 =	sor.u32 s19, s11;
	s12 =	sadd.s32 s12, s18;
	s21 =	sld [smem:$0x7D8]  }
0x26d: {  	s11 =	sxor.u32 s10, s11;
	s18 =	sxor.u32 s12, s20;
	[sflag:s26] =	ssyncset.done $0x0  }
0x26e: {  	s10 =	sadd.s32 s10, s11;
	s12 =	sadd.s32 s12, s18;
	[sflag:s26] =	ssyncadd.s32 $0xFFFFE800  }
0x26f: {  	[hbm:s21], [sflag:s0] =	dma.local [spmem:s22], $0x1800  }
0x270: {  	s13 =	sshrl.u32 s18, $0x8;
	s18 =	sshll.u32 s18, $0x18;
	_ =	swait.ge [sflag:s28], $0x1800  }
0x271: {  	s20 =	sshrl.u32 s11, $0x1A;
	s18 =	sor.u32 s13, s18;
	s19 =	sld [smem:$0x7DB]  }
0x272: {  	s11 =	sshll.u32 s11, $0x6;
	s18 =	sxor.u32 s12, s18;
	[sflag:s28] =	ssyncset.done $0x0  }
0x273: {  	s11 =	sor.u32 s20, s11;
	s18 =	sadd.s32 s18, s15;
	[sflag:s28] =	ssyncadd.s32 $0xFFFFE800  }
0x274: {  	[spmem:s22], [sflag:s8] =	dma.local [hbm:s19], $0x1800  }
0x275: {  	s12 =	sadd.s32 s16, s12;
	s18 =	sadd.s32 $0x2, s18;
	_ =	swait.ge [sflag:s24], $0x1800  }
0x276: {  	s20 =	sshrl.u32 s18, $0x13;
	s21 =	sshll.u32 s18, $0xD;
	s19 =	sld [smem:$0x7DA]  }
0x277: {  	s12 =	sadd.s32 s18, s12;
	s13 =	sor.u32 s20, s21;
	[sflag:s24] =	ssyncset.done $0x0  }
0x278: {  	s18 =	sxor.u32 s12, s13;
	[sflag:s24] =	ssyncadd.s32 $0xFFFFE800  }
0x279: {  	[hbm:s19], [sflag:s7] =	dma.local [spmem:s6], $0x1800  }
0x27a: {  	s20 =	sshrl.u32 s18, $0x11;
	s21 =	sshll.u32 s18, $0xF;
	_ =	swait.ge [sflag:s25], $0x1800  }
0x27b: {  	s13 =	sor.u32 s20, s21;
	s20 =	sld [smem:$0x7DD]  }
0x27c: {  	s12 =	sadd.s32 s12, s18;
	[sflag:s25] =	ssyncset.done $0x0  }
0x27d: {  	s14 =	sadd.s32 s14, s10;
	s19 =	sxor.u32 s12, s13;
	[sflag:s25] =	ssyncadd.s32 $0xFFFFE800  }
0x27e: {  	[spmem:s6], [sflag:s9] =	dma.local [hbm:s20], $0x1800  }
0x27f: {  	s11 =	sxor.u32 s10, s11;
	s18 =	sshrl.u32 s19, $0x6;
	_ =	swait.ge [sflag:s26], $0x1800  }
0x280: {  	s21 =	sshll.u32 s19, $0x1A;
	s10 =	sadd.s32 s12, s19;
	s19 =	sld [smem:$0x7DC]  }
0x281: {  	[sflag:s26] =	ssyncset.done $0x0  }
0x282: {  	s13 =	sor.u32 s18, s21;
	s18 =	sadd.s32 s11, s5;
	[sflag:s26] =	ssyncadd.s32 $0xFFFFE800  }
0x283: {  	[hbm:s19], [sflag:s0] =	dma.local [spmem:s22], $0x1800  }
0x284: {  	s21 =	sshll.u32 s18, $0xD;
	s20 =	sshrl.u32 s18, $0x13;
	_ =	swait.ge [sflag:s28], $0x1800  }
0x285: {  	s11 =	sor.u32 s20, s21;
	s20 =	sld [smem:$0x7DF]  }
0x286: {  	s5 =	sxor.u32 s10, s13;
	s13 =	sadd.s32 s14, s18;
	[sflag:s28] =	ssyncset.done $0x0  }
0x287: {  	s11 =	sxor.u32 s13, s11;
	[sflag:s28] =	ssyncadd.s32 $0xFFFFE800  }
0x288: {  	[spmem:s22], [sflag:s8] =	dma.local [hbm:s20], $0x1800  }
0x289: {  	s10 =	sadd.s32 s10, s5;
	s19 =	sadd.s32 s13, s11;
	_ =	swait.ge [sflag:s24], $0x1800  }
0x28a: {  	s13 =	sshrl.u32 s11, $0x11;
	s11 =	sshll.u32 s11, $0xF;
	s20 =	sld [smem:$0x7DE]  }
0x28b: {  	s21 =	sshrl.u32 s5, $0x1A;
	s11 =	sor.u32 s13, s11;
	[sflag:s24] =	ssyncset.done $0x0  }
0x28c: {  	s5 =	sshll.u32 s5, $0x6;
	s11 =	sxor.u32 s19, s11;
	[sflag:s24] =	ssyncadd.s32 $0xFFFFE800  }
0x28d: {  	[hbm:s20], [sflag:s7] =	dma.local [spmem:s6], $0x1800  }
0x28e: {  	s5 =	sor.u32 s21, s5;
	s21 =	sshrl.u32 s11, $0x6;
	_ =	swait.ge [sflag:s25], $0x1800  }
0x28f: {  	s13 =	sshll.u32 s11, $0x1A;
	s11 =	sadd.s32 s19, s11;
	s19 =	sld [smem:$0x7E1]  }
0x290: {  	[sflag:s25] =	ssyncset.done $0x0  }
0x291: {  	[sflag:s25] =	ssyncadd.s32 $0xFFFFE800  }
0x292: {  	[spmem:s6], [sflag:s9] =	dma.local [hbm:s19], $0x1800  }
0x293: {  	_ =	swait.ge [sflag:s26], $0x1800  }
0x294: {  	s12 =	sor.u32 s21, s13;
	s21 =	sld [smem:$0x7E0]  }
0x295: {  	[sflag:s26] =	ssyncset.done $0x0  }
0x296: {  	s20 =	sxor.u32 s11, s12;
	[sflag:s26] =	ssyncadd.s32 $0xFFFFE800  }
0x297: {  	[hbm:s21], [sflag:s0] =	dma.local [spmem:s22], $0x1800  }
0x298: {  	s11 =	sadd.s32 s11, s20;
	s12 =	sshrl.u32 s20, $0x1A;
	_ =	swait.ge [sflag:s28], $0x1800  }
0x299: {  	s19 =	sxor.u32 s10, s5;
	s5 =	sshll.u32 s20, $0x6;
	s20 =	sld [smem:$0x7E3]  }
0x29a: {  	[sflag:s28] =	ssyncset.done $0x0  }
0x29b: {  	[sflag:s28] =	ssyncadd.s32 $0xFFFFE800  }
0x29c: {  	[spmem:s22], [sflag:s8] =	dma.local [hbm:s20], $0x1800  }
0x29d: {  	_ =	swait.ge [sflag:s24], $0x1800  }
0x29e: {  	s21 =	sld [smem:$0x7E2]  }
0x29f: {  	[sflag:s24] =	ssyncset.done $0x0  }
0x2a0: {  	[sflag:s24] =	ssyncadd.s32 $0xFFFFE800  }
0x2a1: {  	[hbm:s21], [sflag:s7] =	dma.local [spmem:s6], $0x1800  }
0x2a2: {  	_ =	swait.ge [sflag:s25], $0x1800  }
0x2a3: {  	s21 =	sld [smem:$0x7E5]  }
0x2a4: {  	[sflag:s25] =	ssyncset.done $0x0  }
0x2a5: {  	s13 =	sxor.u32 s18, s14;
	[sflag:s25] =	ssyncadd.s32 $0xFFFFE800  }
0x2a6: {  	[spmem:s6], [sflag:s9] =	dma.local [hbm:s21], $0x1800  }
0x2a7: {  	s10 =	sadd.s32 s15, s10;
	s12 =	sor.u32 s12, s5;
	_ =	swait.ge [sflag:s26], $0x1800  }
0x2a8: {  	s5 =	sxor.u32 $0x1BD11BDA, s13;
	s19 =	sadd.s32 s19, s17;
	s21 =	sld [smem:$0x7E4]  }
0x2a9: {  	s12 =	sxor.u32 s11, s12;
	s11 =	sadd.s32 s18, s11;
	[sflag:s26] =	ssyncset.done $0x0  }
0x2aa: {  	s19 =	sadd.s32 $0x3, s19;
	s12 =	sadd.s32 s12, s5;
	[sflag:s26] =	ssyncadd.s32 $0xFFFFE800  }
0x2ab: {  	[hbm:s21], [sflag:s0] =	dma.local [spmem:s22], $0x1800  }
0x2ac: {  	s10 =	sadd.s32 s19, s10;
	s12 =	sadd.s32 $0x1, s12;
	_ =	swait.ge [sflag:s28], $0x1800  }
0x2ad: {  	s13 =	sshrl.u32 s19, $0xF;
	s11 =	sadd.s32 s12, s11;
	s21 =	sld [smem:$0x7E7]  }
0x2ae: {  	s20 =	sshrl.u32 s12, $0xF;
	s12 =	sshll.u32 s12, $0x11;
	[sflag:s28] =	ssyncset.done $0x0  }
0x2af: {  	s19 =	sshll.u32 s19, $0x11;
	s12 =	sor.u32 s20, s12;
	[sflag:s28] =	ssyncadd.s32 $0xFFFFE800  }
0x2b0: {  	[spmem:s22], [sflag:s8] =	dma.local [hbm:s21], $0x1800  }
0x2b1: {  	s19 =	sor.u32 s13, s19;
	s12 =	sxor.u32 s11, s12;
	_ =	swait.ge [sflag:s24], $0x1800  }
0x2b2: {  	s19 =	sxor.u32 s10, s19;
	s11 =	sadd.s32 s11, s12;
	s21 =	sld [smem:$0x7E6]  }
0x2b3: {  	s13 =	sshrl.u32 s12, $0x3;
	s12 =	sshll.u32 s12, $0x1D;
	[sflag:s24] =	ssyncset.done $0x0  }
0x2b4: {  	s10 =	sadd.s32 s10, s19;
	s12 =	sor.u32 s13, s12;
	[sflag:s24] =	ssyncadd.s32 $0xFFFFE800  }
0x2b5: {  	[hbm:s21], [sflag:s7] =	dma.local [spmem:s6], $0x1800  }
0x2b6: {  	s13 =	sshrl.u32 s19, $0x3;
	s19 =	sshll.u32 s19, $0x1D;
	_ =	swait.ge [sflag:s25], $0x1800  }
0x2b7: {  	s19 =	sor.u32 s13, s19;
	s12 =	sxor.u32 s11, s12;
	s21 =	sld [smem:$0x7E9]  }
0x2b8: {  	s19 =	sxor.u32 s10, s19;
	s11 =	sadd.s32 s11, s12;
	[sflag:s25] =	ssyncset.done $0x0  }
0x2b9: {  	s13 =	sshrl.u32 s12, $0x10;
	s12 =	sshll.u32 s12, $0x10;
	[sflag:s25] =	ssyncadd.s32 $0xFFFFE800  }
0x2ba: {  	[spmem:s6], [sflag:s9] =	dma.local [hbm:s21], $0x1800  }
0x2bb: {  	s10 =	sadd.s32 s10, s19;
	s12 =	sor.u32 s13, s12;
	_ =	swait.ge [sflag:s26], $0x1800  }
0x2bc: {  	s20 =	sshrl.u32 s19, $0x10;
	s19 =	sshll.u32 s19, $0x10;
	s21 =	sld [smem:$0x7E8]  }
0x2bd: {  	s19 =	sor.u32 s20, s19;
	s12 =	sxor.u32 s11, s12;
	[sflag:s26] =	ssyncset.done $0x0  }
0x2be: {  	s19 =	sxor.u32 s10, s19;
	s11 =	sadd.s32 s11, s12;
	[sflag:s26] =	ssyncadd.s32 $0xFFFFE800  }
0x2bf: {  	[hbm:s21], [sflag:s0] =	dma.local [spmem:s22], $0x1800  }
0x2c0: {  	s20 =	sshrl.u32 s12, $0x8;
	s12 =	sshll.u32 s12, $0x18;
	_ =	swait.ge [sflag:s28], $0x1800  }
0x2c1: {  	s10 =	sadd.s32 s10, s19;
	s12 =	sor.u32 s20, s12;
	s21 =	sld [smem:$0x7EB]  }
0x2c2: {  	s20 =	sshrl.u32 s19, $0x8;
	s12 =	sxor.u32 s11, s12;
	[sflag:s28] =	ssyncset.done $0x0  }
0x2c3: {  	s19 =	sshll.u32 s19, $0x18;
	s12 =	sadd.s32 s12, s14;
	[sflag:s28] =	ssyncadd.s32 $0xFFFFE800  }
0x2c4: {  	[spmem:s22], [sflag:s8] =	dma.local [hbm:s21], $0x1800  }
0x2c5: {  	s11 =	sadd.s32 s5, s11;
	s12 =	sadd.s32 $0x2, s12;
	_ =	swait.ge [sflag:s24], $0x1800  }
0x2c6: {  	s19 =	sor.u32 s20, s19;
	s11 =	sadd.s32 s12, s11;
	s21 =	sld [smem:$0x7EA]  }
0x2c7: {  	s20 =	sshrl.u32 s12, $0x13;
	s12 =	sshll.u32 s12, $0xD;
	[sflag:s24] =	ssyncset.done $0x0  }
0x2c8: {  	s19 =	sxor.u32 s10, s19;
	s12 =	sor.u32 s20, s12;
	[sflag:s24] =	ssyncadd.s32 $0xFFFFE800  }
0x2c9: {  	[hbm:s21], [sflag:s7] =	dma.local [spmem:s6], $0x1800  }
0x2ca: {  	s10 =	sadd.s32 s17, s10;
	s12 =	sxor.u32 s11, s12;
	_ =	swait.ge [sflag:s25], $0x1800  }
0x2cb: {  	s17 =	sshrl.u32 s12, $0x11;
	s20 =	sshll.u32 s12, $0xF;
	s21 =	sld [smem:$0x7ED]  }
0x2cc: {  	s11 =	sadd.s32 s11, s12;
	s20 =	sor.u32 s17, s20;
	[sflag:s25] =	ssyncset.done $0x0  }
0x2cd: {  	s17 =	sadd.s32 s19, s16;
	s12 =	sxor.u32 s11, s20;
	[sflag:s25] =	ssyncadd.s32 $0xFFFFE800  }
0x2ce: {  	[spmem:s6], [sflag:s9] =	dma.local [hbm:s21], $0x1800  }
0x2cf: {  	s19 =	sshrl.u32 s12, $0x6;
	s20 =	sshll.u32 s12, $0x1A;
	_ =	swait.ge [sflag:s26], $0x1800  }
0x2d0: {  	s13 =	sor.u32 s19, s20;
	s19 =	sld [smem:$0x7EC]  }
0x2d1: {  	[sflag:s26] =	ssyncset.done $0x0  }
0x2d2: {  	[sflag:s26] =	ssyncadd.s32 $0xFFFFE800  }
0x2d3: {  	[hbm:s19], [sflag:s0] =	dma.local [spmem:s22], $0x1800  }
0x2d4: {  	_ =	swait.ge [sflag:s28], $0x1800  }
0x2d5: {  	s19 =	sld [smem:$0x7EF]  }
0x2d6: {  	s17 =	sadd.s32 $0x4, s17;
	[sflag:s28] =	ssyncset.done $0x0  }
0x2d7: {  	s11 =	sadd.s32 s11, s12;
	s10 =	sadd.s32 s17, s10;
	[sflag:s28] =	ssyncadd.s32 $0xFFFFE800  }
0x2d8: {  	[spmem:s22], [sflag:s8] =	dma.local [hbm:s19], $0x1800  }
0x2d9: {  	s21 =	sshrl.u32 s17, $0x13;
	s17 =	sshll.u32 s17, $0xD;
	_ =	swait.ge [sflag:s24], $0x1800  }
0x2da: {  	s12 =	sxor.u32 s11, s13;
	s17 =	sor.u32 s21, s17;
	s21 =	sld [smem:$0x7EE]  }
0x2db: {  	s11 =	sadd.s32 s11, s12;
	[sflag:s24] =	ssyncset.done $0x0  }
0x2dc: {  	s20 =	sshrl.u32 s12, $0x1A;
	s12 =	sshll.u32 s12, $0x6;
	[sflag:s24] =	ssyncadd.s32 $0xFFFFE800  }
0x2dd: {  	[hbm:s21], [sflag:s7] =	dma.local [spmem:s6], $0x1800  }
0x2de: {  	s12 =	sor.u32 s20, s12;
	_ =	swait.ge [sflag:s25], $0x1800  }
0x2df: {  	s12 =	sxor.u32 s11, s12;
	s21 =	sld [smem:$0x7F1]  }
0x2e0: {  	s12 =	sadd.s32 s12, s18;
	[sflag:s25] =	ssyncset.done $0x0  }
0x2e1: {  	s11 =	sadd.s32 s14, s11;
	s12 =	sadd.s32 $0x3, s12;
	[sflag:s25] =	ssyncadd.s32 $0xFFFFE800  }
0x2e2: {  	[spmem:s6], [sflag:s9] =	dma.local [hbm:s21], $0x1800  }
0x2e3: {  	s20 =	sshll.u32 s12, $0x11;
	s19 =	sshrl.u32 s12, $0xF;
	_ =	swait.ge [sflag:s26], $0x1800  }
0x2e4: {  	s11 =	sadd.s32 s12, s11;
	s20 =	sor.u32 s19, s20;
	s21 =	sld [smem:$0x7F0]  }
0x2e5: {  	s17 =	sxor.u32 s10, s17;
	s12 =	sxor.u32 s11, s20;
	[sflag:s26] =	ssyncset.done $0x0  }
0x2e6: {  	s19 =	sshrl.u32 s12, $0x3;
	s20 =	sshll.u32 s12, $0x1D;
	[sflag:s26] =	ssyncadd.s32 $0xFFFFE800  }
0x2e7: {  	[hbm:s21], [sflag:s0] =	dma.local [spmem:s22], $0x1800  }
0x2e8: {  	s11 =	sadd.s32 s11, s12;
	s20 =	sor.u32 s19, s20;
	_ =	swait.ge [sflag:s28], $0x1800  }
0x2e9: {  	s10 =	sadd.s32 s10, s17;
	s12 =	sxor.u32 s11, s20;
	s20 =	sld [smem:$0x7F5]  }
0x2ea: {  	s19 =	sshrl.u32 s17, $0x11;
	s17 =	sshll.u32 s17, $0xF;
	[sflag:s28] =	ssyncset.done $0x0  }
0x2eb: {  	s17 =	sor.u32 s19, s17;
	s11 =	sadd.s32 s11, s12;
	[sflag:s28] =	ssyncadd.s32 $0xFFFFE800  }
0x2ec: {  	[spmem:s22], [sflag:s8] =	dma.local [hbm:s20], $0x1800  }
0x2ed: {  	s13 =	sshrl.u32 s12, $0x10;
	s12 =	sshll.u32 s12, $0x10;
	_ =	swait.ge [sflag:s24], $0x1800  }
0x2ee: {  	s17 =	sxor.u32 s10, s17;
	s12 =	sor.u32 s13, s12;
	s20 =	sld [smem:$0x7F2]  }
0x2ef: {  	s10 =	sadd.s32 s10, s17;
	s12 =	sxor.u32 s11, s12;
	[sflag:s24] =	ssyncset.done $0x0  }
0x2f0: {  	s13 =	sshll.u32 s12, $0x18;
	s21 =	sshrl.u32 s12, $0x8;
	[sflag:s24] =	ssyncadd.s32 $0xFFFFE800  }
0x2f1: {  	[hbm:s20], [sflag:s7] =	dma.local [spmem:s6], $0x1800  }
0x2f2: {  	s11 =	sadd.s32 s11, s12;
	s19 =	sor.u32 s21, s13;
	_ =	swait.ge [sflag:s25], $0x1800  }
0x2f3: {  	s21 =	sshrl.u32 s17, $0x6;
	s12 =	sxor.u32 s11, s19;
	s19 =	sld [smem:$0x7F7]  }
0x2f4: {  	s17 =	sshll.u32 s17, $0x1A;
	s12 =	sadd.s32 s12, s5;
	[sflag:s25] =	ssyncset.done $0x0  }
0x2f5: {  	s11 =	sadd.s32 s18, s11;
	s12 =	sadd.s32 $0x4, s12;
	[sflag:s25] =	ssyncadd.s32 $0xFFFFE800  }
0x2f6: {  	[spmem:s6], [sflag:s9] =	dma.local [hbm:s19], $0x1800  }
0x2f7: {  	s21 =	sor.u32 s21, s17;
	s11 =	sadd.s32 s12, s11;
	_ =	swait.ge [sflag:s26], $0x1800  }
0x2f8: {  	s20 =	sshrl.u32 s12, $0x13;
	s12 =	sshll.u32 s12, $0xD;
	s17 =	sld [smem:$0x7F6]  }
0x2f9: {  	s9 =	sor.u32 s20, s12;
	[sflag:s26] =	ssyncset.done $0x0  }
0x2fa: {  	s12 =	sxor.u32 s10, s21;
	s9 =	sxor.u32 s11, s9;
	[sflag:s26] =	ssyncadd.s32 $0xFFFFE800  }
0x2fb: {  	[hbm:s17], [sflag:s0] =	dma.local [spmem:s22], $0x1800  }
0x2fc: {  	s18 =	sshrl.u32 s9, $0x11;
	s19 =	sshll.u32 s9, $0xF;
	_ =	swait.ge [sflag:s28], $0x1800  }
0x2fd: {  	s9 =	sadd.s32 s11, s9;
	s20 =	sor.u32 s18, s19;
	s21 =	sld [smem:$0x7F8]  }
0x2fe: {  	s11 =	sxor.u32 s9, s20;
	[sflag:s28] =	ssyncset.done $0x0  }
0x2ff: {  	s10 =	sadd.s32 s10, s12;
	s13 =	sshrl.u32 s11, $0x6;
	[sflag:s28] =	ssyncadd.s32 $0xFFFFE800  }
0x300: {  	[spmem:s22], [sflag:s8] =	dma.local [hbm:s21], $0x1800  }
0x301: {  	s17 =	sshrl.u32 s12, $0x1A;
	s8 =	sadd.s32 s9, s11;
	s11 =	sshll.u32 s11, $0x1A  }
0x302: {  	s12 =	sshll.u32 s12, $0x6;
	s9 =	sor.u32 s13, s11;
	_ =	swait.ge [sflag:s24], $0x1800  }
0x303: {  	s11 =	sor.u32 s17, s12;
	s12 =	sadd.s32 s16, s10;
	s18 =	sld [smem:$0x7F9]  }
0x304: {  	[sflag:s24] =	ssyncset.done $0x0;
	s9 =	sxor.u32 s8, s9;
	s19 =	sxor.u32 s10, s11  }
0x305: {  	[sflag:s24] =	ssyncadd.s32 $0xFFFFE800;
	s20 =	sshrl.u32 s9, $0x1A;
	s21 =	sshll.u32 s9, $0x6  }
0x306: {  	[hbm:s18], [sflag:s7] =	dma.local [spmem:s6], $0x1800  }
0x307: {  	s8 =	sadd.s32 s8, s9;
	s6 =	sadd.s32 s19, s15;
	s7 =	sor.u32 s20, s21  }
0x308: {  	s5 =	sadd.s32 s5, s8;
	s6 =	sadd.s32 $0x5, s6;
	s7 =	sxor.u32 s8, s7  }
0x309: {  	_ =	swait.ge [sflag:s26], $0x1800;
	s7 =	sadd.s32 s7, s14;
	s6 =	sxor.u32 s12, s6  }
0x30a: {  	s17 =	sld [smem:$0x7FA];
	s7 =	sadd.s32 $0x5, s7;
	s13 =	smulhi.u32 $0xFF803FE1, s6  }
0x30b: {  	[sflag:s26] =	ssyncset.done $0x0;
	s5 =	sxor.u32 s5, s7  }
0x30c: {  	[sflag:s26] =	ssyncadd.s32 $0xFFFFE800;
	s14 =	sshrl.u32 s13, $0x9;
	s15 =	smulhi.u32 $0xFF803FE1, s5  }
0x30d: {  	[hbm:s17], [sflag:s0] =	dma.local [spmem:s22], $0x1800  }
0x30e: {  	s7 =	smul.u32 $0x201, s14  }
0x30f: {  	s8 =	sshrl.u32 s15, $0x9  }
0x310: {  	s6 =	ssub.s32 s6, s7;
	s16 =	smul.u32 $0x201, s8  }
0x311: {  	s6 =	smul.u32 $0x1E1, s6  }
0x312: {  	s5 =	ssub.s32 s5, s16  }
0x313: {  	_ =	swait.ge [sflag:s25], $0x1800;
	s5 =	sadd.s32 s5, s6  }
0x314: {  	[sflag:s25] =	ssyncset.done $0x0;
	s6 =	smulhi.u32 $0x7FC020, s5  }
0x315: {  	[sflag:s25] =	ssyncadd.s32 $0xFFFFE800  }
0x316: {  	_ =	swait.ge [sflag:s28], $0x1800;
	s6 =	smul.u32 $0x201, s6  }
0x317: {  	s20 =	sld [smem:$0x7FB]  }
0x318: {  	s21 =	sld [smem:$0x7FC];
	s18 =	ssub.s32 s5, s6  }
0x319: {  	s5 =	smax.u32 s18, $0x33;
	s0 =	smin.u32 s18, $0x1CD  }
0x31a: {  	s5 =	sadd.s32 $0xFFFFFFCD, s5;
	s19 =	sadd.s32 $0x32, s0  }
0x31b: {  	s0 =	smax.u32 s5, s20;
	s6 =	smin.u32 s19, s21  }
0x31c: {  	p0 =	sgt.u32 s0, s6  }
.Ltmp3:
0x31d: {  	_ = 	snop;
	(pc) =	sbr.rel @p0 .LBB2_10-.Ltmp3, $3  }
0x31e: {  	_ =	sdelay $0x1  }
0x31f: {  	[sflag:s28] =	ssyncset.done $0x0  }
0x320: {  	[sflag:s28] =	ssyncadd.s32 $0xFFFFE800  }
0x321: {  	s5 =	sshrl.u32 s2, $0x13;
	s7 =	sshll.u32 s2, $0xD  }
0x322: {  	s8 =	sadd.s32 s2, s31;
	s5 =	sor.u32 s5, s7  }
0x323: {  	s5 =	sxor.u32 s8, s5  }
0x324: {  	s16 =	sshrl.u32 s5, $0x11;
	s9 =	sshll.u32 s5, $0xF  }
0x325: {  	s5 =	sadd.s32 s8, s5;
	s7 =	sor.u32 s16, s9  }
0x326: {  	s7 =	sxor.u32 s5, s7  }
0x327: {  	s17 =	sshrl.u32 s7, $0x6;
	s18 =	sshll.u32 s7, $0x1A  }
0x328: {  	s5 =	sadd.s32 s5, s7;
	s19 =	sor.u32 s17, s18  }
0x329: {  	s7 =	sxor.u32 s5, s19  }
0x32a: {  	s11 =	sld [smem:$0x791];
	s20 =	sshrl.u32 s7, $0x1A;
	s21 =	sshll.u32 s7, $0x6  }
0x32b: {  	s5 =	sadd.s32 s5, s7;
	s10 =	sor.u32 s20, s21  }
0x32c: {  	s7 =	sxor.u32 s5, s10  }
0x32d: {  	s7 =	sadd.s32 s7, s11  }
0x32e: {  	s5 =	sadd.s32 s2, s5;
	s8 =	sshrl.u32 s7, $0xF;
	s12 =	sshll.u32 s7, $0x11  }
0x32f: {  	s5 =	sadd.s32 s7, s5;
	s13 =	sor.u32 s8, s12  }
0x330: {  	s7 =	sxor.u32 s5, s13  }
0x331: {  	s14 =	sshrl.u32 s7, $0x3;
	s15 =	sshll.u32 s7, $0x1D  }
0x332: {  	s5 =	sadd.s32 s5, s7;
	s16 =	sor.u32 s14, s15  }
0x333: {  	s7 =	sxor.u32 s5, s16  }
0x334: {  	s17 =	sshrl.u32 s7, $0x10;
	s18 =	sshll.u32 s7, $0x10  }
0x335: {  	s5 =	sadd.s32 s5, s7;
	s19 =	sor.u32 s17, s18  }
0x336: {  	s7 =	sxor.u32 s5, s19  }
0x337: {  	s11 =	sld [smem:$0x792];
	s20 =	sshrl.u32 s7, $0x8;
	s21 =	sshll.u32 s7, $0x18  }
0x338: {  	s5 =	sadd.s32 s5, s7;
	s10 =	sor.u32 s20, s21  }
0x339: {  	s7 =	sxor.u32 s5, s10  }
0x33a: {  	s7 =	sadd.s32 s7, s11  }
0x33b: {  	s5 =	sadd.s32 s1, s5;
	s8 =	sshrl.u32 s7, $0x13;
	s12 =	sshll.u32 s7, $0xD  }
0x33c: {  	s5 =	sadd.s32 s7, s5;
	s13 =	sor.u32 s8, s12  }
0x33d: {  	s7 =	sxor.u32 s5, s13  }
0x33e: {  	s14 =	sshrl.u32 s7, $0x11;
	s15 =	sshll.u32 s7, $0xF  }
0x33f: {  	s5 =	sadd.s32 s5, s7;
	s16 =	sor.u32 s14, s15  }
0x340: {  	s7 =	sxor.u32 s5, s16  }
0x341: {  	s17 =	sshrl.u32 s7, $0x6;
	s18 =	sshll.u32 s7, $0x1A  }
0x342: {  	s5 =	sadd.s32 s5, s7;
	s19 =	sor.u32 s17, s18  }
0x343: {  	s7 =	sxor.u32 s5, s19  }
0x344: {  	s9 =	sld [smem:$0x793];
	s20 =	sshrl.u32 s7, $0x1A;
	s21 =	sshll.u32 s7, $0x6  }
0x345: {  	s5 =	sadd.s32 s5, s7;
	s8 =	sor.u32 s20, s21  }
0x346: {  	s7 =	sxor.u32 s5, s8  }
0x347: {  	s7 =	sadd.s32 s7, s9  }
0x348: {  	s5 =	sadd.s32 s31, s5;
	s8 =	sshrl.u32 s7, $0xF;
	s10 =	sshll.u32 s7, $0x11  }
0x349: {  	s5 =	sadd.s32 s7, s5;
	s11 =	sor.u32 s8, s10  }
0x34a: {  	s7 =	sxor.u32 s5, s11  }
0x34b: {  	s12 =	sshrl.u32 s7, $0x3;
	s13 =	sshll.u32 s7, $0x1D  }
0x34c: {  	s5 =	sadd.s32 s5, s7;
	s14 =	sor.u32 s12, s13  }
0x34d: {  	s7 =	sxor.u32 s5, s14  }
0x34e: {  	s15 =	sshrl.u32 s7, $0x10;
	s16 =	sshll.u32 s7, $0x10  }
0x34f: {  	s5 =	sadd.s32 s5, s7;
	s17 =	sor.u32 s15, s16  }
0x350: {  	s7 =	sxor.u32 s5, s17  }
0x351: {  	s21 =	sld [smem:$0x794];
	s18 =	sshrl.u32 s7, $0x8;
	s19 =	sshll.u32 s7, $0x18  }
0x352: {  	s5 =	sadd.s32 s5, s7;
	s20 =	sor.u32 s18, s19  }
0x353: {  	s7 =	sxor.u32 s5, s20  }
0x354: {  	s7 =	sadd.s32 s7, s21  }
0x355: {  	s5 =	sadd.s32 s2, s5;
	s9 =	sshrl.u32 s7, $0x13;
	s8 =	sshll.u32 s7, $0xD  }
0x356: {  	s2 =	sadd.s32 s7, s5;
	s5 =	sor.u32 s9, s8  }
0x357: {  	s5 =	sxor.u32 s2, s5  }
0x358: {  	s10 =	sshrl.u32 s5, $0x11;
	s11 =	sshll.u32 s5, $0xF  }
0x359: {  	s2 =	sadd.s32 s2, s5;
	s12 =	sor.u32 s10, s11  }
0x35a: {  	s5 =	sxor.u32 s2, s12  }
0x35b: {  	s13 =	sshrl.u32 s5, $0x6;
	s14 =	sshll.u32 s5, $0x1A  }
0x35c: {  	s2 =	sadd.s32 s2, s5;
	s15 =	sor.u32 s13, s14  }
0x35d: {  	s5 =	sxor.u32 s2, s15  }
0x35e: {  	s16 =	sshrl.u32 s5, $0x1A;
	s17 =	sshll.u32 s5, $0x6  }
0x35f: {  	s2 =	sadd.s32 s2, s5;
	s18 =	sor.u32 s16, s17  }
0x360: {  	s5 =	sxor.u32 s2, s18  }
0x361: {  	s8 =	sadd.s32 s31, s5  }
0x362: {  	s5 =	sadd.s32 $0x5, s8  }
0x363: {  	s7 =	sadd.s32 s1, s2;
	s19 =	sshrl.u32 s5, $0x13;
	s20 =	sshll.u32 s5, $0xD  }
0x364: {  	s21 =	sadd.s32 s7, s5;
	s1 =	sor.u32 s19, s20  }
0x365: {  	s1 =	sxor.u32 s21, s1  }
0x366: {  	s31 =	sshrl.u32 s1, $0x11;
	s10 =	sshll.u32 s1, $0xF  }
0x367: {  	s1 =	sadd.s32 s21, s1;
	s2 =	sor.u32 s31, s10  }
0x368: {  	s2 =	sxor.u32 s1, s2  }
0x369: {  	s10 =	sshrl.u32 s2, $0x6;
	s11 =	sshll.u32 s2, $0x1A  }
0x36a: {  	s1 =	sadd.s32 s1, s2;
	s12 =	sor.u32 s10, s11  }
0x36b: {  	s9 =	sxor.u32 s1, s12  }
0x36c: {  	s13 =	sxor.u32 s5, s7;
	s14 =	sshrl.u32 s9, $0x1A;
	s11 =	sshll.u32 s9, $0x6  }
0x36d: {  	s2 =	sxor.u32 $0x1BD11BDA, s13;
	s1 =	sadd.s32 s1, s9;
	s15 =	sor.u32 s14, s11  }
0x36e: {  	s9 =	sadd.s32 $0x1, s2;
	s10 =	sxor.u32 s1, s15  }
0x36f: {  	s10 =	sadd.s32 s10, s9  }
0x370: {  	s1 =	sadd.s32 s5, s1;
	s16 =	sshrl.u32 s10, $0xF;
	s12 =	sshll.u32 s10, $0x11  }
0x371: {  	s1 =	sadd.s32 s10, s1;
	s17 =	sor.u32 s16, s12  }
0x372: {  	s10 =	sxor.u32 s1, s17  }
0x373: {  	s18 =	sshrl.u32 s10, $0x3;
	s19 =	sshll.u32 s10, $0x1D  }
0x374: {  	s1 =	sadd.s32 s1, s10;
	s20 =	sor.u32 s18, s19  }
0x375: {  	s10 =	sxor.u32 s1, s20  }
0x376: {  	s21 =	sshrl.u32 s10, $0x10;
	s31 =	sshll.u32 s10, $0x10  }
0x377: {  	s1 =	sadd.s32 s1, s10;
	s13 =	sor.u32 s21, s31  }
0x378: {  	s10 =	sxor.u32 s1, s13  }
0x379: {  	s14 =	sshrl.u32 s10, $0x8;
	s15 =	sshll.u32 s10, $0x18  }
0x37a: {  	s19 =	sadd.s32 $0x6, s8;
	s10 =	sadd.s32 s1, s10;
	s16 =	sor.u32 s14, s15  }
0x37b: {  	s20 =	sshrl.u32 s19, $0x13;
	s1 =	sadd.s32 $0x2, s7;
	s11 =	sxor.u32 s10, s16  }
0x37c: {  	s12 =	sadd.s32 s7, s19;
	s14 =	sshll.u32 s19, $0xD;
	s11 =	sadd.s32 s11, s1  }
0x37d: {  	s10 =	sadd.s32 s2, s10;
	s17 =	sshrl.u32 s11, $0x13;
	s13 =	sshll.u32 s11, $0xD  }
0x37e: {  	s10 =	sadd.s32 s11, s10;
	s18 =	sor.u32 s17, s13;
	s13 =	sor.u32 s20, s14  }
0x37f: {  	s11 =	sxor.u32 s10, s18;
	s13 =	sxor.u32 s12, s13  }
0x380: {  	s10 =	sadd.s32 s10, s11;
	s21 =	sshrl.u32 s11, $0x11;
	s11 =	sshll.u32 s11, $0xF  }
0x381: {  	s31 =	sshrl.u32 s13, $0x11;
	s15 =	sshll.u32 s13, $0xF;
	s11 =	sor.u32 s21, s11  }
0x382: {  	s12 =	sadd.s32 s12, s13;
	s14 =	sor.u32 s31, s15;
	s11 =	sxor.u32 s10, s11  }
0x383: {  	s13 =	sxor.u32 s12, s14;
	s10 =	sadd.s32 s10, s11;
	s15 =	sshrl.u32 s11, $0x6  }
0x384: {  	s11 =	sshll.u32 s11, $0x1A;
	s17 =	sshrl.u32 s13, $0x6;
	s16 =	sshll.u32 s13, $0x1A  }
0x385: {  	s12 =	sadd.s32 s12, s13;
	s11 =	sor.u32 s15, s11;
	s18 =	sor.u32 s17, s16  }
0x386: {  	s11 =	sxor.u32 s10, s11;
	s13 =	sxor.u32 s12, s18  }
0x387: {  	s19 =	sshrl.u32 s11, $0x1A;
	s20 =	sshrl.u32 s13, $0x1A  }
0x388: {  	s21 =	sshll.u32 s13, $0x6;
	s12 =	sadd.s32 s12, s13;
	s31 =	sshll.u32 s11, $0x6  }
0x389: {  	s10 =	sadd.s32 s10, s11;
	s15 =	sor.u32 s20, s21;
	s14 =	sor.u32 s19, s31  }
0x38a: {  	s8 =	sadd.s32 $0x8, s8;
	s15 =	sxor.u32 s12, s15;
	s11 =	sxor.u32 s10, s14  }
0x38b: {  	s12 =	sadd.s32 s5, s12;
	s10 =	sadd.s32 s7, s10;
	s9 =	sadd.s32 s15, s9  }
0x38c: {  	s11 =	sadd.s32 s11, s8;
	s13 =	sshrl.u32 s9, $0xF;
	s16 =	sshll.u32 s9, $0x11  }
0x38d: {  	s9 =	sadd.s32 s9, s12;
	s18 =	sshrl.u32 s11, $0xF;
	s17 =	sor.u32 s13, s16  }
0x38e: {  	s21 =	sshll.u32 s11, $0x11;
	s10 =	sadd.s32 s11, s10;
	s12 =	sxor.u32 s9, s17  }
0x38f: {  	s13 =	sor.u32 s18, s21;
	s19 =	sshrl.u32 s12, $0x3;
	s20 =	sshll.u32 s12, $0x1D  }
0x390: {  	s11 =	sxor.u32 s10, s13;
	s9 =	sadd.s32 s9, s12;
	s31 =	sor.u32 s19, s20  }
0x391: {  	s10 =	sadd.s32 s10, s11;
	s17 =	sshrl.u32 s11, $0x3;
	s12 =	sxor.u32 s9, s31  }
0x392: {  	s11 =	sshll.u32 s11, $0x1D;
	s14 =	sshrl.u32 s12, $0x10;
	s15 =	sshll.u32 s12, $0x10  }
0x393: {  	s11 =	sor.u32 s17, s11;
	s9 =	sadd.s32 s9, s12;
	s16 =	sor.u32 s14, s15  }
0x394: {  	s11 =	sxor.u32 s10, s11;
	s12 =	sxor.u32 s9, s16  }
0x395: {  	s21 =	sshrl.u32 s11, $0x10;
	s18 =	sshrl.u32 s12, $0x8;
	s19 =	sshll.u32 s12, $0x18  }
0x396: {  	s31 =	sshll.u32 s11, $0x10;
	s9 =	sadd.s32 s9, s12;
	s20 =	sor.u32 s18, s19  }
0x397: {  	s10 =	sadd.s32 s10, s11;
	s14 =	sor.u32 s21, s31;
	s12 =	sxor.u32 s9, s20  }
0x398: {  	s11 =	sxor.u32 s10, s14;
	s1 =	sadd.s32 s12, s1  }
0x399: {  	s9 =	sadd.s32 s2, s9;
	s12 =	sshrl.u32 s1, $0x13;
	s15 =	sshll.u32 s1, $0xD  }
0x39a: {  	s10 =	sadd.s32 s10, s11;
	s1 =	sadd.s32 s1, s9;
	s16 =	sor.u32 s12, s15  }
0x39b: {  	s17 =	sshrl.u32 s11, $0x8;
	s11 =	sshll.u32 s11, $0x18;
	s9 =	sxor.u32 s1, s16  }
0x39c: {  	s11 =	sor.u32 s17, s11;
	s18 =	sshrl.u32 s9, $0x11;
	s19 =	sshll.u32 s9, $0xF  }
0x39d: {  	s11 =	sxor.u32 s10, s11;
	s1 =	sadd.s32 s1, s9;
	s20 =	sor.u32 s18, s19  }
0x39e: {  	s10 =	sadd.s32 s5, s10;
	s12 =	sadd.s32 $0x4, s2;
	s9 =	sxor.u32 s1, s20  }
0x39f: {  	s11 =	sadd.s32 s11, s12;
	s21 =	sshrl.u32 s9, $0x6;
	s31 =	sshll.u32 s9, $0x1A  }
0x3a0: {  	s10 =	sadd.s32 s11, s10;
	s1 =	sadd.s32 s1, s9;
	s15 =	sor.u32 s21, s31  }
0x3a1: {  	s16 =	sshrl.u32 s11, $0x13;
	s11 =	sshll.u32 s11, $0xD;
	s9 =	sxor.u32 s1, s15  }
0x3a2: {  	s11 =	sor.u32 s16, s11;
	s17 =	sshrl.u32 s9, $0x1A;
	s18 =	sshll.u32 s9, $0x6  }
0x3a3: {  	s11 =	sxor.u32 s10, s11;
	s1 =	sadd.s32 s1, s9;
	s19 =	sor.u32 s17, s18  }
0x3a4: {  	s20 =	sshrl.u32 s11, $0x11;
	s31 =	sshll.u32 s11, $0xF;
	s9 =	sxor.u32 s1, s19  }
0x3a5: {  	s14 =	sadd.s32 s10, s11;
	s16 =	sor.u32 s20, s31;
	s8 =	sadd.s32 s9, s8  }
0x3a6: {  	s1 =	sadd.s32 s7, s1;
	s9 =	sshrl.u32 s8, $0xF;
	s21 =	sshll.u32 s8, $0x11  }
0x3a7: {  	s10 =	sxor.u32 s14, s16;
	s1 =	sadd.s32 s8, s1;
	s9 =	sor.u32 s9, s21  }
0x3a8: {  	s20 =	sshrl.u32 s10, $0x6;
	s8 =	sxor.u32 s1, s9;
	s9 =	sadd.s32 s14, s10  }
0x3a9: {  	s10 =	sshll.u32 s10, $0x1A;
	s17 =	sshrl.u32 s8, $0x3;
	s18 =	sshll.u32 s8, $0x1D  }
0x3aa: {  	s1 =	sadd.s32 s1, s8;
	s10 =	sor.u32 s20, s10;
	s19 =	sor.u32 s17, s18  }
0x3ab: {  	s11 =	sadd.s32 $0x5, s7;
	s10 =	sxor.u32 s9, s10;
	s8 =	sxor.u32 s1, s19  }
0x3ac: {  	s9 =	sadd.s32 s9, s10;
	s14 =	sshrl.u32 s10, $0x1A;
	s10 =	sshll.u32 s10, $0x6  }
0x3ad: {  	s21 =	sshrl.u32 s8, $0x10;
	s31 =	sshll.u32 s8, $0x10;
	s10 =	sor.u32 s14, s10  }
0x3ae: {  	s1 =	sadd.s32 s1, s8;
	s13 =	sor.u32 s21, s31;
	s10 =	sxor.u32 s9, s10  }
0x3af: {  	s8 =	sxor.u32 s1, s13;
	s7 =	sadd.s32 s10, s11  }
0x3b0: {  	s15 =	sshrl.u32 s8, $0x8;
	s16 =	sshll.u32 s8, $0x18;
	s8 =	sadd.s32 s1, s8  }
0x3b1: {  	s1 =	sadd.s32 s2, s9;
	s10 =	sshrl.u32 s7, $0x13;
	s20 =	sshll.u32 s7, $0xD  }
0x3b2: {  	s17 =	sor.u32 s15, s16;
	s21 =	sadd.s32 s1, s7;
	s10 =	sor.u32 s10, s20  }
0x3b3: {  	s5 =	sadd.s32 s5, s8;
	s18 =	sxor.u32 s8, s17;
	s10 =	sxor.u32 s21, s10  }
0x3b4: {  	s19 =	sadd.s32 s18, s12;
	s14 =	sshrl.u32 s10, $0x11;
	s15 =	sshll.u32 s10, $0xF  }
0x3b5: {  	s5 =	sadd.s32 s19, s5;
	s9 =	sshrl.u32 s19, $0x13;
	s8 =	sshll.u32 s19, $0xD  }
0x3b6: {  	s17 =	sor.u32 s14, s15;
	s8 =	sor.u32 s9, s8;
	s9 =	sadd.s32 s21, s10  }
0x3b7: {  	s8 =	sxor.u32 s5, s8;
	s10 =	sxor.u32 s9, s17  }
0x3b8: {  	s31 =	sshrl.u32 s8, $0x11;
	s16 =	sshll.u32 s8, $0xF;
	s5 =	sadd.s32 s5, s8  }
0x3b9: {  	s19 =	sshrl.u32 s10, $0x6;
	s20 =	sshll.u32 s10, $0x1A;
	s18 =	sor.u32 s31, s16  }
0x3ba: {  	s31 =	sadd.s32 s9, s10;
	s13 =	sor.u32 s19, s20;
	s8 =	sxor.u32 s5, s18  }
0x3bb: {  	s9 =	sxor.u32 s31, s13;
	s18 =	sxor.u32 s7, s1;
	s21 =	sadd.s32 s5, s8  }
0x3bc: {  	s15 =	sshrl.u32 s8, $0x6;
	s8 =	sshll.u32 s8, $0x1A;
	s16 =	sshrl.u32 s9, $0x1A  }
0x3bd: {  	s17 =	sshll.u32 s9, $0x6;
	s9 =	sadd.s32 s31, s9;
	s8 =	sor.u32 s15, s8  }
0x3be: {  	s5 =	sxor.u32 $0x1BD11BDA, s18;
	s10 =	sor.u32 s16, s17;
	s8 =	sxor.u32 s21, s8  }
0x3bf: {  	s10 =	sxor.u32 s9, s10;
	s9 =	sadd.s32 s7, s9;
	s19 =	sshrl.u32 s8, $0x1A  }
0x3c0: {  	s20 =	sshll.u32 s8, $0x6;
	s10 =	sadd.s32 s10, s5;
	s8 =	sadd.s32 s21, s8  }
0x3c1: {  	s12 =	sor.u32 s19, s20;
	s10 =	sadd.s32 $0x1, s10;
	s2 =	sadd.s32 s2, s8  }
0x3c2: {  	s21 =	sshrl.u32 s10, $0xF;
	s31 =	sshll.u32 s10, $0x11;
	s12 =	sxor.u32 s8, s12  }
0x3c3: {  	s9 =	sadd.s32 s10, s9;
	s14 =	sor.u32 s21, s31;
	s8 =	sadd.s32 s12, s11  }
0x3c4: {  	s10 =	sxor.u32 s9, s14;
	s16 =	sshrl.u32 s8, $0x13  }
0x3c5: {  	s12 =	sshll.u32 s8, $0xD;
	s17 =	sadd.s32 s2, s8;
	s9 =	sadd.s32 s9, s10  }
0x3c6: {  	s15 =	sshrl.u32 s10, $0x3;
	s10 =	sshll.u32 s10, $0x1D;
	s11 =	sor.u32 s16, s12  }
0x3c7: {  	s10 =	sor.u32 s15, s10;
	s11 =	sxor.u32 s17, s11  }
0x3c8: {  	s10 =	sxor.u32 s9, s10;
	s19 =	sshrl.u32 s11, $0x11;
	s20 =	sshll.u32 s11, $0xF  }
0x3c9: {  	s9 =	sadd.s32 s9, s10;
	s18 =	sshrl.u32 s10, $0x10;
	s10 =	sshll.u32 s10, $0x10  }
0x3ca: {  	s11 =	sadd.s32 s17, s11;
	s21 =	sor.u32 s19, s20;
	s10 =	sor.u32 s18, s10  }
0x3cb: {  	s12 =	sxor.u32 s11, s21;
	s10 =	sxor.u32 s9, s10  }
0x3cc: {  	s15 =	sshrl.u32 s12, $0x6;
	s16 =	sshll.u32 s12, $0x1A;
	s11 =	sadd.s32 s11, s12  }
0x3cd: {  	s31 =	sshrl.u32 s10, $0x8;
	s17 =	sshll.u32 s10, $0x18;
	s18 =	sor.u32 s15, s16  }
0x3ce: {  	s10 =	sadd.s32 s9, s10;
	s19 =	sor.u32 s31, s17;
	s12 =	sxor.u32 s11, s18  }
0x3cf: {  	s31 =	sxor.u32 s8, s2;
	s20 =	sshrl.u32 s12, $0x1A;
	s21 =	sshll.u32 s12, $0x6  }
0x3d0: {  	s9 =	sxor.u32 s10, s19;
	s11 =	sadd.s32 s11, s12;
	s14 =	sor.u32 s20, s21  }
0x3d1: {  	s16 =	sadd.s32 s9, s1;
	s9 =	sxor.u32 $0x1BD11BDA, s31;
	s12 =	sxor.u32 s11, s14  }
0x3d2: {  	s10 =	sadd.s32 s5, s10;
	s12 =	sadd.s32 s12, s9  }
0x3d3: {  	s13 =	sadd.s32 $0x2, s16;
	s11 =	sadd.s32 s8, s11;
	s12 =	sadd.s32 $0x1, s12  }
0x3d4: {  	s17 =	sshrl.u32 s13, $0x13;
	s18 =	sshrl.u32 s12, $0xF;
	s19 =	sshll.u32 s12, $0x11  }
0x3d5: {  	s20 =	sshll.u32 s13, $0xD;
	s11 =	sadd.s32 s12, s11;
	s15 =	sor.u32 s18, s19  }
0x3d6: {  	s10 =	sadd.s32 s13, s10;
	s12 =	sor.u32 s17, s20;
	s21 =	sxor.u32 s11, s15  }
0x3d7: {  	s12 =	sxor.u32 s10, s12;
	s31 =	sshrl.u32 s21, $0x3;
	s15 =	sshll.u32 s21, $0x1D  }
0x3d8: {  	s10 =	sadd.s32 s10, s12;
	s11 =	sadd.s32 s11, s21;
	s15 =	sor.u32 s31, s15  }
0x3d9: {  	s16 =	sshrl.u32 s12, $0x11;
	s12 =	sshll.u32 s12, $0xF;
	s13 =	sxor.u32 s11, s15  }
0x3da: {  	s12 =	sor.u32 s16, s12;
	s17 =	sshrl.u32 s13, $0x10;
	s18 =	sshll.u32 s13, $0x10  }
0x3db: {  	s12 =	sxor.u32 s10, s12;
	s11 =	sadd.s32 s11, s13;
	s19 =	sor.u32 s17, s18  }
0x3dc: {  	s10 =	sadd.s32 s10, s12;
	s20 =	sshrl.u32 s12, $0x6;
	s13 =	sxor.u32 s11, s19  }
0x3dd: {  	s12 =	sshll.u32 s12, $0x1A;
	s21 =	sshrl.u32 s13, $0x8;
	s31 =	sshll.u32 s13, $0x18  }
0x3de: {  	s12 =	sor.u32 s20, s12;
	s11 =	sadd.s32 s11, s13;
	s17 =	sor.u32 s21, s31  }
0x3df: {  	s12 =	sxor.u32 s10, s12;
	s13 =	sxor.u32 s11, s17  }
0x3e0: {  	s18 =	sshrl.u32 s12, $0x1A;
	s19 =	sshll.u32 s12, $0x6;
	s13 =	sadd.s32 s13, s2  }
0x3e1: {  	s10 =	sadd.s32 s10, s12;
	s20 =	sor.u32 s18, s19;
	s13 =	sadd.s32 $0x2, s13  }
0x3e2: {  	s11 =	sadd.s32 s9, s11;
	s21 =	sshrl.u32 s13, $0x13;
	s31 =	sshll.u32 s13, $0xD  }
0x3e3: {  	s12 =	sxor.u32 s10, s20;
	s11 =	sadd.s32 s13, s11;
	s16 =	sor.u32 s21, s31  }
0x3e4: {  	s10 =	sadd.s32 s1, s10;
	s12 =	sadd.s32 s12, s7;
	s13 =	sxor.u32 s11, s16  }
0x3e5: {  	s12 =	sadd.s32 $0x3, s12;
	s17 =	sshrl.u32 s13, $0x11;
	s18 =	sshll.u32 s13, $0xF  }
0x3e6: {  	s10 =	sadd.s32 s12, s10;
	s11 =	sadd.s32 s11, s13;
	s19 =	sor.u32 s17, s18  }
0x3e7: {  	s20 =	sshrl.u32 s12, $0xF;
	s12 =	sshll.u32 s12, $0x11;
	s13 =	sxor.u32 s11, s19  }
0x3e8: {  	s12 =	sor.u32 s20, s12;
	s21 =	sshrl.u32 s13, $0x6;
	s31 =	sshll.u32 s13, $0x1A  }
0x3e9: {  	s12 =	sxor.u32 s10, s12;
	s11 =	sadd.s32 s11, s13;
	s16 =	sor.u32 s21, s31  }
0x3ea: {  	s10 =	sadd.s32 s10, s12;
	s17 =	sshrl.u32 s12, $0x3;
	s13 =	sxor.u32 s11, s16  }
0x3eb: {  	s12 =	sshll.u32 s12, $0x1D;
	s18 =	sshrl.u32 s13, $0x1A;
	s19 =	sshll.u32 s13, $0x6  }
0x3ec: {  	s12 =	sor.u32 s17, s12;
	s11 =	sadd.s32 s11, s13;
	s20 =	sor.u32 s18, s19  }
0x3ed: {  	s12 =	sxor.u32 s10, s12;
	s13 =	sxor.u32 s11, s20  }
0x3ee: {  	s21 =	sshrl.u32 s12, $0x10;
	s31 =	sshll.u32 s12, $0x10;
	s13 =	sadd.s32 s13, s8  }
0x3ef: {  	s10 =	sadd.s32 s10, s12;
	s16 =	sor.u32 s21, s31;
	s13 =	sadd.s32 $0x3, s13  }
0x3f0: {  	s11 =	sadd.s32 s2, s11;
	s17 =	sshrl.u32 s13, $0xF;
	s18 =	sshll.u32 s13, $0x11  }
0x3f1: {  	s12 =	sxor.u32 s10, s16;
	s11 =	sadd.s32 s13, s11;
	s19 =	sor.u32 s17, s18  }
0x3f2: {  	s10 =	sadd.s32 s10, s12;
	s20 =	sshrl.u32 s12, $0x8;
	s13 =	sxor.u32 s11, s19  }
0x3f3: {  	s12 =	sshll.u32 s12, $0x18;
	s21 =	sshrl.u32 s13, $0x3;
	s31 =	sshll.u32 s13, $0x1D  }
0x3f4: {  	s12 =	sor.u32 s20, s12;
	s11 =	sadd.s32 s11, s13;
	s16 =	sor.u32 s21, s31  }
0x3f5: {  	s7 =	sadd.s32 s7, s10;
	s12 =	sxor.u32 s10, s12;
	s17 =	sxor.u32 s11, s16  }
0x3f6: {  	s12 =	sadd.s32 s12, s5;
	s13 =	sshrl.u32 s17, $0x10;
	s18 =	sshll.u32 s17, $0x10  }
0x3f7: {  	s12 =	sadd.s32 $0x4, s12;
	s10 =	sadd.s32 s11, s17;
	s19 =	sor.u32 s13, s18  }
0x3f8: {  	s7 =	sadd.s32 s12, s7;
	s20 =	sshrl.u32 s12, $0x13;
	s11 =	sxor.u32 s10, s19  }
0x3f9: {  	s12 =	sshll.u32 s12, $0xD;
	s21 =	sshrl.u32 s11, $0x8;
	s31 =	sshll.u32 s11, $0x18  }
0x3fa: {  	s12 =	sor.u32 s20, s12;
	s10 =	sadd.s32 s10, s11;
	s14 =	sor.u32 s21, s31  }
0x3fb: {  	s12 =	sxor.u32 s7, s12;
	s11 =	sxor.u32 s10, s14  }
0x3fc: {  	s15 =	sshrl.u32 s12, $0x11;
	s16 =	sshll.u32 s12, $0xF;
	s11 =	sadd.s32 s11, s9  }
0x3fd: {  	s7 =	sadd.s32 s7, s12;
	s17 =	sor.u32 s15, s16;
	s11 =	sadd.s32 $0x4, s11  }
0x3fe: {  	s8 =	sadd.s32 s8, s10;
	s18 =	sshrl.u32 s11, $0x13;
	s19 =	sshll.u32 s11, $0xD  }
0x3ff: {  	s12 =	sxor.u32 s7, s17;
	s8 =	sadd.s32 s11, s8;
	s10 =	sor.u32 s18, s19  }
0x400: {  	s7 =	sadd.s32 s7, s12;
	s20 =	sshrl.u32 s12, $0x6;
	s10 =	sxor.u32 s8, s10  }
0x401: {  	s12 =	sshll.u32 s12, $0x1A;
	s21 =	sshrl.u32 s10, $0x11;
	s31 =	sshll.u32 s10, $0xF  }
0x402: {  	s11 =	sor.u32 s20, s12;
	s8 =	sadd.s32 s8, s10;
	s14 =	sor.u32 s21, s31  }
0x403: {  	s11 =	sxor.u32 s7, s11;
	s10 =	sxor.u32 s8, s14  }
0x404: {  	s15 =	sshrl.u32 s11, $0x1A;
	s16 =	sshrl.u32 s10, $0x6;
	s17 =	sshll.u32 s10, $0x1A  }
0x405: {  	s18 =	sshll.u32 s11, $0x6;
	s8 =	sadd.s32 s8, s10;
	s19 =	sor.u32 s16, s17  }
0x406: {  	s7 =	sadd.s32 s7, s11;
	s20 =	sor.u32 s15, s18;
	s10 =	sxor.u32 s8, s19  }
0x407: {  	s11 =	sxor.u32 s7, s20;
	s21 =	sshrl.u32 s10, $0x1A;
	s31 =	sshll.u32 s10, $0x6  }
0x408: {  	s1 =	sadd.s32 s11, s1;
	s8 =	sadd.s32 s8, s10;
	s14 =	sor.u32 s21, s31  }
0x409: {  	s5 =	sadd.s32 s5, s7;
	s1 =	sadd.s32 $0x5, s1;
	s15 =	sxor.u32 s8, s14  }
0x40a: {  	s1 =	sxor.u32 s5, s1;
	s2 =	sadd.s32 s15, s2  }
0x40b: {  	s17 =	smulhi.u32 $0xFF803FE1, s1;
	s16 =	sadd.s32 s9, s8;
	s2 =	sadd.s32 $0x5, s2  }
0x40c: {  	s2 =	sxor.u32 s16, s2  }
0x40d: {  	s18 =	sshrl.u32 s17, $0x9;
	s19 =	smulhi.u32 $0xFF803FE1, s2  }
0x40e: {  	s5 =	smul.u32 $0x201, s18  }
0x40f: {  	s7 =	sshrl.u32 s19, $0x9  }
0x410: {  	s1 =	ssub.s32 s1, s5;
	s20 =	smul.u32 $0x201, s7  }
0x411: {  	s1 =	smul.u32 $0x1E1, s1  }
0x412: {  	s2 =	ssub.s32 s2, s20  }
0x413: {  	s1 =	sadd.s32 s2, s1  }
0x414: {  	s2 =	smulhi.u32 $0x7FC020, s1;
	_ =	sdelay $0x1  }
0x415: {  	s2 =	smul.u32 $0x201, s2;
	_ =	sdelay $0x1  }
0x416: {  	s31 =	ssub.s32 s6, s0;
	s1 =	ssub.s32 s1, s2  }
0x417: {  	s21 =	smul.u32 $0x30000, s0;
	s6 =	sadd.s32 $0x1, s31;
	s2 =	smax.u32 s1, $0x33  }
0x418: {  	p1 =	sne.s32 s6, $0x1;
	s2 =	smul.u32 $0x180, s2  }
.Ltmp4:
0x419: {  	s1 =	smin.u32 s1, $0x1CD;
	(pc) =	sbr.rel @!p1 .LBB2_5-.Ltmp4, $4  }
0x41a: {  	s1 =	smul.u32 $0x180, s1  }
0x41b: {  	s2 =	sadd.s32 s2, s21  }
0x41c: {  	s0 =	sadd.s32 s1, s21;
	s1 =	sadd.s32 $0xFFFFB380, s2  }
0x41d: {  	p0 =	por $0x0, $0x0;
	s2 =	sadd.s32 $0xFFFFFFFF, s6;
	s6 =	sshrl.u32 s1, $0x3  }
0x41e: {  	s5 =	sadd.s32 s4, s6  }
0x41f: {  	[hbm4b:s5+s3] =	stream.linear.scatter [tilespmem:s29], [sflag:$0x5], $0x4C80, $0x38;
	[tilespmem:$0x1CD00] =	vst v63  }
0x420: {  	p1 =	sne.s32 s2, $0x1;
	_ =	swait.ge [sflag:s23], $0x4C80  }
.Ltmp5:
0x421: {  	s31 =	sshrl.u32 s0, $0x3;
	[sflag:s23] =	ssyncset.done $0x0;
	(pc) =	sbr.rel @!p1 .LBB2_7-.Ltmp5, $4  }
0x422: {  	s2 =	sadd.s32 $0xFFFFFFFF, s2;
	s5 =	sadd.s32 s4, s31;
	[sflag:s23] =	ssyncadd.s32 $0xFFFFB380  }
0x423: {  	[hbm4b:s5+s3] =	stream.linear.scatter [tilespmem:s29], [sflag:$0x5], $0x4C80, $0x38;
	[tilespmem:$0x1CD00] =	vst v63  }
0x424: {  	p0 =	por $0x1, $0x1;
	s5 =	sadd.s32 $0x30000, s1;
	_ =	swait.ge [sflag:s23], $0x4C80  }
0x425: {  	s1 =	smov.u32 s0;
	s6 =	sshrl.u32 s5, $0x3;
	[sflag:s23] =	ssyncset.done $0x0  }
.LBB2_8:
0x426: {  	s6 =	sadd.s32 s4, s6;
	[sflag:s23] =	ssyncadd.s32 $0xFFFFB380;
	s1 =	sadd.s32 $0x30000, s1  }
0x427: {  	[hbm4b:s6+s3] =	stream.linear.scatter [tilespmem:s29], [sflag:$0x5], $0x4C80, $0x38;
	[tilespmem:$0x1CD00] =	vst v63  }
0x428: {  	p1 =	sne.s32 s2, $0x1;
	s2 =	sadd.s32 $0xFFFFFFFF, s2;
	_ =	swait.ge [sflag:s23], $0x4C80  }
.Ltmp6:
0x429: {  	s6 =	sshrl.u32 s1, $0x3;
	[sflag:s23] =	ssyncset.done $0x0;
	(pc) =	sbr.rel @p1 .LBB2_8-.Ltmp6, $4  }
0x42a: {  	s6 =	sadd.s32 s4, s6;
	[sflag:s23] =	ssyncadd.s32 $0xFFFFB380  }
0x42b: {  	[hbm4b:s6+s3] =	stream.linear.scatter [tilespmem:s29], [sflag:$0x5], $0x4C80, $0x38;
	[tilespmem:$0x1CD00] =	vst v63  }
0x42c: {  	s5 =	sadd.s32 $0x30000, s5;
	_ =	swait.ge [sflag:s23], $0x4C80  }
0x42d: {  	s6 =	sshrl.u32 s5, $0x3;
	[sflag:s23] =	ssyncset.done $0x0  }
.Ltmp7:
0x42e: {  	_ = 	snop;
	(pc) =	sbr.rel .LBB2_9-.Ltmp7, $1  }
0x42f: {  	_ =	sdelay $0x3  }
.LBB2_7:
.Ltmp8:
0x430: {  	(pc) =	sbr.rel .LBB2_9-.Ltmp8, $2  }
0x431: {  	_ =	sdelay $0x2  }
0x432: {  	s1 =	smov.u32 s0  }
.LBB2_11:
0x433: {  	_ =	sfence.sel $0x180000  }
0x434: {  	[bflag:$0x0] =	sbarrier.arrive $0xFFFF  }
0x435: {  	_ =	strace $0x90000047  }
0x436: {  	s0 =	stileid.u32;
	[bflag:$0x2] =	sbarrier.arrive $0xFFFF  }
0x437: {  	p0 =	sne.s32 s0, $0x0;
	s0 =	rddreg [dreg:$0x4]  }
0x438: {  	s0 =	sadd.s32 @!p0 $0x100000, s0  }
0x439: {  	[sflag:s0] =	ssyncadd.tile.s32 @!p0 $0x1;
	_ =	shalt  }
.Lfunc_end2:
_tile_overlayer_lowered:
.L_overlay_start_2:
0x43a: {  	(tag) =	ssettag $0x2  }
0x43b: {  	s0 =	rddreg [dreg:$0x0];
	s2 =	stileid.u32  }
0x43c: {  	s1 =	rddreg [dreg:$0x1];
	p0 =	sne.s32 s2, $0x0  }
0x43d: {  	s3 =	rddreg [dreg:$0x2];
	[bflag:$0x3] =	sbarrier.arrive $0xFFFF;
	s2 =	simm.s32 @!p0 $0x1C05  }
0x43e: {  	[timem:s3], [sflag:s2] =	dma.local @!p0 [hbm:s0], s1  }
0x43f: {  	s0 =	simm.s32 @!p0 $0x5  }
0x440: {  	_ =	swait.ge @!p0 [sflag:s0], s1  }
0x441: {  	s1 =	ssub.s32 @!p0 $0x0, s1;
	[sflag:s0] =	ssyncset.done @!p0 $0x0  }
0x442: {  	[sflag:s0] =	ssyncadd.s32 @!p0 s1  }
0x443: {  	[bflag:$0x3] =	sbarrier.arrive $0xFFFF  }
0x444: {  	_ =	shalt  }

</sc_bundles>
